<compile_context>
chip_gen: v7x
topology: tpu7x:2x2x1
jax: 0.10.2.dev20260603
libtpu: 0.0.44.dev20260713+nightly
codegen_flags: <defaults>
</compile_context>

<pallas_src>
import functools

import jax
import jax.numpy as jnp
from jax import lax
from jax.experimental import pallas as pl
from jax.experimental.pallas import tpu as pltpu
from jax.experimental.pallas import tpu_sc as plsc

N = 10000
E = 320000
D = 128

NC = 2
NS = 16
NW = NC * NS
K = 80
EPW = E // NW
RPW = EPW // K

NP = 10240
NPT = NP // NS
NCH = 5
CH = NPT // NCH

_MESH = plsc.VectorSubcoreMesh(
    core_axis_name="c", subcore_axis_name="s", num_cores=NC, num_subcores=NS)


def _fill_2d(ref, nrows, ncols, value):
    vec = jnp.full((16,), value, jnp.float32)

    def body(i, carry):
        for j in range(ncols // 16):
            ref[i, pl.ds(j * 16, 16)] = vec
        return carry

    lax.fori_loop(0, nrows, body, 0)


def _both(a, b):
    return jnp.logical_and(a, b)


DNB = 4
DLAG = 2


@functools.partial(
    pl.kernel,
    out_type=jax.ShapeDtypeStruct((NC, NP, 16), jnp.float32),
    mesh=_MESH,
    compiler_params=pltpu.CompilerParams(use_tc_tiling_on_sc=False),
    scratch_types=(
        [pltpu.VMEM((K,), jnp.int32) for _ in range(DNB)]
        + [pltpu.VMEM((K, 16), jnp.float32),
           pltpu.VMEM((NPT, 16), jnp.float32),
           pltpu.VMEM_SHARED((NP, 16), jnp.float32),
           pltpu.SemaphoreType.DMA((DNB,)),
           pltpu.SemaphoreType.DMA((DNB,))]
    ),
)
def _deg_kernel(dst_hbm, out_hbm, *scr):
    idx = scr[0:DNB]
    ones_v, buf_v, deg_sh, sem_i, sem_c = scr[DNB:DNB + 5]
    cid = lax.axis_index("c")
    sid = lax.axis_index("s")
    wid = cid * NS + sid

    _fill_2d(ones_v, K, 16, 1.0)
    _fill_2d(buf_v, NPT, 16, 0.0)
    pltpu.sync_copy(buf_v, deg_sh.at[pl.ds(sid * NPT, NPT)])
    plsc.subcore_barrier()

    def issue_idx(r, b):
        pltpu.async_copy(dst_hbm.at[pl.ds(wid * EPW + r * K, K)], idx[b],
                         sem_i.at[b])

    def wait_idx(b):
        pltpu.make_async_copy(dst_hbm.at[pl.ds(0, K)], idx[b],
                              sem_i.at[b]).wait()

    def issue_scat(b):
        pltpu.async_copy(ones_v, deg_sh.at[idx[b]], sem_c.at[b], add=True)

    def wait_scat(b):
        pltpu.make_async_copy(ones_v, deg_sh.at[idx[b]], sem_c.at[b]).wait()

    nsteps = RPW + DLAG
    nj = -(-nsteps // DNB)

    def body(j, carry):
        for b in range(DNB):
            s = j * DNB + b

            @pl.when(_both(s >= DNB, s < RPW))
            def _():
                wait_scat(b)

            @pl.when(s < RPW)
            def _():
                issue_idx(s, b)

            cb = (b - DLAG) % DNB
            rc = s - DLAG

            @pl.when(_both(rc >= 0, rc < RPW))
            def _():
                wait_idx(cb)
                issue_scat(cb)

        return carry

    lax.fori_loop(0, nj, body, 0)
    for b in range(DNB):
        wait_scat(b)
    plsc.subcore_barrier()

    pltpu.sync_copy(deg_sh.at[pl.ds(sid * NPT, NPT)],
                    out_hbm.at[cid, pl.ds(sid * NPT, NPT)])


PNB = 4
LAGB = 1
LAGC = 2


@functools.partial(
    pl.kernel,
    out_type=jax.ShapeDtypeStruct((NC, NP, D), jnp.float32),
    mesh=_MESH,
    scratch_types=(
        [pltpu.VMEM((K,), jnp.int32) for _ in range(2 * PNB)]
        + [pltpu.VMEM((K, D), jnp.float32) for _ in range(PNB)]
        + [pltpu.VMEM_SHARED((NP, D), jnp.float32),
           pltpu.SemaphoreType.DMA((PNB,)),
           pltpu.SemaphoreType.DMA((PNB,)),
           pltpu.SemaphoreType.DMA((PNB,))]
    ),
)
def _prop_kernel(g_hbm, src_hbm, dst_hbm, out_hbm, *scr):
    idx_s = scr[0:PNB]
    idx_d = scr[PNB:2 * PNB]
    rows = scr[2 * PNB:3 * PNB]
    acc_sh, sem_i, sem_g, sem_c = scr[3 * PNB:3 * PNB + 4]
    buf_v = rows[0]
    cid = lax.axis_index("c")
    sid = lax.axis_index("s")
    wid = cid * NS + sid

    @pl.when(cid == 0)
    def _():
        for t in range(NPT // K):
            base = sid * NPT + t * K
            pltpu.async_copy(g_hbm.at[pl.ds(base, K)],
                             acc_sh.at[pl.ds(base, K)], sem_g.at[0])
        for t in range(NPT // K):
            base = sid * NPT + t * K
            pltpu.make_async_copy(g_hbm.at[pl.ds(base, K)],
                                  acc_sh.at[pl.ds(base, K)], sem_g.at[0]).wait()

    @pl.when(cid != 0)
    def _():
        _fill_2d(buf_v, K, D, 0.0)
        for t in range(NPT // K):
            base = sid * NPT + t * K
            pltpu.async_copy(buf_v, acc_sh.at[pl.ds(base, K)], sem_g.at[0])
        for t in range(NPT // K):
            base = sid * NPT + t * K
            pltpu.make_async_copy(buf_v, acc_sh.at[pl.ds(base, K)],
                                  sem_g.at[0]).wait()

    plsc.subcore_barrier()

    def issue_idx(r, b):
        base = wid * EPW + r * K
        pltpu.async_copy(src_hbm.at[pl.ds(base, K)], idx_s[b], sem_i.at[b])
        pltpu.async_copy(dst_hbm.at[pl.ds(base, K)], idx_d[b], sem_i.at[b])

    def wait_idx(b):
        pltpu.make_async_copy(src_hbm.at[pl.ds(0, K)], idx_s[b],
                              sem_i.at[b]).wait()
        pltpu.make_async_copy(dst_hbm.at[pl.ds(0, K)], idx_d[b],
                              sem_i.at[b]).wait()

    def issue_gather(b):
        pltpu.async_copy(g_hbm.at[idx_s[b]], rows[b], sem_g.at[b])

    def wait_gather(b):
        pltpu.make_async_copy(g_hbm.at[idx_s[b]], rows[b], sem_g.at[b]).wait()

    def issue_scat(b):
        pltpu.async_copy(rows[b], acc_sh.at[idx_d[b]], sem_c.at[b], add=True)

    def wait_scat(b):
        pltpu.make_async_copy(rows[b], acc_sh.at[idx_d[b]], sem_c.at[b]).wait()

    nsteps = RPW + LAGC
    nj = -(-nsteps // PNB)

    def body(j, carry):
        for b in range(PNB):
            s = j * PNB + b

            @pl.when(_both(s >= PNB, s < RPW))
            def _():
                wait_scat(b)

            @pl.when(s < RPW)
            def _():
                issue_idx(s, b)

            bb = (b - LAGB) % PNB
            rb = s - LAGB

            @pl.when(_both(rb >= 0, rb < RPW))
            def _():
                wait_idx(bb)
                issue_gather(bb)

            cb = (b - LAGC) % PNB
            rc = s - LAGC

            @pl.when(_both(rc >= 0, rc < RPW))
            def _():
                wait_gather(cb)
                issue_scat(cb)

        return carry

    lax.fori_loop(0, nj, body, 0)
    for b in range(PNB):
        wait_scat(b)
    plsc.subcore_barrier()

    for t in range(NPT // K):
        base = sid * NPT + t * K
        pltpu.async_copy(acc_sh.at[pl.ds(base, K)],
                         out_hbm.at[cid, pl.ds(base, K)], sem_g.at[0])
    for t in range(NPT // K):
        base = sid * NPT + t * K
        pltpu.make_async_copy(acc_sh.at[pl.ds(base, K)],
                              out_hbm.at[cid, pl.ds(base, K)], sem_g.at[0]).wait()


def _dinv(degp):
    deg = degp[0, :, 0:1] + degp[1, :, 0:1] + 1.0
    return lax.rsqrt(deg)


def _enc_body(x_ref, ew_ref, eb_ref, w0_ref, b0_ref, degp_ref, g0_ref):
    dinv = _dinv(degp_ref[...])
    h = jnp.dot(x_ref[...], ew_ref[...],
                preferred_element_type=jnp.float32) + eb_ref[...]
    hw = jnp.dot(h, w0_ref[...], preferred_element_type=jnp.float32) + b0_ref[...]
    g0_ref[...] = hw * dinv


def _mid_body(accp_ref, degp_ref, w1_ref, b1_ref, g1_ref):
    dinv = _dinv(degp_ref[...])
    acc = accp_ref[0] + accp_ref[1]
    h = jnp.maximum(acc * dinv, 0.0)
    hw = jnp.dot(h, w1_ref[...], preferred_element_type=jnp.float32) + b1_ref[...]
    g1_ref[...] = hw * dinv


def _dec_body(accp_ref, degp_ref, dw_ref, db_ref, out_ref):
    dinv = _dinv(degp_ref[...])
    acc = accp_ref[0] + accp_ref[1]
    h = jnp.maximum(acc * dinv, 0.0)
    out_ref[...] = jnp.dot(h[:N], dw_ref[...],
                           preferred_element_type=jnp.float32) + db_ref[...]


_f32 = lambda *s: jax.ShapeDtypeStruct(s, jnp.float32)

_enc_call = pl.pallas_call(_enc_body, out_shape=_f32(NP, D))
_mid_call = pl.pallas_call(_mid_body, out_shape=_f32(NP, D))
_dec_call = pl.pallas_call(_dec_body, out_shape=_f32(N, D))


def kernel(x, edge_index, enc_W, enc_b, W0, b0, W1, b1, dec_W, dec_b):
    src = edge_index[0]
    dst = edge_index[1]
    xp = jnp.pad(x, ((0, NP - N), (0, 0)))
    enc_b = enc_b.reshape(1, D)
    b0 = b0.reshape(1, D)
    b1 = b1.reshape(1, D)
    dec_b = dec_b.reshape(1, D)

    degp = _deg_kernel(dst)
    g0 = _enc_call(xp, enc_W, enc_b, W0, b0, degp)
    acc0 = _prop_kernel(g0, src, dst)
    g1 = _mid_call(acc0, degp, W1, b1)
    acc1 = _prop_kernel(g1, src, dst)
    return _dec_call(acc1, degp, dec_W, dec_b)

# --- scband reference (transcript-rebuilt; emitter-appended) ---
"""Pipeline reference for scband-model-node-5875515261224 (READ-ONLY COPY).

The authoritative reference and input builder live on the scoring server;
editing this copy changes nothing except your own understanding.
"""

import jax, jax.numpy as jnp
import numpy as np

N = 10000
E = 320000
D_IN = 128
D_H = 128
D_OUT = 128
NUM_LAYERS = 2


def setup_inputs(seed: int = 0) -> dict:
    key = jax.random.key(seed)
    ks = jax.random.split(key, 10)
    x = jax.random.normal(ks[0], (N, D_IN), dtype=jnp.float32)
    edge_index = jax.random.randint(ks[1], (2, E), 0, N, dtype=jnp.int32)
    s_in = 1.0 / np.sqrt(D_IN)
    s_h = 1.0 / np.sqrt(D_H)
    enc_W = jax.random.uniform(ks[2], (D_IN, D_H), jnp.float32, -s_in, s_in)
    enc_b = jax.random.uniform(ks[3], (D_H,), jnp.float32, -s_in, s_in)
    W0 = jax.random.uniform(ks[4], (D_H, D_H), jnp.float32, -s_h, s_h)
    b0 = jnp.zeros((D_H,), jnp.float32)
    W1 = jax.random.uniform(ks[5], (D_H, D_H), jnp.float32, -s_h, s_h)
    b1 = jnp.zeros((D_H,), jnp.float32)
    dec_W = jax.random.uniform(ks[6], (D_H, D_OUT), jnp.float32, -s_h, s_h)
    dec_b = jax.random.uniform(ks[7], (D_OUT,), jnp.float32, -s_h, s_h)
    return {"x": x, "edge_index": edge_index, "enc_W": enc_W, "enc_b": enc_b,
            "W0": W0, "b0": b0, "W1": W1, "b1": b1, "dec_W": dec_W, "dec_b": dec_b}


def reference(x, edge_index, enc_W, enc_b, W0, b0, W1, b1, dec_W, dec_b):
    n = x.shape[0]
    loop = jnp.arange(n, dtype=edge_index.dtype)
    src = jnp.concatenate([edge_index[0], loop])
    dst = jnp.concatenate([edge_index[1], loop])
    # symmetric GCN normalization with self-loops
    deg = jnp.zeros((n,), jnp.float32).at[dst].add(1.0)
    dinv = jnp.where(deg > 0, 1.0 / jnp.sqrt(deg), 0.0)
    norm = dinv[src] * dinv[dst]
    h = x @ enc_W + enc_b
    for W, b in ((W0, b0), (W1, b1)):
        hw = h @ W + b              # linear transform (PyG GCNConv order)
        msg = hw[src] * norm[:, None]   # gather + scale
        h = jnp.zeros((n, W.shape[1]), h.dtype).at[dst].add(msg)  # scatter-add aggregate
        h = jax.nn.relu(h)
    return h @ dec_W + dec_b

if __name__ == "__main__":
    import jax
    _d = setup_inputs()
    print(jax.jit(kernel)(*tuple(_d.values())))

</pallas_src>

<mosaic_0001>
#map = affine_map<(d0, d1) -> (0, 0)>
#map1 = affine_map<(d0, d1) -> (0)>
#map2 = affine_map<(d0, d1) -> (0, 0, 0)>
module attributes {stable_mosaic.version = 14 : i64} {
  func.func @_prop_kernel(%arg0: i32, %arg1: i32, %arg2: memref<10240x128xf32, #tpu.memory_space<hbm>>, %arg3: memref<320000xi32, #tpu.memory_space<hbm>>, %arg4: memref<320000xi32, #tpu.memory_space<hbm>>, %arg5: memref<2x10240x128xf32, #tpu.memory_space<hbm>>, %arg6: memref<80xi32, #tpu.memory_space<vmem>>, %arg7: memref<80xi32, #tpu.memory_space<vmem>>, %arg8: memref<80xi32, #tpu.memory_space<vmem>>, %arg9: memref<80xi32, #tpu.memory_space<vmem>>, %arg10: memref<80xi32, #tpu.memory_space<vmem>>, %arg11: memref<80xi32, #tpu.memory_space<vmem>>, %arg12: memref<80xi32, #tpu.memory_space<vmem>>, %arg13: memref<80xi32, #tpu.memory_space<vmem>>, %arg14: memref<80x128xf32, #tpu.memory_space<vmem>>, %arg15: memref<80x128xf32, #tpu.memory_space<vmem>>, %arg16: memref<80x128xf32, #tpu.memory_space<vmem>>, %arg17: memref<80x128xf32, #tpu.memory_space<vmem>>, %arg18: memref<10240x128xf32, #tpu.memory_space<vmem_shared>>, %arg19: memref<4x!tpu.dma_semaphore, #tpu.memory_space<semaphore_mem>>, %arg20: memref<4x!tpu.dma_semaphore, #tpu.memory_space<semaphore_mem>>, %arg21: memref<4x!tpu.dma_semaphore, #tpu.memory_space<semaphore_mem>>) attributes {dimension_semantics = [#tpu.dimension_semantics<core_parallel>, #tpu.dimension_semantics<subcore_parallel>], iteration_bounds = array<i64: 2, 16>, scalar_prefetch = 0 : i64, scratch_operands = 16 : i64, tpu.core_type = #tpu.core_type<sc_vector_subcore>, window_params = [{transform_indices = #map}, {transform_indices = #map1}, {transform_indices = #map1}, {transform_indices = #map2}]} {
    %mul3A = arith.constant 16 : i32
    %mul3A_0 = arith.muli %arg0, %mul3A : i32
    %add3A = arith.addi %mul3A_0, %arg1 : i32
    %eq3A = arith.constant 0 : i32
    %eq3A_1 = arith.cmpi eq, %arg0, %eq3A : i32
    %convert_element_type3A = arith.extui %eq3A_1 : i1 to i32
    %cond3A = arith.constant 0 : i32
    %cond3A_2 = arith.cmpi ne, %convert_element_type3A, %cond3A : i32
    scf.if %cond3A_2 {
      %mul3A_227 = arith.constant 640 : i32
      %mul3A_228 = arith.muli %arg1, %mul3A_227 : i32
      %add3A_229 = arith.constant 0 : i32
      %add3A_230 = arith.addi %mul3A_228, %add3A_229 : i32
      %dma_start3A_231 = arith.constant 0 : i32
      %dma_start3A_232 = tpu.memref_slice %arg20[%dma_start3A_231] : memref<4x!tpu.dma_semaphore, #tpu.memory_space<semaphore_mem>> -> memref<1x!tpu.dma_semaphore, #tpu.memory_space<semaphore_mem>>
      %dma_start3A_233 = tpu.memref_squeeze %dma_start3A_232 : memref<1x!tpu.dma_semaphore, #tpu.memory_space<semaphore_mem>> -> memref<!tpu.dma_semaphore, #tpu.memory_space<semaphore_mem>>
      %dma_start3A_234 = arith.constant 0 : i32
      %dma_start3A_235 = tpu.memref_slice %arg18[%add3A_230, %dma_start3A_234] : memref<10240x128xf32, #tpu.memory_space<vmem_shared>> -> memref<80x128xf32, #tpu.memory_space<vmem_shared>>
      %dma_start3A_236 = arith.constant 0 : i32
      %dma_start3A_237 = tpu.memref_slice %arg2[%add3A_230, %dma_start3A_236] : memref<10240x128xf32, #tpu.memory_space<hbm>> -> memref<80x128xf32, #tpu.memory_space<hbm>>
      tpu.enqueue_dma source(%dma_start3A_237 : memref<80x128xf32, #tpu.memory_space<hbm>>) target(%dma_start3A_235 : memref<80x128xf32, #tpu.memory_space<vmem_shared>>) target_semaphore(%dma_start3A_233 : memref<!tpu.dma_semaphore, #tpu.memory_space<semaphore_mem>>)
      %mul3A_238 = arith.constant 640 : i32
      %mul3A_239 = arith.muli %arg1, %mul3A_238 : i32
      %add3A_240 = arith.constant 80 : i32
      %add3A_241 = arith.addi %mul3A_239, %add3A_240 : i32
      %dma_start3A_242 = arith.constant 0 : i32
      %dma_start3A_243 = tpu.memref_slice %arg20[%dma_start3A_242] : memref<4x!tpu.dma_semaphore, #tpu.memory_space<semaphore_mem>> -> memref<1x!tpu.dma_semaphore, #tpu.memory_space<semaphore_mem>>
      %dma_start3A_244 = tpu.memref_squeeze %dma_start3A_243 : memref<1x!tpu.dma_semaphore, #tpu.memory_space<semaphore_mem>> -> memref<!tpu.dma_semaphore, #tpu.memory_space<semaphore_mem>>
      %dma_start3A_245 = arith.constant 0 : i32
      %dma_start3A_246 = tpu.memref_slice %arg18[%add3A_241, %dma_start3A_245] : memref<10240x128xf32, #tpu.memory_space<vmem_shared>> -> memref<80x128xf32, #tpu.memory_space<vmem_shared>>
      %dma_start3A_247 = arith.constant 0 : i32
      %dma_start3A_248 = tpu.memref_slice %arg2[%add3A_241, %dma_start3A_247] : memref<10240x128xf32, #tpu.memory_space<hbm>> -> memref<80x128xf32, #tpu.memory_space<hbm>>
      tpu.enqueue_dma source(%dma_start3A_248 : memref<80x128xf32, #tpu.memory_space<hbm>>) target(%dma_start3A_246 : memref<80x128xf32, #tpu.memory_space<vmem_shared>>) target_semaphore(%dma_start3A_244 : memref<!tpu.dma_semaphore, #tpu.memory_space<semaphore_mem>>)
      %mul3A_249 = arith.constant 640 : i32
      %mul3A_250 = arith.muli %arg1, %mul3A_249 : i32
      %add3A_251 = arith.constant 160 : i32
      %add3A_252 = arith.addi %mul3A_250, %add3A_251 : i32
      %dma_start3A_253 = arith.constant 0 : i32
      %dma_start3A_254 = tpu.memref_slice %arg20[%dma_start3A_253] : memref<4x!tpu.dma_semaphore, #tpu.memory_space<semaphore_mem>> -> memref<1x!tpu.dma_semaphore, #tpu.memory_space<semaphore_mem>>
      %dma_start3A_255 = tpu.memref_squeeze %dma_start3A_254 : memref<1x!tpu.dma_semaphore, #tpu.memory_space<semaphore_mem>> -> memref<!tpu.dma_semaphore, #tpu.memory_space<semaphore_mem>>
      %dma_start3A_256 = arith.constant 0 : i32
      %dma_start3A_257 = tpu.memref_slice %arg18[%add3A_252, %dma_start3A_256] : memref<10240x128xf32, #tpu.memory_space<vmem_shared>> -> memref<80x128xf32, #tpu.memory_space<vmem_shared>>
      %dma_start3A_258 = arith.constant 0 : i32
      %dma_start3A_259 = tpu.memref_slice %arg2[%add3A_252, %dma_start3A_258] : memref<10240x128xf32, #tpu.memory_space<hbm>> -> memref<80x128xf32, #tpu.memory_space<hbm>>
      tpu.enqueue_dma source(%dma_start3A_259 : memref<80x128xf32, #tpu.memory_space<hbm>>) target(%dma_start3A_257 : memref<80x128xf32, #tpu.memory_space<vmem_shared>>) target_semaphore(%dma_start3A_255 : memref<!tpu.dma_semaphore, #tpu.memory_space<semaphore_mem>>)
      %mul3A_260 = arith.constant 640 : i32
      %mul3A_261 = arith.muli %arg1, %mul3A_260 : i32
      %add3A_262 = arith.constant 240 : i32
      %add3A_263 = arith.addi %mul3A_261, %add3A_262 : i32
      %dma_start3A_264 = arith.constant 0 : i32
      %dma_start3A_265 = tpu.memref_slice %arg20[%dma_start3A_264] : memref<4x!tpu.dma_semaphore, #tpu.memory_space<semaphore_mem>> -> memref<1x!tpu.dma_semaphore, #tpu.memory_space<semaphore_mem>>
      %dma_start3A_266 = tpu.memref_squeeze %dma_start3A_265 : memref<1x!tpu.dma_semaphore, #tpu.memory_space<semaphore_mem>> -> memref<!tpu.dma_semaphore, #tpu.memory_space<semaphore_mem>>
      %dma_start3A_267 = arith.constant 0 : i32
      %dma_start3A_268 = tpu.memref_slice %arg18[%add3A_263, %dma_start3A_267] : memref<10240x128xf32, #tpu.memory_space<vmem_shared>> -> memref<80x128xf32, #tpu.memory_space<vmem_shared>>
      %dma_start3A_269 = arith.constant 0 : i32
      %dma_start3A_270 = tpu.memref_slice %arg2[%add3A_263, %dma_start3A_269] : memref<10240x128xf32, #tpu.memory_space<hbm>> -> memref<80x128xf32, #tpu.memory_space<hbm>>
      tpu.enqueue_dma source(%dma_start3A_270 : memref<80x128xf32, #tpu.memory_space<hbm>>) target(%dma_start3A_268 : memref<80x128xf32, #tpu.memory_space<vmem_shared>>) target_semaphore(%dma_start3A_266 : memref<!tpu.dma_semaphore, #tpu.memory_space<semaphore_mem>>)
      %mul3A_271 = arith.constant 640 : i32
      %mul3A_272 = arith.muli %arg1, %mul3A_271 : i32
      %add3A_273 = arith.constant 320 : i32
      %add3A_274 = arith.addi %mul3A_272, %add3A_273 : i32
      %dma_start3A_275 = arith.constant 0 : i32
      %dma_start3A_276 = tpu.memref_slice %arg20[%dma_start3A_275] : memref<4x!tpu.dma_semaphore, #tpu.memory_space<semaphore_mem>> -> memref<1x!tpu.dma_semaphore, #tpu.memory_space<semaphore_mem>>
      %dma_start3A_277 = tpu.memref_squeeze %dma_start3A_276 : memref<1x!tpu.dma_semaphore, #tpu.memory_space<semaphore_mem>> -> memref<!tpu.dma_semaphore, #tpu.memory_space<semaphore_mem>>
      %dma_start3A_278 = arith.constant 0 : i32
      %dma_start3A_279 = tpu.memref_slice %arg18[%add3A_274, %dma_start3A_278] : memref<10240x128xf32, #tpu.memory_space<vmem_shared>> -> memref<80x128xf32, #tpu.memory_space<vmem_shared>>
      %dma_start3A_280 = arith.constant 0 : i32
      %dma_start3A_281 = tpu.memref_slice %arg2[%add3A_274, %dma_start3A_280] : memref<10240x128xf32, #tpu.memory_space<hbm>> -> memref<80x128xf32, #tpu.memory_space<hbm>>
      tpu.enqueue_dma source(%dma_start3A_281 : memref<80x128xf32, #tpu.memory_space<hbm>>) target(%dma_start3A_279 : memref<80x128xf32, #tpu.memory_space<vmem_shared>>) target_semaphore(%dma_start3A_277 : memref<!tpu.dma_semaphore, #tpu.memory_space<semaphore_mem>>)
      %mul3A_282 = arith.constant 640 : i32
      %mul3A_283 = arith.muli %arg1, %mul3A_282 : i32
      %add3A_284 = arith.constant 400 : i32
      %add3A_285 = arith.addi %mul3A_283, %add3A_284 : i32
      %dma_start3A_286 = arith.constant 0 : i32
      %dma_start3A_287 = tpu.memref_slice %arg20[%dma_start3A_286] : memref<4x!tpu.dma_semaphore, #tpu.memory_space<semaphore_mem>> -> memref<1x!tpu.dma_semaphore, #tpu.memory_space<semaphore_mem>>
      %dma_start3A_288 = tpu.memref_squeeze %dma_start3A_287 : memref<1x!tpu.dma_semaphore, #tpu.memory_space<semaphore_mem>> -> memref<!tpu.dma_semaphore, #tpu.memory_space<semaphore_mem>>
      %dma_start3A_289 = arith.constant 0 : i32
      %dma_start3A_290 = tpu.memref_slice %arg18[%add3A_285, %dma_start3A_289] : memref<10240x128xf32, #tpu.memory_space<vmem_shared>> -> memref<80x128xf32, #tpu.memory_space<vmem_shared>>
      %dma_start3A_291 = arith.constant 0 : i32
      %dma_start3A_292 = tpu.memref_slice %arg2[%add3A_285, %dma_start3A_291] : memref<10240x128xf32, #tpu.memory_space<hbm>> -> memref<80x128xf32, #tpu.memory_space<hbm>>
      tpu.enqueue_dma source(%dma_start3A_292 : memref<80x128xf32, #tpu.memory_space<hbm>>) target(%dma_start3A_290 : memref<80x128xf32, #tpu.memory_space<vmem_shared>>) target_semaphore(%dma_start3A_288 : memref<!tpu.dma_semaphore, #tpu.memory_space<semaphore_mem>>)
      %mul3A_293 = arith.constant 640 : i32
      %mul3A_294 = arith.muli %arg1, %mul3A_293 : i32
      %add3A_295 = arith.constant 480 : i32
      %add3A_296 = arith.addi %mul3A_294, %add3A_295 : i32
      %dma_start3A_297 = arith.constant 0 : i32
      %dma_start3A_298 = tpu.memref_slice %arg20[%dma_start3A_297] : memref<4x!tpu.dma_semaphore, #tpu.memory_space<semaphore_mem>> -> memref<1x!tpu.dma_semaphore, #tpu.memory_space<semaphore_mem>>
      %dma_start3A_299 = tpu.memref_squeeze %dma_start3A_298 : memref<1x!tpu.dma_semaphore, #tpu.memory_space<semaphore_mem>> -> memref<!tpu.dma_semaphore, #tpu.memory_space<semaphore_mem>>
      %dma_start3A_300 = arith.constant 0 : i32
      %dma_start3A_301 = tpu.memref_slice %arg18[%add3A_296, %dma_start3A_300] : memref<10240x128xf32, #tpu.memory_space<vmem_shared>> -> memref<80x128xf32, #tpu.memory_space<vmem_shared>>
      %dma_start3A_302 = arith.constant 0 : i32
      %dma_start3A_303 = tpu.memref_slice %arg2[%add3A_296, %dma_start3A_302] : memref<10240x128xf32, #tpu.memory_space<hbm>> -> memref<80x128xf32, #tpu.memory_space<hbm>>
      tpu.enqueue_dma source(%dma_start3A_303 : memref<80x128xf32, #tpu.memory_space<hbm>>) target(%dma_start3A_301 : memref<80x128xf32, #tpu.memory_space<vmem_shared>>) target_semaphore(%dma_start3A_299 : memref<!tpu.dma_semaphore, #tpu.memory_space<semaphore_mem>>)
      %mul3A_304 = arith.constant 640 : i32
      %mul3A_305 = arith.muli %arg1, %mul3A_304 : i32
      %add3A_306 = arith.constant 560 : i32
      %add3A_307 = arith.addi %mul3A_305, %add3A_306 : i32
      %dma_start3A_308 = arith.constant 0 : i32
      %dma_start3A_309 = tpu.memref_slice %arg20[%dma_start3A_308] : memref<4x!tpu.dma_semaphore, #tpu.memory_space<semaphore_mem>> -> memref<1x!tpu.dma_semaphore, #tpu.memory_space<semaphore_mem>>
      %dma_start3A_310 = tpu.memref_squeeze %dma_start3A_309 : memref<1x!tpu.dma_semaphore, #tpu.memory_space<semaphore_mem>> -> memref<!tpu.dma_semaphore, #tpu.memory_space<semaphore_mem>>
      %dma_start3A_311 = arith.constant 0 : i32
      %dma_start3A_312 = tpu.memref_slice %arg18[%add3A_307, %dma_start3A_311] : memref<10240x128xf32, #tpu.memory_space<vmem_shared>> -> memref<80x128xf32, #tpu.memory_space<vmem_shared>>
      %dma_start3A_313 = arith.constant 0 : i32
      %dma_start3A_314 = tpu.memref_slice %arg2[%add3A_307, %dma_start3A_313] : memref<10240x128xf32, #tpu.memory_space<hbm>> -> memref<80x128xf32, #tpu.memory_space<hbm>>
      tpu.enqueue_dma source(%dma_start3A_314 : memref<80x128xf32, #tpu.memory_space<hbm>>) target(%dma_start3A_312 : memref<80x128xf32, #tpu.memory_space<vmem_shared>>) target_semaphore(%dma_start3A_310 : memref<!tpu.dma_semaphore, #tpu.memory_space<semaphore_mem>>)
      %mul3A_315 = arith.constant 640 : i32
      %mul3A_316 = arith.muli %arg1, %mul3A_315 : i32
      %add3A_317 = arith.constant 0 : i32
      %add3A_318 = arith.addi %mul3A_316, %add3A_317 : i32
      %dma_wait3A_319 = arith.constant 0 : i32
      %dma_wait3A_320 = tpu.memref_slice %arg20[%dma_wait3A_319] : memref<4x!tpu.dma_semaphore, #tpu.memory_space<semaphore_mem>> -> memref<1x!tpu.dma_semaphore, #tpu.memory_space<semaphore_mem>>
      %dma_wait3A_321 = tpu.memref_squeeze %dma_wait3A_320 : memref<1x!tpu.dma_semaphore, #tpu.memory_space<semaphore_mem>> -> memref<!tpu.dma_semaphore, #tpu.memory_space<semaphore_mem>>
      %dma_wait3A_322 = arith.constant 0 : i32
      %dma_wait3A_323 = tpu.memref_slice %arg18[%add3A_318, %dma_wait3A_322] : memref<10240x128xf32, #tpu.memory_space<vmem_shared>> -> memref<80x128xf32, #tpu.memory_space<vmem_shared>>
      %dma_wait3A_324 = arith.constant 0 : i32
      %dma_wait3A_325 = tpu.memref_slice %arg2[%add3A_318, %dma_wait3A_324] : memref<10240x128xf32, #tpu.memory_space<hbm>> -> memref<80x128xf32, #tpu.memory_space<hbm>>
      tpu.wait_dma2 semaphore(%dma_wait3A_321 : memref<!tpu.dma_semaphore, #tpu.memory_space<semaphore_mem>>) src(%dma_wait3A_325 : memref<80x128xf32, #tpu.memory_space<hbm>>) dst(%dma_wait3A_323 : memref<80x128xf32, #tpu.memory_space<vmem_shared>>)
      %mul3A_326 = arith.constant 640 : i32
      %mul3A_327 = arith.muli %arg1, %mul3A_326 : i32
      %add3A_328 = arith.constant 80 : i32
      %add3A_329 = arith.addi %mul3A_327, %add3A_328 : i32
      %dma_wait3A_330 = arith.constant 0 : i32
      %dma_wait3A_331 = tpu.memref_slice %arg20[%dma_wait3A_330] : memref<4x!tpu.dma_semaphore, #tpu.memory_space<semaphore_mem>> -> memref<1x!tpu.dma_semaphore, #tpu.memory_space<semaphore_mem>>
      %dma_wait3A_332 = tpu.memref_squeeze %dma_wait3A_331 : memref<1x!tpu.dma_semaphore, #tpu.memory_space<semaphore_mem>> -> memref<!tpu.dma_semaphore, #tpu.memory_space<semaphore_mem>>
      %dma_wait3A_333 = arith.constant 0 : i32
      %dma_wait3A_334 = tpu.memref_slice %arg18[%add3A_329, %dma_wait3A_333] : memref<10240x128xf32, #tpu.memory_space<vmem_shared>> -> memref<80x128xf32, #tpu.memory_space<vmem_shared>>
      %dma_wait3A_335 = arith.constant 0 : i32
      %dma_wait3A_336 = tpu.memref_slice %arg2[%add3A_329, %dma_wait3A_335] : memref<10240x128xf32, #tpu.memory_space<hbm>> -> memref<80x128xf32, #tpu.memory_space<hbm>>
      tpu.wait_dma2 semaphore(%dma_wait3A_332 : memref<!tpu.dma_semaphore, #tpu.memory_space<semaphore_mem>>) src(%dma_wait3A_336 : memref<80x128xf32, #tpu.memory_space<hbm>>) dst(%dma_wait3A_334 : memref<80x128xf32, #tpu.memory_space<vmem_shared>>)
      %mul3A_337 = arith.constant 640 : i32
      %mul3A_338 = arith.muli %arg1, %mul3A_337 : i32
      %add3A_339 = arith.constant 160 : i32
      %add3A_340 = arith.addi %mul3A_338, %add3A_339 : i32
      %dma_wait3A_341 = arith.constant 0 : i32
      %dma_wait3A_342 = tpu.memref_slice %arg20[%dma_wait3A_341] : memref<4x!tpu.dma_semaphore, #tpu.memory_space<semaphore_mem>> -> memref<1x!tpu.dma_semaphore, #tpu.memory_space<semaphore_mem>>
      %dma_wait3A_343 = tpu.memref_squeeze %dma_wait3A_342 : memref<1x!tpu.dma_semaphore, #tpu.memory_space<semaphore_mem>> -> memref<!tpu.dma_semaphore, #tpu.memory_space<semaphore_mem>>
      %dma_wait3A_344 = arith.constant 0 : i32
      %dma_wait3A_345 = tpu.memref_slice %arg18[%add3A_340, %dma_wait3A_344] : memref<10240x128xf32, #tpu.memory_space<vmem_shared>> -> memref<80x128xf32, #tpu.memory_space<vmem_shared>>
      %dma_wait3A_346 = arith.constant 0 : i32
      %dma_wait3A_347 = tpu.memref_slice %arg2[%add3A_340, %dma_wait3A_346] : memref<10240x128xf32, #tpu.memory_space<hbm>> -> memref<80x128xf32, #tpu.memory_space<hbm>>
      tpu.wait_dma2 semaphore(%dma_wait3A_343 : memref<!tpu.dma_semaphore, #tpu.memory_space<semaphore_mem>>) src(%dma_wait3A_347 : memref<80x128xf32, #tpu.memory_space<hbm>>) dst(%dma_wait3A_345 : memref<80x128xf32, #tpu.memory_space<vmem_shared>>)
      %mul3A_348 = arith.constant 640 : i32
      %mul3A_349 = arith.muli %arg1, %mul3A_348 : i32
      %add3A_350 = arith.constant 240 : i32
      %add3A_351 = arith.addi %mul3A_349, %add3A_350 : i32
      %dma_wait3A_352 = arith.constant 0 : i32
      %dma_wait3A_353 = tpu.memref_slice %arg20[%dma_wait3A_352] : memref<4x!tpu.dma_semaphore, #tpu.memory_space<semaphore_mem>> -> memref<1x!tpu.dma_semaphore, #tpu.memory_space<semaphore_mem>>
      %dma_wait3A_354 = tpu.memref_squeeze %dma_wait3A_353 : memref<1x!tpu.dma_semaphore, #tpu.memory_space<semaphore_mem>> -> memref<!tpu.dma_semaphore, #tpu.memory_space<semaphore_mem>>
      %dma_wait3A_355 = arith.constant 0 : i32
      %dma_wait3A_356 = tpu.memref_slice %arg18[%add3A_351, %dma_wait3A_355] : memref<10240x128xf32, #tpu.memory_space<vmem_shared>> -> memref<80x128xf32, #tpu.memory_space<vmem_shared>>
      %dma_wait3A_357 = arith.constant 0 : i32
      %dma_wait3A_358 = tpu.memref_slice %arg2[%add3A_351, %dma_wait3A_357] : memref<10240x128xf32, #tpu.memory_space<hbm>> -> memref<80x128xf32, #tpu.memory_space<hbm>>
      tpu.wait_dma2 semaphore(%dma_wait3A_354 : memref<!tpu.dma_semaphore, #tpu.memory_space<semaphore_mem>>) src(%dma_wait3A_358 : memref<80x128xf32, #tpu.memory_space<hbm>>) dst(%dma_wait3A_356 : memref<80x128xf32, #tpu.memory_space<vmem_shared>>)
      %mul3A_359 = arith.constant 640 : i32
      %mul3A_360 = arith.muli %arg1, %mul3A_359 : i32
      %add3A_361 = arith.constant 320 : i32
      %add3A_362 = arith.addi %mul3A_360, %add3A_361 : i32
      %dma_wait3A_363 = arith.constant 0 : i32
      %dma_wait3A_364 = tpu.memref_slice %arg20[%dma_wait3A_363] : memref<4x!tpu.dma_semaphore, #tpu.memory_space<semaphore_mem>> -> memref<1x!tpu.dma_semaphore, #tpu.memory_space<semaphore_mem>>
      %dma_wait3A_365 = tpu.memref_squeeze %dma_wait3A_364 : memref<1x!tpu.dma_semaphore, #tpu.memory_space<semaphore_mem>> -> memref<!tpu.dma_semaphore, #tpu.memory_space<semaphore_mem>>
      %dma_wait3A_366 = arith.constant 0 : i32
      %dma_wait3A_367 = tpu.memref_slice %arg18[%add3A_362, %dma_wait3A_366] : memref<10240x128xf32, #tpu.memory_space<vmem_shared>> -> memref<80x128xf32, #tpu.memory_space<vmem_shared>>
      %dma_wait3A_368 = arith.constant 0 : i32
      %dma_wait3A_369 = tpu.memref_slice %arg2[%add3A_362, %dma_wait3A_368] : memref<10240x128xf32, #tpu.memory_space<hbm>> -> memref<80x128xf32, #tpu.memory_space<hbm>>
      tpu.wait_dma2 semaphore(%dma_wait3A_365 : memref<!tpu.dma_semaphore, #tpu.memory_space<semaphore_mem>>) src(%dma_wait3A_369 : memref<80x128xf32, #tpu.memory_space<hbm>>) dst(%dma_wait3A_367 : memref<80x128xf32, #tpu.memory_space<vmem_shared>>)
      %mul3A_370 = arith.constant 640 : i32
      %mul3A_371 = arith.muli %arg1, %mul3A_370 : i32
      %add3A_372 = arith.constant 400 : i32
      %add3A_373 = arith.addi %mul3A_371, %add3A_372 : i32
      %dma_wait3A_374 = arith.constant 0 : i32
      %dma_wait3A_375 = tpu.memref_slice %arg20[%dma_wait3A_374] : memref<4x!tpu.dma_semaphore, #tpu.memory_space<semaphore_mem>> -> memref<1x!tpu.dma_semaphore, #tpu.memory_space<semaphore_mem>>
      %dma_wait3A_376 = tpu.memref_squeeze %dma_wait3A_375 : memref<1x!tpu.dma_semaphore, #tpu.memory_space<semaphore_mem>> -> memref<!tpu.dma_semaphore, #tpu.memory_space<semaphore_mem>>
      %dma_wait3A_377 = arith.constant 0 : i32
      %dma_wait3A_378 = tpu.memref_slice %arg18[%add3A_373, %dma_wait3A_377] : memref<10240x128xf32, #tpu.memory_space<vmem_shared>> -> memref<80x128xf32, #tpu.memory_space<vmem_shared>>
      %dma_wait3A_379 = arith.constant 0 : i32
      %dma_wait3A_380 = tpu.memref_slice %arg2[%add3A_373, %dma_wait3A_379] : memref<10240x128xf32, #tpu.memory_space<hbm>> -> memref<80x128xf32, #tpu.memory_space<hbm>>
      tpu.wait_dma2 semaphore(%dma_wait3A_376 : memref<!tpu.dma_semaphore, #tpu.memory_space<semaphore_mem>>) src(%dma_wait3A_380 : memref<80x128xf32, #tpu.memory_space<hbm>>) dst(%dma_wait3A_378 : memref<80x128xf32, #tpu.memory_space<vmem_shared>>)
      %mul3A_381 = arith.constant 640 : i32
      %mul3A_382 = arith.muli %arg1, %mul3A_381 : i32
      %add3A_383 = arith.constant 480 : i32
      %add3A_384 = arith.addi %mul3A_382, %add3A_383 : i32
      %dma_wait3A_385 = arith.constant 0 : i32
      %dma_wait3A_386 = tpu.memref_slice %arg20[%dma_wait3A_385] : memref<4x!tpu.dma_semaphore, #tpu.memory_space<semaphore_mem>> -> memref<1x!tpu.dma_semaphore, #tpu.memory_space<semaphore_mem>>
      %dma_wait3A_387 = tpu.memref_squeeze %dma_wait3A_386 : memref<1x!tpu.dma_semaphore, #tpu.memory_space<semaphore_mem>> -> memref<!tpu.dma_semaphore, #tpu.memory_space<semaphore_mem>>
      %dma_wait3A_388 = arith.constant 0 : i32
      %dma_wait3A_389 = tpu.memref_slice %arg18[%add3A_384, %dma_wait3A_388] : memref<10240x128xf32, #tpu.memory_space<vmem_shared>> -> memref<80x128xf32, #tpu.memory_space<vmem_shared>>
      %dma_wait3A_390 = arith.constant 0 : i32
      %dma_wait3A_391 = tpu.memref_slice %arg2[%add3A_384, %dma_wait3A_390] : memref<10240x128xf32, #tpu.memory_space<hbm>> -> memref<80x128xf32, #tpu.memory_space<hbm>>
      tpu.wait_dma2 semaphore(%dma_wait3A_387 : memref<!tpu.dma_semaphore, #tpu.memory_space<semaphore_mem>>) src(%dma_wait3A_391 : memref<80x128xf32, #tpu.memory_space<hbm>>) dst(%dma_wait3A_389 : memref<80x128xf32, #tpu.memory_space<vmem_shared>>)
      %mul3A_392 = arith.constant 640 : i32
      %mul3A_393 = arith.muli %arg1, %mul3A_392 : i32
      %add3A_394 = arith.constant 560 : i32
      %add3A_395 = arith.addi %mul3A_393, %add3A_394 : i32
      %dma_wait3A_396 = arith.constant 0 : i32
      %dma_wait3A_397 = tpu.memref_slice %arg20[%dma_wait3A_396] : memref<4x!tpu.dma_semaphore, #tpu.memory_space<semaphore_mem>> -> memref<1x!tpu.dma_semaphore, #tpu.memory_space<semaphore_mem>>
      %dma_wait3A_398 = tpu.memref_squeeze %dma_wait3A_397 : memref<1x!tpu.dma_semaphore, #tpu.memory_space<semaphore_mem>> -> memref<!tpu.dma_semaphore, #tpu.memory_space<semaphore_mem>>
      %dma_wait3A_399 = arith.constant 0 : i32
      %dma_wait3A_400 = tpu.memref_slice %arg18[%add3A_395, %dma_wait3A_399] : memref<10240x128xf32, #tpu.memory_space<vmem_shared>> -> memref<80x128xf32, #tpu.memory_space<vmem_shared>>
      %dma_wait3A_401 = arith.constant 0 : i32
      %dma_wait3A_402 = tpu.memref_slice %arg2[%add3A_395, %dma_wait3A_401] : memref<10240x128xf32, #tpu.memory_space<hbm>> -> memref<80x128xf32, #tpu.memory_space<hbm>>
      tpu.wait_dma2 semaphore(%dma_wait3A_398 : memref<!tpu.dma_semaphore, #tpu.memory_space<semaphore_mem>>) src(%dma_wait3A_402 : memref<80x128xf32, #tpu.memory_space<hbm>>) dst(%dma_wait3A_400 : memref<80x128xf32, #tpu.memory_space<vmem_shared>>)
    } else {
    }
    %ne3A = arith.constant 0 : i32
    %ne3A_3 = arith.cmpi ne, %arg0, %ne3A : i32
    %convert_element_type3A_4 = arith.extui %ne3A_3 : i1 to i32
    %cond3A_5 = arith.constant 0 : i32
    %cond3A_6 = arith.cmpi ne, %convert_element_type3A_4, %cond3A_5 : i32
    scf.if %cond3A_6 {
      %broadcast_in_dim3A = arith.constant 0.000000e+00 : f32
      %broadcast_in_dim3A_227 = vector.broadcast %broadcast_in_dim3A : f32 to vector<16xf32>
      %scan3A_228 = arith.constant 0 : i32
      %scan3A_229 = arith.constant 0 : i32
      %scan3A_230 = arith.constant 80 : i32
      %scan3A_231 = arith.addi %scan3A_229, %scan3A_230 : i32
      %scan3A_232 = arith.constant 1 : i32
      scf.for %scan3A_410 = %scan3A_229 to %scan3A_231 step %scan3A_232  : i32 {
        %swap3A = arith.index_cast %scan3A_410 : i32 to index
        %swap3A_411 = arith.constant 0 : index
        %swap3A_412 = tpu.vector_load %arg14[%swap3A, %swap3A_411] {strides = array<i32>} : memref<80x128xf32, #tpu.memory_space<vmem>>, vector<1x16xf32>,
        %swap3A_413 = vector.shape_cast %swap3A_412 : vector<1x16xf32> to vector<16xf32>
        %swap3A_414 = vector.shape_cast %broadcast_in_dim3A_227 : vector<16xf32> to vector<1x16xf32>
        tpu.vector_store %arg14[%swap3A, %swap3A_411], %swap3A_414 {strides = array<i32>} : memref<80x128xf32, #tpu.memory_space<vmem>>, vector<1x16xf32>,
        %swap3A_415 = arith.index_cast %scan3A_410 : i32 to index
        %swap3A_416 = arith.constant 16 : index
        %swap3A_417 = tpu.vector_load %arg14[%swap3A_415, %swap3A_416] {strides = array<i32>} : memref<80x128xf32, #tpu.memory_space<vmem>>, vector<1x16xf32>,
        %swap3A_418 = vector.shape_cast %swap3A_417 : vector<1x16xf32> to vector<16xf32>
        %swap3A_419 = vector.shape_cast %broadcast_in_dim3A_227 : vector<16xf32> to vector<1x16xf32>
        tpu.vector_store %arg14[%swap3A_415, %swap3A_416], %swap3A_419 {strides = array<i32>} : memref<80x128xf32, #tpu.memory_space<vmem>>, vector<1x16xf32>,
        %swap3A_420 = arith.index_cast %scan3A_410 : i32 to index
        %swap3A_421 = arith.constant 32 : index
        %swap3A_422 = tpu.vector_load %arg14[%swap3A_420, %swap3A_421] {strides = array<i32>} : memref<80x128xf32, #tpu.memory_space<vmem>>, vector<1x16xf32>,
        %swap3A_423 = vector.shape_cast %swap3A_422 : vector<1x16xf32> to vector<16xf32>
        %swap3A_424 = vector.shape_cast %broadcast_in_dim3A_227 : vector<16xf32> to vector<1x16xf32>
        tpu.vector_store %arg14[%swap3A_420, %swap3A_421], %swap3A_424 {strides = array<i32>} : memref<80x128xf32, #tpu.memory_space<vmem>>, vector<1x16xf32>,
        %swap3A_425 = arith.index_cast %scan3A_410 : i32 to index
        %swap3A_426 = arith.constant 48 : index
        %swap3A_427 = tpu.vector_load %arg14[%swap3A_425, %swap3A_426] {strides = array<i32>} : memref<80x128xf32, #tpu.memory_space<vmem>>, vector<1x16xf32>,
        %swap3A_428 = vector.shape_cast %swap3A_427 : vector<1x16xf32> to vector<16xf32>
        %swap3A_429 = vector.shape_cast %broadcast_in_dim3A_227 : vector<16xf32> to vector<1x16xf32>
        tpu.vector_store %arg14[%swap3A_425, %swap3A_426], %swap3A_429 {strides = array<i32>} : memref<80x128xf32, #tpu.memory_space<vmem>>, vector<1x16xf32>,
        %swap3A_430 = arith.index_cast %scan3A_410 : i32 to index
        %swap3A_431 = arith.constant 64 : index
        %swap3A_432 = tpu.vector_load %arg14[%swap3A_430, %swap3A_431] {strides = array<i32>} : memref<80x128xf32, #tpu.memory_space<vmem>>, vector<1x16xf32>,
        %swap3A_433 = vector.shape_cast %swap3A_432 : vector<1x16xf32> to vector<16xf32>
        %swap3A_434 = vector.shape_cast %broadcast_in_dim3A_227 : vector<16xf32> to vector<1x16xf32>
        tpu.vector_store %arg14[%swap3A_430, %swap3A_431], %swap3A_434 {strides = array<i32>} : memref<80x128xf32, #tpu.memory_space<vmem>>, vector<1x16xf32>,
        %swap3A_435 = arith.index_cast %scan3A_410 : i32 to index
        %swap3A_436 = arith.constant 80 : index
        %swap3A_437 = tpu.vector_load %arg14[%swap3A_435, %swap3A_436] {strides = array<i32>} : memref<80x128xf32, #tpu.memory_space<vmem>>, vector<1x16xf32>,
        %swap3A_438 = vector.shape_cast %swap3A_437 : vector<1x16xf32> to vector<16xf32>
        %swap3A_439 = vector.shape_cast %broadcast_in_dim3A_227 : vector<16xf32> to vector<1x16xf32>
        tpu.vector_store %arg14[%swap3A_435, %swap3A_436], %swap3A_439 {strides = array<i32>} : memref<80x128xf32, #tpu.memory_space<vmem>>, vector<1x16xf32>,
        %swap3A_440 = arith.index_cast %scan3A_410 : i32 to index
        %swap3A_441 = arith.constant 96 : index
        %swap3A_442 = tpu.vector_load %arg14[%swap3A_440, %swap3A_441] {strides = array<i32>} : memref<80x128xf32, #tpu.memory_space<vmem>>, vector<1x16xf32>,
        %swap3A_443 = vector.shape_cast %swap3A_442 : vector<1x16xf32> to vector<16xf32>
        %swap3A_444 = vector.shape_cast %broadcast_in_dim3A_227 : vector<16xf32> to vector<1x16xf32>
        tpu.vector_store %arg14[%swap3A_440, %swap3A_441], %swap3A_444 {strides = array<i32>} : memref<80x128xf32, #tpu.memory_space<vmem>>, vector<1x16xf32>,
        %swap3A_445 = arith.index_cast %scan3A_410 : i32 to index
        %swap3A_446 = arith.constant 112 : index
        %swap3A_447 = tpu.vector_load %arg14[%swap3A_445, %swap3A_446] {strides = array<i32>} : memref<80x128xf32, #tpu.memory_space<vmem>>, vector<1x16xf32>,
        %swap3A_448 = vector.shape_cast %swap3A_447 : vector<1x16xf32> to vector<16xf32>
        %swap3A_449 = vector.shape_cast %broadcast_in_dim3A_227 : vector<16xf32> to vector<1x16xf32>
        tpu.vector_store %arg14[%swap3A_445, %swap3A_446], %swap3A_449 {strides = array<i32>} : memref<80x128xf32, #tpu.memory_space<vmem>>, vector<1x16xf32>,
      }
      %scan3A_233 = arith.constant 80 : i32
      %mul3A_234 = arith.constant 640 : i32
      %mul3A_235 = arith.muli %arg1, %mul3A_234 : i32
      %add3A_236 = arith.constant 0 : i32
      %add3A_237 = arith.addi %mul3A_235, %add3A_236 : i32
      %dma_start3A_238 = arith.constant 0 : i32
      %dma_start3A_239 = arith.constant 0 : i32
      %dma_start3A_240 = tpu.memref_slice %arg18[%add3A_237, %dma_start3A_239] : memref<10240x128xf32, #tpu.memory_space<vmem_shared>> -> memref<80x128xf32, #tpu.memory_space<vmem_shared>>
      %dma_start3A_241 = tpu.memref_slice %arg20[%dma_start3A_238] : memref<4x!tpu.dma_semaphore, #tpu.memory_space<semaphore_mem>> -> memref<1x!tpu.dma_semaphore, #tpu.memory_space<semaphore_mem>>
      %dma_start3A_242 = tpu.memref_squeeze %dma_start3A_241 : memref<1x!tpu.dma_semaphore, #tpu.memory_space<semaphore_mem>> -> memref<!tpu.dma_semaphore, #tpu.memory_space<semaphore_mem>>
      %dma_start3A_243 = arith.constant 0 : i32
      %dma_start3A_244 = tpu.memref_slice %arg18[%add3A_237, %dma_start3A_243] : memref<10240x128xf32, #tpu.memory_space<vmem_shared>> -> memref<80x128xf32, #tpu.memory_space<vmem_shared>>
      tpu.enqueue_dma source(%arg14 : memref<80x128xf32, #tpu.memory_space<vmem>>) target(%dma_start3A_244 : memref<80x128xf32, #tpu.memory_space<vmem_shared>>) target_semaphore(%dma_start3A_242 : memref<!tpu.dma_semaphore, #tpu.memory_space<semaphore_mem>>)
      %mul3A_245 = arith.constant 640 : i32
      %mul3A_246 = arith.muli %arg1, %mul3A_245 : i32
      %add3A_247 = arith.constant 80 : i32
      %add3A_248 = arith.addi %mul3A_246, %add3A_247 : i32
      %dma_start3A_249 = arith.constant 0 : i32
      %dma_start3A_250 = arith.constant 0 : i32
      %dma_start3A_251 = tpu.memref_slice %arg18[%add3A_248, %dma_start3A_250] : memref<10240x128xf32, #tpu.memory_space<vmem_shared>> -> memref<80x128xf32, #tpu.memory_space<vmem_shared>>
      %dma_start3A_252 = tpu.memref_slice %arg20[%dma_start3A_249] : memref<4x!tpu.dma_semaphore, #tpu.memory_space<semaphore_mem>> -> memref<1x!tpu.dma_semaphore, #tpu.memory_space<semaphore_mem>>
      %dma_start3A_253 = tpu.memref_squeeze %dma_start3A_252 : memref<1x!tpu.dma_semaphore, #tpu.memory_space<semaphore_mem>> -> memref<!tpu.dma_semaphore, #tpu.memory_space<semaphore_mem>>
      %dma_start3A_254 = arith.constant 0 : i32
      %dma_start3A_255 = tpu.memref_slice %arg18[%add3A_248, %dma_start3A_254] : memref<10240x128xf32, #tpu.memory_space<vmem_shared>> -> memref<80x128xf32, #tpu.memory_space<vmem_shared>>
      tpu.enqueue_dma source(%arg14 : memref<80x128xf32, #tpu.memory_space<vmem>>) target(%dma_start3A_255 : memref<80x128xf32, #tpu.memory_space<vmem_shared>>) target_semaphore(%dma_start3A_253 : memref<!tpu.dma_semaphore, #tpu.memory_space<semaphore_mem>>)
      %mul3A_256 = arith.constant 640 : i32
      %mul3A_257 = arith.muli %arg1, %mul3A_256 : i32
      %add3A_258 = arith.constant 160 : i32
      %add3A_259 = arith.addi %mul3A_257, %add3A_258 : i32
      %dma_start3A_260 = arith.constant 0 : i32
      %dma_start3A_261 = arith.constant 0 : i32
      %dma_start3A_262 = tpu.memref_slice %arg18[%add3A_259, %dma_start3A_261] : memref<10240x128xf32, #tpu.memory_space<vmem_shared>> -> memref<80x128xf32, #tpu.memory_space<vmem_shared>>
      %dma_start3A_263 = tpu.memref_slice %arg20[%dma_start3A_260] : memref<4x!tpu.dma_semaphore, #tpu.memory_space<semaphore_mem>> -> memref<1x!tpu.dma_semaphore, #tpu.memory_space<semaphore_mem>>
      %dma_start3A_264 = tpu.memref_squeeze %dma_start3A_263 : memref<1x!tpu.dma_semaphore, #tpu.memory_space<semaphore_mem>> -> memref<!tpu.dma_semaphore, #tpu.memory_space<semaphore_mem>>
      %dma_start3A_265 = arith.constant 0 : i32
      %dma_start3A_266 = tpu.memref_slice %arg18[%add3A_259, %dma_start3A_265] : memref<10240x128xf32, #tpu.memory_space<vmem_shared>> -> memref<80x128xf32, #tpu.memory_space<vmem_shared>>
      tpu.enqueue_dma source(%arg14 : memref<80x128xf32, #tpu.memory_space<vmem>>) target(%dma_start3A_266 : memref<80x128xf32, #tpu.memory_space<vmem_shared>>) target_semaphore(%dma_start3A_264 : memref<!tpu.dma_semaphore, #tpu.memory_space<semaphore_mem>>)
      %mul3A_267 = arith.constant 640 : i32
      %mul3A_268 = arith.muli %arg1, %mul3A_267 : i32
      %add3A_269 = arith.constant 240 : i32
      %add3A_270 = arith.addi %mul3A_268, %add3A_269 : i32
      %dma_start3A_271 = arith.constant 0 : i32
      %dma_start3A_272 = arith.constant 0 : i32
      %dma_start3A_273 = tpu.memref_slice %arg18[%add3A_270, %dma_start3A_272] : memref<10240x128xf32, #tpu.memory_space<vmem_shared>> -> memref<80x128xf32, #tpu.memory_space<vmem_shared>>
      %dma_start3A_274 = tpu.memref_slice %arg20[%dma_start3A_271] : memref<4x!tpu.dma_semaphore, #tpu.memory_space<semaphore_mem>> -> memref<1x!tpu.dma_semaphore, #tpu.memory_space<semaphore_mem>>
      %dma_start3A_275 = tpu.memref_squeeze %dma_start3A_274 : memref<1x!tpu.dma_semaphore, #tpu.memory_space<semaphore_mem>> -> memref<!tpu.dma_semaphore, #tpu.memory_space<semaphore_mem>>
      %dma_start3A_276 = arith.constant 0 : i32
      %dma_start3A_277 = tpu.memref_slice %arg18[%add3A_270, %dma_start3A_276] : memref<10240x128xf32, #tpu.memory_space<vmem_shared>> -> memref<80x128xf32, #tpu.memory_space<vmem_shared>>
      tpu.enqueue_dma source(%arg14 : memref<80x128xf32, #tpu.memory_space<vmem>>) target(%dma_start3A_277 : memref<80x128xf32, #tpu.memory_space<vmem_shared>>) target_semaphore(%dma_start3A_275 : memref<!tpu.dma_semaphore, #tpu.memory_space<semaphore_mem>>)
      %mul3A_278 = arith.constant 640 : i32
      %mul3A_279 = arith.muli %arg1, %mul3A_278 : i32
      %add3A_280 = arith.constant 320 : i32
      %add3A_281 = arith.addi %mul3A_279, %add3A_280 : i32
      %dma_start3A_282 = arith.constant 0 : i32
      %dma_start3A_283 = arith.constant 0 : i32
      %dma_start3A_284 = tpu.memref_slice %arg18[%add3A_281, %dma_start3A_283] : memref<10240x128xf32, #tpu.memory_space<vmem_shared>> -> memref<80x128xf32, #tpu.memory_space<vmem_shared>>
      %dma_start3A_285 = tpu.memref_slice %arg20[%dma_start3A_282] : memref<4x!tpu.dma_semaphore, #tpu.memory_space<semaphore_mem>> -> memref<1x!tpu.dma_semaphore, #tpu.memory_space<semaphore_mem>>
      %dma_start3A_286 = tpu.memref_squeeze %dma_start3A_285 : memref<1x!tpu.dma_semaphore, #tpu.memory_space<semaphore_mem>> -> memref<!tpu.dma_semaphore, #tpu.memory_space<semaphore_mem>>
      %dma_start3A_287 = arith.constant 0 : i32
      %dma_start3A_288 = tpu.memref_slice %arg18[%add3A_281, %dma_start3A_287] : memref<10240x128xf32, #tpu.memory_space<vmem_shared>> -> memref<80x128xf32, #tpu.memory_space<vmem_shared>>
      tpu.enqueue_dma source(%arg14 : memref<80x128xf32, #tpu.memory_space<vmem>>) target(%dma_start3A_288 : memref<80x128xf32, #tpu.memory_space<vmem_shared>>) target_semaphore(%dma_start3A_286 : memref<!tpu.dma_semaphore, #tpu.memory_space<semaphore_mem>>)
      %mul3A_289 = arith.constant 640 : i32
      %mul3A_290 = arith.muli %arg1, %mul3A_289 : i32
      %add3A_291 = arith.constant 400 : i32
      %add3A_292 = arith.addi %mul3A_290, %add3A_291 : i32
      %dma_start3A_293 = arith.constant 0 : i32
      %dma_start3A_294 = arith.constant 0 : i32
      %dma_start3A_295 = tpu.memref_slice %arg18[%add3A_292, %dma_start3A_294] : memref<10240x128xf32, #tpu.memory_space<vmem_shared>> -> memref<80x128xf32, #tpu.memory_space<vmem_shared>>
      %dma_start3A_296 = tpu.memref_slice %arg20[%dma_start3A_293] : memref<4x!tpu.dma_semaphore, #tpu.memory_space<semaphore_mem>> -> memref<1x!tpu.dma_semaphore, #tpu.memory_space<semaphore_mem>>
      %dma_start3A_297 = tpu.memref_squeeze %dma_start3A_296 : memref<1x!tpu.dma_semaphore, #tpu.memory_space<semaphore_mem>> -> memref<!tpu.dma_semaphore, #tpu.memory_space<semaphore_mem>>
      %dma_start3A_298 = arith.constant 0 : i32
      %dma_start3A_299 = tpu.memref_slice %arg18[%add3A_292, %dma_start3A_298] : memref<10240x128xf32, #tpu.memory_space<vmem_shared>> -> memref<80x128xf32, #tpu.memory_space<vmem_shared>>
      tpu.enqueue_dma source(%arg14 : memref<80x128xf32, #tpu.memory_space<vmem>>) target(%dma_start3A_299 : memref<80x128xf32, #tpu.memory_space<vmem_shared>>) target_semaphore(%dma_start3A_297 : memref<!tpu.dma_semaphore, #tpu.memory_space<semaphore_mem>>)
      %mul3A_300 = arith.constant 640 : i32
      %mul3A_301 = arith.muli %arg1, %mul3A_300 : i32
      %add3A_302 = arith.constant 480 : i32
      %add3A_303 = arith.addi %mul3A_301, %add3A_302 : i32
      %dma_start3A_304 = arith.constant 0 : i32
      %dma_start3A_305 = arith.constant 0 : i32
      %dma_start3A_306 = tpu.memref_slice %arg18[%add3A_303, %dma_start3A_305] : memref<10240x128xf32, #tpu.memory_space<vmem_shared>> -> memref<80x128xf32, #tpu.memory_space<vmem_shared>>
      %dma_start3A_307 = tpu.memref_slice %arg20[%dma_start3A_304] : memref<4x!tpu.dma_semaphore, #tpu.memory_space<semaphore_mem>> -> memref<1x!tpu.dma_semaphore, #tpu.memory_space<semaphore_mem>>
      %dma_start3A_308 = tpu.memref_squeeze %dma_start3A_307 : memref<1x!tpu.dma_semaphore, #tpu.memory_space<semaphore_mem>> -> memref<!tpu.dma_semaphore, #tpu.memory_space<semaphore_mem>>
      %dma_start3A_309 = arith.constant 0 : i32
      %dma_start3A_310 = tpu.memref_slice %arg18[%add3A_303, %dma_start3A_309] : memref<10240x128xf32, #tpu.memory_space<vmem_shared>> -> memref<80x128xf32, #tpu.memory_space<vmem_shared>>
      tpu.enqueue_dma source(%arg14 : memref<80x128xf32, #tpu.memory_space<vmem>>) target(%dma_start3A_310 : memref<80x128xf32, #tpu.memory_space<vmem_shared>>) target_semaphore(%dma_start3A_308 : memref<!tpu.dma_semaphore, #tpu.memory_space<semaphore_mem>>)
      %mul3A_311 = arith.constant 640 : i32
      %mul3A_312 = arith.muli %arg1, %mul3A_311 : i32
      %add3A_313 = arith.constant 560 : i32
      %add3A_314 = arith.addi %mul3A_312, %add3A_313 : i32
      %dma_start3A_315 = arith.constant 0 : i32
      %dma_start3A_316 = arith.constant 0 : i32
      %dma_start3A_317 = tpu.memref_slice %arg18[%add3A_314, %dma_start3A_316] : memref<10240x128xf32, #tpu.memory_space<vmem_shared>> -> memref<80x128xf32, #tpu.memory_space<vmem_shared>>
      %dma_start3A_318 = tpu.memref_slice %arg20[%dma_start3A_315] : memref<4x!tpu.dma_semaphore, #tpu.memory_space<semaphore_mem>> -> memref<1x!tpu.dma_semaphore, #tpu.memory_space<semaphore_mem>>
      %dma_start3A_319 = tpu.memref_squeeze %dma_start3A_318 : memref<1x!tpu.dma_semaphore, #tpu.memory_space<semaphore_mem>> -> memref<!tpu.dma_semaphore, #tpu.memory_space<semaphore_mem>>
      %dma_start3A_320 = arith.constant 0 : i32
      %dma_start3A_321 = tpu.memref_slice %arg18[%add3A_314, %dma_start3A_320] : memref<10240x128xf32, #tpu.memory_space<vmem_shared>> -> memref<80x128xf32, #tpu.memory_space<vmem_shared>>
      tpu.enqueue_dma source(%arg14 : memref<80x128xf32, #tpu.memory_space<vmem>>) target(%dma_start3A_321 : memref<80x128xf32, #tpu.memory_space<vmem_shared>>) target_semaphore(%dma_start3A_319 : memref<!tpu.dma_semaphore, #tpu.memory_space<semaphore_mem>>)
      %mul3A_322 = arith.constant 640 : i32
      %mul3A_323 = arith.muli %arg1, %mul3A_322 : i32
      %add3A_324 = arith.constant 0 : i32
      %add3A_325 = arith.addi %mul3A_323, %add3A_324 : i32
      %dma_wait3A_326 = arith.constant 0 : i32
      %dma_wait3A_327 = arith.constant 0 : i32
      %dma_wait3A_328 = tpu.memref_slice %arg18[%add3A_325, %dma_wait3A_327] : memref<10240x128xf32, #tpu.memory_space<vmem_shared>> -> memref<80x128xf32, #tpu.memory_space<vmem_shared>>
      %dma_wait3A_329 = tpu.memref_slice %arg20[%dma_wait3A_326] : memref<4x!tpu.dma_semaphore, #tpu.memory_space<semaphore_mem>> -> memref<1x!tpu.dma_semaphore, #tpu.memory_space<semaphore_mem>>
      %dma_wait3A_330 = tpu.memref_squeeze %dma_wait3A_329 : memref<1x!tpu.dma_semaphore, #tpu.memory_space<semaphore_mem>> -> memref<!tpu.dma_semaphore, #tpu.memory_space<semaphore_mem>>
      %dma_wait3A_331 = arith.constant 0 : i32
      %dma_wait3A_332 = tpu.memref_slice %arg18[%add3A_325, %dma_wait3A_331] : memref<10240x128xf32, #tpu.memory_space<vmem_shared>> -> memref<80x128xf32, #tpu.memory_space<vmem_shared>>
      tpu.wait_dma2 semaphore(%dma_wait3A_330 : memref<!tpu.dma_semaphore, #tpu.memory_space<semaphore_mem>>) src(%arg14 : memref<80x128xf32, #tpu.memory_space<vmem>>) dst(%dma_wait3A_332 : memref<80x128xf32, #tpu.memory_space<vmem_shared>>)
      %mul3A_333 = arith.constant 640 : i32
      %mul3A_334 = arith.muli %arg1, %mul3A_333 : i32
      %add3A_335 = arith.constant 80 : i32
      %add3A_336 = arith.addi %mul3A_334, %add3A_335 : i32
      %dma_wait3A_337 = arith.constant 0 : i32
      %dma_wait3A_338 = arith.constant 0 : i32
      %dma_wait3A_339 = tpu.memref_slice %arg18[%add3A_336, %dma_wait3A_338] : memref<10240x128xf32, #tpu.memory_space<vmem_shared>> -> memref<80x128xf32, #tpu.memory_space<vmem_shared>>
      %dma_wait3A_340 = tpu.memref_slice %arg20[%dma_wait3A_337] : memref<4x!tpu.dma_semaphore, #tpu.memory_space<semaphore_mem>> -> memref<1x!tpu.dma_semaphore, #tpu.memory_space<semaphore_mem>>
      %dma_wait3A_341 = tpu.memref_squeeze %dma_wait3A_340 : memref<1x!tpu.dma_semaphore, #tpu.memory_space<semaphore_mem>> -> memref<!tpu.dma_semaphore, #tpu.memory_space<semaphore_mem>>
      %dma_wait3A_342 = arith.constant 0 : i32
      %dma_wait3A_343 = tpu.memref_slice %arg18[%add3A_336, %dma_wait3A_342] : memref<10240x128xf32, #tpu.memory_space<vmem_shared>> -> memref<80x128xf32, #tpu.memory_space<vmem_shared>>
      tpu.wait_dma2 semaphore(%dma_wait3A_341 : memref<!tpu.dma_semaphore, #tpu.memory_space<semaphore_mem>>) src(%arg14 : memref<80x128xf32, #tpu.memory_space<vmem>>) dst(%dma_wait3A_343 : memref<80x128xf32, #tpu.memory_space<vmem_shared>>)
      %mul3A_344 = arith.constant 640 : i32
      %mul3A_345 = arith.muli %arg1, %mul3A_344 : i32
      %add3A_346 = arith.constant 160 : i32
      %add3A_347 = arith.addi %mul3A_345, %add3A_346 : i32
      %dma_wait3A_348 = arith.constant 0 : i32
      %dma_wait3A_349 = arith.constant 0 : i32
      %dma_wait3A_350 = tpu.memref_slice %arg18[%add3A_347, %dma_wait3A_349] : memref<10240x128xf32, #tpu.memory_space<vmem_shared>> -> memref<80x128xf32, #tpu.memory_space<vmem_shared>>
      %dma_wait3A_351 = tpu.memref_slice %arg20[%dma_wait3A_348] : memref<4x!tpu.dma_semaphore, #tpu.memory_space<semaphore_mem>> -> memref<1x!tpu.dma_semaphore, #tpu.memory_space<semaphore_mem>>
      %dma_wait3A_352 = tpu.memref_squeeze %dma_wait3A_351 : memref<1x!tpu.dma_semaphore, #tpu.memory_space<semaphore_mem>> -> memref<!tpu.dma_semaphore, #tpu.memory_space<semaphore_mem>>
      %dma_wait3A_353 = arith.constant 0 : i32
      %dma_wait3A_354 = tpu.memref_slice %arg18[%add3A_347, %dma_wait3A_353] : memref<10240x128xf32, #tpu.memory_space<vmem_shared>> -> memref<80x128xf32, #tpu.memory_space<vmem_shared>>
      tpu.wait_dma2 semaphore(%dma_wait3A_352 : memref<!tpu.dma_semaphore, #tpu.memory_space<semaphore_mem>>) src(%arg14 : memref<80x128xf32, #tpu.memory_space<vmem>>) dst(%dma_wait3A_354 : memref<80x128xf32, #tpu.memory_space<vmem_shared>>)
      %mul3A_355 = arith.constant 640 : i32
      %mul3A_356 = arith.muli %arg1, %mul3A_355 : i32
      %add3A_357 = arith.constant 240 : i32
      %add3A_358 = arith.addi %mul3A_356, %add3A_357 : i32
      %dma_wait3A_359 = arith.constant 0 : i32
      %dma_wait3A_360 = arith.constant 0 : i32
      %dma_wait3A_361 = tpu.memref_slice %arg18[%add3A_358, %dma_wait3A_360] : memref<10240x128xf32, #tpu.memory_space<vmem_shared>> -> memref<80x128xf32, #tpu.memory_space<vmem_shared>>
      %dma_wait3A_362 = tpu.memref_slice %arg20[%dma_wait3A_359] : memref<4x!tpu.dma_semaphore, #tpu.memory_space<semaphore_mem>> -> memref<1x!tpu.dma_semaphore, #tpu.memory_space<semaphore_mem>>
      %dma_wait3A_363 = tpu.memref_squeeze %dma_wait3A_362 : memref<1x!tpu.dma_semaphore, #tpu.memory_space<semaphore_mem>> -> memref<!tpu.dma_semaphore, #tpu.memory_space<semaphore_mem>>
      %dma_wait3A_364 = arith.constant 0 : i32
      %dma_wait3A_365 = tpu.memref_slice %arg18[%add3A_358, %dma_wait3A_364] : memref<10240x128xf32, #tpu.memory_space<vmem_shared>> -> memref<80x128xf32, #tpu.memory_space<vmem_shared>>
      tpu.wait_dma2 semaphore(%dma_wait3A_363 : memref<!tpu.dma_semaphore, #tpu.memory_space<semaphore_mem>>) src(%arg14 : memref<80x128xf32, #tpu.memory_space<vmem>>) dst(%dma_wait3A_365 : memref<80x128xf32, #tpu.memory_space<vmem_shared>>)
      %mul3A_366 = arith.constant 640 : i32
      %mul3A_367 = arith.muli %arg1, %mul3A_366 : i32
      %add3A_368 = arith.constant 320 : i32
      %add3A_369 = arith.addi %mul3A_367, %add3A_368 : i32
      %dma_wait3A_370 = arith.constant 0 : i32
      %dma_wait3A_371 = arith.constant 0 : i32
      %dma_wait3A_372 = tpu.memref_slice %arg18[%add3A_369, %dma_wait3A_371] : memref<10240x128xf32, #tpu.memory_space<vmem_shared>> -> memref<80x128xf32, #tpu.memory_space<vmem_shared>>
      %dma_wait3A_373 = tpu.memref_slice %arg20[%dma_wait3A_370] : memref<4x!tpu.dma_semaphore, #tpu.memory_space<semaphore_mem>> -> memref<1x!tpu.dma_semaphore, #tpu.memory_space<semaphore_mem>>
      %dma_wait3A_374 = tpu.memref_squeeze %dma_wait3A_373 : memref<1x!tpu.dma_semaphore, #tpu.memory_space<semaphore_mem>> -> memref<!tpu.dma_semaphore, #tpu.memory_space<semaphore_mem>>
      %dma_wait3A_375 = arith.constant 0 : i32
      %dma_wait3A_376 = tpu.memref_slice %arg18[%add3A_369, %dma_wait3A_375] : memref<10240x128xf32, #tpu.memory_space<vmem_shared>> -> memref<80x128xf32, #tpu.memory_space<vmem_shared>>
      tpu.wait_dma2 semaphore(%dma_wait3A_374 : memref<!tpu.dma_semaphore, #tpu.memory_space<semaphore_mem>>) src(%arg14 : memref<80x128xf32, #tpu.memory_space<vmem>>) dst(%dma_wait3A_376 : memref<80x128xf32, #tpu.memory_space<vmem_shared>>)
      %mul3A_377 = arith.constant 640 : i32
      %mul3A_378 = arith.muli %arg1, %mul3A_377 : i32
      %add3A_379 = arith.constant 400 : i32
      %add3A_380 = arith.addi %mul3A_378, %add3A_379 : i32
      %dma_wait3A_381 = arith.constant 0 : i32
      %dma_wait3A_382 = arith.constant 0 : i32
      %dma_wait3A_383 = tpu.memref_slice %arg18[%add3A_380, %dma_wait3A_382] : memref<10240x128xf32, #tpu.memory_space<vmem_shared>> -> memref<80x128xf32, #tpu.memory_space<vmem_shared>>
      %dma_wait3A_384 = tpu.memref_slice %arg20[%dma_wait3A_381] : memref<4x!tpu.dma_semaphore, #tpu.memory_space<semaphore_mem>> -> memref<1x!tpu.dma_semaphore, #tpu.memory_space<semaphore_mem>>
      %dma_wait3A_385 = tpu.memref_squeeze %dma_wait3A_384 : memref<1x!tpu.dma_semaphore, #tpu.memory_space<semaphore_mem>> -> memref<!tpu.dma_semaphore, #tpu.memory_space<semaphore_mem>>
      %dma_wait3A_386 = arith.constant 0 : i32
      %dma_wait3A_387 = tpu.memref_slice %arg18[%add3A_380, %dma_wait3A_386] : memref<10240x128xf32, #tpu.memory_space<vmem_shared>> -> memref<80x128xf32, #tpu.memory_space<vmem_shared>>
      tpu.wait_dma2 semaphore(%dma_wait3A_385 : memref<!tpu.dma_semaphore, #tpu.memory_space<semaphore_mem>>) src(%arg14 : memref<80x128xf32, #tpu.memory_space<vmem>>) dst(%dma_wait3A_387 : memref<80x128xf32, #tpu.memory_space<vmem_shared>>)
      %mul3A_388 = arith.constant 640 : i32
      %mul3A_389 = arith.muli %arg1, %mul3A_388 : i32
      %add3A_390 = arith.constant 480 : i32
      %add3A_391 = arith.addi %mul3A_389, %add3A_390 : i32
      %dma_wait3A_392 = arith.constant 0 : i32
      %dma_wait3A_393 = arith.constant 0 : i32
      %dma_wait3A_394 = tpu.memref_slice %arg18[%add3A_391, %dma_wait3A_393] : memref<10240x128xf32, #tpu.memory_space<vmem_shared>> -> memref<80x128xf32, #tpu.memory_space<vmem_shared>>
      %dma_wait3A_395 = tpu.memref_slice %arg20[%dma_wait3A_392] : memref<4x!tpu.dma_semaphore, #tpu.memory_space<semaphore_mem>> -> memref<1x!tpu.dma_semaphore, #tpu.memory_space<semaphore_mem>>
      %dma_wait3A_396 = tpu.memref_squeeze %dma_wait3A_395 : memref<1x!tpu.dma_semaphore, #tpu.memory_space<semaphore_mem>> -> memref<!tpu.dma_semaphore, #tpu.memory_space<semaphore_mem>>
      %dma_wait3A_397 = arith.constant 0 : i32
      %dma_wait3A_398 = tpu.memref_slice %arg18[%add3A_391, %dma_wait3A_397] : memref<10240x128xf32, #tpu.memory_space<vmem_shared>> -> memref<80x128xf32, #tpu.memory_space<vmem_shared>>
      tpu.wait_dma2 semaphore(%dma_wait3A_396 : memref<!tpu.dma_semaphore, #tpu.memory_space<semaphore_mem>>) src(%arg14 : memref<80x128xf32, #tpu.memory_space<vmem>>) dst(%dma_wait3A_398 : memref<80x128xf32, #tpu.memory_space<vmem_shared>>)
      %mul3A_399 = arith.constant 640 : i32
      %mul3A_400 = arith.muli %arg1, %mul3A_399 : i32
      %add3A_401 = arith.constant 560 : i32
      %add3A_402 = arith.addi %mul3A_400, %add3A_401 : i32
      %dma_wait3A_403 = arith.constant 0 : i32
      %dma_wait3A_404 = arith.constant 0 : i32
      %dma_wait3A_405 = tpu.memref_slice %arg18[%add3A_402, %dma_wait3A_404] : memref<10240x128xf32, #tpu.memory_space<vmem_shared>> -> memref<80x128xf32, #tpu.memory_space<vmem_shared>>
      %dma_wait3A_406 = tpu.memref_slice %arg20[%dma_wait3A_403] : memref<4x!tpu.dma_semaphore, #tpu.memory_space<semaphore_mem>> -> memref<1x!tpu.dma_semaphore, #tpu.memory_space<semaphore_mem>>
      %dma_wait3A_407 = tpu.memref_squeeze %dma_wait3A_406 : memref<1x!tpu.dma_semaphore, #tpu.memory_space<semaphore_mem>> -> memref<!tpu.dma_semaphore, #tpu.memory_space<semaphore_mem>>
      %dma_wait3A_408 = arith.constant 0 : i32
      %dma_wait3A_409 = tpu.memref_slice %arg18[%add3A_402, %dma_wait3A_408] : memref<10240x128xf32, #tpu.memory_space<vmem_shared>> -> memref<80x128xf32, #tpu.memory_space<vmem_shared>>
      tpu.wait_dma2 semaphore(%dma_wait3A_407 : memref<!tpu.dma_semaphore, #tpu.memory_space<semaphore_mem>>) src(%arg14 : memref<80x128xf32, #tpu.memory_space<vmem>>) dst(%dma_wait3A_409 : memref<80x128xf32, #tpu.memory_space<vmem_shared>>)
    } else {
    }
    %barrier3A = arith.constant 0 : index
    tpu.barrier barrier_id(%barrier3A)
    %scan3A = arith.constant 0 : i32
    %scan3A_7 = arith.constant 0 : i32
    %scan3A_8 = arith.constant 32 : i32
    %scan3A_9 = arith.addi %scan3A_7, %scan3A_8 : i32
    %scan3A_10 = arith.constant 1 : i32
    scf.for %scan3A_227 = %scan3A_7 to %scan3A_9 step %scan3A_10  : i32 {
      %mul3A_228 = arith.constant 4 : i32
      %mul3A_229 = arith.muli %scan3A_227, %mul3A_228 : i32
      %add3A_230 = arith.constant 0 : i32
      %add3A_231 = arith.addi %mul3A_229, %add3A_230 : i32
      %ge3A = arith.constant 4 : i32
      %ge3A_232 = arith.cmpi sge, %add3A_231, %ge3A : i32
      %lt3A = arith.constant 125 : i32
      %lt3A_233 = arith.cmpi slt, %add3A_231, %lt3A : i32
      %and3A = arith.andi %ge3A_232, %lt3A_233 : i1
      %convert_element_type3A_234 = arith.extui %and3A : i1 to i32
      %cond3A_235 = arith.constant 0 : i32
      %cond3A_236 = arith.cmpi ne, %convert_element_type3A_234, %cond3A_235 : i32
      scf.if %cond3A_236 {
        %dma_wait3A_372 = arith.constant 0 : i32
        %dma_wait3A_373 = arith.constant 0 : i32
        %dma_wait3A_374 = arith.constant 0 : i32
        %dma_wait3A_375 = tpu.memref_slice %arg18[%dma_wait3A_373, %dma_wait3A_374] : memref<10240x128xf32, #tpu.memory_space<vmem_shared>> -> memref<10240x128xf32, #tpu.memory_space<vmem_shared>>
        %dma_wait3A_376 = tpu.memref_slice %arg21[%dma_wait3A_372] : memref<4x!tpu.dma_semaphore, #tpu.memory_space<semaphore_mem>> -> memref<1x!tpu.dma_semaphore, #tpu.memory_space<semaphore_mem>>
        %dma_wait3A_377 = tpu.memref_squeeze %dma_wait3A_376 : memref<1x!tpu.dma_semaphore, #tpu.memory_space<semaphore_mem>> -> memref<!tpu.dma_semaphore, #tpu.memory_space<semaphore_mem>>
        tpu.wait_indirect_dma semaphore(%dma_wait3A_377 : memref<!tpu.dma_semaphore, #tpu.memory_space<semaphore_mem>>) src(%arg14 : memref<80x128xf32, #tpu.memory_space<vmem>>) dst(%dma_wait3A_375 : memref<10240x128xf32, #tpu.memory_space<vmem_shared>>)
      } else {
      }
      %lt3A_237 = arith.constant 125 : i32
      %lt3A_238 = arith.cmpi slt, %add3A_231, %lt3A_237 : i32
      %convert_element_type3A_239 = arith.extui %lt3A_238 : i1 to i32
      %cond3A_240 = arith.constant 0 : i32
      %cond3A_241 = arith.cmpi ne, %convert_element_type3A_239, %cond3A_240 : i32
      scf.if %cond3A_241 {
        %mul3A_372 = arith.constant 10000 : i32
        %mul3A_373 = arith.muli %add3A, %mul3A_372 : i32
        %mul3A_374 = arith.constant 80 : i32
        %mul3A_375 = arith.muli %add3A_231, %mul3A_374 : i32
        %add3A_376 = arith.addi %mul3A_373, %mul3A_375 : i32
        %dma_start3A_377 = arith.constant 0 : i32
        %dma_start3A_378 = tpu.memref_slice %arg3[%add3A_376] : memref<320000xi32, #tpu.memory_space<hbm>> -> memref<80xi32, #tpu.memory_space<hbm>>
        %dma_start3A_379 = tpu.memref_slice %arg19[%dma_start3A_377] : memref<4x!tpu.dma_semaphore, #tpu.memory_space<semaphore_mem>> -> memref<1x!tpu.dma_semaphore, #tpu.memory_space<semaphore_mem>>
        %dma_start3A_380 = tpu.memref_squeeze %dma_start3A_379 : memref<1x!tpu.dma_semaphore, #tpu.memory_space<semaphore_mem>> -> memref<!tpu.dma_semaphore, #tpu.memory_space<semaphore_mem>>
        %dma_start3A_381 = tpu.memref_slice %arg3[%add3A_376] : memref<320000xi32, #tpu.memory_space<hbm>> -> memref<80xi32, #tpu.memory_space<hbm>>
        tpu.enqueue_dma source(%dma_start3A_381 : memref<80xi32, #tpu.memory_space<hbm>>) target(%arg6 : memref<80xi32, #tpu.memory_space<vmem>>) target_semaphore(%dma_start3A_380 : memref<!tpu.dma_semaphore, #tpu.memory_space<semaphore_mem>>)
        %dma_start3A_382 = arith.constant 0 : i32
        %dma_start3A_383 = tpu.memref_slice %arg4[%add3A_376] : memref<320000xi32, #tpu.memory_space<hbm>> -> memref<80xi32, #tpu.memory_space<hbm>>
        %dma_start3A_384 = tpu.memref_slice %arg19[%dma_start3A_382] : memref<4x!tpu.dma_semaphore, #tpu.memory_space<semaphore_mem>> -> memref<1x!tpu.dma_semaphore, #tpu.memory_space<semaphore_mem>>
        %dma_start3A_385 = tpu.memref_squeeze %dma_start3A_384 : memref<1x!tpu.dma_semaphore, #tpu.memory_space<semaphore_mem>> -> memref<!tpu.dma_semaphore, #tpu.memory_space<semaphore_mem>>
        %dma_start3A_386 = tpu.memref_slice %arg4[%add3A_376] : memref<320000xi32, #tpu.memory_space<hbm>> -> memref<80xi32, #tpu.memory_space<hbm>>
        tpu.enqueue_dma source(%dma_start3A_386 : memref<80xi32, #tpu.memory_space<hbm>>) target(%arg10 : memref<80xi32, #tpu.memory_space<vmem>>) target_semaphore(%dma_start3A_385 : memref<!tpu.dma_semaphore, #tpu.memory_space<semaphore_mem>>)
      } else {
      }
      %sub3A = arith.constant 1 : i32
      %sub3A_242 = arith.subi %add3A_231, %sub3A : i32
      %ge3A_243 = arith.constant 0 : i32
      %ge3A_244 = arith.cmpi sge, %sub3A_242, %ge3A_243 : i32
      %lt3A_245 = arith.constant 125 : i32
      %lt3A_246 = arith.cmpi slt, %sub3A_242, %lt3A_245 : i32
      %and3A_247 = arith.andi %ge3A_244, %lt3A_246 : i1
      %convert_element_type3A_248 = arith.extui %and3A_247 : i1 to i32
      %cond3A_249 = arith.constant 0 : i32
      %cond3A_250 = arith.cmpi ne, %convert_element_type3A_248, %cond3A_249 : i32
      scf.if %cond3A_250 {
        %dma_wait3A_372 = arith.constant 3 : i32
        %dma_wait3A_373 = arith.constant 0 : i32
        %dma_wait3A_374 = tpu.memref_slice %arg3[%dma_wait3A_373] : memref<320000xi32, #tpu.memory_space<hbm>> -> memref<80xi32, #tpu.memory_space<hbm>>
        %dma_wait3A_375 = tpu.memref_slice %arg19[%dma_wait3A_372] : memref<4x!tpu.dma_semaphore, #tpu.memory_space<semaphore_mem>> -> memref<1x!tpu.dma_semaphore, #tpu.memory_space<semaphore_mem>>
        %dma_wait3A_376 = tpu.memref_squeeze %dma_wait3A_375 : memref<1x!tpu.dma_semaphore, #tpu.memory_space<semaphore_mem>> -> memref<!tpu.dma_semaphore, #tpu.memory_space<semaphore_mem>>
        %dma_wait3A_377 = arith.constant 0 : i32
        %dma_wait3A_378 = tpu.memref_slice %arg3[%dma_wait3A_377] : memref<320000xi32, #tpu.memory_space<hbm>> -> memref<80xi32, #tpu.memory_space<hbm>>
        tpu.wait_dma2 semaphore(%dma_wait3A_376 : memref<!tpu.dma_semaphore, #tpu.memory_space<semaphore_mem>>) src(%dma_wait3A_378 : memref<80xi32, #tpu.memory_space<hbm>>) dst(%arg9 : memref<80xi32, #tpu.memory_space<vmem>>)
        %dma_wait3A_379 = arith.constant 3 : i32
        %dma_wait3A_380 = arith.constant 0 : i32
        %dma_wait3A_381 = tpu.memref_slice %arg4[%dma_wait3A_380] : memref<320000xi32, #tpu.memory_space<hbm>> -> memref<80xi32, #tpu.memory_space<hbm>>
        %dma_wait3A_382 = tpu.memref_slice %arg19[%dma_wait3A_379] : memref<4x!tpu.dma_semaphore, #tpu.memory_space<semaphore_mem>> -> memref<1x!tpu.dma_semaphore, #tpu.memory_space<semaphore_mem>>
        %dma_wait3A_383 = tpu.memref_squeeze %dma_wait3A_382 : memref<1x!tpu.dma_semaphore, #tpu.memory_space<semaphore_mem>> -> memref<!tpu.dma_semaphore, #tpu.memory_space<semaphore_mem>>
        %dma_wait3A_384 = arith.constant 0 : i32
        %dma_wait3A_385 = tpu.memref_slice %arg4[%dma_wait3A_384] : memref<320000xi32, #tpu.memory_space<hbm>> -> memref<80xi32, #tpu.memory_space<hbm>>
        tpu.wait_dma2 semaphore(%dma_wait3A_383 : memref<!tpu.dma_semaphore, #tpu.memory_space<semaphore_mem>>) src(%dma_wait3A_385 : memref<80xi32, #tpu.memory_space<hbm>>) dst(%arg13 : memref<80xi32, #tpu.memory_space<vmem>>)
        %dma_start3A_386 = arith.constant 3 : i32
        %dma_start3A_387 = arith.constant 0 : i32
        %dma_start3A_388 = arith.constant 0 : i32
        %dma_start3A_389 = tpu.memref_slice %arg2[%dma_start3A_387, %dma_start3A_388] : memref<10240x128xf32, #tpu.memory_space<hbm>> -> memref<10240x128xf32, #tpu.memory_space<hbm>>
        %dma_start3A_390 = tpu.memref_slice %arg20[%dma_start3A_386] : memref<4x!tpu.dma_semaphore, #tpu.memory_space<semaphore_mem>> -> memref<1x!tpu.dma_semaphore, #tpu.memory_space<semaphore_mem>>
        %dma_start3A_391 = tpu.memref_squeeze %dma_start3A_390 : memref<1x!tpu.dma_semaphore, #tpu.memory_space<semaphore_mem>> -> memref<!tpu.dma_semaphore, #tpu.memory_space<semaphore_mem>>
        tpu.enqueue_indirect_dma source(%dma_start3A_389 : memref<10240x128xf32, #tpu.memory_space<hbm>>) target(%arg17 : memref<80x128xf32, #tpu.memory_space<vmem>>) offsets(%arg9 : memref<80xi32, #tpu.memory_space<vmem>>) semaphore(%dma_start3A_391 : memref<!tpu.dma_semaphore, #tpu.memory_space<semaphore_mem>>)
      } else {
      }
      %sub3A_251 = arith.constant 2 : i32
      %sub3A_252 = arith.subi %add3A_231, %sub3A_251 : i32
      %ge3A_253 = arith.constant 0 : i32
      %ge3A_254 = arith.cmpi sge, %sub3A_252, %ge3A_253 : i32
      %lt3A_255 = arith.constant 125 : i32
      %lt3A_256 = arith.cmpi slt, %sub3A_252, %lt3A_255 : i32
      %and3A_257 = arith.andi %ge3A_254, %lt3A_256 : i1
      %convert_element_type3A_258 = arith.extui %and3A_257 : i1 to i32
      %cond3A_259 = arith.constant 0 : i32
      %cond3A_260 = arith.cmpi ne, %convert_element_type3A_258, %cond3A_259 : i32
      scf.if %cond3A_260 {
        %dma_wait3A_372 = arith.constant 2 : i32
        %dma_wait3A_373 = arith.constant 0 : i32
        %dma_wait3A_374 = arith.constant 0 : i32
        %dma_wait3A_375 = tpu.memref_slice %arg2[%dma_wait3A_373, %dma_wait3A_374] : memref<10240x128xf32, #tpu.memory_space<hbm>> -> memref<10240x128xf32, #tpu.memory_space<hbm>>
        %dma_wait3A_376 = tpu.memref_slice %arg20[%dma_wait3A_372] : memref<4x!tpu.dma_semaphore, #tpu.memory_space<semaphore_mem>> -> memref<1x!tpu.dma_semaphore, #tpu.memory_space<semaphore_mem>>
        %dma_wait3A_377 = tpu.memref_squeeze %dma_wait3A_376 : memref<1x!tpu.dma_semaphore, #tpu.memory_space<semaphore_mem>> -> memref<!tpu.dma_semaphore, #tpu.memory_space<semaphore_mem>>
        tpu.wait_indirect_dma semaphore(%dma_wait3A_377 : memref<!tpu.dma_semaphore, #tpu.memory_space<semaphore_mem>>) src(%dma_wait3A_375 : memref<10240x128xf32, #tpu.memory_space<hbm>>) dst(%arg16 : memref<80x128xf32, #tpu.memory_space<vmem>>)
        %dma_start3A_378 = arith.constant 2 : i32
        %dma_start3A_379 = arith.constant 0 : i32
        %dma_start3A_380 = arith.constant 0 : i32
        %dma_start3A_381 = tpu.memref_slice %arg18[%dma_start3A_379, %dma_start3A_380] : memref<10240x128xf32, #tpu.memory_space<vmem_shared>> -> memref<10240x128xf32, #tpu.memory_space<vmem_shared>>
        %dma_start3A_382 = tpu.memref_slice %arg21[%dma_start3A_378] : memref<4x!tpu.dma_semaphore, #tpu.memory_space<semaphore_mem>> -> memref<1x!tpu.dma_semaphore, #tpu.memory_space<semaphore_mem>>
        %dma_start3A_383 = tpu.memref_squeeze %dma_start3A_382 : memref<1x!tpu.dma_semaphore, #tpu.memory_space<semaphore_mem>> -> memref<!tpu.dma_semaphore, #tpu.memory_space<semaphore_mem>>
        tpu.enqueue_indirect_dma source(%arg16 : memref<80x128xf32, #tpu.memory_space<vmem>>) target(%dma_start3A_381 : memref<10240x128xf32, #tpu.memory_space<vmem_shared>>) offsets(%arg12 : memref<80xi32, #tpu.memory_space<vmem>>) semaphore(%dma_start3A_383 : memref<!tpu.dma_semaphore, #tpu.memory_space<semaphore_mem>>) {add = true}
      } else {
      }
      %mul3A_261 = arith.constant 4 : i32
      %mul3A_262 = arith.muli %scan3A_227, %mul3A_261 : i32
      %add3A_263 = arith.constant 1 : i32
      %add3A_264 = arith.addi %mul3A_262, %add3A_263 : i32
      %ge3A_265 = arith.constant 4 : i32
      %ge3A_266 = arith.cmpi sge, %add3A_264, %ge3A_265 : i32
      %lt3A_267 = arith.constant 125 : i32
      %lt3A_268 = arith.cmpi slt, %add3A_264, %lt3A_267 : i32
      %and3A_269 = arith.andi %ge3A_266, %lt3A_268 : i1
      %convert_element_type3A_270 = arith.extui %and3A_269 : i1 to i32
      %cond3A_271 = arith.constant 0 : i32
      %cond3A_272 = arith.cmpi ne, %convert_element_type3A_270, %cond3A_271 : i32
      scf.if %cond3A_272 {
        %dma_wait3A_372 = arith.constant 1 : i32
        %dma_wait3A_373 = arith.constant 0 : i32
        %dma_wait3A_374 = arith.constant 0 : i32
        %dma_wait3A_375 = tpu.memref_slice %arg18[%dma_wait3A_373, %dma_wait3A_374] : memref<10240x128xf32, #tpu.memory_space<vmem_shared>> -> memref<10240x128xf32, #tpu.memory_space<vmem_shared>>
        %dma_wait3A_376 = tpu.memref_slice %arg21[%dma_wait3A_372] : memref<4x!tpu.dma_semaphore, #tpu.memory_space<semaphore_mem>> -> memref<1x!tpu.dma_semaphore, #tpu.memory_space<semaphore_mem>>
        %dma_wait3A_377 = tpu.memref_squeeze %dma_wait3A_376 : memref<1x!tpu.dma_semaphore, #tpu.memory_space<semaphore_mem>> -> memref<!tpu.dma_semaphore, #tpu.memory_space<semaphore_mem>>
        tpu.wait_indirect_dma semaphore(%dma_wait3A_377 : memref<!tpu.dma_semaphore, #tpu.memory_space<semaphore_mem>>) src(%arg15 : memref<80x128xf32, #tpu.memory_space<vmem>>) dst(%dma_wait3A_375 : memref<10240x128xf32, #tpu.memory_space<vmem_shared>>)
      } else {
      }
      %lt3A_273 = arith.constant 125 : i32
      %lt3A_274 = arith.cmpi slt, %add3A_264, %lt3A_273 : i32
      %convert_element_type3A_275 = arith.extui %lt3A_274 : i1 to i32
      %cond3A_276 = arith.constant 0 : i32
      %cond3A_277 = arith.cmpi ne, %convert_element_type3A_275, %cond3A_276 : i32
      scf.if %cond3A_277 {
        %mul3A_372 = arith.constant 10000 : i32
        %mul3A_373 = arith.muli %add3A, %mul3A_372 : i32
        %mul3A_374 = arith.constant 80 : i32
        %mul3A_375 = arith.muli %add3A_264, %mul3A_374 : i32
        %add3A_376 = arith.addi %mul3A_373, %mul3A_375 : i32
        %dma_start3A_377 = arith.constant 1 : i32
        %dma_start3A_378 = tpu.memref_slice %arg3[%add3A_376] : memref<320000xi32, #tpu.memory_space<hbm>> -> memref<80xi32, #tpu.memory_space<hbm>>
        %dma_start3A_379 = tpu.memref_slice %arg19[%dma_start3A_377] : memref<4x!tpu.dma_semaphore, #tpu.memory_space<semaphore_mem>> -> memref<1x!tpu.dma_semaphore, #tpu.memory_space<semaphore_mem>>
        %dma_start3A_380 = tpu.memref_squeeze %dma_start3A_379 : memref<1x!tpu.dma_semaphore, #tpu.memory_space<semaphore_mem>> -> memref<!tpu.dma_semaphore, #tpu.memory_space<semaphore_mem>>
        %dma_start3A_381 = tpu.memref_slice %arg3[%add3A_376] : memref<320000xi32, #tpu.memory_space<hbm>> -> memref<80xi32, #tpu.memory_space<hbm>>
        tpu.enqueue_dma source(%dma_start3A_381 : memref<80xi32, #tpu.memory_space<hbm>>) target(%arg7 : memref<80xi32, #tpu.memory_space<vmem>>) target_semaphore(%dma_start3A_380 : memref<!tpu.dma_semaphore, #tpu.memory_space<semaphore_mem>>)
        %dma_start3A_382 = arith.constant 1 : i32
        %dma_start3A_383 = tpu.memref_slice %arg4[%add3A_376] : memref<320000xi32, #tpu.memory_space<hbm>> -> memref<80xi32, #tpu.memory_space<hbm>>
        %dma_start3A_384 = tpu.memref_slice %arg19[%dma_start3A_382] : memref<4x!tpu.dma_semaphore, #tpu.memory_space<semaphore_mem>> -> memref<1x!tpu.dma_semaphore, #tpu.memory_space<semaphore_mem>>
        %dma_start3A_385 = tpu.memref_squeeze %dma_start3A_384 : memref<1x!tpu.dma_semaphore, #tpu.memory_space<semaphore_mem>> -> memref<!tpu.dma_semaphore, #tpu.memory_space<semaphore_mem>>
        %dma_start3A_386 = tpu.memref_slice %arg4[%add3A_376] : memref<320000xi32, #tpu.memory_space<hbm>> -> memref<80xi32, #tpu.memory_space<hbm>>
        tpu.enqueue_dma source(%dma_start3A_386 : memref<80xi32, #tpu.memory_space<hbm>>) target(%arg11 : memref<80xi32, #tpu.memory_space<vmem>>) target_semaphore(%dma_start3A_385 : memref<!tpu.dma_semaphore, #tpu.memory_space<semaphore_mem>>)
      } else {
      }
      %sub3A_278 = arith.constant 1 : i32
      %sub3A_279 = arith.subi %add3A_264, %sub3A_278 : i32
      %ge3A_280 = arith.constant 0 : i32
      %ge3A_281 = arith.cmpi sge, %sub3A_279, %ge3A_280 : i32
      %lt3A_282 = arith.constant 125 : i32
      %lt3A_283 = arith.cmpi slt, %sub3A_279, %lt3A_282 : i32
      %and3A_284 = arith.andi %ge3A_281, %lt3A_283 : i1
      %convert_element_type3A_285 = arith.extui %and3A_284 : i1 to i32
      %cond3A_286 = arith.constant 0 : i32
      %cond3A_287 = arith.cmpi ne, %convert_element_type3A_285, %cond3A_286 : i32
      scf.if %cond3A_287 {
        %dma_wait3A_372 = arith.constant 0 : i32
        %dma_wait3A_373 = arith.constant 0 : i32
        %dma_wait3A_374 = tpu.memref_slice %arg3[%dma_wait3A_373] : memref<320000xi32, #tpu.memory_space<hbm>> -> memref<80xi32, #tpu.memory_space<hbm>>
        %dma_wait3A_375 = tpu.memref_slice %arg19[%dma_wait3A_372] : memref<4x!tpu.dma_semaphore, #tpu.memory_space<semaphore_mem>> -> memref<1x!tpu.dma_semaphore, #tpu.memory_space<semaphore_mem>>
        %dma_wait3A_376 = tpu.memref_squeeze %dma_wait3A_375 : memref<1x!tpu.dma_semaphore, #tpu.memory_space<semaphore_mem>> -> memref<!tpu.dma_semaphore, #tpu.memory_space<semaphore_mem>>
        %dma_wait3A_377 = arith.constant 0 : i32
        %dma_wait3A_378 = tpu.memref_slice %arg3[%dma_wait3A_377] : memref<320000xi32, #tpu.memory_space<hbm>> -> memref<80xi32, #tpu.memory_space<hbm>>
        tpu.wait_dma2 semaphore(%dma_wait3A_376 : memref<!tpu.dma_semaphore, #tpu.memory_space<semaphore_mem>>) src(%dma_wait3A_378 : memref<80xi32, #tpu.memory_space<hbm>>) dst(%arg6 : memref<80xi32, #tpu.memory_space<vmem>>)
        %dma_wait3A_379 = arith.constant 0 : i32
        %dma_wait3A_380 = arith.constant 0 : i32
        %dma_wait3A_381 = tpu.memref_slice %arg4[%dma_wait3A_380] : memref<320000xi32, #tpu.memory_space<hbm>> -> memref<80xi32, #tpu.memory_space<hbm>>
        %dma_wait3A_382 = tpu.memref_slice %arg19[%dma_wait3A_379] : memref<4x!tpu.dma_semaphore, #tpu.memory_space<semaphore_mem>> -> memref<1x!tpu.dma_semaphore, #tpu.memory_space<semaphore_mem>>
        %dma_wait3A_383 = tpu.memref_squeeze %dma_wait3A_382 : memref<1x!tpu.dma_semaphore, #tpu.memory_space<semaphore_mem>> -> memref<!tpu.dma_semaphore, #tpu.memory_space<semaphore_mem>>
        %dma_wait3A_384 = arith.constant 0 : i32
        %dma_wait3A_385 = tpu.memref_slice %arg4[%dma_wait3A_384] : memref<320000xi32, #tpu.memory_space<hbm>> -> memref<80xi32, #tpu.memory_space<hbm>>
        tpu.wait_dma2 semaphore(%dma_wait3A_383 : memref<!tpu.dma_semaphore, #tpu.memory_space<semaphore_mem>>) src(%dma_wait3A_385 : memref<80xi32, #tpu.memory_space<hbm>>) dst(%arg10 : memref<80xi32, #tpu.memory_space<vmem>>)
        %dma_start3A_386 = arith.constant 0 : i32
        %dma_start3A_387 = arith.constant 0 : i32
        %dma_start3A_388 = arith.constant 0 : i32
        %dma_start3A_389 = tpu.memref_slice %arg2[%dma_start3A_387, %dma_start3A_388] : memref<10240x128xf32, #tpu.memory_space<hbm>> -> memref<10240x128xf32, #tpu.memory_space<hbm>>
        %dma_start3A_390 = tpu.memref_slice %arg20[%dma_start3A_386] : memref<4x!tpu.dma_semaphore, #tpu.memory_space<semaphore_mem>> -> memref<1x!tpu.dma_semaphore, #tpu.memory_space<semaphore_mem>>
        %dma_start3A_391 = tpu.memref_squeeze %dma_start3A_390 : memref<1x!tpu.dma_semaphore, #tpu.memory_space<semaphore_mem>> -> memref<!tpu.dma_semaphore, #tpu.memory_space<semaphore_mem>>
        tpu.enqueue_indirect_dma source(%dma_start3A_389 : memref<10240x128xf32, #tpu.memory_space<hbm>>) target(%arg14 : memref<80x128xf32, #tpu.memory_space<vmem>>) offsets(%arg6 : memref<80xi32, #tpu.memory_space<vmem>>) semaphore(%dma_start3A_391 : memref<!tpu.dma_semaphore, #tpu.memory_space<semaphore_mem>>)
      } else {
      }
      %sub3A_288 = arith.constant 2 : i32
      %sub3A_289 = arith.subi %add3A_264, %sub3A_288 : i32
      %ge3A_290 = arith.constant 0 : i32
      %ge3A_291 = arith.cmpi sge, %sub3A_289, %ge3A_290 : i32
      %lt3A_292 = arith.constant 125 : i32
      %lt3A_293 = arith.cmpi slt, %sub3A_289, %lt3A_292 : i32
      %and3A_294 = arith.andi %ge3A_291, %lt3A_293 : i1
      %convert_element_type3A_295 = arith.extui %and3A_294 : i1 to i32
      %cond3A_296 = arith.constant 0 : i32
      %cond3A_297 = arith.cmpi ne, %convert_element_type3A_295, %cond3A_296 : i32
      scf.if %cond3A_297 {
        %dma_wait3A_372 = arith.constant 3 : i32
        %dma_wait3A_373 = arith.constant 0 : i32
        %dma_wait3A_374 = arith.constant 0 : i32
        %dma_wait3A_375 = tpu.memref_slice %arg2[%dma_wait3A_373, %dma_wait3A_374] : memref<10240x128xf32, #tpu.memory_space<hbm>> -> memref<10240x128xf32, #tpu.memory_space<hbm>>
        %dma_wait3A_376 = tpu.memref_slice %arg20[%dma_wait3A_372] : memref<4x!tpu.dma_semaphore, #tpu.memory_space<semaphore_mem>> -> memref<1x!tpu.dma_semaphore, #tpu.memory_space<semaphore_mem>>
        %dma_wait3A_377 = tpu.memref_squeeze %dma_wait3A_376 : memref<1x!tpu.dma_semaphore, #tpu.memory_space<semaphore_mem>> -> memref<!tpu.dma_semaphore, #tpu.memory_space<semaphore_mem>>
        tpu.wait_indirect_dma semaphore(%dma_wait3A_377 : memref<!tpu.dma_semaphore, #tpu.memory_space<semaphore_mem>>) src(%dma_wait3A_375 : memref<10240x128xf32, #tpu.memory_space<hbm>>) dst(%arg17 : memref<80x128xf32, #tpu.memory_space<vmem>>)
        %dma_start3A_378 = arith.constant 3 : i32
        %dma_start3A_379 = arith.constant 0 : i32
        %dma_start3A_380 = arith.constant 0 : i32
        %dma_start3A_381 = tpu.memref_slice %arg18[%dma_start3A_379, %dma_start3A_380] : memref<10240x128xf32, #tpu.memory_space<vmem_shared>> -> memref<10240x128xf32, #tpu.memory_space<vmem_shared>>
        %dma_start3A_382 = tpu.memref_slice %arg21[%dma_start3A_378] : memref<4x!tpu.dma_semaphore, #tpu.memory_space<semaphore_mem>> -> memref<1x!tpu.dma_semaphore, #tpu.memory_space<semaphore_mem>>
        %dma_start3A_383 = tpu.memref_squeeze %dma_start3A_382 : memref<1x!tpu.dma_semaphore, #tpu.memory_space<semaphore_mem>> -> memref<!tpu.dma_semaphore, #tpu.memory_space<semaphore_mem>>
        tpu.enqueue_indirect_dma source(%arg17 : memref<80x128xf32, #tpu.memory_space<vmem>>) target(%dma_start3A_381 : memref<10240x128xf32, #tpu.memory_space<vmem_shared>>) offsets(%arg13 : memref<80xi32, #tpu.memory_space<vmem>>) semaphore(%dma_start3A_383 : memref<!tpu.dma_semaphore, #tpu.memory_space<semaphore_mem>>) {add = true}
      } else {
      }
      %mul3A_298 = arith.constant 4 : i32
      %mul3A_299 = arith.muli %scan3A_227, %mul3A_298 : i32
      %add3A_300 = arith.constant 2 : i32
      %add3A_301 = arith.addi %mul3A_299, %add3A_300 : i32
      %ge3A_302 = arith.constant 4 : i32
      %ge3A_303 = arith.cmpi sge, %add3A_301, %ge3A_302 : i32
      %lt3A_304 = arith.constant 125 : i32
      %lt3A_305 = arith.cmpi slt, %add3A_301, %lt3A_304 : i32
      %and3A_306 = arith.andi %ge3A_303, %lt3A_305 : i1
      %convert_element_type3A_307 = arith.extui %and3A_306 : i1 to i32
      %cond3A_308 = arith.constant 0 : i32
      %cond3A_309 = arith.cmpi ne, %convert_element_type3A_307, %cond3A_308 : i32
      scf.if %cond3A_309 {
        %dma_wait3A_372 = arith.constant 2 : i32
        %dma_wait3A_373 = arith.constant 0 : i32
        %dma_wait3A_374 = arith.constant 0 : i32
        %dma_wait3A_375 = tpu.memref_slice %arg18[%dma_wait3A_373, %dma_wait3A_374] : memref<10240x128xf32, #tpu.memory_space<vmem_shared>> -> memref<10240x128xf32, #tpu.memory_space<vmem_shared>>
        %dma_wait3A_376 = tpu.memref_slice %arg21[%dma_wait3A_372] : memref<4x!tpu.dma_semaphore, #tpu.memory_space<semaphore_mem>> -> memref<1x!tpu.dma_semaphore, #tpu.memory_space<semaphore_mem>>
        %dma_wait3A_377 = tpu.memref_squeeze %dma_wait3A_376 : memref<1x!tpu.dma_semaphore, #tpu.memory_space<semaphore_mem>> -> memref<!tpu.dma_semaphore, #tpu.memory_space<semaphore_mem>>
        tpu.wait_indirect_dma semaphore(%dma_wait3A_377 : memref<!tpu.dma_semaphore, #tpu.memory_space<semaphore_mem>>) src(%arg16 : memref<80x128xf32, #tpu.memory_space<vmem>>) dst(%dma_wait3A_375 : memref<10240x128xf32, #tpu.memory_space<vmem_shared>>)
      } else {
      }
      %lt3A_310 = arith.constant 125 : i32
      %lt3A_311 = arith.cmpi slt, %add3A_301, %lt3A_310 : i32
      %convert_element_type3A_312 = arith.extui %lt3A_311 : i1 to i32
      %cond3A_313 = arith.constant 0 : i32
      %cond3A_314 = arith.cmpi ne, %convert_element_type3A_312, %cond3A_313 : i32
      scf.if %cond3A_314 {
        %mul3A_372 = arith.constant 10000 : i32
        %mul3A_373 = arith.muli %add3A, %mul3A_372 : i32
        %mul3A_374 = arith.constant 80 : i32
        %mul3A_375 = arith.muli %add3A_301, %mul3A_374 : i32
        %add3A_376 = arith.addi %mul3A_373, %mul3A_375 : i32
        %dma_start3A_377 = arith.constant 2 : i32
        %dma_start3A_378 = tpu.memref_slice %arg3[%add3A_376] : memref<320000xi32, #tpu.memory_space<hbm>> -> memref<80xi32, #tpu.memory_space<hbm>>
        %dma_start3A_379 = tpu.memref_slice %arg19[%dma_start3A_377] : memref<4x!tpu.dma_semaphore, #tpu.memory_space<semaphore_mem>> -> memref<1x!tpu.dma_semaphore, #tpu.memory_space<semaphore_mem>>
        %dma_start3A_380 = tpu.memref_squeeze %dma_start3A_379 : memref<1x!tpu.dma_semaphore, #tpu.memory_space<semaphore_mem>> -> memref<!tpu.dma_semaphore, #tpu.memory_space<semaphore_mem>>
        %dma_start3A_381 = tpu.memref_slice %arg3[%add3A_376] : memref<320000xi32, #tpu.memory_space<hbm>> -> memref<80xi32, #tpu.memory_space<hbm>>
        tpu.enqueue_dma source(%dma_start3A_381 : memref<80xi32, #tpu.memory_space<hbm>>) target(%arg8 : memref<80xi32, #tpu.memory_space<vmem>>) target_semaphore(%dma_start3A_380 : memref<!tpu.dma_semaphore, #tpu.memory_space<semaphore_mem>>)
        %dma_start3A_382 = arith.constant 2 : i32
        %dma_start3A_383 = tpu.memref_slice %arg4[%add3A_376] : memref<320000xi32, #tpu.memory_space<hbm>> -> memref<80xi32, #tpu.memory_space<hbm>>
        %dma_start3A_384 = tpu.memref_slice %arg19[%dma_start3A_382] : memref<4x!tpu.dma_semaphore, #tpu.memory_space<semaphore_mem>> -> memref<1x!tpu.dma_semaphore, #tpu.memory_space<semaphore_mem>>
        %dma_start3A_385 = tpu.memref_squeeze %dma_start3A_384 : memref<1x!tpu.dma_semaphore, #tpu.memory_space<semaphore_mem>> -> memref<!tpu.dma_semaphore, #tpu.memory_space<semaphore_mem>>
        %dma_start3A_386 = tpu.memref_slice %arg4[%add3A_376] : memref<320000xi32, #tpu.memory_space<hbm>> -> memref<80xi32, #tpu.memory_space<hbm>>
        tpu.enqueue_dma source(%dma_start3A_386 : memref<80xi32, #tpu.memory_space<hbm>>) target(%arg12 : memref<80xi32, #tpu.memory_space<vmem>>) target_semaphore(%dma_start3A_385 : memref<!tpu.dma_semaphore, #tpu.memory_space<semaphore_mem>>)
      } else {
      }
      %sub3A_315 = arith.constant 1 : i32
      %sub3A_316 = arith.subi %add3A_301, %sub3A_315 : i32
      %ge3A_317 = arith.constant 0 : i32
      %ge3A_318 = arith.cmpi sge, %sub3A_316, %ge3A_317 : i32
      %lt3A_319 = arith.constant 125 : i32
      %lt3A_320 = arith.cmpi slt, %sub3A_316, %lt3A_319 : i32
      %and3A_321 = arith.andi %ge3A_318, %lt3A_320 : i1
      %convert_element_type3A_322 = arith.extui %and3A_321 : i1 to i32
      %cond3A_323 = arith.constant 0 : i32
      %cond3A_324 = arith.cmpi ne, %convert_element_type3A_322, %cond3A_323 : i32
      scf.if %cond3A_324 {
        %dma_wait3A_372 = arith.constant 1 : i32
        %dma_wait3A_373 = arith.constant 0 : i32
        %dma_wait3A_374 = tpu.memref_slice %arg3[%dma_wait3A_373] : memref<320000xi32, #tpu.memory_space<hbm>> -> memref<80xi32, #tpu.memory_space<hbm>>
        %dma_wait3A_375 = tpu.memref_slice %arg19[%dma_wait3A_372] : memref<4x!tpu.dma_semaphore, #tpu.memory_space<semaphore_mem>> -> memref<1x!tpu.dma_semaphore, #tpu.memory_space<semaphore_mem>>
        %dma_wait3A_376 = tpu.memref_squeeze %dma_wait3A_375 : memref<1x!tpu.dma_semaphore, #tpu.memory_space<semaphore_mem>> -> memref<!tpu.dma_semaphore, #tpu.memory_space<semaphore_mem>>
        %dma_wait3A_377 = arith.constant 0 : i32
        %dma_wait3A_378 = tpu.memref_slice %arg3[%dma_wait3A_377] : memref<320000xi32, #tpu.memory_space<hbm>> -> memref<80xi32, #tpu.memory_space<hbm>>
        tpu.wait_dma2 semaphore(%dma_wait3A_376 : memref<!tpu.dma_semaphore, #tpu.memory_space<semaphore_mem>>) src(%dma_wait3A_378 : memref<80xi32, #tpu.memory_space<hbm>>) dst(%arg7 : memref<80xi32, #tpu.memory_space<vmem>>)
        %dma_wait3A_379 = arith.constant 1 : i32
        %dma_wait3A_380 = arith.constant 0 : i32
        %dma_wait3A_381 = tpu.memref_slice %arg4[%dma_wait3A_380] : memref<320000xi32, #tpu.memory_space<hbm>> -> memref<80xi32, #tpu.memory_space<hbm>>
        %dma_wait3A_382 = tpu.memref_slice %arg19[%dma_wait3A_379] : memref<4x!tpu.dma_semaphore, #tpu.memory_space<semaphore_mem>> -> memref<1x!tpu.dma_semaphore, #tpu.memory_space<semaphore_mem>>
        %dma_wait3A_383 = tpu.memref_squeeze %dma_wait3A_382 : memref<1x!tpu.dma_semaphore, #tpu.memory_space<semaphore_mem>> -> memref<!tpu.dma_semaphore, #tpu.memory_space<semaphore_mem>>
        %dma_wait3A_384 = arith.constant 0 : i32
        %dma_wait3A_385 = tpu.memref_slice %arg4[%dma_wait3A_384] : memref<320000xi32, #tpu.memory_space<hbm>> -> memref<80xi32, #tpu.memory_space<hbm>>
        tpu.wait_dma2 semaphore(%dma_wait3A_383 : memref<!tpu.dma_semaphore, #tpu.memory_space<semaphore_mem>>) src(%dma_wait3A_385 : memref<80xi32, #tpu.memory_space<hbm>>) dst(%arg11 : memref<80xi32, #tpu.memory_space<vmem>>)
        %dma_start3A_386 = arith.constant 1 : i32
        %dma_start3A_387 = arith.constant 0 : i32
        %dma_start3A_388 = arith.constant 0 : i32
        %dma_start3A_389 = tpu.memref_slice %arg2[%dma_start3A_387, %dma_start3A_388] : memref<10240x128xf32, #tpu.memory_space<hbm>> -> memref<10240x128xf32, #tpu.memory_space<hbm>>
        %dma_start3A_390 = tpu.memref_slice %arg20[%dma_start3A_386] : memref<4x!tpu.dma_semaphore, #tpu.memory_space<semaphore_mem>> -> memref<1x!tpu.dma_semaphore, #tpu.memory_space<semaphore_mem>>
        %dma_start3A_391 = tpu.memref_squeeze %dma_start3A_390 : memref<1x!tpu.dma_semaphore, #tpu.memory_space<semaphore_mem>> -> memref<!tpu.dma_semaphore, #tpu.memory_space<semaphore_mem>>
        tpu.enqueue_indirect_dma source(%dma_start3A_389 : memref<10240x128xf32, #tpu.memory_space<hbm>>) target(%arg15 : memref<80x128xf32, #tpu.memory_space<vmem>>) offsets(%arg7 : memref<80xi32, #tpu.memory_space<vmem>>) semaphore(%dma_start3A_391 : memref<!tpu.dma_semaphore, #tpu.memory_space<semaphore_mem>>)
      } else {
      }
      %sub3A_325 = arith.constant 2 : i32
      %sub3A_326 = arith.subi %add3A_301, %sub3A_325 : i32
      %ge3A_327 = arith.constant 0 : i32
      %ge3A_328 = arith.cmpi sge, %sub3A_326, %ge3A_327 : i32
      %lt3A_329 = arith.constant 125 : i32
      %lt3A_330 = arith.cmpi slt, %sub3A_326, %lt3A_329 : i32
      %and3A_331 = arith.andi %ge3A_328, %lt3A_330 : i1
      %convert_element_type3A_332 = arith.extui %and3A_331 : i1 to i32
      %cond3A_333 = arith.constant 0 : i32
      %cond3A_334 = arith.cmpi ne, %convert_element_type3A_332, %cond3A_333 : i32
      scf.if %cond3A_334 {
        %dma_wait3A_372 = arith.constant 0 : i32
        %dma_wait3A_373 = arith.constant 0 : i32
        %dma_wait3A_374 = arith.constant 0 : i32
        %dma_wait3A_375 = tpu.memref_slice %arg2[%dma_wait3A_373, %dma_wait3A_374] : memref<10240x128xf32, #tpu.memory_space<hbm>> -> memref<10240x128xf32, #tpu.memory_space<hbm>>
        %dma_wait3A_376 = tpu.memref_slice %arg20[%dma_wait3A_372] : memref<4x!tpu.dma_semaphore, #tpu.memory_space<semaphore_mem>> -> memref<1x!tpu.dma_semaphore, #tpu.memory_space<semaphore_mem>>
        %dma_wait3A_377 = tpu.memref_squeeze %dma_wait3A_376 : memref<1x!tpu.dma_semaphore, #tpu.memory_space<semaphore_mem>> -> memref<!tpu.dma_semaphore, #tpu.memory_space<semaphore_mem>>
        tpu.wait_indirect_dma semaphore(%dma_wait3A_377 : memref<!tpu.dma_semaphore, #tpu.memory_space<semaphore_mem>>) src(%dma_wait3A_375 : memref<10240x128xf32, #tpu.memory_space<hbm>>) dst(%arg14 : memref<80x128xf32, #tpu.memory_space<vmem>>)
        %dma_start3A_378 = arith.constant 0 : i32
        %dma_start3A_379 = arith.constant 0 : i32
        %dma_start3A_380 = arith.constant 0 : i32
        %dma_start3A_381 = tpu.memref_slice %arg18[%dma_start3A_379, %dma_start3A_380] : memref<10240x128xf32, #tpu.memory_space<vmem_shared>> -> memref<10240x128xf32, #tpu.memory_space<vmem_shared>>
        %dma_start3A_382 = tpu.memref_slice %arg21[%dma_start3A_378] : memref<4x!tpu.dma_semaphore, #tpu.memory_space<semaphore_mem>> -> memref<1x!tpu.dma_semaphore, #tpu.memory_space<semaphore_mem>>
        %dma_start3A_383 = tpu.memref_squeeze %dma_start3A_382 : memref<1x!tpu.dma_semaphore, #tpu.memory_space<semaphore_mem>> -> memref<!tpu.dma_semaphore, #tpu.memory_space<semaphore_mem>>
        tpu.enqueue_indirect_dma source(%arg14 : memref<80x128xf32, #tpu.memory_space<vmem>>) target(%dma_start3A_381 : memref<10240x128xf32, #tpu.memory_space<vmem_shared>>) offsets(%arg10 : memref<80xi32, #tpu.memory_space<vmem>>) semaphore(%dma_start3A_383 : memref<!tpu.dma_semaphore, #tpu.memory_space<semaphore_mem>>) {add = true}
      } else {
      }
      %mul3A_335 = arith.constant 4 : i32
      %mul3A_336 = arith.muli %scan3A_227, %mul3A_335 : i32
      %add3A_337 = arith.constant 3 : i32
      %add3A_338 = arith.addi %mul3A_336, %add3A_337 : i32
      %ge3A_339 = arith.constant 4 : i32
      %ge3A_340 = arith.cmpi sge, %add3A_338, %ge3A_339 : i32
      %lt3A_341 = arith.constant 125 : i32
      %lt3A_342 = arith.cmpi slt, %add3A_338, %lt3A_341 : i32
      %and3A_343 = arith.andi %ge3A_340, %lt3A_342 : i1
      %convert_element_type3A_344 = arith.extui %and3A_343 : i1 to i32
      %cond3A_345 = arith.constant 0 : i32
      %cond3A_346 = arith.cmpi ne, %convert_element_type3A_344, %cond3A_345 : i32
      scf.if %cond3A_346 {
        %dma_wait3A_372 = arith.constant 3 : i32
        %dma_wait3A_373 = arith.constant 0 : i32
        %dma_wait3A_374 = arith.constant 0 : i32
        %dma_wait3A_375 = tpu.memref_slice %arg18[%dma_wait3A_373, %dma_wait3A_374] : memref<10240x128xf32, #tpu.memory_space<vmem_shared>> -> memref<10240x128xf32, #tpu.memory_space<vmem_shared>>
        %dma_wait3A_376 = tpu.memref_slice %arg21[%dma_wait3A_372] : memref<4x!tpu.dma_semaphore, #tpu.memory_space<semaphore_mem>> -> memref<1x!tpu.dma_semaphore, #tpu.memory_space<semaphore_mem>>
        %dma_wait3A_377 = tpu.memref_squeeze %dma_wait3A_376 : memref<1x!tpu.dma_semaphore, #tpu.memory_space<semaphore_mem>> -> memref<!tpu.dma_semaphore, #tpu.memory_space<semaphore_mem>>
        tpu.wait_indirect_dma semaphore(%dma_wait3A_377 : memref<!tpu.dma_semaphore, #tpu.memory_space<semaphore_mem>>) src(%arg17 : memref<80x128xf32, #tpu.memory_space<vmem>>) dst(%dma_wait3A_375 : memref<10240x128xf32, #tpu.memory_space<vmem_shared>>)
      } else {
      }
      %lt3A_347 = arith.constant 125 : i32
      %lt3A_348 = arith.cmpi slt, %add3A_338, %lt3A_347 : i32
      %convert_element_type3A_349 = arith.extui %lt3A_348 : i1 to i32
      %cond3A_350 = arith.constant 0 : i32
      %cond3A_351 = arith.cmpi ne, %convert_element_type3A_349, %cond3A_350 : i32
      scf.if %cond3A_351 {
        %mul3A_372 = arith.constant 10000 : i32
        %mul3A_373 = arith.muli %add3A, %mul3A_372 : i32
        %mul3A_374 = arith.constant 80 : i32
        %mul3A_375 = arith.muli %add3A_338, %mul3A_374 : i32
        %add3A_376 = arith.addi %mul3A_373, %mul3A_375 : i32
        %dma_start3A_377 = arith.constant 3 : i32
        %dma_start3A_378 = tpu.memref_slice %arg3[%add3A_376] : memref<320000xi32, #tpu.memory_space<hbm>> -> memref<80xi32, #tpu.memory_space<hbm>>
        %dma_start3A_379 = tpu.memref_slice %arg19[%dma_start3A_377] : memref<4x!tpu.dma_semaphore, #tpu.memory_space<semaphore_mem>> -> memref<1x!tpu.dma_semaphore, #tpu.memory_space<semaphore_mem>>
        %dma_start3A_380 = tpu.memref_squeeze %dma_start3A_379 : memref<1x!tpu.dma_semaphore, #tpu.memory_space<semaphore_mem>> -> memref<!tpu.dma_semaphore, #tpu.memory_space<semaphore_mem>>
        %dma_start3A_381 = tpu.memref_slice %arg3[%add3A_376] : memref<320000xi32, #tpu.memory_space<hbm>> -> memref<80xi32, #tpu.memory_space<hbm>>
        tpu.enqueue_dma source(%dma_start3A_381 : memref<80xi32, #tpu.memory_space<hbm>>) target(%arg9 : memref<80xi32, #tpu.memory_space<vmem>>) target_semaphore(%dma_start3A_380 : memref<!tpu.dma_semaphore, #tpu.memory_space<semaphore_mem>>)
        %dma_start3A_382 = arith.constant 3 : i32
        %dma_start3A_383 = tpu.memref_slice %arg4[%add3A_376] : memref<320000xi32, #tpu.memory_space<hbm>> -> memref<80xi32, #tpu.memory_space<hbm>>
        %dma_start3A_384 = tpu.memref_slice %arg19[%dma_start3A_382] : memref<4x!tpu.dma_semaphore, #tpu.memory_space<semaphore_mem>> -> memref<1x!tpu.dma_semaphore, #tpu.memory_space<semaphore_mem>>
        %dma_start3A_385 = tpu.memref_squeeze %dma_start3A_384 : memref<1x!tpu.dma_semaphore, #tpu.memory_space<semaphore_mem>> -> memref<!tpu.dma_semaphore, #tpu.memory_space<semaphore_mem>>
        %dma_start3A_386 = tpu.memref_slice %arg4[%add3A_376] : memref<320000xi32, #tpu.memory_space<hbm>> -> memref<80xi32, #tpu.memory_space<hbm>>
        tpu.enqueue_dma source(%dma_start3A_386 : memref<80xi32, #tpu.memory_space<hbm>>) target(%arg13 : memref<80xi32, #tpu.memory_space<vmem>>) target_semaphore(%dma_start3A_385 : memref<!tpu.dma_semaphore, #tpu.memory_space<semaphore_mem>>)
      } else {
      }
      %sub3A_352 = arith.constant 1 : i32
      %sub3A_353 = arith.subi %add3A_338, %sub3A_352 : i32
      %ge3A_354 = arith.constant 0 : i32
      %ge3A_355 = arith.cmpi sge, %sub3A_353, %ge3A_354 : i32
      %lt3A_356 = arith.constant 125 : i32
      %lt3A_357 = arith.cmpi slt, %sub3A_353, %lt3A_356 : i32
      %and3A_358 = arith.andi %ge3A_355, %lt3A_357 : i1
      %convert_element_type3A_359 = arith.extui %and3A_358 : i1 to i32
      %cond3A_360 = arith.constant 0 : i32
      %cond3A_361 = arith.cmpi ne, %convert_element_type3A_359, %cond3A_360 : i32
      scf.if %cond3A_361 {
        %dma_wait3A_372 = arith.constant 2 : i32
        %dma_wait3A_373 = arith.constant 0 : i32
        %dma_wait3A_374 = tpu.memref_slice %arg3[%dma_wait3A_373] : memref<320000xi32, #tpu.memory_space<hbm>> -> memref<80xi32, #tpu.memory_space<hbm>>
        %dma_wait3A_375 = tpu.memref_slice %arg19[%dma_wait3A_372] : memref<4x!tpu.dma_semaphore, #tpu.memory_space<semaphore_mem>> -> memref<1x!tpu.dma_semaphore, #tpu.memory_space<semaphore_mem>>
        %dma_wait3A_376 = tpu.memref_squeeze %dma_wait3A_375 : memref<1x!tpu.dma_semaphore, #tpu.memory_space<semaphore_mem>> -> memref<!tpu.dma_semaphore, #tpu.memory_space<semaphore_mem>>
        %dma_wait3A_377 = arith.constant 0 : i32
        %dma_wait3A_378 = tpu.memref_slice %arg3[%dma_wait3A_377] : memref<320000xi32, #tpu.memory_space<hbm>> -> memref<80xi32, #tpu.memory_space<hbm>>
        tpu.wait_dma2 semaphore(%dma_wait3A_376 : memref<!tpu.dma_semaphore, #tpu.memory_space<semaphore_mem>>) src(%dma_wait3A_378 : memref<80xi32, #tpu.memory_space<hbm>>) dst(%arg8 : memref<80xi32, #tpu.memory_space<vmem>>)
        %dma_wait3A_379 = arith.constant 2 : i32
        %dma_wait3A_380 = arith.constant 0 : i32
        %dma_wait3A_381 = tpu.memref_slice %arg4[%dma_wait3A_380] : memref<320000xi32, #tpu.memory_space<hbm>> -> memref<80xi32, #tpu.memory_space<hbm>>
        %dma_wait3A_382 = tpu.memref_slice %arg19[%dma_wait3A_379] : memref<4x!tpu.dma_semaphore, #tpu.memory_space<semaphore_mem>> -> memref<1x!tpu.dma_semaphore, #tpu.memory_space<semaphore_mem>>
        %dma_wait3A_383 = tpu.memref_squeeze %dma_wait3A_382 : memref<1x!tpu.dma_semaphore, #tpu.memory_space<semaphore_mem>> -> memref<!tpu.dma_semaphore, #tpu.memory_space<semaphore_mem>>
        %dma_wait3A_384 = arith.constant 0 : i32
        %dma_wait3A_385 = tpu.memref_slice %arg4[%dma_wait3A_384] : memref<320000xi32, #tpu.memory_space<hbm>> -> memref<80xi32, #tpu.memory_space<hbm>>
        tpu.wait_dma2 semaphore(%dma_wait3A_383 : memref<!tpu.dma_semaphore, #tpu.memory_space<semaphore_mem>>) src(%dma_wait3A_385 : memref<80xi32, #tpu.memory_space<hbm>>) dst(%arg12 : memref<80xi32, #tpu.memory_space<vmem>>)
        %dma_start3A_386 = arith.constant 2 : i32
        %dma_start3A_387 = arith.constant 0 : i32
        %dma_start3A_388 = arith.constant 0 : i32
        %dma_start3A_389 = tpu.memref_slice %arg2[%dma_start3A_387, %dma_start3A_388] : memref<10240x128xf32, #tpu.memory_space<hbm>> -> memref<10240x128xf32, #tpu.memory_space<hbm>>
        %dma_start3A_390 = tpu.memref_slice %arg20[%dma_start3A_386] : memref<4x!tpu.dma_semaphore, #tpu.memory_space<semaphore_mem>> -> memref<1x!tpu.dma_semaphore, #tpu.memory_space<semaphore_mem>>
        %dma_start3A_391 = tpu.memref_squeeze %dma_start3A_390 : memref<1x!tpu.dma_semaphore, #tpu.memory_space<semaphore_mem>> -> memref<!tpu.dma_semaphore, #tpu.memory_space<semaphore_mem>>
        tpu.enqueue_indirect_dma source(%dma_start3A_389 : memref<10240x128xf32, #tpu.memory_space<hbm>>) target(%arg16 : memref<80x128xf32, #tpu.memory_space<vmem>>) offsets(%arg8 : memref<80xi32, #tpu.memory_space<vmem>>) semaphore(%dma_start3A_391 : memref<!tpu.dma_semaphore, #tpu.memory_space<semaphore_mem>>)
      } else {
      }
      %sub3A_362 = arith.constant 2 : i32
      %sub3A_363 = arith.subi %add3A_338, %sub3A_362 : i32
      %ge3A_364 = arith.constant 0 : i32
      %ge3A_365 = arith.cmpi sge, %sub3A_363, %ge3A_364 : i32
      %lt3A_366 = arith.constant 125 : i32
      %lt3A_367 = arith.cmpi slt, %sub3A_363, %lt3A_366 : i32
      %and3A_368 = arith.andi %ge3A_365, %lt3A_367 : i1
      %convert_element_type3A_369 = arith.extui %and3A_368 : i1 to i32
      %cond3A_370 = arith.constant 0 : i32
      %cond3A_371 = arith.cmpi ne, %convert_element_type3A_369, %cond3A_370 : i32
      scf.if %cond3A_371 {
        %dma_wait3A_372 = arith.constant 1 : i32
        %dma_wait3A_373 = arith.constant 0 : i32
        %dma_wait3A_374 = arith.constant 0 : i32
        %dma_wait3A_375 = tpu.memref_slice %arg2[%dma_wait3A_373, %dma_wait3A_374] : memref<10240x128xf32, #tpu.memory_space<hbm>> -> memref<10240x128xf32, #tpu.memory_space<hbm>>
        %dma_wait3A_376 = tpu.memref_slice %arg20[%dma_wait3A_372] : memref<4x!tpu.dma_semaphore, #tpu.memory_space<semaphore_mem>> -> memref<1x!tpu.dma_semaphore, #tpu.memory_space<semaphore_mem>>
        %dma_wait3A_377 = tpu.memref_squeeze %dma_wait3A_376 : memref<1x!tpu.dma_semaphore, #tpu.memory_space<semaphore_mem>> -> memref<!tpu.dma_semaphore, #tpu.memory_space<semaphore_mem>>
        tpu.wait_indirect_dma semaphore(%dma_wait3A_377 : memref<!tpu.dma_semaphore, #tpu.memory_space<semaphore_mem>>) src(%dma_wait3A_375 : memref<10240x128xf32, #tpu.memory_space<hbm>>) dst(%arg15 : memref<80x128xf32, #tpu.memory_space<vmem>>)
        %dma_start3A_378 = arith.constant 1 : i32
        %dma_start3A_379 = arith.constant 0 : i32
        %dma_start3A_380 = arith.constant 0 : i32
        %dma_start3A_381 = tpu.memref_slice %arg18[%dma_start3A_379, %dma_start3A_380] : memref<10240x128xf32, #tpu.memory_space<vmem_shared>> -> memref<10240x128xf32, #tpu.memory_space<vmem_shared>>
        %dma_start3A_382 = tpu.memref_slice %arg21[%dma_start3A_378] : memref<4x!tpu.dma_semaphore, #tpu.memory_space<semaphore_mem>> -> memref<1x!tpu.dma_semaphore, #tpu.memory_space<semaphore_mem>>
        %dma_start3A_383 = tpu.memref_squeeze %dma_start3A_382 : memref<1x!tpu.dma_semaphore, #tpu.memory_space<semaphore_mem>> -> memref<!tpu.dma_semaphore, #tpu.memory_space<semaphore_mem>>
        tpu.enqueue_indirect_dma source(%arg15 : memref<80x128xf32, #tpu.memory_space<vmem>>) target(%dma_start3A_381 : memref<10240x128xf32, #tpu.memory_space<vmem_shared>>) offsets(%arg11 : memref<80xi32, #tpu.memory_space<vmem>>) semaphore(%dma_start3A_383 : memref<!tpu.dma_semaphore, #tpu.memory_space<semaphore_mem>>) {add = true}
      } else {
      }
    }
    %scan3A_11 = arith.constant 32 : i32
    %dma_wait3A = arith.constant 0 : i32
    %dma_wait3A_12 = arith.constant 0 : i32
    %dma_wait3A_13 = arith.constant 0 : i32
    %dma_wait3A_14 = tpu.memref_slice %arg18[%dma_wait3A_12, %dma_wait3A_13] : memref<10240x128xf32, #tpu.memory_space<vmem_shared>> -> memref<10240x128xf32, #tpu.memory_space<vmem_shared>>
    %dma_wait3A_15 = tpu.memref_slice %arg21[%dma_wait3A] : memref<4x!tpu.dma_semaphore, #tpu.memory_space<semaphore_mem>> -> memref<1x!tpu.dma_semaphore, #tpu.memory_space<semaphore_mem>>
    %dma_wait3A_16 = tpu.memref_squeeze %dma_wait3A_15 : memref<1x!tpu.dma_semaphore, #tpu.memory_space<semaphore_mem>> -> memref<!tpu.dma_semaphore, #tpu.memory_space<semaphore_mem>>
    tpu.wait_indirect_dma semaphore(%dma_wait3A_16 : memref<!tpu.dma_semaphore, #tpu.memory_space<semaphore_mem>>) src(%arg14 : memref<80x128xf32, #tpu.memory_space<vmem>>) dst(%dma_wait3A_14 : memref<10240x128xf32, #tpu.memory_space<vmem_shared>>)
    %dma_wait3A_17 = arith.constant 1 : i32
    %dma_wait3A_18 = arith.constant 0 : i32
    %dma_wait3A_19 = arith.constant 0 : i32
    %dma_wait3A_20 = tpu.memref_slice %arg18[%dma_wait3A_18, %dma_wait3A_19] : memref<10240x128xf32, #tpu.memory_space<vmem_shared>> -> memref<10240x128xf32, #tpu.memory_space<vmem_shared>>
    %dma_wait3A_21 = tpu.memref_slice %arg21[%dma_wait3A_17] : memref<4x!tpu.dma_semaphore, #tpu.memory_space<semaphore_mem>> -> memref<1x!tpu.dma_semaphore, #tpu.memory_space<semaphore_mem>>
    %dma_wait3A_22 = tpu.memref_squeeze %dma_wait3A_21 : memref<1x!tpu.dma_semaphore, #tpu.memory_space<semaphore_mem>> -> memref<!tpu.dma_semaphore, #tpu.memory_space<semaphore_mem>>
    tpu.wait_indirect_dma semaphore(%dma_wait3A_22 : memref<!tpu.dma_semaphore, #tpu.memory_space<semaphore_mem>>) src(%arg15 : memref<80x128xf32, #tpu.memory_space<vmem>>) dst(%dma_wait3A_20 : memref<10240x128xf32, #tpu.memory_space<vmem_shared>>)
    %dma_wait3A_23 = arith.constant 2 : i32
    %dma_wait3A_24 = arith.constant 0 : i32
    %dma_wait3A_25 = arith.constant 0 : i32
    %dma_wait3A_26 = tpu.memref_slice %arg18[%dma_wait3A_24, %dma_wait3A_25] : memref<10240x128xf32, #tpu.memory_space<vmem_shared>> -> memref<10240x128xf32, #tpu.memory_space<vmem_shared>>
    %dma_wait3A_27 = tpu.memref_slice %arg21[%dma_wait3A_23] : memref<4x!tpu.dma_semaphore, #tpu.memory_space<semaphore_mem>> -> memref<1x!tpu.dma_semaphore, #tpu.memory_space<semaphore_mem>>
    %dma_wait3A_28 = tpu.memref_squeeze %dma_wait3A_27 : memref<1x!tpu.dma_semaphore, #tpu.memory_space<semaphore_mem>> -> memref<!tpu.dma_semaphore, #tpu.memory_space<semaphore_mem>>
    tpu.wait_indirect_dma semaphore(%dma_wait3A_28 : memref<!tpu.dma_semaphore, #tpu.memory_space<semaphore_mem>>) src(%arg16 : memref<80x128xf32, #tpu.memory_space<vmem>>) dst(%dma_wait3A_26 : memref<10240x128xf32, #tpu.memory_space<vmem_shared>>)
    %dma_wait3A_29 = arith.constant 3 : i32
    %dma_wait3A_30 = arith.constant 0 : i32
    %dma_wait3A_31 = arith.constant 0 : i32
    %dma_wait3A_32 = tpu.memref_slice %arg18[%dma_wait3A_30, %dma_wait3A_31] : memref<10240x128xf32, #tpu.memory_space<vmem_shared>> -> memref<10240x128xf32, #tpu.memory_space<vmem_shared>>
    %dma_wait3A_33 = tpu.memref_slice %arg21[%dma_wait3A_29] : memref<4x!tpu.dma_semaphore, #tpu.memory_space<semaphore_mem>> -> memref<1x!tpu.dma_semaphore, #tpu.memory_space<semaphore_mem>>
    %dma_wait3A_34 = tpu.memref_squeeze %dma_wait3A_33 : memref<1x!tpu.dma_semaphore, #tpu.memory_space<semaphore_mem>> -> memref<!tpu.dma_semaphore, #tpu.memory_space<semaphore_mem>>
    tpu.wait_indirect_dma semaphore(%dma_wait3A_34 : memref<!tpu.dma_semaphore, #tpu.memory_space<semaphore_mem>>) src(%arg17 : memref<80x128xf32, #tpu.memory_space<vmem>>) dst(%dma_wait3A_32 : memref<10240x128xf32, #tpu.memory_space<vmem_shared>>)
    %barrier3A_35 = arith.constant 0 : index
    tpu.barrier barrier_id(%barrier3A_35)
    %mul3A_36 = arith.constant 640 : i32
    %mul3A_37 = arith.muli %arg1, %mul3A_36 : i32
    %add3A_38 = arith.constant 0 : i32
    %add3A_39 = arith.addi %mul3A_37, %add3A_38 : i32
    %dma_start3A = arith.constant 0 : i32
    %dma_start3A_40 = tpu.memref_slice %arg20[%dma_start3A] : memref<4x!tpu.dma_semaphore, #tpu.memory_space<semaphore_mem>> -> memref<1x!tpu.dma_semaphore, #tpu.memory_space<semaphore_mem>>
    %dma_start3A_41 = tpu.memref_squeeze %dma_start3A_40 : memref<1x!tpu.dma_semaphore, #tpu.memory_space<semaphore_mem>> -> memref<!tpu.dma_semaphore, #tpu.memory_space<semaphore_mem>>
    %dma_start3A_42 = arith.constant 0 : i32
    %dma_start3A_43 = tpu.memref_slice %arg5[%arg0, %add3A_39, %dma_start3A_42] : memref<2x10240x128xf32, #tpu.memory_space<hbm>> -> memref<1x80x128xf32, #tpu.memory_space<hbm>>
    %dma_start3A_44 = tpu.memref_squeeze %dma_start3A_43 : memref<1x80x128xf32, #tpu.memory_space<hbm>> -> memref<80x128xf32, #tpu.memory_space<hbm>>
    %dma_start3A_45 = arith.constant 0 : i32
    %dma_start3A_46 = tpu.memref_slice %arg18[%add3A_39, %dma_start3A_45] : memref<10240x128xf32, #tpu.memory_space<vmem_shared>> -> memref<80x128xf32, #tpu.memory_space<vmem_shared>>
    tpu.enqueue_dma source(%dma_start3A_46 : memref<80x128xf32, #tpu.memory_space<vmem_shared>>) target(%dma_start3A_44 : memref<80x128xf32, #tpu.memory_space<hbm>>) target_semaphore(%dma_start3A_41 : memref<!tpu.dma_semaphore, #tpu.memory_space<semaphore_mem>>)
    %mul3A_47 = arith.constant 640 : i32
    %mul3A_48 = arith.muli %arg1, %mul3A_47 : i32
    %add3A_49 = arith.constant 80 : i32
    %add3A_50 = arith.addi %mul3A_48, %add3A_49 : i32
    %dma_start3A_51 = arith.constant 0 : i32
    %dma_start3A_52 = tpu.memref_slice %arg20[%dma_start3A_51] : memref<4x!tpu.dma_semaphore, #tpu.memory_space<semaphore_mem>> -> memref<1x!tpu.dma_semaphore, #tpu.memory_space<semaphore_mem>>
    %dma_start3A_53 = tpu.memref_squeeze %dma_start3A_52 : memref<1x!tpu.dma_semaphore, #tpu.memory_space<semaphore_mem>> -> memref<!tpu.dma_semaphore, #tpu.memory_space<semaphore_mem>>
    %dma_start3A_54 = arith.constant 0 : i32
    %dma_start3A_55 = tpu.memref_slice %arg5[%arg0, %add3A_50, %dma_start3A_54] : memref<2x10240x128xf32, #tpu.memory_space<hbm>> -> memref<1x80x128xf32, #tpu.memory_space<hbm>>
    %dma_start3A_56 = tpu.memref_squeeze %dma_start3A_55 : memref<1x80x128xf32, #tpu.memory_space<hbm>> -> memref<80x128xf32, #tpu.memory_space<hbm>>
    %dma_start3A_57 = arith.constant 0 : i32
    %dma_start3A_58 = tpu.memref_slice %arg18[%add3A_50, %dma_start3A_57] : memref<10240x128xf32, #tpu.memory_space<vmem_shared>> -> memref<80x128xf32, #tpu.memory_space<vmem_shared>>
    tpu.enqueue_dma source(%dma_start3A_58 : memref<80x128xf32, #tpu.memory_space<vmem_shared>>) target(%dma_start3A_56 : memref<80x128xf32, #tpu.memory_space<hbm>>) target_semaphore(%dma_start3A_53 : memref<!tpu.dma_semaphore, #tpu.memory_space<semaphore_mem>>)
    %mul3A_59 = arith.constant 640 : i32
    %mul3A_60 = arith.muli %arg1, %mul3A_59 : i32
    %add3A_61 = arith.constant 160 : i32
    %add3A_62 = arith.addi %mul3A_60, %add3A_61 : i32
    %dma_start3A_63 = arith.constant 0 : i32
    %dma_start3A_64 = tpu.memref_slice %arg20[%dma_start3A_63] : memref<4x!tpu.dma_semaphore, #tpu.memory_space<semaphore_mem>> -> memref<1x!tpu.dma_semaphore, #tpu.memory_space<semaphore_mem>>
    %dma_start3A_65 = tpu.memref_squeeze %dma_start3A_64 : memref<1x!tpu.dma_semaphore, #tpu.memory_space<semaphore_mem>> -> memref<!tpu.dma_semaphore, #tpu.memory_space<semaphore_mem>>
    %dma_start3A_66 = arith.constant 0 : i32
    %dma_start3A_67 = tpu.memref_slice %arg5[%arg0, %add3A_62, %dma_start3A_66] : memref<2x10240x128xf32, #tpu.memory_space<hbm>> -> memref<1x80x128xf32, #tpu.memory_space<hbm>>
    %dma_start3A_68 = tpu.memref_squeeze %dma_start3A_67 : memref<1x80x128xf32, #tpu.memory_space<hbm>> -> memref<80x128xf32, #tpu.memory_space<hbm>>
    %dma_start3A_69 = arith.constant 0 : i32
    %dma_start3A_70 = tpu.memref_slice %arg18[%add3A_62, %dma_start3A_69] : memref<10240x128xf32, #tpu.memory_space<vmem_shared>> -> memref<80x128xf32, #tpu.memory_space<vmem_shared>>
    tpu.enqueue_dma source(%dma_start3A_70 : memref<80x128xf32, #tpu.memory_space<vmem_shared>>) target(%dma_start3A_68 : memref<80x128xf32, #tpu.memory_space<hbm>>) target_semaphore(%dma_start3A_65 : memref<!tpu.dma_semaphore, #tpu.memory_space<semaphore_mem>>)
    %mul3A_71 = arith.constant 640 : i32
    %mul3A_72 = arith.muli %arg1, %mul3A_71 : i32
    %add3A_73 = arith.constant 240 : i32
    %add3A_74 = arith.addi %mul3A_72, %add3A_73 : i32
    %dma_start3A_75 = arith.constant 0 : i32
    %dma_start3A_76 = tpu.memref_slice %arg20[%dma_start3A_75] : memref<4x!tpu.dma_semaphore, #tpu.memory_space<semaphore_mem>> -> memref<1x!tpu.dma_semaphore, #tpu.memory_space<semaphore_mem>>
    %dma_start3A_77 = tpu.memref_squeeze %dma_start3A_76 : memref<1x!tpu.dma_semaphore, #tpu.memory_space<semaphore_mem>> -> memref<!tpu.dma_semaphore, #tpu.memory_space<semaphore_mem>>
    %dma_start3A_78 = arith.constant 0 : i32
    %dma_start3A_79 = tpu.memref_slice %arg5[%arg0, %add3A_74, %dma_start3A_78] : memref<2x10240x128xf32, #tpu.memory_space<hbm>> -> memref<1x80x128xf32, #tpu.memory_space<hbm>>
    %dma_start3A_80 = tpu.memref_squeeze %dma_start3A_79 : memref<1x80x128xf32, #tpu.memory_space<hbm>> -> memref<80x128xf32, #tpu.memory_space<hbm>>
    %dma_start3A_81 = arith.constant 0 : i32
    %dma_start3A_82 = tpu.memref_slice %arg18[%add3A_74, %dma_start3A_81] : memref<10240x128xf32, #tpu.memory_space<vmem_shared>> -> memref<80x128xf32, #tpu.memory_space<vmem_shared>>
    tpu.enqueue_dma source(%dma_start3A_82 : memref<80x128xf32, #tpu.memory_space<vmem_shared>>) target(%dma_start3A_80 : memref<80x128xf32, #tpu.memory_space<hbm>>) target_semaphore(%dma_start3A_77 : memref<!tpu.dma_semaphore, #tpu.memory_space<semaphore_mem>>)
    %mul3A_83 = arith.constant 640 : i32
    %mul3A_84 = arith.muli %arg1, %mul3A_83 : i32
    %add3A_85 = arith.constant 320 : i32
    %add3A_86 = arith.addi %mul3A_84, %add3A_85 : i32
    %dma_start3A_87 = arith.constant 0 : i32
    %dma_start3A_88 = tpu.memref_slice %arg20[%dma_start3A_87] : memref<4x!tpu.dma_semaphore, #tpu.memory_space<semaphore_mem>> -> memref<1x!tpu.dma_semaphore, #tpu.memory_space<semaphore_mem>>
    %dma_start3A_89 = tpu.memref_squeeze %dma_start3A_88 : memref<1x!tpu.dma_semaphore, #tpu.memory_space<semaphore_mem>> -> memref<!tpu.dma_semaphore, #tpu.memory_space<semaphore_mem>>
    %dma_start3A_90 = arith.constant 0 : i32
    %dma_start3A_91 = tpu.memref_slice %arg5[%arg0, %add3A_86, %dma_start3A_90] : memref<2x10240x128xf32, #tpu.memory_space<hbm>> -> memref<1x80x128xf32, #tpu.memory_space<hbm>>
    %dma_start3A_92 = tpu.memref_squeeze %dma_start3A_91 : memref<1x80x128xf32, #tpu.memory_space<hbm>> -> memref<80x128xf32, #tpu.memory_space<hbm>>
    %dma_start3A_93 = arith.constant 0 : i32
    %dma_start3A_94 = tpu.memref_slice %arg18[%add3A_86, %dma_start3A_93] : memref<10240x128xf32, #tpu.memory_space<vmem_shared>> -> memref<80x128xf32, #tpu.memory_space<vmem_shared>>
    tpu.enqueue_dma source(%dma_start3A_94 : memref<80x128xf32, #tpu.memory_space<vmem_shared>>) target(%dma_start3A_92 : memref<80x128xf32, #tpu.memory_space<hbm>>) target_semaphore(%dma_start3A_89 : memref<!tpu.dma_semaphore, #tpu.memory_space<semaphore_mem>>)
    %mul3A_95 = arith.constant 640 : i32
    %mul3A_96 = arith.muli %arg1, %mul3A_95 : i32
    %add3A_97 = arith.constant 400 : i32
    %add3A_98 = arith.addi %mul3A_96, %add3A_97 : i32
    %dma_start3A_99 = arith.constant 0 : i32
    %dma_start3A_100 = tpu.memref_slice %arg20[%dma_start3A_99] : memref<4x!tpu.dma_semaphore, #tpu.memory_space<semaphore_mem>> -> memref<1x!tpu.dma_semaphore, #tpu.memory_space<semaphore_mem>>
    %dma_start3A_101 = tpu.memref_squeeze %dma_start3A_100 : memref<1x!tpu.dma_semaphore, #tpu.memory_space<semaphore_mem>> -> memref<!tpu.dma_semaphore, #tpu.memory_space<semaphore_mem>>
    %dma_start3A_102 = arith.constant 0 : i32
    %dma_start3A_103 = tpu.memref_slice %arg5[%arg0, %add3A_98, %dma_start3A_102] : memref<2x10240x128xf32, #tpu.memory_space<hbm>> -> memref<1x80x128xf32, #tpu.memory_space<hbm>>
    %dma_start3A_104 = tpu.memref_squeeze %dma_start3A_103 : memref<1x80x128xf32, #tpu.memory_space<hbm>> -> memref<80x128xf32, #tpu.memory_space<hbm>>
    %dma_start3A_105 = arith.constant 0 : i32
    %dma_start3A_106 = tpu.memref_slice %arg18[%add3A_98, %dma_start3A_105] : memref<10240x128xf32, #tpu.memory_space<vmem_shared>> -> memref<80x128xf32, #tpu.memory_space<vmem_shared>>
    tpu.enqueue_dma source(%dma_start3A_106 : memref<80x128xf32, #tpu.memory_space<vmem_shared>>) target(%dma_start3A_104 : memref<80x128xf32, #tpu.memory_space<hbm>>) target_semaphore(%dma_start3A_101 : memref<!tpu.dma_semaphore, #tpu.memory_space<semaphore_mem>>)
    %mul3A_107 = arith.constant 640 : i32
    %mul3A_108 = arith.muli %arg1, %mul3A_107 : i32
    %add3A_109 = arith.constant 480 : i32
    %add3A_110 = arith.addi %mul3A_108, %add3A_109 : i32
    %dma_start3A_111 = arith.constant 0 : i32
    %dma_start3A_112 = tpu.memref_slice %arg20[%dma_start3A_111] : memref<4x!tpu.dma_semaphore, #tpu.memory_space<semaphore_mem>> -> memref<1x!tpu.dma_semaphore, #tpu.memory_space<semaphore_mem>>
    %dma_start3A_113 = tpu.memref_squeeze %dma_start3A_112 : memref<1x!tpu.dma_semaphore, #tpu.memory_space<semaphore_mem>> -> memref<!tpu.dma_semaphore, #tpu.memory_space<semaphore_mem>>
    %dma_start3A_114 = arith.constant 0 : i32
    %dma_start3A_115 = tpu.memref_slice %arg5[%arg0, %add3A_110, %dma_start3A_114] : memref<2x10240x128xf32, #tpu.memory_space<hbm>> -> memref<1x80x128xf32, #tpu.memory_space<hbm>>
    %dma_start3A_116 = tpu.memref_squeeze %dma_start3A_115 : memref<1x80x128xf32, #tpu.memory_space<hbm>> -> memref<80x128xf32, #tpu.memory_space<hbm>>
    %dma_start3A_117 = arith.constant 0 : i32
    %dma_start3A_118 = tpu.memref_slice %arg18[%add3A_110, %dma_start3A_117] : memref<10240x128xf32, #tpu.memory_space<vmem_shared>> -> memref<80x128xf32, #tpu.memory_space<vmem_shared>>
    tpu.enqueue_dma source(%dma_start3A_118 : memref<80x128xf32, #tpu.memory_space<vmem_shared>>) target(%dma_start3A_116 : memref<80x128xf32, #tpu.memory_space<hbm>>) target_semaphore(%dma_start3A_113 : memref<!tpu.dma_semaphore, #tpu.memory_space<semaphore_mem>>)
    %mul3A_119 = arith.constant 640 : i32
    %mul3A_120 = arith.muli %arg1, %mul3A_119 : i32
    %add3A_121 = arith.constant 560 : i32
    %add3A_122 = arith.addi %mul3A_120, %add3A_121 : i32
    %dma_start3A_123 = arith.constant 0 : i32
    %dma_start3A_124 = tpu.memref_slice %arg20[%dma_start3A_123] : memref<4x!tpu.dma_semaphore, #tpu.memory_space<semaphore_mem>> -> memref<1x!tpu.dma_semaphore, #tpu.memory_space<semaphore_mem>>
    %dma_start3A_125 = tpu.memref_squeeze %dma_start3A_124 : memref<1x!tpu.dma_semaphore, #tpu.memory_space<semaphore_mem>> -> memref<!tpu.dma_semaphore, #tpu.memory_space<semaphore_mem>>
    %dma_start3A_126 = arith.constant 0 : i32
    %dma_start3A_127 = tpu.memref_slice %arg5[%arg0, %add3A_122, %dma_start3A_126] : memref<2x10240x128xf32, #tpu.memory_space<hbm>> -> memref<1x80x128xf32, #tpu.memory_space<hbm>>
    %dma_start3A_128 = tpu.memref_squeeze %dma_start3A_127 : memref<1x80x128xf32, #tpu.memory_space<hbm>> -> memref<80x128xf32, #tpu.memory_space<hbm>>
    %dma_start3A_129 = arith.constant 0 : i32
    %dma_start3A_130 = tpu.memref_slice %arg18[%add3A_122, %dma_start3A_129] : memref<10240x128xf32, #tpu.memory_space<vmem_shared>> -> memref<80x128xf32, #tpu.memory_space<vmem_shared>>
    tpu.enqueue_dma source(%dma_start3A_130 : memref<80x128xf32, #tpu.memory_space<vmem_shared>>) target(%dma_start3A_128 : memref<80x128xf32, #tpu.memory_space<hbm>>) target_semaphore(%dma_start3A_125 : memref<!tpu.dma_semaphore, #tpu.memory_space<semaphore_mem>>)
    %mul3A_131 = arith.constant 640 : i32
    %mul3A_132 = arith.muli %arg1, %mul3A_131 : i32
    %add3A_133 = arith.constant 0 : i32
    %add3A_134 = arith.addi %mul3A_132, %add3A_133 : i32
    %dma_wait3A_135 = arith.constant 0 : i32
    %dma_wait3A_136 = tpu.memref_slice %arg20[%dma_wait3A_135] : memref<4x!tpu.dma_semaphore, #tpu.memory_space<semaphore_mem>> -> memref<1x!tpu.dma_semaphore, #tpu.memory_space<semaphore_mem>>
    %dma_wait3A_137 = tpu.memref_squeeze %dma_wait3A_136 : memref<1x!tpu.dma_semaphore, #tpu.memory_space<semaphore_mem>> -> memref<!tpu.dma_semaphore, #tpu.memory_space<semaphore_mem>>
    %dma_wait3A_138 = arith.constant 0 : i32
    %dma_wait3A_139 = tpu.memref_slice %arg5[%arg0, %add3A_134, %dma_wait3A_138] : memref<2x10240x128xf32, #tpu.memory_space<hbm>> -> memref<1x80x128xf32, #tpu.memory_space<hbm>>
    %dma_wait3A_140 = tpu.memref_squeeze %dma_wait3A_139 : memref<1x80x128xf32, #tpu.memory_space<hbm>> -> memref<80x128xf32, #tpu.memory_space<hbm>>
    %dma_wait3A_141 = arith.constant 0 : i32
    %dma_wait3A_142 = tpu.memref_slice %arg18[%add3A_134, %dma_wait3A_141] : memref<10240x128xf32, #tpu.memory_space<vmem_shared>> -> memref<80x128xf32, #tpu.memory_space<vmem_shared>>
    tpu.wait_dma2 semaphore(%dma_wait3A_137 : memref<!tpu.dma_semaphore, #tpu.memory_space<semaphore_mem>>) src(%dma_wait3A_142 : memref<80x128xf32, #tpu.memory_space<vmem_shared>>) dst(%dma_wait3A_140 : memref<80x128xf32, #tpu.memory_space<hbm>>)
    %mul3A_143 = arith.constant 640 : i32
    %mul3A_144 = arith.muli %arg1, %mul3A_143 : i32
    %add3A_145 = arith.constant 80 : i32
    %add3A_146 = arith.addi %mul3A_144, %add3A_145 : i32
    %dma_wait3A_147 = arith.constant 0 : i32
    %dma_wait3A_148 = tpu.memref_slice %arg20[%dma_wait3A_147] : memref<4x!tpu.dma_semaphore, #tpu.memory_space<semaphore_mem>> -> memref<1x!tpu.dma_semaphore, #tpu.memory_space<semaphore_mem>>
    %dma_wait3A_149 = tpu.memref_squeeze %dma_wait3A_148 : memref<1x!tpu.dma_semaphore, #tpu.memory_space<semaphore_mem>> -> memref<!tpu.dma_semaphore, #tpu.memory_space<semaphore_mem>>
    %dma_wait3A_150 = arith.constant 0 : i32
    %dma_wait3A_151 = tpu.memref_slice %arg5[%arg0, %add3A_146, %dma_wait3A_150] : memref<2x10240x128xf32, #tpu.memory_space<hbm>> -> memref<1x80x128xf32, #tpu.memory_space<hbm>>
    %dma_wait3A_152 = tpu.memref_squeeze %dma_wait3A_151 : memref<1x80x128xf32, #tpu.memory_space<hbm>> -> memref<80x128xf32, #tpu.memory_space<hbm>>
    %dma_wait3A_153 = arith.constant 0 : i32
    %dma_wait3A_154 = tpu.memref_slice %arg18[%add3A_146, %dma_wait3A_153] : memref<10240x128xf32, #tpu.memory_space<vmem_shared>> -> memref<80x128xf32, #tpu.memory_space<vmem_shared>>
    tpu.wait_dma2 semaphore(%dma_wait3A_149 : memref<!tpu.dma_semaphore, #tpu.memory_space<semaphore_mem>>) src(%dma_wait3A_154 : memref<80x128xf32, #tpu.memory_space<vmem_shared>>) dst(%dma_wait3A_152 : memref<80x128xf32, #tpu.memory_space<hbm>>)
    %mul3A_155 = arith.constant 640 : i32
    %mul3A_156 = arith.muli %arg1, %mul3A_155 : i32
    %add3A_157 = arith.constant 160 : i32
    %add3A_158 = arith.addi %mul3A_156, %add3A_157 : i32
    %dma_wait3A_159 = arith.constant 0 : i32
    %dma_wait3A_160 = tpu.memref_slice %arg20[%dma_wait3A_159] : memref<4x!tpu.dma_semaphore, #tpu.memory_space<semaphore_mem>> -> memref<1x!tpu.dma_semaphore, #tpu.memory_space<semaphore_mem>>
    %dma_wait3A_161 = tpu.memref_squeeze %dma_wait3A_160 : memref<1x!tpu.dma_semaphore, #tpu.memory_space<semaphore_mem>> -> memref<!tpu.dma_semaphore, #tpu.memory_space<semaphore_mem>>
    %dma_wait3A_162 = arith.constant 0 : i32
    %dma_wait3A_163 = tpu.memref_slice %arg5[%arg0, %add3A_158, %dma_wait3A_162] : memref<2x10240x128xf32, #tpu.memory_space<hbm>> -> memref<1x80x128xf32, #tpu.memory_space<hbm>>
    %dma_wait3A_164 = tpu.memref_squeeze %dma_wait3A_163 : memref<1x80x128xf32, #tpu.memory_space<hbm>> -> memref<80x128xf32, #tpu.memory_space<hbm>>
    %dma_wait3A_165 = arith.constant 0 : i32
    %dma_wait3A_166 = tpu.memref_slice %arg18[%add3A_158, %dma_wait3A_165] : memref<10240x128xf32, #tpu.memory_space<vmem_shared>> -> memref<80x128xf32, #tpu.memory_space<vmem_shared>>
    tpu.wait_dma2 semaphore(%dma_wait3A_161 : memref<!tpu.dma_semaphore, #tpu.memory_space<semaphore_mem>>) src(%dma_wait3A_166 : memref<80x128xf32, #tpu.memory_space<vmem_shared>>) dst(%dma_wait3A_164 : memref<80x128xf32, #tpu.memory_space<hbm>>)
    %mul3A_167 = arith.constant 640 : i32
    %mul3A_168 = arith.muli %arg1, %mul3A_167 : i32
    %add3A_169 = arith.constant 240 : i32
    %add3A_170 = arith.addi %mul3A_168, %add3A_169 : i32
    %dma_wait3A_171 = arith.constant 0 : i32
    %dma_wait3A_172 = tpu.memref_slice %arg20[%dma_wait3A_171] : memref<4x!tpu.dma_semaphore, #tpu.memory_space<semaphore_mem>> -> memref<1x!tpu.dma_semaphore, #tpu.memory_space<semaphore_mem>>
    %dma_wait3A_173 = tpu.memref_squeeze %dma_wait3A_172 : memref<1x!tpu.dma_semaphore, #tpu.memory_space<semaphore_mem>> -> memref<!tpu.dma_semaphore, #tpu.memory_space<semaphore_mem>>
    %dma_wait3A_174 = arith.constant 0 : i32
    %dma_wait3A_175 = tpu.memref_slice %arg5[%arg0, %add3A_170, %dma_wait3A_174] : memref<2x10240x128xf32, #tpu.memory_space<hbm>> -> memref<1x80x128xf32, #tpu.memory_space<hbm>>
    %dma_wait3A_176 = tpu.memref_squeeze %dma_wait3A_175 : memref<1x80x128xf32, #tpu.memory_space<hbm>> -> memref<80x128xf32, #tpu.memory_space<hbm>>
    %dma_wait3A_177 = arith.constant 0 : i32
    %dma_wait3A_178 = tpu.memref_slice %arg18[%add3A_170, %dma_wait3A_177] : memref<10240x128xf32, #tpu.memory_space<vmem_shared>> -> memref<80x128xf32, #tpu.memory_space<vmem_shared>>
    tpu.wait_dma2 semaphore(%dma_wait3A_173 : memref<!tpu.dma_semaphore, #tpu.memory_space<semaphore_mem>>) src(%dma_wait3A_178 : memref<80x128xf32, #tpu.memory_space<vmem_shared>>) dst(%dma_wait3A_176 : memref<80x128xf32, #tpu.memory_space<hbm>>)
    %mul3A_179 = arith.constant 640 : i32
    %mul3A_180 = arith.muli %arg1, %mul3A_179 : i32
    %add3A_181 = arith.constant 320 : i32
    %add3A_182 = arith.addi %mul3A_180, %add3A_181 : i32
    %dma_wait3A_183 = arith.constant 0 : i32
    %dma_wait3A_184 = tpu.memref_slice %arg20[%dma_wait3A_183] : memref<4x!tpu.dma_semaphore, #tpu.memory_space<semaphore_mem>> -> memref<1x!tpu.dma_semaphore, #tpu.memory_space<semaphore_mem>>
    %dma_wait3A_185 = tpu.memref_squeeze %dma_wait3A_184 : memref<1x!tpu.dma_semaphore, #tpu.memory_space<semaphore_mem>> -> memref<!tpu.dma_semaphore, #tpu.memory_space<semaphore_mem>>
    %dma_wait3A_186 = arith.constant 0 : i32
    %dma_wait3A_187 = tpu.memref_slice %arg5[%arg0, %add3A_182, %dma_wait3A_186] : memref<2x10240x128xf32, #tpu.memory_space<hbm>> -> memref<1x80x128xf32, #tpu.memory_space<hbm>>
    %dma_wait3A_188 = tpu.memref_squeeze %dma_wait3A_187 : memref<1x80x128xf32, #tpu.memory_space<hbm>> -> memref<80x128xf32, #tpu.memory_space<hbm>>
    %dma_wait3A_189 = arith.constant 0 : i32
    %dma_wait3A_190 = tpu.memref_slice %arg18[%add3A_182, %dma_wait3A_189] : memref<10240x128xf32, #tpu.memory_space<vmem_shared>> -> memref<80x128xf32, #tpu.memory_space<vmem_shared>>
    tpu.wait_dma2 semaphore(%dma_wait3A_185 : memref<!tpu.dma_semaphore, #tpu.memory_space<semaphore_mem>>) src(%dma_wait3A_190 : memref<80x128xf32, #tpu.memory_space<vmem_shared>>) dst(%dma_wait3A_188 : memref<80x128xf32, #tpu.memory_space<hbm>>)
    %mul3A_191 = arith.constant 640 : i32
    %mul3A_192 = arith.muli %arg1, %mul3A_191 : i32
    %add3A_193 = arith.constant 400 : i32
    %add3A_194 = arith.addi %mul3A_192, %add3A_193 : i32
    %dma_wait3A_195 = arith.constant 0 : i32
    %dma_wait3A_196 = tpu.memref_slice %arg20[%dma_wait3A_195] : memref<4x!tpu.dma_semaphore, #tpu.memory_space<semaphore_mem>> -> memref<1x!tpu.dma_semaphore, #tpu.memory_space<semaphore_mem>>
    %dma_wait3A_197 = tpu.memref_squeeze %dma_wait3A_196 : memref<1x!tpu.dma_semaphore, #tpu.memory_space<semaphore_mem>> -> memref<!tpu.dma_semaphore, #tpu.memory_space<semaphore_mem>>
    %dma_wait3A_198 = arith.constant 0 : i32
    %dma_wait3A_199 = tpu.memref_slice %arg5[%arg0, %add3A_194, %dma_wait3A_198] : memref<2x10240x128xf32, #tpu.memory_space<hbm>> -> memref<1x80x128xf32, #tpu.memory_space<hbm>>
    %dma_wait3A_200 = tpu.memref_squeeze %dma_wait3A_199 : memref<1x80x128xf32, #tpu.memory_space<hbm>> -> memref<80x128xf32, #tpu.memory_space<hbm>>
    %dma_wait3A_201 = arith.constant 0 : i32
    %dma_wait3A_202 = tpu.memref_slice %arg18[%add3A_194, %dma_wait3A_201] : memref<10240x128xf32, #tpu.memory_space<vmem_shared>> -> memref<80x128xf32, #tpu.memory_space<vmem_shared>>
    tpu.wait_dma2 semaphore(%dma_wait3A_197 : memref<!tpu.dma_semaphore, #tpu.memory_space<semaphore_mem>>) src(%dma_wait3A_202 : memref<80x128xf32, #tpu.memory_space<vmem_shared>>) dst(%dma_wait3A_200 : memref<80x128xf32, #tpu.memory_space<hbm>>)
    %mul3A_203 = arith.constant 640 : i32
    %mul3A_204 = arith.muli %arg1, %mul3A_203 : i32
    %add3A_205 = arith.constant 480 : i32
    %add3A_206 = arith.addi %mul3A_204, %add3A_205 : i32
    %dma_wait3A_207 = arith.constant 0 : i32
    %dma_wait3A_208 = tpu.memref_slice %arg20[%dma_wait3A_207] : memref<4x!tpu.dma_semaphore, #tpu.memory_space<semaphore_mem>> -> memref<1x!tpu.dma_semaphore, #tpu.memory_space<semaphore_mem>>
    %dma_wait3A_209 = tpu.memref_squeeze %dma_wait3A_208 : memref<1x!tpu.dma_semaphore, #tpu.memory_space<semaphore_mem>> -> memref<!tpu.dma_semaphore, #tpu.memory_space<semaphore_mem>>
    %dma_wait3A_210 = arith.constant 0 : i32
    %dma_wait3A_211 = tpu.memref_slice %arg5[%arg0, %add3A_206, %dma_wait3A_210] : memref<2x10240x128xf32, #tpu.memory_space<hbm>> -> memref<1x80x128xf32, #tpu.memory_space<hbm>>
    %dma_wait3A_212 = tpu.memref_squeeze %dma_wait3A_211 : memref<1x80x128xf32, #tpu.memory_space<hbm>> -> memref<80x128xf32, #tpu.memory_space<hbm>>
    %dma_wait3A_213 = arith.constant 0 : i32
    %dma_wait3A_214 = tpu.memref_slice %arg18[%add3A_206, %dma_wait3A_213] : memref<10240x128xf32, #tpu.memory_space<vmem_shared>> -> memref<80x128xf32, #tpu.memory_space<vmem_shared>>
    tpu.wait_dma2 semaphore(%dma_wait3A_209 : memref<!tpu.dma_semaphore, #tpu.memory_space<semaphore_mem>>) src(%dma_wait3A_214 : memref<80x128xf32, #tpu.memory_space<vmem_shared>>) dst(%dma_wait3A_212 : memref<80x128xf32, #tpu.memory_space<hbm>>)
    %mul3A_215 = arith.constant 640 : i32
    %mul3A_216 = arith.muli %arg1, %mul3A_215 : i32
    %add3A_217 = arith.constant 560 : i32
    %add3A_218 = arith.addi %mul3A_216, %add3A_217 : i32
    %dma_wait3A_219 = arith.constant 0 : i32
    %dma_wait3A_220 = tpu.memref_slice %arg20[%dma_wait3A_219] : memref<4x!tpu.dma_semaphore, #tpu.memory_space<semaphore_mem>> -> memref<1x!tpu.dma_semaphore, #tpu.memory_space<semaphore_mem>>
    %dma_wait3A_221 = tpu.memref_squeeze %dma_wait3A_220 : memref<1x!tpu.dma_semaphore, #tpu.memory_space<semaphore_mem>> -> memref<!tpu.dma_semaphore, #tpu.memory_space<semaphore_mem>>
    %dma_wait3A_222 = arith.constant 0 : i32
    %dma_wait3A_223 = tpu.memref_slice %arg5[%arg0, %add3A_218, %dma_wait3A_222] : memref<2x10240x128xf32, #tpu.memory_space<hbm>> -> memref<1x80x128xf32, #tpu.memory_space<hbm>>
    %dma_wait3A_224 = tpu.memref_squeeze %dma_wait3A_223 : memref<1x80x128xf32, #tpu.memory_space<hbm>> -> memref<80x128xf32, #tpu.memory_space<hbm>>
    %dma_wait3A_225 = arith.constant 0 : i32
    %dma_wait3A_226 = tpu.memref_slice %arg18[%add3A_218, %dma_wait3A_225] : memref<10240x128xf32, #tpu.memory_space<vmem_shared>> -> memref<80x128xf32, #tpu.memory_space<vmem_shared>>
    tpu.wait_dma2 semaphore(%dma_wait3A_221 : memref<!tpu.dma_semaphore, #tpu.memory_space<semaphore_mem>>) src(%dma_wait3A_226 : memref<80x128xf32, #tpu.memory_space<vmem_shared>>) dst(%dma_wait3A_224 : memref<80x128xf32, #tpu.memory_space<hbm>>)
    return
  }
}

#map = affine_map<(d0, d1) -> (0)>
#map1 = affine_map<(d0, d1) -> (0, 0, 0)>
module attributes {stable_mosaic.version = 14 : i64} {
  func.func @_deg_kernel(%arg0: i32, %arg1: i32, %arg2: memref<320000xi32, #tpu.memory_space<hbm>>, %arg3: memref<2x10240x16xf32, #tpu.memory_space<hbm>>, %arg4: memref<80xi32, #tpu.memory_space<vmem>>, %arg5: memref<80xi32, #tpu.memory_space<vmem>>, %arg6: memref<80xi32, #tpu.memory_space<vmem>>, %arg7: memref<80xi32, #tpu.memory_space<vmem>>, %arg8: memref<80x16xf32, #tpu.memory_space<vmem>>, %arg9: memref<640x16xf32, #tpu.memory_space<vmem>>, %arg10: memref<10240x16xf32, #tpu.memory_space<vmem_shared>>, %arg11: memref<4x!tpu.dma_semaphore, #tpu.memory_space<semaphore_mem>>, %arg12: memref<4x!tpu.dma_semaphore, #tpu.memory_space<semaphore_mem>>) attributes {dimension_semantics = [#tpu.dimension_semantics<core_parallel>, #tpu.dimension_semantics<subcore_parallel>], iteration_bounds = array<i64: 2, 16>, scalar_prefetch = 0 : i64, scratch_operands = 9 : i64, tpu.core_type = #tpu.core_type<sc_vector_subcore>, window_params = [{transform_indices = #map}, {transform_indices = #map1}]} {
    %mul3A = arith.constant 16 : i32
    %mul3A_0 = arith.muli %arg0, %mul3A : i32
    %add3A = arith.addi %mul3A_0, %arg1 : i32
    %broadcast_in_dim3A = arith.constant 1.000000e+00 : f32
    %broadcast_in_dim3A_1 = vector.broadcast %broadcast_in_dim3A : f32 to vector<16xf32>
    %scan3A = arith.constant 0 : i32
    %scan3A_2 = arith.constant 0 : i32
    %scan3A_3 = arith.constant 80 : i32
    %scan3A_4 = arith.addi %scan3A_2, %scan3A_3 : i32
    %scan3A_5 = arith.constant 1 : i32
    scf.for %scan3A_51 = %scan3A_2 to %scan3A_4 step %scan3A_5  : i32 {
      %swap3A = arith.index_cast %scan3A_51 : i32 to index
      %swap3A_52 = arith.constant 0 : index
      %swap3A_53 = tpu.vector_load %arg8[%swap3A, %swap3A_52] {strides = array<i32>} : memref<80x16xf32, #tpu.memory_space<vmem>>, vector<1x16xf32>,
      %swap3A_54 = vector.shape_cast %swap3A_53 : vector<1x16xf32> to vector<16xf32>
      %swap3A_55 = vector.shape_cast %broadcast_in_dim3A_1 : vector<16xf32> to vector<1x16xf32>
      tpu.vector_store %arg8[%swap3A, %swap3A_52], %swap3A_55 {strides = array<i32>} : memref<80x16xf32, #tpu.memory_space<vmem>>, vector<1x16xf32>,
    }
    %scan3A_6 = arith.constant 80 : i32
    %broadcast_in_dim3A_7 = arith.constant 0.000000e+00 : f32
    %broadcast_in_dim3A_8 = vector.broadcast %broadcast_in_dim3A_7 : f32 to vector<16xf32>
    %scan3A_9 = arith.constant 0 : i32
    %scan3A_10 = arith.constant 0 : i32
    %scan3A_11 = arith.constant 640 : i32
    %scan3A_12 = arith.addi %scan3A_10, %scan3A_11 : i32
    %scan3A_13 = arith.constant 1 : i32
    scf.for %scan3A_51 = %scan3A_10 to %scan3A_12 step %scan3A_13  : i32 {
      %swap3A = arith.index_cast %scan3A_51 : i32 to index
      %swap3A_52 = arith.constant 0 : index
      %swap3A_53 = tpu.vector_load %arg9[%swap3A, %swap3A_52] {strides = array<i32>} : memref<640x16xf32, #tpu.memory_space<vmem>>, vector<1x16xf32>,
      %swap3A_54 = vector.shape_cast %swap3A_53 : vector<1x16xf32> to vector<16xf32>
      %swap3A_55 = vector.shape_cast %broadcast_in_dim3A_8 : vector<16xf32> to vector<1x16xf32>
      tpu.vector_store %arg9[%swap3A, %swap3A_52], %swap3A_55 {strides = array<i32>} : memref<640x16xf32, #tpu.memory_space<vmem>>, vector<1x16xf32>,
    }
    %scan3A_14 = arith.constant 640 : i32
    %mul3A_15 = arith.constant 640 : i32
    %mul3A_16 = arith.muli %arg1, %mul3A_15 : i32
    "tpu.region"() ({
      %run_scoped3A = tpu.sem_alloc : memref<!tpu.dma_semaphore, #tpu.memory_space<semaphore_mem>>
      %dma_start3A = arith.constant 0 : i32
      %dma_start3A_51 = tpu.memref_slice %arg10[%mul3A_16, %dma_start3A] : memref<10240x16xf32, #tpu.memory_space<vmem_shared>> -> memref<640x16xf32, #tpu.memory_space<vmem_shared>>
      %dma_start3A_52 = arith.constant 0 : i32
      %dma_start3A_53 = tpu.memref_slice %arg10[%mul3A_16, %dma_start3A_52] : memref<10240x16xf32, #tpu.memory_space<vmem_shared>> -> memref<640x16xf32, #tpu.memory_space<vmem_shared>>
      tpu.enqueue_dma source(%arg9 : memref<640x16xf32, #tpu.memory_space<vmem>>) target(%dma_start3A_53 : memref<640x16xf32, #tpu.memory_space<vmem_shared>>) target_semaphore(%run_scoped3A : memref<!tpu.dma_semaphore, #tpu.memory_space<semaphore_mem>>)
      %dma_wait3A_54 = arith.constant 0 : i32
      %dma_wait3A_55 = tpu.memref_slice %arg10[%mul3A_16, %dma_wait3A_54] : memref<10240x16xf32, #tpu.memory_space<vmem_shared>> -> memref<640x16xf32, #tpu.memory_space<vmem_shared>>
      %dma_wait3A_56 = arith.constant 0 : i32
      %dma_wait3A_57 = tpu.memref_slice %arg10[%mul3A_16, %dma_wait3A_56] : memref<10240x16xf32, #tpu.memory_space<vmem_shared>> -> memref<640x16xf32, #tpu.memory_space<vmem_shared>>
      tpu.wait_dma2 semaphore(%run_scoped3A : memref<!tpu.dma_semaphore, #tpu.memory_space<semaphore_mem>>) src(%arg9 : memref<640x16xf32, #tpu.memory_space<vmem>>) dst(%dma_wait3A_57 : memref<640x16xf32, #tpu.memory_space<vmem_shared>>)
      tpu.yield
    }) : () -> ()
    %barrier3A = arith.constant 0 : index
    tpu.barrier barrier_id(%barrier3A)
    %scan3A_17 = arith.constant 0 : i32
    %scan3A_18 = arith.constant 0 : i32
    %scan3A_19 = arith.constant 32 : i32
    %scan3A_20 = arith.addi %scan3A_18, %scan3A_19 : i32
    %scan3A_21 = arith.constant 1 : i32
    scf.for %scan3A_51 = %scan3A_18 to %scan3A_20 step %scan3A_21  : i32 {
      %mul3A_52 = arith.constant 4 : i32
      %mul3A_53 = arith.muli %scan3A_51, %mul3A_52 : i32
      %add3A_54 = arith.constant 0 : i32
      %add3A_55 = arith.addi %mul3A_53, %add3A_54 : i32
      %ge3A = arith.constant 4 : i32
      %ge3A_56 = arith.cmpi sge, %add3A_55, %ge3A : i32
      %lt3A = arith.constant 125 : i32
      %lt3A_57 = arith.cmpi slt, %add3A_55, %lt3A : i32
      %and3A = arith.andi %ge3A_56, %lt3A_57 : i1
      %convert_element_type3A = arith.extui %and3A : i1 to i32
      %cond3A = arith.constant 0 : i32
      %cond3A_58 = arith.cmpi ne, %convert_element_type3A, %cond3A : i32
      scf.if %cond3A_58 {
        %dma_wait3A_154 = arith.constant 0 : i32
        %dma_wait3A_155 = arith.constant 0 : i32
        %dma_wait3A_156 = arith.constant 0 : i32
        %dma_wait3A_157 = tpu.memref_slice %arg10[%dma_wait3A_155, %dma_wait3A_156] : memref<10240x16xf32, #tpu.memory_space<vmem_shared>> -> memref<10240x16xf32, #tpu.memory_space<vmem_shared>>
        %dma_wait3A_158 = tpu.memref_slice %arg12[%dma_wait3A_154] : memref<4x!tpu.dma_semaphore, #tpu.memory_space<semaphore_mem>> -> memref<1x!tpu.dma_semaphore, #tpu.memory_space<semaphore_mem>>
        %dma_wait3A_159 = tpu.memref_squeeze %dma_wait3A_158 : memref<1x!tpu.dma_semaphore, #tpu.memory_space<semaphore_mem>> -> memref<!tpu.dma_semaphore, #tpu.memory_space<semaphore_mem>>
        tpu.wait_indirect_dma semaphore(%dma_wait3A_159 : memref<!tpu.dma_semaphore, #tpu.memory_space<semaphore_mem>>) src(%arg8 : memref<80x16xf32, #tpu.memory_space<vmem>>) dst(%dma_wait3A_157 : memref<10240x16xf32, #tpu.memory_space<vmem_shared>>)
      } else {
      }
      %lt3A_59 = arith.constant 125 : i32
      %lt3A_60 = arith.cmpi slt, %add3A_55, %lt3A_59 : i32
      %convert_element_type3A_61 = arith.extui %lt3A_60 : i1 to i32
      %cond3A_62 = arith.constant 0 : i32
      %cond3A_63 = arith.cmpi ne, %convert_element_type3A_61, %cond3A_62 : i32
      scf.if %cond3A_63 {
        %mul3A_154 = arith.constant 10000 : i32
        %mul3A_155 = arith.muli %add3A, %mul3A_154 : i32
        %mul3A_156 = arith.constant 80 : i32
        %mul3A_157 = arith.muli %add3A_55, %mul3A_156 : i32
        %add3A_158 = arith.addi %mul3A_155, %mul3A_157 : i32
        %dma_start3A = arith.constant 0 : i32
        %dma_start3A_159 = tpu.memref_slice %arg2[%add3A_158] : memref<320000xi32, #tpu.memory_space<hbm>> -> memref<80xi32, #tpu.memory_space<hbm>>
        %dma_start3A_160 = tpu.memref_slice %arg11[%dma_start3A] : memref<4x!tpu.dma_semaphore, #tpu.memory_space<semaphore_mem>> -> memref<1x!tpu.dma_semaphore, #tpu.memory_space<semaphore_mem>>
        %dma_start3A_161 = tpu.memref_squeeze %dma_start3A_160 : memref<1x!tpu.dma_semaphore, #tpu.memory_space<semaphore_mem>> -> memref<!tpu.dma_semaphore, #tpu.memory_space<semaphore_mem>>
        %dma_start3A_162 = tpu.memref_slice %arg2[%add3A_158] : memref<320000xi32, #tpu.memory_space<hbm>> -> memref<80xi32, #tpu.memory_space<hbm>>
        tpu.enqueue_dma source(%dma_start3A_162 : memref<80xi32, #tpu.memory_space<hbm>>) target(%arg4 : memref<80xi32, #tpu.memory_space<vmem>>) target_semaphore(%dma_start3A_161 : memref<!tpu.dma_semaphore, #tpu.memory_space<semaphore_mem>>)
      } else {
      }
      %sub3A = arith.constant 2 : i32
      %sub3A_64 = arith.subi %add3A_55, %sub3A : i32
      %ge3A_65 = arith.constant 0 : i32
      %ge3A_66 = arith.cmpi sge, %sub3A_64, %ge3A_65 : i32
      %lt3A_67 = arith.constant 125 : i32
      %lt3A_68 = arith.cmpi slt, %sub3A_64, %lt3A_67 : i32
      %and3A_69 = arith.andi %ge3A_66, %lt3A_68 : i1
      %convert_element_type3A_70 = arith.extui %and3A_69 : i1 to i32
      %cond3A_71 = arith.constant 0 : i32
      %cond3A_72 = arith.cmpi ne, %convert_element_type3A_70, %cond3A_71 : i32
      scf.if %cond3A_72 {
        %dma_wait3A_154 = arith.constant 2 : i32
        %dma_wait3A_155 = arith.constant 0 : i32
        %dma_wait3A_156 = tpu.memref_slice %arg2[%dma_wait3A_155] : memref<320000xi32, #tpu.memory_space<hbm>> -> memref<80xi32, #tpu.memory_space<hbm>>
        %dma_wait3A_157 = tpu.memref_slice %arg11[%dma_wait3A_154] : memref<4x!tpu.dma_semaphore, #tpu.memory_space<semaphore_mem>> -> memref<1x!tpu.dma_semaphore, #tpu.memory_space<semaphore_mem>>
        %dma_wait3A_158 = tpu.memref_squeeze %dma_wait3A_157 : memref<1x!tpu.dma_semaphore, #tpu.memory_space<semaphore_mem>> -> memref<!tpu.dma_semaphore, #tpu.memory_space<semaphore_mem>>
        %dma_wait3A_159 = arith.constant 0 : i32
        %dma_wait3A_160 = tpu.memref_slice %arg2[%dma_wait3A_159] : memref<320000xi32, #tpu.memory_space<hbm>> -> memref<80xi32, #tpu.memory_space<hbm>>
        tpu.wait_dma2 semaphore(%dma_wait3A_158 : memref<!tpu.dma_semaphore, #tpu.memory_space<semaphore_mem>>) src(%dma_wait3A_160 : memref<80xi32, #tpu.memory_space<hbm>>) dst(%arg6 : memref<80xi32, #tpu.memory_space<vmem>>)
        %dma_start3A = arith.constant 2 : i32
        %dma_start3A_161 = arith.constant 0 : i32
        %dma_start3A_162 = arith.constant 0 : i32
        %dma_start3A_163 = tpu.memref_slice %arg10[%dma_start3A_161, %dma_start3A_162] : memref<10240x16xf32, #tpu.memory_space<vmem_shared>> -> memref<10240x16xf32, #tpu.memory_space<vmem_shared>>
        %dma_start3A_164 = tpu.memref_slice %arg12[%dma_start3A] : memref<4x!tpu.dma_semaphore, #tpu.memory_space<semaphore_mem>> -> memref<1x!tpu.dma_semaphore, #tpu.memory_space<semaphore_mem>>
        %dma_start3A_165 = tpu.memref_squeeze %dma_start3A_164 : memref<1x!tpu.dma_semaphore, #tpu.memory_space<semaphore_mem>> -> memref<!tpu.dma_semaphore, #tpu.memory_space<semaphore_mem>>
        tpu.enqueue_indirect_dma source(%arg8 : memref<80x16xf32, #tpu.memory_space<vmem>>) target(%dma_start3A_163 : memref<10240x16xf32, #tpu.memory_space<vmem_shared>>) offsets(%arg6 : memref<80xi32, #tpu.memory_space<vmem>>) semaphore(%dma_start3A_165 : memref<!tpu.dma_semaphore, #tpu.memory_space<semaphore_mem>>) {add = true}
      } else {
      }
      %mul3A_73 = arith.constant 4 : i32
      %mul3A_74 = arith.muli %scan3A_51, %mul3A_73 : i32
      %add3A_75 = arith.constant 1 : i32
      %add3A_76 = arith.addi %mul3A_74, %add3A_75 : i32
      %ge3A_77 = arith.constant 4 : i32
      %ge3A_78 = arith.cmpi sge, %add3A_76, %ge3A_77 : i32
      %lt3A_79 = arith.constant 125 : i32
      %lt3A_80 = arith.cmpi slt, %add3A_76, %lt3A_79 : i32
      %and3A_81 = arith.andi %ge3A_78, %lt3A_80 : i1
      %convert_element_type3A_82 = arith.extui %and3A_81 : i1 to i32
      %cond3A_83 = arith.constant 0 : i32
      %cond3A_84 = arith.cmpi ne, %convert_element_type3A_82, %cond3A_83 : i32
      scf.if %cond3A_84 {
        %dma_wait3A_154 = arith.constant 1 : i32
        %dma_wait3A_155 = arith.constant 0 : i32
        %dma_wait3A_156 = arith.constant 0 : i32
        %dma_wait3A_157 = tpu.memref_slice %arg10[%dma_wait3A_155, %dma_wait3A_156] : memref<10240x16xf32, #tpu.memory_space<vmem_shared>> -> memref<10240x16xf32, #tpu.memory_space<vmem_shared>>
        %dma_wait3A_158 = tpu.memref_slice %arg12[%dma_wait3A_154] : memref<4x!tpu.dma_semaphore, #tpu.memory_space<semaphore_mem>> -> memref<1x!tpu.dma_semaphore, #tpu.memory_space<semaphore_mem>>
        %dma_wait3A_159 = tpu.memref_squeeze %dma_wait3A_158 : memref<1x!tpu.dma_semaphore, #tpu.memory_space<semaphore_mem>> -> memref<!tpu.dma_semaphore, #tpu.memory_space<semaphore_mem>>
        tpu.wait_indirect_dma semaphore(%dma_wait3A_159 : memref<!tpu.dma_semaphore, #tpu.memory_space<semaphore_mem>>) src(%arg8 : memref<80x16xf32, #tpu.memory_space<vmem>>) dst(%dma_wait3A_157 : memref<10240x16xf32, #tpu.memory_space<vmem_shared>>)
      } else {
      }
      %lt3A_85 = arith.constant 125 : i32
      %lt3A_86 = arith.cmpi slt, %add3A_76, %lt3A_85 : i32
      %convert_element_type3A_87 = arith.extui %lt3A_86 : i1 to i32
      %cond3A_88 = arith.constant 0 : i32
      %cond3A_89 = arith.cmpi ne, %convert_element_type3A_87, %cond3A_88 : i32
      scf.if %cond3A_89 {
        %mul3A_154 = arith.constant 10000 : i32
        %mul3A_155 = arith.muli %add3A, %mul3A_154 : i32
        %mul3A_156 = arith.constant 80 : i32
        %mul3A_157 = arith.muli %add3A_76, %mul3A_156 : i32
        %add3A_158 = arith.addi %mul3A_155, %mul3A_157 : i32
        %dma_start3A = arith.constant 1 : i32
        %dma_start3A_159 = tpu.memref_slice %arg2[%add3A_158] : memref<320000xi32, #tpu.memory_space<hbm>> -> memref<80xi32, #tpu.memory_space<hbm>>
        %dma_start3A_160 = tpu.memref_slice %arg11[%dma_start3A] : memref<4x!tpu.dma_semaphore, #tpu.memory_space<semaphore_mem>> -> memref<1x!tpu.dma_semaphore, #tpu.memory_space<semaphore_mem>>
        %dma_start3A_161 = tpu.memref_squeeze %dma_start3A_160 : memref<1x!tpu.dma_semaphore, #tpu.memory_space<semaphore_mem>> -> memref<!tpu.dma_semaphore, #tpu.memory_space<semaphore_mem>>
        %dma_start3A_162 = tpu.memref_slice %arg2[%add3A_158] : memref<320000xi32, #tpu.memory_space<hbm>> -> memref<80xi32, #tpu.memory_space<hbm>>
        tpu.enqueue_dma source(%dma_start3A_162 : memref<80xi32, #tpu.memory_space<hbm>>) target(%arg5 : memref<80xi32, #tpu.memory_space<vmem>>) target_semaphore(%dma_start3A_161 : memref<!tpu.dma_semaphore, #tpu.memory_space<semaphore_mem>>)
      } else {
      }
      %sub3A_90 = arith.constant 2 : i32
      %sub3A_91 = arith.subi %add3A_76, %sub3A_90 : i32
      %ge3A_92 = arith.constant 0 : i32
      %ge3A_93 = arith.cmpi sge, %sub3A_91, %ge3A_92 : i32
      %lt3A_94 = arith.constant 125 : i32
      %lt3A_95 = arith.cmpi slt, %sub3A_91, %lt3A_94 : i32
      %and3A_96 = arith.andi %ge3A_93, %lt3A_95 : i1
      %convert_element_type3A_97 = arith.extui %and3A_96 : i1 to i32
      %cond3A_98 = arith.constant 0 : i32
      %cond3A_99 = arith.cmpi ne, %convert_element_type3A_97, %cond3A_98 : i32
      scf.if %cond3A_99 {
        %dma_wait3A_154 = arith.constant 3 : i32
        %dma_wait3A_155 = arith.constant 0 : i32
        %dma_wait3A_156 = tpu.memref_slice %arg2[%dma_wait3A_155] : memref<320000xi32, #tpu.memory_space<hbm>> -> memref<80xi32, #tpu.memory_space<hbm>>
        %dma_wait3A_157 = tpu.memref_slice %arg11[%dma_wait3A_154] : memref<4x!tpu.dma_semaphore, #tpu.memory_space<semaphore_mem>> -> memref<1x!tpu.dma_semaphore, #tpu.memory_space<semaphore_mem>>
        %dma_wait3A_158 = tpu.memref_squeeze %dma_wait3A_157 : memref<1x!tpu.dma_semaphore, #tpu.memory_space<semaphore_mem>> -> memref<!tpu.dma_semaphore, #tpu.memory_space<semaphore_mem>>
        %dma_wait3A_159 = arith.constant 0 : i32
        %dma_wait3A_160 = tpu.memref_slice %arg2[%dma_wait3A_159] : memref<320000xi32, #tpu.memory_space<hbm>> -> memref<80xi32, #tpu.memory_space<hbm>>
        tpu.wait_dma2 semaphore(%dma_wait3A_158 : memref<!tpu.dma_semaphore, #tpu.memory_space<semaphore_mem>>) src(%dma_wait3A_160 : memref<80xi32, #tpu.memory_space<hbm>>) dst(%arg7 : memref<80xi32, #tpu.memory_space<vmem>>)
        %dma_start3A = arith.constant 3 : i32
        %dma_start3A_161 = arith.constant 0 : i32
        %dma_start3A_162 = arith.constant 0 : i32
        %dma_start3A_163 = tpu.memref_slice %arg10[%dma_start3A_161, %dma_start3A_162] : memref<10240x16xf32, #tpu.memory_space<vmem_shared>> -> memref<10240x16xf32, #tpu.memory_space<vmem_shared>>
        %dma_start3A_164 = tpu.memref_slice %arg12[%dma_start3A] : memref<4x!tpu.dma_semaphore, #tpu.memory_space<semaphore_mem>> -> memref<1x!tpu.dma_semaphore, #tpu.memory_space<semaphore_mem>>
        %dma_start3A_165 = tpu.memref_squeeze %dma_start3A_164 : memref<1x!tpu.dma_semaphore, #tpu.memory_space<semaphore_mem>> -> memref<!tpu.dma_semaphore, #tpu.memory_space<semaphore_mem>>
        tpu.enqueue_indirect_dma source(%arg8 : memref<80x16xf32, #tpu.memory_space<vmem>>) target(%dma_start3A_163 : memref<10240x16xf32, #tpu.memory_space<vmem_shared>>) offsets(%arg7 : memref<80xi32, #tpu.memory_space<vmem>>) semaphore(%dma_start3A_165 : memref<!tpu.dma_semaphore, #tpu.memory_space<semaphore_mem>>) {add = true}
      } else {
      }
      %mul3A_100 = arith.constant 4 : i32
      %mul3A_101 = arith.muli %scan3A_51, %mul3A_100 : i32
      %add3A_102 = arith.constant 2 : i32
      %add3A_103 = arith.addi %mul3A_101, %add3A_102 : i32
      %ge3A_104 = arith.constant 4 : i32
      %ge3A_105 = arith.cmpi sge, %add3A_103, %ge3A_104 : i32
      %lt3A_106 = arith.constant 125 : i32
      %lt3A_107 = arith.cmpi slt, %add3A_103, %lt3A_106 : i32
      %and3A_108 = arith.andi %ge3A_105, %lt3A_107 : i1
      %convert_element_type3A_109 = arith.extui %and3A_108 : i1 to i32
      %cond3A_110 = arith.constant 0 : i32
      %cond3A_111 = arith.cmpi ne, %convert_element_type3A_109, %cond3A_110 : i32
      scf.if %cond3A_111 {
        %dma_wait3A_154 = arith.constant 2 : i32
        %dma_wait3A_155 = arith.constant 0 : i32
        %dma_wait3A_156 = arith.constant 0 : i32
        %dma_wait3A_157 = tpu.memref_slice %arg10[%dma_wait3A_155, %dma_wait3A_156] : memref<10240x16xf32, #tpu.memory_space<vmem_shared>> -> memref<10240x16xf32, #tpu.memory_space<vmem_shared>>
        %dma_wait3A_158 = tpu.memref_slice %arg12[%dma_wait3A_154] : memref<4x!tpu.dma_semaphore, #tpu.memory_space<semaphore_mem>> -> memref<1x!tpu.dma_semaphore, #tpu.memory_space<semaphore_mem>>
        %dma_wait3A_159 = tpu.memref_squeeze %dma_wait3A_158 : memref<1x!tpu.dma_semaphore, #tpu.memory_space<semaphore_mem>> -> memref<!tpu.dma_semaphore, #tpu.memory_space<semaphore_mem>>
        tpu.wait_indirect_dma semaphore(%dma_wait3A_159 : memref<!tpu.dma_semaphore, #tpu.memory_space<semaphore_mem>>) src(%arg8 : memref<80x16xf32, #tpu.memory_space<vmem>>) dst(%dma_wait3A_157 : memref<10240x16xf32, #tpu.memory_space<vmem_shared>>)
      } else {
      }
      %lt3A_112 = arith.constant 125 : i32
      %lt3A_113 = arith.cmpi slt, %add3A_103, %lt3A_112 : i32
      %convert_element_type3A_114 = arith.extui %lt3A_113 : i1 to i32
      %cond3A_115 = arith.constant 0 : i32
      %cond3A_116 = arith.cmpi ne, %convert_element_type3A_114, %cond3A_115 : i32
      scf.if %cond3A_116 {
        %mul3A_154 = arith.constant 10000 : i32
        %mul3A_155 = arith.muli %add3A, %mul3A_154 : i32
        %mul3A_156 = arith.constant 80 : i32
        %mul3A_157 = arith.muli %add3A_103, %mul3A_156 : i32
        %add3A_158 = arith.addi %mul3A_155, %mul3A_157 : i32
        %dma_start3A = arith.constant 2 : i32
        %dma_start3A_159 = tpu.memref_slice %arg2[%add3A_158] : memref<320000xi32, #tpu.memory_space<hbm>> -> memref<80xi32, #tpu.memory_space<hbm>>
        %dma_start3A_160 = tpu.memref_slice %arg11[%dma_start3A] : memref<4x!tpu.dma_semaphore, #tpu.memory_space<semaphore_mem>> -> memref<1x!tpu.dma_semaphore, #tpu.memory_space<semaphore_mem>>
        %dma_start3A_161 = tpu.memref_squeeze %dma_start3A_160 : memref<1x!tpu.dma_semaphore, #tpu.memory_space<semaphore_mem>> -> memref<!tpu.dma_semaphore, #tpu.memory_space<semaphore_mem>>
        %dma_start3A_162 = tpu.memref_slice %arg2[%add3A_158] : memref<320000xi32, #tpu.memory_space<hbm>> -> memref<80xi32, #tpu.memory_space<hbm>>
        tpu.enqueue_dma source(%dma_start3A_162 : memref<80xi32, #tpu.memory_space<hbm>>) target(%arg6 : memref<80xi32, #tpu.memory_space<vmem>>) target_semaphore(%dma_start3A_161 : memref<!tpu.dma_semaphore, #tpu.memory_space<semaphore_mem>>)
      } else {
      }
      %sub3A_117 = arith.constant 2 : i32
      %sub3A_118 = arith.subi %add3A_103, %sub3A_117 : i32
      %ge3A_119 = arith.constant 0 : i32
      %ge3A_120 = arith.cmpi sge, %sub3A_118, %ge3A_119 : i32
      %lt3A_121 = arith.constant 125 : i32
      %lt3A_122 = arith.cmpi slt, %sub3A_118, %lt3A_121 : i32
      %and3A_123 = arith.andi %ge3A_120, %lt3A_122 : i1
      %convert_element_type3A_124 = arith.extui %and3A_123 : i1 to i32
      %cond3A_125 = arith.constant 0 : i32
      %cond3A_126 = arith.cmpi ne, %convert_element_type3A_124, %cond3A_125 : i32
      scf.if %cond3A_126 {
        %dma_wait3A_154 = arith.constant 0 : i32
        %dma_wait3A_155 = arith.constant 0 : i32
        %dma_wait3A_156 = tpu.memref_slice %arg2[%dma_wait3A_155] : memref<320000xi32, #tpu.memory_space<hbm>> -> memref<80xi32, #tpu.memory_space<hbm>>
        %dma_wait3A_157 = tpu.memref_slice %arg11[%dma_wait3A_154] : memref<4x!tpu.dma_semaphore, #tpu.memory_space<semaphore_mem>> -> memref<1x!tpu.dma_semaphore, #tpu.memory_space<semaphore_mem>>
        %dma_wait3A_158 = tpu.memref_squeeze %dma_wait3A_157 : memref<1x!tpu.dma_semaphore, #tpu.memory_space<semaphore_mem>> -> memref<!tpu.dma_semaphore, #tpu.memory_space<semaphore_mem>>
        %dma_wait3A_159 = arith.constant 0 : i32
        %dma_wait3A_160 = tpu.memref_slice %arg2[%dma_wait3A_159] : memref<320000xi32, #tpu.memory_space<hbm>> -> memref<80xi32, #tpu.memory_space<hbm>>
        tpu.wait_dma2 semaphore(%dma_wait3A_158 : memref<!tpu.dma_semaphore, #tpu.memory_space<semaphore_mem>>) src(%dma_wait3A_160 : memref<80xi32, #tpu.memory_space<hbm>>) dst(%arg4 : memref<80xi32, #tpu.memory_space<vmem>>)
        %dma_start3A = arith.constant 0 : i32
        %dma_start3A_161 = arith.constant 0 : i32
        %dma_start3A_162 = arith.constant 0 : i32
        %dma_start3A_163 = tpu.memref_slice %arg10[%dma_start3A_161, %dma_start3A_162] : memref<10240x16xf32, #tpu.memory_space<vmem_shared>> -> memref<10240x16xf32, #tpu.memory_space<vmem_shared>>
        %dma_start3A_164 = tpu.memref_slice %arg12[%dma_start3A] : memref<4x!tpu.dma_semaphore, #tpu.memory_space<semaphore_mem>> -> memref<1x!tpu.dma_semaphore, #tpu.memory_space<semaphore_mem>>
        %dma_start3A_165 = tpu.memref_squeeze %dma_start3A_164 : memref<1x!tpu.dma_semaphore, #tpu.memory_space<semaphore_mem>> -> memref<!tpu.dma_semaphore, #tpu.memory_space<semaphore_mem>>
        tpu.enqueue_indirect_dma source(%arg8 : memref<80x16xf32, #tpu.memory_space<vmem>>) target(%dma_start3A_163 : memref<10240x16xf32, #tpu.memory_space<vmem_shared>>) offsets(%arg4 : memref<80xi32, #tpu.memory_space<vmem>>) semaphore(%dma_start3A_165 : memref<!tpu.dma_semaphore, #tpu.memory_space<semaphore_mem>>) {add = true}
      } else {
      }
      %mul3A_127 = arith.constant 4 : i32
      %mul3A_128 = arith.muli %scan3A_51, %mul3A_127 : i32
      %add3A_129 = arith.constant 3 : i32
      %add3A_130 = arith.addi %mul3A_128, %add3A_129 : i32
      %ge3A_131 = arith.constant 4 : i32
      %ge3A_132 = arith.cmpi sge, %add3A_130, %ge3A_131 : i32
      %lt3A_133 = arith.constant 125 : i32
      %lt3A_134 = arith.cmpi slt, %add3A_130, %lt3A_133 : i32
      %and3A_135 = arith.andi %ge3A_132, %lt3A_134 : i1
      %convert_element_type3A_136 = arith.extui %and3A_135 : i1 to i32
      %cond3A_137 = arith.constant 0 : i32
      %cond3A_138 = arith.cmpi ne, %convert_element_type3A_136, %cond3A_137 : i32
      scf.if %cond3A_138 {
        %dma_wait3A_154 = arith.constant 3 : i32
        %dma_wait3A_155 = arith.constant 0 : i32
        %dma_wait3A_156 = arith.constant 0 : i32
        %dma_wait3A_157 = tpu.memref_slice %arg10[%dma_wait3A_155, %dma_wait3A_156] : memref<10240x16xf32, #tpu.memory_space<vmem_shared>> -> memref<10240x16xf32, #tpu.memory_space<vmem_shared>>
        %dma_wait3A_158 = tpu.memref_slice %arg12[%dma_wait3A_154] : memref<4x!tpu.dma_semaphore, #tpu.memory_space<semaphore_mem>> -> memref<1x!tpu.dma_semaphore, #tpu.memory_space<semaphore_mem>>
        %dma_wait3A_159 = tpu.memref_squeeze %dma_wait3A_158 : memref<1x!tpu.dma_semaphore, #tpu.memory_space<semaphore_mem>> -> memref<!tpu.dma_semaphore, #tpu.memory_space<semaphore_mem>>
        tpu.wait_indirect_dma semaphore(%dma_wait3A_159 : memref<!tpu.dma_semaphore, #tpu.memory_space<semaphore_mem>>) src(%arg8 : memref<80x16xf32, #tpu.memory_space<vmem>>) dst(%dma_wait3A_157 : memref<10240x16xf32, #tpu.memory_space<vmem_shared>>)
      } else {
      }
      %lt3A_139 = arith.constant 125 : i32
      %lt3A_140 = arith.cmpi slt, %add3A_130, %lt3A_139 : i32
      %convert_element_type3A_141 = arith.extui %lt3A_140 : i1 to i32
      %cond3A_142 = arith.constant 0 : i32
      %cond3A_143 = arith.cmpi ne, %convert_element_type3A_141, %cond3A_142 : i32
      scf.if %cond3A_143 {
        %mul3A_154 = arith.constant 10000 : i32
        %mul3A_155 = arith.muli %add3A, %mul3A_154 : i32
        %mul3A_156 = arith.constant 80 : i32
        %mul3A_157 = arith.muli %add3A_130, %mul3A_156 : i32
        %add3A_158 = arith.addi %mul3A_155, %mul3A_157 : i32
        %dma_start3A = arith.constant 3 : i32
        %dma_start3A_159 = tpu.memref_slice %arg2[%add3A_158] : memref<320000xi32, #tpu.memory_space<hbm>> -> memref<80xi32, #tpu.memory_space<hbm>>
        %dma_start3A_160 = tpu.memref_slice %arg11[%dma_start3A] : memref<4x!tpu.dma_semaphore, #tpu.memory_space<semaphore_mem>> -> memref<1x!tpu.dma_semaphore, #tpu.memory_space<semaphore_mem>>
        %dma_start3A_161 = tpu.memref_squeeze %dma_start3A_160 : memref<1x!tpu.dma_semaphore, #tpu.memory_space<semaphore_mem>> -> memref<!tpu.dma_semaphore, #tpu.memory_space<semaphore_mem>>
        %dma_start3A_162 = tpu.memref_slice %arg2[%add3A_158] : memref<320000xi32, #tpu.memory_space<hbm>> -> memref<80xi32, #tpu.memory_space<hbm>>
        tpu.enqueue_dma source(%dma_start3A_162 : memref<80xi32, #tpu.memory_space<hbm>>) target(%arg7 : memref<80xi32, #tpu.memory_space<vmem>>) target_semaphore(%dma_start3A_161 : memref<!tpu.dma_semaphore, #tpu.memory_space<semaphore_mem>>)
      } else {
      }
      %sub3A_144 = arith.constant 2 : i32
      %sub3A_145 = arith.subi %add3A_130, %sub3A_144 : i32
      %ge3A_146 = arith.constant 0 : i32
      %ge3A_147 = arith.cmpi sge, %sub3A_145, %ge3A_146 : i32
      %lt3A_148 = arith.constant 125 : i32
      %lt3A_149 = arith.cmpi slt, %sub3A_145, %lt3A_148 : i32
      %and3A_150 = arith.andi %ge3A_147, %lt3A_149 : i1
      %convert_element_type3A_151 = arith.extui %and3A_150 : i1 to i32
      %cond3A_152 = arith.constant 0 : i32
      %cond3A_153 = arith.cmpi ne, %convert_element_type3A_151, %cond3A_152 : i32
      scf.if %cond3A_153 {
        %dma_wait3A_154 = arith.constant 1 : i32
        %dma_wait3A_155 = arith.constant 0 : i32
        %dma_wait3A_156 = tpu.memref_slice %arg2[%dma_wait3A_155] : memref<320000xi32, #tpu.memory_space<hbm>> -> memref<80xi32, #tpu.memory_space<hbm>>
        %dma_wait3A_157 = tpu.memref_slice %arg11[%dma_wait3A_154] : memref<4x!tpu.dma_semaphore, #tpu.memory_space<semaphore_mem>> -> memref<1x!tpu.dma_semaphore, #tpu.memory_space<semaphore_mem>>
        %dma_wait3A_158 = tpu.memref_squeeze %dma_wait3A_157 : memref<1x!tpu.dma_semaphore, #tpu.memory_space<semaphore_mem>> -> memref<!tpu.dma_semaphore, #tpu.memory_space<semaphore_mem>>
        %dma_wait3A_159 = arith.constant 0 : i32
        %dma_wait3A_160 = tpu.memref_slice %arg2[%dma_wait3A_159] : memref<320000xi32, #tpu.memory_space<hbm>> -> memref<80xi32, #tpu.memory_space<hbm>>
        tpu.wait_dma2 semaphore(%dma_wait3A_158 : memref<!tpu.dma_semaphore, #tpu.memory_space<semaphore_mem>>) src(%dma_wait3A_160 : memref<80xi32, #tpu.memory_space<hbm>>) dst(%arg5 : memref<80xi32, #tpu.memory_space<vmem>>)
        %dma_start3A = arith.constant 1 : i32
        %dma_start3A_161 = arith.constant 0 : i32
        %dma_start3A_162 = arith.constant 0 : i32
        %dma_start3A_163 = tpu.memref_slice %arg10[%dma_start3A_161, %dma_start3A_162] : memref<10240x16xf32, #tpu.memory_space<vmem_shared>> -> memref<10240x16xf32, #tpu.memory_space<vmem_shared>>
        %dma_start3A_164 = tpu.memref_slice %arg12[%dma_start3A] : memref<4x!tpu.dma_semaphore, #tpu.memory_space<semaphore_mem>> -> memref<1x!tpu.dma_semaphore, #tpu.memory_space<semaphore_mem>>
        %dma_start3A_165 = tpu.memref_squeeze %dma_start3A_164 : memref<1x!tpu.dma_semaphore, #tpu.memory_space<semaphore_mem>> -> memref<!tpu.dma_semaphore, #tpu.memory_space<semaphore_mem>>
        tpu.enqueue_indirect_dma source(%arg8 : memref<80x16xf32, #tpu.memory_space<vmem>>) target(%dma_start3A_163 : memref<10240x16xf32, #tpu.memory_space<vmem_shared>>) offsets(%arg5 : memref<80xi32, #tpu.memory_space<vmem>>) semaphore(%dma_start3A_165 : memref<!tpu.dma_semaphore, #tpu.memory_space<semaphore_mem>>) {add = true}
      } else {
      }
    }
    %scan3A_22 = arith.constant 32 : i32
    %dma_wait3A = arith.constant 0 : i32
    %dma_wait3A_23 = arith.constant 0 : i32
    %dma_wait3A_24 = arith.constant 0 : i32
    %dma_wait3A_25 = tpu.memref_slice %arg10[%dma_wait3A_23, %dma_wait3A_24] : memref<10240x16xf32, #tpu.memory_space<vmem_shared>> -> memref<10240x16xf32, #tpu.memory_space<vmem_shared>>
    %dma_wait3A_26 = tpu.memref_slice %arg12[%dma_wait3A] : memref<4x!tpu.dma_semaphore, #tpu.memory_space<semaphore_mem>> -> memref<1x!tpu.dma_semaphore, #tpu.memory_space<semaphore_mem>>
    %dma_wait3A_27 = tpu.memref_squeeze %dma_wait3A_26 : memref<1x!tpu.dma_semaphore, #tpu.memory_space<semaphore_mem>> -> memref<!tpu.dma_semaphore, #tpu.memory_space<semaphore_mem>>
    tpu.wait_indirect_dma semaphore(%dma_wait3A_27 : memref<!tpu.dma_semaphore, #tpu.memory_space<semaphore_mem>>) src(%arg8 : memref<80x16xf32, #tpu.memory_space<vmem>>) dst(%dma_wait3A_25 : memref<10240x16xf32, #tpu.memory_space<vmem_shared>>)
    %dma_wait3A_28 = arith.constant 1 : i32
    %dma_wait3A_29 = arith.constant 0 : i32
    %dma_wait3A_30 = arith.constant 0 : i32
    %dma_wait3A_31 = tpu.memref_slice %arg10[%dma_wait3A_29, %dma_wait3A_30] : memref<10240x16xf32, #tpu.memory_space<vmem_shared>> -> memref<10240x16xf32, #tpu.memory_space<vmem_shared>>
    %dma_wait3A_32 = tpu.memref_slice %arg12[%dma_wait3A_28] : memref<4x!tpu.dma_semaphore, #tpu.memory_space<semaphore_mem>> -> memref<1x!tpu.dma_semaphore, #tpu.memory_space<semaphore_mem>>
    %dma_wait3A_33 = tpu.memref_squeeze %dma_wait3A_32 : memref<1x!tpu.dma_semaphore, #tpu.memory_space<semaphore_mem>> -> memref<!tpu.dma_semaphore, #tpu.memory_space<semaphore_mem>>
    tpu.wait_indirect_dma semaphore(%dma_wait3A_33 : memref<!tpu.dma_semaphore, #tpu.memory_space<semaphore_mem>>) src(%arg8 : memref<80x16xf32, #tpu.memory_space<vmem>>) dst(%dma_wait3A_31 : memref<10240x16xf32, #tpu.memory_space<vmem_shared>>)
    %dma_wait3A_34 = arith.constant 2 : i32
    %dma_wait3A_35 = arith.constant 0 : i32
    %dma_wait3A_36 = arith.constant 0 : i32
    %dma_wait3A_37 = tpu.memref_slice %arg10[%dma_wait3A_35, %dma_wait3A_36] : memref<10240x16xf32, #tpu.memory_space<vmem_shared>> -> memref<10240x16xf32, #tpu.memory_space<vmem_shared>>
    %dma_wait3A_38 = tpu.memref_slice %arg12[%dma_wait3A_34] : memref<4x!tpu.dma_semaphore, #tpu.memory_space<semaphore_mem>> -> memref<1x!tpu.dma_semaphore, #tpu.memory_space<semaphore_mem>>
    %dma_wait3A_39 = tpu.memref_squeeze %dma_wait3A_38 : memref<1x!tpu.dma_semaphore, #tpu.memory_space<semaphore_mem>> -> memref<!tpu.dma_semaphore, #tpu.memory_space<semaphore_mem>>
    tpu.wait_indirect_dma semaphore(%dma_wait3A_39 : memref<!tpu.dma_semaphore, #tpu.memory_space<semaphore_mem>>) src(%arg8 : memref<80x16xf32, #tpu.memory_space<vmem>>) dst(%dma_wait3A_37 : memref<10240x16xf32, #tpu.memory_space<vmem_shared>>)
    %dma_wait3A_40 = arith.constant 3 : i32
    %dma_wait3A_41 = arith.constant 0 : i32
    %dma_wait3A_42 = arith.constant 0 : i32
    %dma_wait3A_43 = tpu.memref_slice %arg10[%dma_wait3A_41, %dma_wait3A_42] : memref<10240x16xf32, #tpu.memory_space<vmem_shared>> -> memref<10240x16xf32, #tpu.memory_space<vmem_shared>>
    %dma_wait3A_44 = tpu.memref_slice %arg12[%dma_wait3A_40] : memref<4x!tpu.dma_semaphore, #tpu.memory_space<semaphore_mem>> -> memref<1x!tpu.dma_semaphore, #tpu.memory_space<semaphore_mem>>
    %dma_wait3A_45 = tpu.memref_squeeze %dma_wait3A_44 : memref<1x!tpu.dma_semaphore, #tpu.memory_space<semaphore_mem>> -> memref<!tpu.dma_semaphore, #tpu.memory_space<semaphore_mem>>
    tpu.wait_indirect_dma semaphore(%dma_wait3A_45 : memref<!tpu.dma_semaphore, #tpu.memory_space<semaphore_mem>>) src(%arg8 : memref<80x16xf32, #tpu.memory_space<vmem>>) dst(%dma_wait3A_43 : memref<10240x16xf32, #tpu.memory_space<vmem_shared>>)
    %barrier3A_46 = arith.constant 0 : index
    tpu.barrier barrier_id(%barrier3A_46)
    %mul3A_47 = arith.constant 640 : i32
    %mul3A_48 = arith.muli %arg1, %mul3A_47 : i32
    %mul3A_49 = arith.constant 640 : i32
    %mul3A_50 = arith.muli %arg1, %mul3A_49 : i32
    "tpu.region"() ({
      %run_scoped3A = tpu.sem_alloc : memref<!tpu.dma_semaphore, #tpu.memory_space<semaphore_mem>>
      %dma_start3A = arith.constant 0 : i32
      %dma_start3A_51 = tpu.memref_slice %arg3[%arg0, %mul3A_50, %dma_start3A] : memref<2x10240x16xf32, #tpu.memory_space<hbm>> -> memref<1x640x16xf32, #tpu.memory_space<hbm>>
      %dma_start3A_52 = tpu.memref_squeeze %dma_start3A_51 : memref<1x640x16xf32, #tpu.memory_space<hbm>> -> memref<640x16xf32, #tpu.memory_space<hbm>>
      %dma_start3A_53 = arith.constant 0 : i32
      %dma_start3A_54 = tpu.memref_slice %arg10[%mul3A_48, %dma_start3A_53] : memref<10240x16xf32, #tpu.memory_space<vmem_shared>> -> memref<640x16xf32, #tpu.memory_space<vmem_shared>>
      tpu.enqueue_dma source(%dma_start3A_54 : memref<640x16xf32, #tpu.memory_space<vmem_shared>>) target(%dma_start3A_52 : memref<640x16xf32, #tpu.memory_space<hbm>>) target_semaphore(%run_scoped3A : memref<!tpu.dma_semaphore, #tpu.memory_space<semaphore_mem>>)
      %dma_wait3A_55 = arith.constant 0 : i32
      %dma_wait3A_56 = tpu.memref_slice %arg3[%arg0, %mul3A_50, %dma_wait3A_55] : memref<2x10240x16xf32, #tpu.memory_space<hbm>> -> memref<1x640x16xf32, #tpu.memory_space<hbm>>
      %dma_wait3A_57 = tpu.memref_squeeze %dma_wait3A_56 : memref<1x640x16xf32, #tpu.memory_space<hbm>> -> memref<640x16xf32, #tpu.memory_space<hbm>>
      %dma_wait3A_58 = arith.constant 0 : i32
      %dma_wait3A_59 = tpu.memref_slice %arg10[%mul3A_48, %dma_wait3A_58] : memref<10240x16xf32, #tpu.memory_space<vmem_shared>> -> memref<640x16xf32, #tpu.memory_space<vmem_shared>>
      tpu.wait_dma2 semaphore(%run_scoped3A : memref<!tpu.dma_semaphore, #tpu.memory_space<semaphore_mem>>) src(%dma_wait3A_59 : memref<640x16xf32, #tpu.memory_space<vmem_shared>>) dst(%dma_wait3A_57 : memref<640x16xf32, #tpu.memory_space<hbm>>)
      tpu.yield
    }) : () -> ()
    return
  }
}

#map = affine_map<(d0, d1) -> (0, 0)>
#map1 = affine_map<(d0, d1) -> (0)>
#map2 = affine_map<(d0, d1) -> (0, 0, 0)>
module attributes {stable_mosaic.version = 14 : i64} {
  func.func @_prop_kernel(%arg0: i32, %arg1: i32, %arg2: memref<10240x128xf32, #tpu.memory_space<hbm>>, %arg3: memref<320000xi32, #tpu.memory_space<hbm>>, %arg4: memref<320000xi32, #tpu.memory_space<hbm>>, %arg5: memref<2x10240x128xf32, #tpu.memory_space<hbm>>, %arg6: memref<80xi32, #tpu.memory_space<vmem>>, %arg7: memref<80xi32, #tpu.memory_space<vmem>>, %arg8: memref<80xi32, #tpu.memory_space<vmem>>, %arg9: memref<80xi32, #tpu.memory_space<vmem>>, %arg10: memref<80xi32, #tpu.memory_space<vmem>>, %arg11: memref<80xi32, #tpu.memory_space<vmem>>, %arg12: memref<80xi32, #tpu.memory_space<vmem>>, %arg13: memref<80xi32, #tpu.memory_space<vmem>>, %arg14: memref<80x128xf32, #tpu.memory_space<vmem>>, %arg15: memref<80x128xf32, #tpu.memory_space<vmem>>, %arg16: memref<80x128xf32, #tpu.memory_space<vmem>>, %arg17: memref<80x128xf32, #tpu.memory_space<vmem>>, %arg18: memref<10240x128xf32, #tpu.memory_space<vmem_shared>>, %arg19: memref<4x!tpu.dma_semaphore, #tpu.memory_space<semaphore_mem>>, %arg20: memref<4x!tpu.dma_semaphore, #tpu.memory_space<semaphore_mem>>, %arg21: memref<4x!tpu.dma_semaphore, #tpu.memory_space<semaphore_mem>>) attributes {dimension_semantics = [#tpu.dimension_semantics<core_parallel>, #tpu.dimension_semantics<subcore_parallel>], iteration_bounds = array<i64: 2, 16>, scalar_prefetch = 0 : i64, scratch_operands = 16 : i64, tpu.core_type = #tpu.core_type<sc_vector_subcore>, window_params = [{transform_indices = #map}, {transform_indices = #map1}, {transform_indices = #map1}, {transform_indices = #map2}]} {
    %mul3A = arith.constant 16 : i32
    %mul3A_0 = arith.muli %arg0, %mul3A : i32
    %add3A = arith.addi %mul3A_0, %arg1 : i32
    %eq3A = arith.constant 0 : i32
    %eq3A_1 = arith.cmpi eq, %arg0, %eq3A : i32
    %convert_element_type3A = arith.extui %eq3A_1 : i1 to i32
    %cond3A = arith.constant 0 : i32
    %cond3A_2 = arith.cmpi ne, %convert_element_type3A, %cond3A : i32
    scf.if %cond3A_2 {
      %mul3A_227 = arith.constant 640 : i32
      %mul3A_228 = arith.muli %arg1, %mul3A_227 : i32
      %add3A_229 = arith.constant 0 : i32
      %add3A_230 = arith.addi %mul3A_228, %add3A_229 : i32
      %dma_start3A_231 = arith.constant 0 : i32
      %dma_start3A_232 = tpu.memref_slice %arg20[%dma_start3A_231] : memref<4x!tpu.dma_semaphore, #tpu.memory_space<semaphore_mem>> -> memref<1x!tpu.dma_semaphore, #tpu.memory_space<semaphore_mem>>
      %dma_start3A_233 = tpu.memref_squeeze %dma_start3A_232 : memref<1x!tpu.dma_semaphore, #tpu.memory_space<semaphore_mem>> -> memref<!tpu.dma_semaphore, #tpu.memory_space<semaphore_mem>>
      %dma_start3A_234 = arith.constant 0 : i32
      %dma_start3A_235 = tpu.memref_slice %arg18[%add3A_230, %dma_start3A_234] : memref<10240x128xf32, #tpu.memory_space<vmem_shared>> -> memref<80x128xf32, #tpu.memory_space<vmem_shared>>
      %dma_start3A_236 = arith.constant 0 : i32
      %dma_start3A_237 = tpu.memref_slice %arg2[%add3A_230, %dma_start3A_236] : memref<10240x128xf32, #tpu.memory_space<hbm>> -> memref<80x128xf32, #tpu.memory_space<hbm>>
      tpu.enqueue_dma source(%dma_start3A_237 : memref<80x128xf32, #tpu.memory_space<hbm>>) target(%dma_start3A_235 : memref<80x128xf32, #tpu.memory_space<vmem_shared>>) target_semaphore(%dma_start3A_233 : memref<!tpu.dma_semaphore, #tpu.memory_space<semaphore_mem>>)
      %mul3A_238 = arith.constant 640 : i32
      %mul3A_239 = arith.muli %arg1, %mul3A_238 : i32
      %add3A_240 = arith.constant 80 : i32
      %add3A_241 = arith.addi %mul3A_239, %add3A_240 : i32
      %dma_start3A_242 = arith.constant 0 : i32
      %dma_start3A_243 = tpu.memref_slice %arg20[%dma_start3A_242] : memref<4x!tpu.dma_semaphore, #tpu.memory_space<semaphore_mem>> -> memref<1x!tpu.dma_semaphore, #tpu.memory_space<semaphore_mem>>
      %dma_start3A_244 = tpu.memref_squeeze %dma_start3A_243 : memref<1x!tpu.dma_semaphore, #tpu.memory_space<semaphore_mem>> -> memref<!tpu.dma_semaphore, #tpu.memory_space<semaphore_mem>>
      %dma_start3A_245 = arith.constant 0 : i32
      %dma_start3A_246 = tpu.memref_slice %arg18[%add3A_241, %dma_start3A_245] : memref<10240x128xf32, #tpu.memory_space<vmem_shared>> -> memref<80x128xf32, #tpu.memory_space<vmem_shared>>
      %dma_start3A_247 = arith.constant 0 : i32
      %dma_start3A_248 = tpu.memref_slice %arg2[%add3A_241, %dma_start3A_247] : memref<10240x128xf32, #tpu.memory_space<hbm>> -> memref<80x128xf32, #tpu.memory_space<hbm>>
      tpu.enqueue_dma source(%dma_start3A_248 : memref<80x128xf32, #tpu.memory_space<hbm>>) target(%dma_start3A_246 : memref<80x128xf32, #tpu.memory_space<vmem_shared>>) target_semaphore(%dma_start3A_244 : memref<!tpu.dma_semaphore, #tpu.memory_space<semaphore_mem>>)
      %mul3A_249 = arith.constant 640 : i32
      %mul3A_250 = arith.muli %arg1, %mul3A_249 : i32
      %add3A_251 = arith.constant 160 : i32
      %add3A_252 = arith.addi %mul3A_250, %add3A_251 : i32
      %dma_start3A_253 = arith.constant 0 : i32
      %dma_start3A_254 = tpu.memref_slice %arg20[%dma_start3A_253] : memref<4x!tpu.dma_semaphore, #tpu.memory_space<semaphore_mem>> -> memref<1x!tpu.dma_semaphore, #tpu.memory_space<semaphore_mem>>
      %dma_start3A_255 = tpu.memref_squeeze %dma_start3A_254 : memref<1x!tpu.dma_semaphore, #tpu.memory_space<semaphore_mem>> -> memref<!tpu.dma_semaphore, #tpu.memory_space<semaphore_mem>>
      %dma_start3A_256 = arith.constant 0 : i32
      %dma_start3A_257 = tpu.memref_slice %arg18[%add3A_252, %dma_start3A_256] : memref<10240x128xf32, #tpu.memory_space<vmem_shared>> -> memref<80x128xf32, #tpu.memory_space<vmem_shared>>
      %dma_start3A_258 = arith.constant 0 : i32
      %dma_start3A_259 = tpu.memref_slice %arg2[%add3A_252, %dma_start3A_258] : memref<10240x128xf32, #tpu.memory_space<hbm>> -> memref<80x128xf32, #tpu.memory_space<hbm>>
      tpu.enqueue_dma source(%dma_start3A_259 : memref<80x128xf32, #tpu.memory_space<hbm>>) target(%dma_start3A_257 : memref<80x128xf32, #tpu.memory_space<vmem_shared>>) target_semaphore(%dma_start3A_255 : memref<!tpu.dma_semaphore, #tpu.memory_space<semaphore_mem>>)
      %mul3A_260 = arith.constant 640 : i32
      %mul3A_261 = arith.muli %arg1, %mul3A_260 : i32
      %add3A_262 = arith.constant 240 : i32
      %add3A_263 = arith.addi %mul3A_261, %add3A_262 : i32
      %dma_start3A_264 = arith.constant 0 : i32
      %dma_start3A_265 = tpu.memref_slice %arg20[%dma_start3A_264] : memref<4x!tpu.dma_semaphore, #tpu.memory_space<semaphore_mem>> -> memref<1x!tpu.dma_semaphore, #tpu.memory_space<semaphore_mem>>
      %dma_start3A_266 = tpu.memref_squeeze %dma_start3A_265 : memref<1x!tpu.dma_semaphore, #tpu.memory_space<semaphore_mem>> -> memref<!tpu.dma_semaphore, #tpu.memory_space<semaphore_mem>>
      %dma_start3A_267 = arith.constant 0 : i32
      %dma_start3A_268 = tpu.memref_slice %arg18[%add3A_263, %dma_start3A_267] : memref<10240x128xf32, #tpu.memory_space<vmem_shared>> -> memref<80x128xf32, #tpu.memory_space<vmem_shared>>
      %dma_start3A_269 = arith.constant 0 : i32
      %dma_start3A_270 = tpu.memref_slice %arg2[%add3A_263, %dma_start3A_269] : memref<10240x128xf32, #tpu.memory_space<hbm>> -> memref<80x128xf32, #tpu.memory_space<hbm>>
      tpu.enqueue_dma source(%dma_start3A_270 : memref<80x128xf32, #tpu.memory_space<hbm>>) target(%dma_start3A_268 : memref<80x128xf32, #tpu.memory_space<vmem_shared>>) target_semaphore(%dma_start3A_266 : memref<!tpu.dma_semaphore, #tpu.memory_space<semaphore_mem>>)
      %mul3A_271 = arith.constant 640 : i32
      %mul3A_272 = arith.muli %arg1, %mul3A_271 : i32
      %add3A_273 = arith.constant 320 : i32
      %add3A_274 = arith.addi %mul3A_272, %add3A_273 : i32
      %dma_start3A_275 = arith.constant 0 : i32
      %dma_start3A_276 = tpu.memref_slice %arg20[%dma_start3A_275] : memref<4x!tpu.dma_semaphore, #tpu.memory_space<semaphore_mem>> -> memref<1x!tpu.dma_semaphore, #tpu.memory_space<semaphore_mem>>
      %dma_start3A_277 = tpu.memref_squeeze %dma_start3A_276 : memref<1x!tpu.dma_semaphore, #tpu.memory_space<semaphore_mem>> -> memref<!tpu.dma_semaphore, #tpu.memory_space<semaphore_mem>>
      %dma_start3A_278 = arith.constant 0 : i32
      %dma_start3A_279 = tpu.memref_slice %arg18[%add3A_274, %dma_start3A_278] : memref<10240x128xf32, #tpu.memory_space<vmem_shared>> -> memref<80x128xf32, #tpu.memory_space<vmem_shared>>
      %dma_start3A_280 = arith.constant 0 : i32
      %dma_start3A_281 = tpu.memref_slice %arg2[%add3A_274, %dma_start3A_280] : memref<10240x128xf32, #tpu.memory_space<hbm>> -> memref<80x128xf32, #tpu.memory_space<hbm>>
      tpu.enqueue_dma source(%dma_start3A_281 : memref<80x128xf32, #tpu.memory_space<hbm>>) target(%dma_start3A_279 : memref<80x128xf32, #tpu.memory_space<vmem_shared>>) target_semaphore(%dma_start3A_277 : memref<!tpu.dma_semaphore, #tpu.memory_space<semaphore_mem>>)
      %mul3A_282 = arith.constant 640 : i32
      %mul3A_283 = arith.muli %arg1, %mul3A_282 : i32
      %add3A_284 = arith.constant 400 : i32
      %add3A_285 = arith.addi %mul3A_283, %add3A_284 : i32
      %dma_start3A_286 = arith.constant 0 : i32
      %dma_start3A_287 = tpu.memref_slice %arg20[%dma_start3A_286] : memref<4x!tpu.dma_semaphore, #tpu.memory_space<semaphore_mem>> -> memref<1x!tpu.dma_semaphore, #tpu.memory_space<semaphore_mem>>
      %dma_start3A_288 = tpu.memref_squeeze %dma_start3A_287 : memref<1x!tpu.dma_semaphore, #tpu.memory_space<semaphore_mem>> -> memref<!tpu.dma_semaphore, #tpu.memory_space<semaphore_mem>>
      %dma_start3A_289 = arith.constant 0 : i32
      %dma_start3A_290 = tpu.memref_slice %arg18[%add3A_285, %dma_start3A_289] : memref<10240x128xf32, #tpu.memory_space<vmem_shared>> -> memref<80x128xf32, #tpu.memory_space<vmem_shared>>
      %dma_start3A_291 = arith.constant 0 : i32
      %dma_start3A_292 = tpu.memref_slice %arg2[%add3A_285, %dma_start3A_291] : memref<10240x128xf32, #tpu.memory_space<hbm>> -> memref<80x128xf32, #tpu.memory_space<hbm>>
      tpu.enqueue_dma source(%dma_start3A_292 : memref<80x128xf32, #tpu.memory_space<hbm>>) target(%dma_start3A_290 : memref<80x128xf32, #tpu.memory_space<vmem_shared>>) target_semaphore(%dma_start3A_288 : memref<!tpu.dma_semaphore, #tpu.memory_space<semaphore_mem>>)
      %mul3A_293 = arith.constant 640 : i32
      %mul3A_294 = arith.muli %arg1, %mul3A_293 : i32
      %add3A_295 = arith.constant 480 : i32
      %add3A_296 = arith.addi %mul3A_294, %add3A_295 : i32
      %dma_start3A_297 = arith.constant 0 : i32
      %dma_start3A_298 = tpu.memref_slice %arg20[%dma_start3A_297] : memref<4x!tpu.dma_semaphore, #tpu.memory_space<semaphore_mem>> -> memref<1x!tpu.dma_semaphore, #tpu.memory_space<semaphore_mem>>
      %dma_start3A_299 = tpu.memref_squeeze %dma_start3A_298 : memref<1x!tpu.dma_semaphore, #tpu.memory_space<semaphore_mem>> -> memref<!tpu.dma_semaphore, #tpu.memory_space<semaphore_mem>>
      %dma_start3A_300 = arith.constant 0 : i32
      %dma_start3A_301 = tpu.memref_slice %arg18[%add3A_296, %dma_start3A_300] : memref<10240x128xf32, #tpu.memory_space<vmem_shared>> -> memref<80x128xf32, #tpu.memory_space<vmem_shared>>
      %dma_start3A_302 = arith.constant 0 : i32
      %dma_start3A_303 = tpu.memref_slice %arg2[%add3A_296, %dma_start3A_302] : memref<10240x128xf32, #tpu.memory_space<hbm>> -> memref<80x128xf32, #tpu.memory_space<hbm>>
      tpu.enqueue_dma source(%dma_start3A_303 : memref<80x128xf32, #tpu.memory_space<hbm>>) target(%dma_start3A_301 : memref<80x128xf32, #tpu.memory_space<vmem_shared>>) target_semaphore(%dma_start3A_299 : memref<!tpu.dma_semaphore, #tpu.memory_space<semaphore_mem>>)
      %mul3A_304 = arith.constant 640 : i32
      %mul3A_305 = arith.muli %arg1, %mul3A_304 : i32
      %add3A_306 = arith.constant 560 : i32
      %add3A_307 = arith.addi %mul3A_305, %add3A_306 : i32
      %dma_start3A_308 = arith.constant 0 : i32
      %dma_start3A_309 = tpu.memref_slice %arg20[%dma_start3A_308] : memref<4x!tpu.dma_semaphore, #tpu.memory_space<semaphore_mem>> -> memref<1x!tpu.dma_semaphore, #tpu.memory_space<semaphore_mem>>
      %dma_start3A_310 = tpu.memref_squeeze %dma_start3A_309 : memref<1x!tpu.dma_semaphore, #tpu.memory_space<semaphore_mem>> -> memref<!tpu.dma_semaphore, #tpu.memory_space<semaphore_mem>>
      %dma_start3A_311 = arith.constant 0 : i32
      %dma_start3A_312 = tpu.memref_slice %arg18[%add3A_307, %dma_start3A_311] : memref<10240x128xf32, #tpu.memory_space<vmem_shared>> -> memref<80x128xf32, #tpu.memory_space<vmem_shared>>
      %dma_start3A_313 = arith.constant 0 : i32
      %dma_start3A_314 = tpu.memref_slice %arg2[%add3A_307, %dma_start3A_313] : memref<10240x128xf32, #tpu.memory_space<hbm>> -> memref<80x128xf32, #tpu.memory_space<hbm>>
      tpu.enqueue_dma source(%dma_start3A_314 : memref<80x128xf32, #tpu.memory_space<hbm>>) target(%dma_start3A_312 : memref<80x128xf32, #tpu.memory_space<vmem_shared>>) target_semaphore(%dma_start3A_310 : memref<!tpu.dma_semaphore, #tpu.memory_space<semaphore_mem>>)
      %mul3A_315 = arith.constant 640 : i32
      %mul3A_316 = arith.muli %arg1, %mul3A_315 : i32
      %add3A_317 = arith.constant 0 : i32
      %add3A_318 = arith.addi %mul3A_316, %add3A_317 : i32
      %dma_wait3A_319 = arith.constant 0 : i32
      %dma_wait3A_320 = tpu.memref_slice %arg20[%dma_wait3A_319] : memref<4x!tpu.dma_semaphore, #tpu.memory_space<semaphore_mem>> -> memref<1x!tpu.dma_semaphore, #tpu.memory_space<semaphore_mem>>
      %dma_wait3A_321 = tpu.memref_squeeze %dma_wait3A_320 : memref<1x!tpu.dma_semaphore, #tpu.memory_space<semaphore_mem>> -> memref<!tpu.dma_semaphore, #tpu.memory_space<semaphore_mem>>
      %dma_wait3A_322 = arith.constant 0 : i32
      %dma_wait3A_323 = tpu.memref_slice %arg18[%add3A_318, %dma_wait3A_322] : memref<10240x128xf32, #tpu.memory_space<vmem_shared>> -> memref<80x128xf32, #tpu.memory_space<vmem_shared>>
      %dma_wait3A_324 = arith.constant 0 : i32
      %dma_wait3A_325 = tpu.memref_slice %arg2[%add3A_318, %dma_wait3A_324] : memref<10240x128xf32, #tpu.memory_space<hbm>> -> memref<80x128xf32, #tpu.memory_space<hbm>>
      tpu.wait_dma2 semaphore(%dma_wait3A_321 : memref<!tpu.dma_semaphore, #tpu.memory_space<semaphore_mem>>) src(%dma_wait3A_325 : memref<80x128xf32, #tpu.memory_space<hbm>>) dst(%dma_wait3A_323 : memref<80x128xf32, #tpu.memory_space<vmem_shared>>)
      %mul3A_326 = arith.constant 640 : i32
      %mul3A_327 = arith.muli %arg1, %mul3A_326 : i32
      %add3A_328 = arith.constant 80 : i32
      %add3A_329 = arith.addi %mul3A_327, %add3A_328 : i32
      %dma_wait3A_330 = arith.constant 0 : i32
      %dma_wait3A_331 = tpu.memref_slice %arg20[%dma_wait3A_330] : memref<4x!tpu.dma_semaphore, #tpu.memory_space<semaphore_mem>> -> memref<1x!tpu.dma_semaphore, #tpu.memory_space<semaphore_mem>>
      %dma_wait3A_332 = tpu.memref_squeeze %dma_wait3A_331 : memref<1x!tpu.dma_semaphore, #tpu.memory_space<semaphore_mem>> -> memref<!tpu.dma_semaphore, #tpu.memory_space<semaphore_mem>>
      %dma_wait3A_333 = arith.constant 0 : i32
      %dma_wait3A_334 = tpu.memref_slice %arg18[%add3A_329, %dma_wait3A_333] : memref<10240x128xf32, #tpu.memory_space<vmem_shared>> -> memref<80x128xf32, #tpu.memory_space<vmem_shared>>
      %dma_wait3A_335 = arith.constant 0 : i32
      %dma_wait3A_336 = tpu.memref_slice %arg2[%add3A_329, %dma_wait3A_335] : memref<10240x128xf32, #tpu.memory_space<hbm>> -> memref<80x128xf32, #tpu.memory_space<hbm>>
      tpu.wait_dma2 semaphore(%dma_wait3A_332 : memref<!tpu.dma_semaphore, #tpu.memory_space<semaphore_mem>>) src(%dma_wait3A_336 : memref<80x128xf32, #tpu.memory_space<hbm>>) dst(%dma_wait3A_334 : memref<80x128xf32, #tpu.memory_space<vmem_shared>>)
      %mul3A_337 = arith.constant 640 : i32
      %mul3A_338 = arith.muli %arg1, %mul3A_337 : i32
      %add3A_339 = arith.constant 160 : i32
      %add3A_340 = arith.addi %mul3A_338, %add3A_339 : i32
      %dma_wait3A_341 = arith.constant 0 : i32
      %dma_wait3A_342 = tpu.memref_slice %arg20[%dma_wait3A_341] : memref<4x!tpu.dma_semaphore, #tpu.memory_space<semaphore_mem>> -> memref<1x!tpu.dma_semaphore, #tpu.memory_space<semaphore_mem>>
      %dma_wait3A_343 = tpu.memref_squeeze %dma_wait3A_342 : memref<1x!tpu.dma_semaphore, #tpu.memory_space<semaphore_mem>> -> memref<!tpu.dma_semaphore, #tpu.memory_space<semaphore_mem>>
      %dma_wait3A_344 = arith.constant 0 : i32
      %dma_wait3A_345 = tpu.memref_slice %arg18[%add3A_340, %dma_wait3A_344] : memref<10240x128xf32, #tpu.memory_space<vmem_shared>> -> memref<80x128xf32, #tpu.memory_space<vmem_shared>>
      %dma_wait3A_346 = arith.constant 0 : i32
      %dma_wait3A_347 = tpu.memref_slice %arg2[%add3A_340, %dma_wait3A_346] : memref<10240x128xf32, #tpu.memory_space<hbm>> -> memref<80x128xf32, #tpu.memory_space<hbm>>
      tpu.wait_dma2 semaphore(%dma_wait3A_343 : memref<!tpu.dma_semaphore, #tpu.memory_space<semaphore_mem>>) src(%dma_wait3A_347 : memref<80x128xf32, #tpu.memory_space<hbm>>) dst(%dma_wait3A_345 : memref<80x128xf32, #tpu.memory_space<vmem_shared>>)
      %mul3A_348 = arith.constant 640 : i32
      %mul3A_349 = arith.muli %arg1, %mul3A_348 : i32
      %add3A_350 = arith.constant 240 : i32
      %add3A_351 = arith.addi %mul3A_349, %add3A_350 : i32
      %dma_wait3A_352 = arith.constant 0 : i32
      %dma_wait3A_353 = tpu.memref_slice %arg20[%dma_wait3A_352] : memref<4x!tpu.dma_semaphore, #tpu.memory_space<semaphore_mem>> -> memref<1x!tpu.dma_semaphore, #tpu.memory_space<semaphore_mem>>
      %dma_wait3A_354 = tpu.memref_squeeze %dma_wait3A_353 : memref<1x!tpu.dma_semaphore, #tpu.memory_space<semaphore_mem>> -> memref<!tpu.dma_semaphore, #tpu.memory_space<semaphore_mem>>
      %dma_wait3A_355 = arith.constant 0 : i32
      %dma_wait3A_356 = tpu.memref_slice %arg18[%add3A_351, %dma_wait3A_355] : memref<10240x128xf32, #tpu.memory_space<vmem_shared>> -> memref<80x128xf32, #tpu.memory_space<vmem_shared>>
      %dma_wait3A_357 = arith.constant 0 : i32
      %dma_wait3A_358 = tpu.memref_slice %arg2[%add3A_351, %dma_wait3A_357] : memref<10240x128xf32, #tpu.memory_space<hbm>> -> memref<80x128xf32, #tpu.memory_space<hbm>>
      tpu.wait_dma2 semaphore(%dma_wait3A_354 : memref<!tpu.dma_semaphore, #tpu.memory_space<semaphore_mem>>) src(%dma_wait3A_358 : memref<80x128xf32, #tpu.memory_space<hbm>>) dst(%dma_wait3A_356 : memref<80x128xf32, #tpu.memory_space<vmem_shared>>)
      %mul3A_359 = arith.constant 640 : i32
      %mul3A_360 = arith.muli %arg1, %mul3A_359 : i32
      %add3A_361 = arith.constant 320 : i32
      %add3A_362 = arith.addi %mul3A_360, %add3A_361 : i32
      %dma_wait3A_363 = arith.constant 0 : i32
      %dma_wait3A_364 = tpu.memref_slice %arg20[%dma_wait3A_363] : memref<4x!tpu.dma_semaphore, #tpu.memory_space<semaphore_mem>> -> memref<1x!tpu.dma_semaphore, #tpu.memory_space<semaphore_mem>>
      %dma_wait3A_365 = tpu.memref_squeeze %dma_wait3A_364 : memref<1x!tpu.dma_semaphore, #tpu.memory_space<semaphore_mem>> -> memref<!tpu.dma_semaphore, #tpu.memory_space<semaphore_mem>>
      %dma_wait3A_366 = arith.constant 0 : i32
      %dma_wait3A_367 = tpu.memref_slice %arg18[%add3A_362, %dma_wait3A_366] : memref<10240x128xf32, #tpu.memory_space<vmem_shared>> -> memref<80x128xf32, #tpu.memory_space<vmem_shared>>
      %dma_wait3A_368 = arith.constant 0 : i32
      %dma_wait3A_369 = tpu.memref_slice %arg2[%add3A_362, %dma_wait3A_368] : memref<10240x128xf32, #tpu.memory_space<hbm>> -> memref<80x128xf32, #tpu.memory_space<hbm>>
      tpu.wait_dma2 semaphore(%dma_wait3A_365 : memref<!tpu.dma_semaphore, #tpu.memory_space<semaphore_mem>>) src(%dma_wait3A_369 : memref<80x128xf32, #tpu.memory_space<hbm>>) dst(%dma_wait3A_367 : memref<80x128xf32, #tpu.memory_space<vmem_shared>>)
      %mul3A_370 = arith.constant 640 : i32
      %mul3A_371 = arith.muli %arg1, %mul3A_370 : i32
      %add3A_372 = arith.constant 400 : i32
      %add3A_373 = arith.addi %mul3A_371, %add3A_372 : i32
      %dma_wait3A_374 = arith.constant 0 : i32
      %dma_wait3A_375 = tpu.memref_slice %arg20[%dma_wait3A_374] : memref<4x!tpu.dma_semaphore, #tpu.memory_space<semaphore_mem>> -> memref<1x!tpu.dma_semaphore, #tpu.memory_space<semaphore_mem>>
      %dma_wait3A_376 = tpu.memref_squeeze %dma_wait3A_375 : memref<1x!tpu.dma_semaphore, #tpu.memory_space<semaphore_mem>> -> memref<!tpu.dma_semaphore, #tpu.memory_space<semaphore_mem>>
      %dma_wait3A_377 = arith.constant 0 : i32
      %dma_wait3A_378 = tpu.memref_slice %arg18[%add3A_373, %dma_wait3A_377] : memref<10240x128xf32, #tpu.memory_space<vmem_shared>> -> memref<80x128xf32, #tpu.memory_space<vmem_shared>>
      %dma_wait3A_379 = arith.constant 0 : i32
      %dma_wait3A_380 = tpu.memref_slice %arg2[%add3A_373, %dma_wait3A_379] : memref<10240x128xf32, #tpu.memory_space<hbm>> -> memref<80x128xf32, #tpu.memory_space<hbm>>
      tpu.wait_dma2 semaphore(%dma_wait3A_376 : memref<!tpu.dma_semaphore, #tpu.memory_space<semaphore_mem>>) src(%dma_wait3A_380 : memref<80x128xf32, #tpu.memory_space<hbm>>) dst(%dma_wait3A_378 : memref<80x128xf32, #tpu.memory_space<vmem_shared>>)
      %mul3A_381 = arith.constant 640 : i32
      %mul3A_382 = arith.muli %arg1, %mul3A_381 : i32
      %add3A_383 = arith.constant 480 : i32
      %add3A_384 = arith.addi %mul3A_382, %add3A_383 : i32
      %dma_wait3A_385 = arith.constant 0 : i32
      %dma_wait3A_386 = tpu.memref_slice %arg20[%dma_wait3A_385] : memref<4x!tpu.dma_semaphore, #tpu.memory_space<semaphore_mem>> -> memref<1x!tpu.dma_semaphore, #tpu.memory_space<semaphore_mem>>
      %dma_wait3A_387 = tpu.memref_squeeze %dma_wait3A_386 : memref<1x!tpu.dma_semaphore, #tpu.memory_space<semaphore_mem>> -> memref<!tpu.dma_semaphore, #tpu.memory_space<semaphore_mem>>
      %dma_wait3A_388 = arith.constant 0 : i32
      %dma_wait3A_389 = tpu.memref_slice %arg18[%add3A_384, %dma_wait3A_388] : memref<10240x128xf32, #tpu.memory_space<vmem_shared>> -> memref<80x128xf32, #tpu.memory_space<vmem_shared>>
      %dma_wait3A_390 = arith.constant 0 : i32
      %dma_wait3A_391 = tpu.memref_slice %arg2[%add3A_384, %dma_wait3A_390] : memref<10240x128xf32, #tpu.memory_space<hbm>> -> memref<80x128xf32, #tpu.memory_space<hbm>>
      tpu.wait_dma2 semaphore(%dma_wait3A_387 : memref<!tpu.dma_semaphore, #tpu.memory_space<semaphore_mem>>) src(%dma_wait3A_391 : memref<80x128xf32, #tpu.memory_space<hbm>>) dst(%dma_wait3A_389 : memref<80x128xf32, #tpu.memory_space<vmem_shared>>)
      %mul3A_392 = arith.constant 640 : i32
      %mul3A_393 = arith.muli %arg1, %mul3A_392 : i32
      %add3A_394 = arith.constant 560 : i32
      %add3A_395 = arith.addi %mul3A_393, %add3A_394 : i32
      %dma_wait3A_396 = arith.constant 0 : i32
      %dma_wait3A_397 = tpu.memref_slice %arg20[%dma_wait3A_396] : memref<4x!tpu.dma_semaphore, #tpu.memory_space<semaphore_mem>> -> memref<1x!tpu.dma_semaphore, #tpu.memory_space<semaphore_mem>>
      %dma_wait3A_398 = tpu.memref_squeeze %dma_wait3A_397 : memref<1x!tpu.dma_semaphore, #tpu.memory_space<semaphore_mem>> -> memref<!tpu.dma_semaphore, #tpu.memory_space<semaphore_mem>>
      %dma_wait3A_399 = arith.constant 0 : i32
      %dma_wait3A_400 = tpu.memref_slice %arg18[%add3A_395, %dma_wait3A_399] : memref<10240x128xf32, #tpu.memory_space<vmem_shared>> -> memref<80x128xf32, #tpu.memory_space<vmem_shared>>
      %dma_wait3A_401 = arith.constant 0 : i32
      %dma_wait3A_402 = tpu.memref_slice %arg2[%add3A_395, %dma_wait3A_401] : memref<10240x128xf32, #tpu.memory_space<hbm>> -> memref<80x128xf32, #tpu.memory_space<hbm>>
      tpu.wait_dma2 semaphore(%dma_wait3A_398 : memref<!tpu.dma_semaphore, #tpu.memory_space<semaphore_mem>>) src(%dma_wait3A_402 : memref<80x128xf32, #tpu.memory_space<hbm>>) dst(%dma_wait3A_400 : memref<80x128xf32, #tpu.memory_space<vmem_shared>>)
    } else {
    }
    %ne3A = arith.constant 0 : i32
    %ne3A_3 = arith.cmpi ne, %arg0, %ne3A : i32
    %convert_element_type3A_4 = arith.extui %ne3A_3 : i1 to i32
    %cond3A_5 = arith.constant 0 : i32
    %cond3A_6 = arith.cmpi ne, %convert_element_type3A_4, %cond3A_5 : i32
    scf.if %cond3A_6 {
      %broadcast_in_dim3A = arith.constant 0.000000e+00 : f32
      %broadcast_in_dim3A_227 = vector.broadcast %broadcast_in_dim3A : f32 to vector<16xf32>
      %scan3A_228 = arith.constant 0 : i32
      %scan3A_229 = arith.constant 0 : i32
      %scan3A_230 = arith.constant 80 : i32
      %scan3A_231 = arith.addi %scan3A_229, %scan3A_230 : i32
      %scan3A_232 = arith.constant 1 : i32
      scf.for %scan3A_410 = %scan3A_229 to %scan3A_231 step %scan3A_232  : i32 {
        %swap3A = arith.index_cast %scan3A_410 : i32 to index
        %swap3A_411 = arith.constant 0 : index
        %swap3A_412 = tpu.vector_load %arg14[%swap3A, %swap3A_411] {strides = array<i32>} : memref<80x128xf32, #tpu.memory_space<vmem>>, vector<1x16xf32>,
        %swap3A_413 = vector.shape_cast %swap3A_412 : vector<1x16xf32> to vector<16xf32>
        %swap3A_414 = vector.shape_cast %broadcast_in_dim3A_227 : vector<16xf32> to vector<1x16xf32>
        tpu.vector_store %arg14[%swap3A, %swap3A_411], %swap3A_414 {strides = array<i32>} : memref<80x128xf32, #tpu.memory_space<vmem>>, vector<1x16xf32>,
        %swap3A_415 = arith.index_cast %scan3A_410 : i32 to index
        %swap3A_416 = arith.constant 16 : index
        %swap3A_417 = tpu.vector_load %arg14[%swap3A_415, %swap3A_416] {strides = array<i32>} : memref<80x128xf32, #tpu.memory_space<vmem>>, vector<1x16xf32>,
        %swap3A_418 = vector.shape_cast %swap3A_417 : vector<1x16xf32> to vector<16xf32>
        %swap3A_419 = vector.shape_cast %broadcast_in_dim3A_227 : vector<16xf32> to vector<1x16xf32>
        tpu.vector_store %arg14[%swap3A_415, %swap3A_416], %swap3A_419 {strides = array<i32>} : memref<80x128xf32, #tpu.memory_space<vmem>>, vector<1x16xf32>,
        %swap3A_420 = arith.index_cast %scan3A_410 : i32 to index
        %swap3A_421 = arith.constant 32 : index
        %swap3A_422 = tpu.vector_load %arg14[%swap3A_420, %swap3A_421] {strides = array<i32>} : memref<80x128xf32, #tpu.memory_space<vmem>>, vector<1x16xf32>,
        %swap3A_423 = vector.shape_cast %swap3A_422 : vector<1x16xf32> to vector<16xf32>
        %swap3A_424 = vector.shape_cast %broadcast_in_dim3A_227 : vector<16xf32> to vector<1x16xf32>
        tpu.vector_store %arg14[%swap3A_420, %swap3A_421], %swap3A_424 {strides = array<i32>} : memref<80x128xf32, #tpu.memory_space<vmem>>, vector<1x16xf32>,
        %swap3A_425 = arith.index_cast %scan3A_410 : i32 to index
        %swap3A_426 = arith.constant 48 : index
        %swap3A_427 = tpu.vector_load %arg14[%swap3A_425, %swap3A_426] {strides = array<i32>} : memref<80x128xf32, #tpu.memory_space<vmem>>, vector<1x16xf32>,
        %swap3A_428 = vector.shape_cast %swap3A_427 : vector<1x16xf32> to vector<16xf32>
        %swap3A_429 = vector.shape_cast %broadcast_in_dim3A_227 : vector<16xf32> to vector<1x16xf32>
        tpu.vector_store %arg14[%swap3A_425, %swap3A_426], %swap3A_429 {strides = array<i32>} : memref<80x128xf32, #tpu.memory_space<vmem>>, vector<1x16xf32>,
        %swap3A_430 = arith.index_cast %scan3A_410 : i32 to index
        %swap3A_431 = arith.constant 64 : index
        %swap3A_432 = tpu.vector_load %arg14[%swap3A_430, %swap3A_431] {strides = array<i32>} : memref<80x128xf32, #tpu.memory_space<vmem>>, vector<1x16xf32>,
        %swap3A_433 = vector.shape_cast %swap3A_432 : vector<1x16xf32> to vector<16xf32>
        %swap3A_434 = vector.shape_cast %broadcast_in_dim3A_227 : vector<16xf32> to vector<1x16xf32>
        tpu.vector_store %arg14[%swap3A_430, %swap3A_431], %swap3A_434 {strides = array<i32>} : memref<80x128xf32, #tpu.memory_space<vmem>>, vector<1x16xf32>,
        %swap3A_435 = arith.index_cast %scan3A_410 : i32 to index
        %swap3A_436 = arith.constant 80 : index
        %swap3A_437 = tpu.vector_load %arg14[%swap3A_435, %swap3A_436] {strides = array<i32>} : memref<80x128xf32, #tpu.memory_space<vmem>>, vector<1x16xf32>,
        %swap3A_438 = vector.shape_cast %swap3A_437 : vector<1x16xf32> to vector<16xf32>
        %swap3A_439 = vector.shape_cast %broadcast_in_dim3A_227 : vector<16xf32> to vector<1x16xf32>
        tpu.vector_store %arg14[%swap3A_435, %swap3A_436], %swap3A_439 {strides = array<i32>} : memref<80x128xf32, #tpu.memory_space<vmem>>, vector<1x16xf32>,
        %swap3A_440 = arith.index_cast %scan3A_410 : i32 to index
        %swap3A_441 = arith.constant 96 : index
        %swap3A_442 = tpu.vector_load %arg14[%swap3A_440, %swap3A_441] {strides = array<i32>} : memref<80x128xf32, #tpu.memory_space<vmem>>, vector<1x16xf32>,
        %swap3A_443 = vector.shape_cast %swap3A_442 : vector<1x16xf32> to vector<16xf32>
        %swap3A_444 = vector.shape_cast %broadcast_in_dim3A_227 : vector<16xf32> to vector<1x16xf32>
        tpu.vector_store %arg14[%swap3A_440, %swap3A_441], %swap3A_444 {strides = array<i32>} : memref<80x128xf32, #tpu.memory_space<vmem>>, vector<1x16xf32>,
        %swap3A_445 = arith.index_cast %scan3A_410 : i32 to index
        %swap3A_446 = arith.constant 112 : index
        %swap3A_447 = tpu.vector_load %arg14[%swap3A_445, %swap3A_446] {strides = array<i32>} : memref<80x128xf32, #tpu.memory_space<vmem>>, vector<1x16xf32>,
        %swap3A_448 = vector.shape_cast %swap3A_447 : vector<1x16xf32> to vector<16xf32>
        %swap3A_449 = vector.shape_cast %broadcast_in_dim3A_227 : vector<16xf32> to vector<1x16xf32>
        tpu.vector_store %arg14[%swap3A_445, %swap3A_446], %swap3A_449 {strides = array<i32>} : memref<80x128xf32, #tpu.memory_space<vmem>>, vector<1x16xf32>,
      }
      %scan3A_233 = arith.constant 80 : i32
      %mul3A_234 = arith.constant 640 : i32
      %mul3A_235 = arith.muli %arg1, %mul3A_234 : i32
      %add3A_236 = arith.constant 0 : i32
      %add3A_237 = arith.addi %mul3A_235, %add3A_236 : i32
      %dma_start3A_238 = arith.constant 0 : i32
      %dma_start3A_239 = arith.constant 0 : i32
      %dma_start3A_240 = tpu.memref_slice %arg18[%add3A_237, %dma_start3A_239] : memref<10240x128xf32, #tpu.memory_space<vmem_shared>> -> memref<80x128xf32, #tpu.memory_space<vmem_shared>>
      %dma_start3A_241 = tpu.memref_slice %arg20[%dma_start3A_238] : memref<4x!tpu.dma_semaphore, #tpu.memory_space<semaphore_mem>> -> memref<1x!tpu.dma_semaphore, #tpu.memory_space<semaphore_mem>>
      %dma_start3A_242 = tpu.memref_squeeze %dma_start3A_241 : memref<1x!tpu.dma_semaphore, #tpu.memory_space<semaphore_mem>> -> memref<!tpu.dma_semaphore, #tpu.memory_space<semaphore_mem>>
      %dma_start3A_243 = arith.constant 0 : i32
      %dma_start3A_244 = tpu.memref_slice %arg18[%add3A_237, %dma_start3A_243] : memref<10240x128xf32, #tpu.memory_space<vmem_shared>> -> memref<80x128xf32, #tpu.memory_space<vmem_shared>>
      tpu.enqueue_dma source(%arg14 : memref<80x128xf32, #tpu.memory_space<vmem>>) target(%dma_start3A_244 : memref<80x128xf32, #tpu.memory_space<vmem_shared>>) target_semaphore(%dma_start3A_242 : memref<!tpu.dma_semaphore, #tpu.memory_space<semaphore_mem>>)
      %mul3A_245 = arith.constant 640 : i32
      %mul3A_246 = arith.muli %arg1, %mul3A_245 : i32
      %add3A_247 = arith.constant 80 : i32
      %add3A_248 = arith.addi %mul3A_246, %add3A_247 : i32
      %dma_start3A_249 = arith.constant 0 : i32
      %dma_start3A_250 = arith.constant 0 : i32
      %dma_start3A_251 = tpu.memref_slice %arg18[%add3A_248, %dma_start3A_250] : memref<10240x128xf32, #tpu.memory_space<vmem_shared>> -> memref<80x128xf32, #tpu.memory_space<vmem_shared>>
      %dma_start3A_252 = tpu.memref_slice %arg20[%dma_start3A_249] : memref<4x!tpu.dma_semaphore, #tpu.memory_space<semaphore_mem>> -> memref<1x!tpu.dma_semaphore, #tpu.memory_space<semaphore_mem>>
      %dma_start3A_253 = tpu.memref_squeeze %dma_start3A_252 : memref<1x!tpu.dma_semaphore, #tpu.memory_space<semaphore_mem>> -> memref<!tpu.dma_semaphore, #tpu.memory_space<semaphore_mem>>
      %dma_start3A_254 = arith.constant 0 : i32
      %dma_start3A_255 = tpu.memref_slice %arg18[%add3A_248, %dma_start3A_254] : memref<10240x128xf32, #tpu.memory_space<vmem_shared>> -> memref<80x128xf32, #tpu.memory_space<vmem_shared>>
      tpu.enqueue_dma source(%arg14 : memref<80x128xf32, #tpu.memory_space<vmem>>) target(%dma_start3A_255 : memref<80x128xf32, #tpu.memory_space<vmem_shared>>) target_semaphore(%dma_start3A_253 : memref<!tpu.dma_semaphore, #tpu.memory_space<semaphore_mem>>)
      %mul3A_256 = arith.constant 640 : i32
      %mul3A_257 = arith.muli %arg1, %mul3A_256 : i32
      %add3A_258 = arith.constant 160 : i32
      %add3A_259 = arith.addi %mul3A_257, %add3A_258 : i32
      %dma_start3A_260 = arith.constant 0 : i32
      %dma_start3A_261 = arith.constant 0 : i32
      %dma_start3A_262 = tpu.memref_slice %arg18[%add3A_259, %dma_start3A_261] : memref<10240x128xf32, #tpu.memory_space<vmem_shared>> -> memref<80x128xf32, #tpu.memory_space<vmem_shared>>
      %dma_start3A_263 = tpu.memref_slice %arg20[%dma_start3A_260] : memref<4x!tpu.dma_semaphore, #tpu.memory_space<semaphore_mem>> -> memref<1x!tpu.dma_semaphore, #tpu.memory_space<semaphore_mem>>
      %dma_start3A_264 = tpu.memref_squeeze %dma_start3A_263 : memref<1x!tpu.dma_semaphore, #tpu.memory_space<semaphore_mem>> -> memref<!tpu.dma_semaphore, #tpu.memory_space<semaphore_mem>>
      %dma_start3A_265 = arith.constant 0 : i32
      %dma_start3A_266 = tpu.memref_slice %arg18[%add3A_259, %dma_start3A_265] : memref<10240x128xf32, #tpu.memory_space<vmem_shared>> -> memref<80x128xf32, #tpu.memory_space<vmem_shared>>
      tpu.enqueue_dma source(%arg14 : memref<80x128xf32, #tpu.memory_space<vmem>>) target(%dma_start3A_266 : memref<80x128xf32, #tpu.memory_space<vmem_shared>>) target_semaphore(%dma_start3A_264 : memref<!tpu.dma_semaphore, #tpu.memory_space<semaphore_mem>>)
      %mul3A_267 = arith.constant 640 : i32
      %mul3A_268 = arith.muli %arg1, %mul3A_267 : i32
      %add3A_269 = arith.constant 240 : i32
      %add3A_270 = arith.addi %mul3A_268, %add3A_269 : i32
      %dma_start3A_271 = arith.constant 0 : i32
      %dma_start3A_272 = arith.constant 0 : i32
      %dma_start3A_273 = tpu.memref_slice %arg18[%add3A_270, %dma_start3A_272] : memref<10240x128xf32, #tpu.memory_space<vmem_shared>> -> memref<80x128xf32, #tpu.memory_space<vmem_shared>>
      %dma_start3A_274 = tpu.memref_slice %arg20[%dma_start3A_271] : memref<4x!tpu.dma_semaphore, #tpu.memory_space<semaphore_mem>> -> memref<1x!tpu.dma_semaphore, #tpu.memory_space<semaphore_mem>>
      %dma_start3A_275 = tpu.memref_squeeze %dma_start3A_274 : memref<1x!tpu.dma_semaphore, #tpu.memory_space<semaphore_mem>> -> memref<!tpu.dma_semaphore, #tpu.memory_space<semaphore_mem>>
      %dma_start3A_276 = arith.constant 0 : i32
      %dma_start3A_277 = tpu.memref_slice %arg18[%add3A_270, %dma_start3A_276] : memref<10240x128xf32, #tpu.memory_space<vmem_shared>> -> memref<80x128xf32, #tpu.memory_space<vmem_shared>>
      tpu.enqueue_dma source(%arg14 : memref<80x128xf32, #tpu.memory_space<vmem>>) target(%dma_start3A_277 : memref<80x128xf32, #tpu.memory_space<vmem_shared>>) target_semaphore(%dma_start3A_275 : memref<!tpu.dma_semaphore, #tpu.memory_space<semaphore_mem>>)
      %mul3A_278 = arith.constant 640 : i32
      %mul3A_279 = arith.muli %arg1, %mul3A_278 : i32
      %add3A_280 = arith.constant 320 : i32
      %add3A_281 = arith.addi %mul3A_279, %add3A_280 : i32
      %dma_start3A_282 = arith.constant 0 : i32
      %dma_start3A_283 = arith.constant 0 : i32
      %dma_start3A_284 = tpu.memref_slice %arg18[%add3A_281, %dma_start3A_283] : memref<10240x128xf32, #tpu.memory_space<vmem_shared>> -> memref<80x128xf32, #tpu.memory_space<vmem_shared>>
      %dma_start3A_285 = tpu.memref_slice %arg20[%dma_start3A_282] : memref<4x!tpu.dma_semaphore, #tpu.memory_space<semaphore_mem>> -> memref<1x!tpu.dma_semaphore, #tpu.memory_space<semaphore_mem>>
      %dma_start3A_286 = tpu.memref_squeeze %dma_start3A_285 : memref<1x!tpu.dma_semaphore, #tpu.memory_space<semaphore_mem>> -> memref<!tpu.dma_semaphore, #tpu.memory_space<semaphore_mem>>
      %dma_start3A_287 = arith.constant 0 : i32
      %dma_start3A_288 = tpu.memref_slice %arg18[%add3A_281, %dma_start3A_287] : memref<10240x128xf32, #tpu.memory_space<vmem_shared>> -> memref<80x128xf32, #tpu.memory_space<vmem_shared>>
      tpu.enqueue_dma source(%arg14 : memref<80x128xf32, #tpu.memory_space<vmem>>) target(%dma_start3A_288 : memref<80x128xf32, #tpu.memory_space<vmem_shared>>) target_semaphore(%dma_start3A_286 : memref<!tpu.dma_semaphore, #tpu.memory_space<semaphore_mem>>)
      %mul3A_289 = arith.constant 640 : i32
      %mul3A_290 = arith.muli %arg1, %mul3A_289 : i32
      %add3A_291 = arith.constant 400 : i32
      %add3A_292 = arith.addi %mul3A_290, %add3A_291 : i32
      %dma_start3A_293 = arith.constant 0 : i32
      %dma_start3A_294 = arith.constant 0 : i32
      %dma_start3A_295 = tpu.memref_slice %arg18[%add3A_292, %dma_start3A_294] : memref<10240x128xf32, #tpu.memory_space<vmem_shared>> -> memref<80x128xf32, #tpu.memory_space<vmem_shared>>
      %dma_start3A_296 = tpu.memref_slice %arg20[%dma_start3A_293] : memref<4x!tpu.dma_semaphore, #tpu.memory_space<semaphore_mem>> -> memref<1x!tpu.dma_semaphore, #tpu.memory_space<semaphore_mem>>
      %dma_start3A_297 = tpu.memref_squeeze %dma_start3A_296 : memref<1x!tpu.dma_semaphore, #tpu.memory_space<semaphore_mem>> -> memref<!tpu.dma_semaphore, #tpu.memory_space<semaphore_mem>>
      %dma_start3A_298 = arith.constant 0 : i32
      %dma_start3A_299 = tpu.memref_slice %arg18[%add3A_292, %dma_start3A_298] : memref<10240x128xf32, #tpu.memory_space<vmem_shared>> -> memref<80x128xf32, #tpu.memory_space<vmem_shared>>
      tpu.enqueue_dma source(%arg14 : memref<80x128xf32, #tpu.memory_space<vmem>>) target(%dma_start3A_299 : memref<80x128xf32, #tpu.memory_space<vmem_shared>>) target_semaphore(%dma_start3A_297 : memref<!tpu.dma_semaphore, #tpu.memory_space<semaphore_mem>>)
      %mul3A_300 = arith.constant 640 : i32
      %mul3A_301 = arith.muli %arg1, %mul3A_300 : i32
      %add3A_302 = arith.constant 480 : i32
      %add3A_303 = arith.addi %mul3A_301, %add3A_302 : i32
      %dma_start3A_304 = arith.constant 0 : i32
      %dma_start3A_305 = arith.constant 0 : i32
      %dma_start3A_306 = tpu.memref_slice %arg18[%add3A_303, %dma_start3A_305] : memref<10240x128xf32, #tpu.memory_space<vmem_shared>> -> memref<80x128xf32, #tpu.memory_space<vmem_shared>>
      %dma_start3A_307 = tpu.memref_slice %arg20[%dma_start3A_304] : memref<4x!tpu.dma_semaphore, #tpu.memory_space<semaphore_mem>> -> memref<1x!tpu.dma_semaphore, #tpu.memory_space<semaphore_mem>>
      %dma_start3A_308 = tpu.memref_squeeze %dma_start3A_307 : memref<1x!tpu.dma_semaphore, #tpu.memory_space<semaphore_mem>> -> memref<!tpu.dma_semaphore, #tpu.memory_space<semaphore_mem>>
      %dma_start3A_309 = arith.constant 0 : i32
      %dma_start3A_310 = tpu.memref_slice %arg18[%add3A_303, %dma_start3A_309] : memref<10240x128xf32, #tpu.memory_space<vmem_shared>> -> memref<80x128xf32, #tpu.memory_space<vmem_shared>>
      tpu.enqueue_dma source(%arg14 : memref<80x128xf32, #tpu.memory_space<vmem>>) target(%dma_start3A_310 : memref<80x128xf32, #tpu.memory_space<vmem_shared>>) target_semaphore(%dma_start3A_308 : memref<!tpu.dma_semaphore, #tpu.memory_space<semaphore_mem>>)
      %mul3A_311 = arith.constant 640 : i32
      %mul3A_312 = arith.muli %arg1, %mul3A_311 : i32
      %add3A_313 = arith.constant 560 : i32
      %add3A_314 = arith.addi %mul3A_312, %add3A_313 : i32
      %dma_start3A_315 = arith.constant 0 : i32
      %dma_start3A_316 = arith.constant 0 : i32
      %dma_start3A_317 = tpu.memref_slice %arg18[%add3A_314, %dma_start3A_316] : memref<10240x128xf32, #tpu.memory_space<vmem_shared>> -> memref<80x128xf32, #tpu.memory_space<vmem_shared>>
      %dma_start3A_318 = tpu.memref_slice %arg20[%dma_start3A_315] : memref<4x!tpu.dma_semaphore, #tpu.memory_space<semaphore_mem>> -> memref<1x!tpu.dma_semaphore, #tpu.memory_space<semaphore_mem>>
      %dma_start3A_319 = tpu.memref_squeeze %dma_start3A_318 : memref<1x!tpu.dma_semaphore, #tpu.memory_space<semaphore_mem>> -> memref<!tpu.dma_semaphore, #tpu.memory_space<semaphore_mem>>
      %dma_start3A_320 = arith.constant 0 : i32
      %dma_start3A_321 = tpu.memref_slice %arg18[%add3A_314, %dma_start3A_320] : memref<10240x128xf32, #tpu.memory_space<vmem_shared>> -> memref<80x128xf32, #tpu.memory_space<vmem_shared>>
      tpu.enqueue_dma source(%arg14 : memref<80x128xf32, #tpu.memory_space<vmem>>) target(%dma_start3A_321 : memref<80x128xf32, #tpu.memory_space<vmem_shared>>) target_semaphore(%dma_start3A_319 : memref<!tpu.dma_semaphore, #tpu.memory_space<semaphore_mem>>)
      %mul3A_322 = arith.constant 640 : i32
      %mul3A_323 = arith.muli %arg1, %mul3A_322 : i32
      %add3A_324 = arith.constant 0 : i32
      %add3A_325 = arith.addi %mul3A_323, %add3A_324 : i32
      %dma_wait3A_326 = arith.constant 0 : i32
      %dma_wait3A_327 = arith.constant 0 : i32
      %dma_wait3A_328 = tpu.memref_slice %arg18[%add3A_325, %dma_wait3A_327] : memref<10240x128xf32, #tpu.memory_space<vmem_shared>> -> memref<80x128xf32, #tpu.memory_space<vmem_shared>>
      %dma_wait3A_329 = tpu.memref_slice %arg20[%dma_wait3A_326] : memref<4x!tpu.dma_semaphore, #tpu.memory_space<semaphore_mem>> -> memref<1x!tpu.dma_semaphore, #tpu.memory_space<semaphore_mem>>
      %dma_wait3A_330 = tpu.memref_squeeze %dma_wait3A_329 : memref<1x!tpu.dma_semaphore, #tpu.memory_space<semaphore_mem>> -> memref<!tpu.dma_semaphore, #tpu.memory_space<semaphore_mem>>
      %dma_wait3A_331 = arith.constant 0 : i32
      %dma_wait3A_332 = tpu.memref_slice %arg18[%add3A_325, %dma_wait3A_331] : memref<10240x128xf32, #tpu.memory_space<vmem_shared>> -> memref<80x128xf32, #tpu.memory_space<vmem_shared>>
      tpu.wait_dma2 semaphore(%dma_wait3A_330 : memref<!tpu.dma_semaphore, #tpu.memory_space<semaphore_mem>>) src(%arg14 : memref<80x128xf32, #tpu.memory_space<vmem>>) dst(%dma_wait3A_332 : memref<80x128xf32, #tpu.memory_space<vmem_shared>>)
      %mul3A_333 = arith.constant 640 : i32
      %mul3A_334 = arith.muli %arg1, %mul3A_333 : i32
      %add3A_335 = arith.constant 80 : i32
      %add3A_336 = arith.addi %mul3A_334, %add3A_335 : i32
      %dma_wait3A_337 = arith.constant 0 : i32
      %dma_wait3A_338 = arith.constant 0 : i32
      %dma_wait3A_339 = tpu.memref_slice %arg18[%add3A_336, %dma_wait3A_338] : memref<10240x128xf32, #tpu.memory_space<vmem_shared>> -> memref<80x128xf32, #tpu.memory_space<vmem_shared>>
      %dma_wait3A_340 = tpu.memref_slice %arg20[%dma_wait3A_337] : memref<4x!tpu.dma_semaphore, #tpu.memory_space<semaphore_mem>> -> memref<1x!tpu.dma_semaphore, #tpu.memory_space<semaphore_mem>>
      %dma_wait3A_341 = tpu.memref_squeeze %dma_wait3A_340 : memref<1x!tpu.dma_semaphore, #tpu.memory_space<semaphore_mem>> -> memref<!tpu.dma_semaphore, #tpu.memory_space<semaphore_mem>>
      %dma_wait3A_342 = arith.constant 0 : i32
      %dma_wait3A_343 = tpu.memref_slice %arg18[%add3A_336, %dma_wait3A_342] : memref<10240x128xf32, #tpu.memory_space<vmem_shared>> -> memref<80x128xf32, #tpu.memory_space<vmem_shared>>
      tpu.wait_dma2 semaphore(%dma_wait3A_341 : memref<!tpu.dma_semaphore, #tpu.memory_space<semaphore_mem>>) src(%arg14 : memref<80x128xf32, #tpu.memory_space<vmem>>) dst(%dma_wait3A_343 : memref<80x128xf32, #tpu.memory_space<vmem_shared>>)
      %mul3A_344 = arith.constant 640 : i32
      %mul3A_345 = arith.muli %arg1, %mul3A_344 : i32
      %add3A_346 = arith.constant 160 : i32
      %add3A_347 = arith.addi %mul3A_345, %add3A_346 : i32
      %dma_wait3A_348 = arith.constant 0 : i32
      %dma_wait3A_349 = arith.constant 0 : i32
      %dma_wait3A_350 = tpu.memref_slice %arg18[%add3A_347, %dma_wait3A_349] : memref<10240x128xf32, #tpu.memory_space<vmem_shared>> -> memref<80x128xf32, #tpu.memory_space<vmem_shared>>
      %dma_wait3A_351 = tpu.memref_slice %arg20[%dma_wait3A_348] : memref<4x!tpu.dma_semaphore, #tpu.memory_space<semaphore_mem>> -> memref<1x!tpu.dma_semaphore, #tpu.memory_space<semaphore_mem>>
      %dma_wait3A_352 = tpu.memref_squeeze %dma_wait3A_351 : memref<1x!tpu.dma_semaphore, #tpu.memory_space<semaphore_mem>> -> memref<!tpu.dma_semaphore, #tpu.memory_space<semaphore_mem>>
      %dma_wait3A_353 = arith.constant 0 : i32
      %dma_wait3A_354 = tpu.memref_slice %arg18[%add3A_347, %dma_wait3A_353] : memref<10240x128xf32, #tpu.memory_space<vmem_shared>> -> memref<80x128xf32, #tpu.memory_space<vmem_shared>>
      tpu.wait_dma2 semaphore(%dma_wait3A_352 : memref<!tpu.dma_semaphore, #tpu.memory_space<semaphore_mem>>) src(%arg14 : memref<80x128xf32, #tpu.memory_space<vmem>>) dst(%dma_wait3A_354 : memref<80x128xf32, #tpu.memory_space<vmem_shared>>)
      %mul3A_355 = arith.constant 640 : i32
      %mul3A_356 = arith.muli %arg1, %mul3A_355 : i32
      %add3A_357 = arith.constant 240 : i32
      %add3A_358 = arith.addi %mul3A_356, %add3A_357 : i32
      %dma_wait3A_359 = arith.constant 0 : i32
      %dma_wait3A_360 = arith.constant 0 : i32
      %dma_wait3A_361 = tpu.memref_slice %arg18[%add3A_358, %dma_wait3A_360] : memref<10240x128xf32, #tpu.memory_space<vmem_shared>> -> memref<80x128xf32, #tpu.memory_space<vmem_shared>>
      %dma_wait3A_362 = tpu.memref_slice %arg20[%dma_wait3A_359] : memref<4x!tpu.dma_semaphore, #tpu.memory_space<semaphore_mem>> -> memref<1x!tpu.dma_semaphore, #tpu.memory_space<semaphore_mem>>
      %dma_wait3A_363 = tpu.memref_squeeze %dma_wait3A_362 : memref<1x!tpu.dma_semaphore, #tpu.memory_space<semaphore_mem>> -> memref<!tpu.dma_semaphore, #tpu.memory_space<semaphore_mem>>
      %dma_wait3A_364 = arith.constant 0 : i32
      %dma_wait3A_365 = tpu.memref_slice %arg18[%add3A_358, %dma_wait3A_364] : memref<10240x128xf32, #tpu.memory_space<vmem_shared>> -> memref<80x128xf32, #tpu.memory_space<vmem_shared>>
      tpu.wait_dma2 semaphore(%dma_wait3A_363 : memref<!tpu.dma_semaphore, #tpu.memory_space<semaphore_mem>>) src(%arg14 : memref<80x128xf32, #tpu.memory_space<vmem>>) dst(%dma_wait3A_365 : memref<80x128xf32, #tpu.memory_space<vmem_shared>>)
      %mul3A_366 = arith.constant 640 : i32
      %mul3A_367 = arith.muli %arg1, %mul3A_366 : i32
      %add3A_368 = arith.constant 320 : i32
      %add3A_369 = arith.addi %mul3A_367, %add3A_368 : i32
      %dma_wait3A_370 = arith.constant 0 : i32
      %dma_wait3A_371 = arith.constant 0 : i32
      %dma_wait3A_372 = tpu.memref_slice %arg18[%add3A_369, %dma_wait3A_371] : memref<10240x128xf32, #tpu.memory_space<vmem_shared>> -> memref<80x128xf32, #tpu.memory_space<vmem_shared>>
      %dma_wait3A_373 = tpu.memref_slice %arg20[%dma_wait3A_370] : memref<4x!tpu.dma_semaphore, #tpu.memory_space<semaphore_mem>> -> memref<1x!tpu.dma_semaphore, #tpu.memory_space<semaphore_mem>>
      %dma_wait3A_374 = tpu.memref_squeeze %dma_wait3A_373 : memref<1x!tpu.dma_semaphore, #tpu.memory_space<semaphore_mem>> -> memref<!tpu.dma_semaphore, #tpu.memory_space<semaphore_mem>>
      %dma_wait3A_375 = arith.constant 0 : i32
      %dma_wait3A_376 = tpu.memref_slice %arg18[%add3A_369, %dma_wait3A_375] : memref<10240x128xf32, #tpu.memory_space<vmem_shared>> -> memref<80x128xf32, #tpu.memory_space<vmem_shared>>
      tpu.wait_dma2 semaphore(%dma_wait3A_374 : memref<!tpu.dma_semaphore, #tpu.memory_space<semaphore_mem>>) src(%arg14 : memref<80x128xf32, #tpu.memory_space<vmem>>) dst(%dma_wait3A_376 : memref<80x128xf32, #tpu.memory_space<vmem_shared>>)
      %mul3A_377 = arith.constant 640 : i32
      %mul3A_378 = arith.muli %arg1, %mul3A_377 : i32
      %add3A_379 = arith.constant 400 : i32
      %add3A_380 = arith.addi %mul3A_378, %add3A_379 : i32
      %dma_wait3A_381 = arith.constant 0 : i32
      %dma_wait3A_382 = arith.constant 0 : i32
      %dma_wait3A_383 = tpu.memref_slice %arg18[%add3A_380, %dma_wait3A_382] : memref<10240x128xf32, #tpu.memory_space<vmem_shared>> -> memref<80x128xf32, #tpu.memory_space<vmem_shared>>
      %dma_wait3A_384 = tpu.memref_slice %arg20[%dma_wait3A_381] : memref<4x!tpu.dma_semaphore, #tpu.memory_space<semaphore_mem>> -> memref<1x!tpu.dma_semaphore, #tpu.memory_space<semaphore_mem>>
      %dma_wait3A_385 = tpu.memref_squeeze %dma_wait3A_384 : memref<1x!tpu.dma_semaphore, #tpu.memory_space<semaphore_mem>> -> memref<!tpu.dma_semaphore, #tpu.memory_space<semaphore_mem>>
      %dma_wait3A_386 = arith.constant 0 : i32
      %dma_wait3A_387 = tpu.memref_slice %arg18[%add3A_380, %dma_wait3A_386] : memref<10240x128xf32, #tpu.memory_space<vmem_shared>> -> memref<80x128xf32, #tpu.memory_space<vmem_shared>>
      tpu.wait_dma2 semaphore(%dma_wait3A_385 : memref<!tpu.dma_semaphore, #tpu.memory_space<semaphore_mem>>) src(%arg14 : memref<80x128xf32, #tpu.memory_space<vmem>>) dst(%dma_wait3A_387 : memref<80x128xf32, #tpu.memory_space<vmem_shared>>)
      %mul3A_388 = arith.constant 640 : i32
      %mul3A_389 = arith.muli %arg1, %mul3A_388 : i32
      %add3A_390 = arith.constant 480 : i32
      %add3A_391 = arith.addi %mul3A_389, %add3A_390 : i32
      %dma_wait3A_392 = arith.constant 0 : i32
      %dma_wait3A_393 = arith.constant 0 : i32
      %dma_wait3A_394 = tpu.memref_slice %arg18[%add3A_391, %dma_wait3A_393] : memref<10240x128xf32, #tpu.memory_space<vmem_shared>> -> memref<80x128xf32, #tpu.memory_space<vmem_shared>>
      %dma_wait3A_395 = tpu.memref_slice %arg20[%dma_wait3A_392] : memref<4x!tpu.dma_semaphore, #tpu.memory_space<semaphore_mem>> -> memref<1x!tpu.dma_semaphore, #tpu.memory_space<semaphore_mem>>
      %dma_wait3A_396 = tpu.memref_squeeze %dma_wait3A_395 : memref<1x!tpu.dma_semaphore, #tpu.memory_space<semaphore_mem>> -> memref<!tpu.dma_semaphore, #tpu.memory_space<semaphore_mem>>
      %dma_wait3A_397 = arith.constant 0 : i32
      %dma_wait3A_398 = tpu.memref_slice %arg18[%add3A_391, %dma_wait3A_397] : memref<10240x128xf32, #tpu.memory_space<vmem_shared>> -> memref<80x128xf32, #tpu.memory_space<vmem_shared>>
      tpu.wait_dma2 semaphore(%dma_wait3A_396 : memref<!tpu.dma_semaphore, #tpu.memory_space<semaphore_mem>>) src(%arg14 : memref<80x128xf32, #tpu.memory_space<vmem>>) dst(%dma_wait3A_398 : memref<80x128xf32, #tpu.memory_space<vmem_shared>>)
      %mul3A_399 = arith.constant 640 : i32
      %mul3A_400 = arith.muli %arg1, %mul3A_399 : i32
      %add3A_401 = arith.constant 560 : i32
      %add3A_402 = arith.addi %mul3A_400, %add3A_401 : i32
      %dma_wait3A_403 = arith.constant 0 : i32
      %dma_wait3A_404 = arith.constant 0 : i32
      %dma_wait3A_405 = tpu.memref_slice %arg18[%add3A_402, %dma_wait3A_404] : memref<10240x128xf32, #tpu.memory_space<vmem_shared>> -> memref<80x128xf32, #tpu.memory_space<vmem_shared>>
      %dma_wait3A_406 = tpu.memref_slice %arg20[%dma_wait3A_403] : memref<4x!tpu.dma_semaphore, #tpu.memory_space<semaphore_mem>> -> memref<1x!tpu.dma_semaphore, #tpu.memory_space<semaphore_mem>>
      %dma_wait3A_407 = tpu.memref_squeeze %dma_wait3A_406 : memref<1x!tpu.dma_semaphore, #tpu.memory_space<semaphore_mem>> -> memref<!tpu.dma_semaphore, #tpu.memory_space<semaphore_mem>>
      %dma_wait3A_408 = arith.constant 0 : i32
      %dma_wait3A_409 = tpu.memref_slice %arg18[%add3A_402, %dma_wait3A_408] : memref<10240x128xf32, #tpu.memory_space<vmem_shared>> -> memref<80x128xf32, #tpu.memory_space<vmem_shared>>
      tpu.wait_dma2 semaphore(%dma_wait3A_407 : memref<!tpu.dma_semaphore, #tpu.memory_space<semaphore_mem>>) src(%arg14 : memref<80x128xf32, #tpu.memory_space<vmem>>) dst(%dma_wait3A_409 : memref<80x128xf32, #tpu.memory_space<vmem_shared>>)
    } else {
    }
    %barrier3A = arith.constant 0 : index
    tpu.barrier barrier_id(%barrier3A)
    %scan3A = arith.constant 0 : i32
    %scan3A_7 = arith.constant 0 : i32
    %scan3A_8 = arith.constant 32 : i32
    %scan3A_9 = arith.addi %scan3A_7, %scan3A_8 : i32
    %scan3A_10 = arith.constant 1 : i32
    scf.for %scan3A_227 = %scan3A_7 to %scan3A_9 step %scan3A_10  : i32 {
      %mul3A_228 = arith.constant 4 : i32
      %mul3A_229 = arith.muli %scan3A_227, %mul3A_228 : i32
      %add3A_230 = arith.constant 0 : i32
      %add3A_231 = arith.addi %mul3A_229, %add3A_230 : i32
      %ge3A = arith.constant 4 : i32
      %ge3A_232 = arith.cmpi sge, %add3A_231, %ge3A : i32
      %lt3A = arith.constant 125 : i32
      %lt3A_233 = arith.cmpi slt, %add3A_231, %lt3A : i32
      %and3A = arith.andi %ge3A_232, %lt3A_233 : i1
      %convert_element_type3A_234 = arith.extui %and3A : i1 to i32
      %cond3A_235 = arith.constant 0 : i32
      %cond3A_236 = arith.cmpi ne, %convert_element_type3A_234, %cond3A_235 : i32
      scf.if %cond3A_236 {
        %dma_wait3A_372 = arith.constant 0 : i32
        %dma_wait3A_373 = arith.constant 0 : i32
        %dma_wait3A_374 = arith.constant 0 : i32
        %dma_wait3A_375 = tpu.memref_slice %arg18[%dma_wait3A_373, %dma_wait3A_374] : memref<10240x128xf32, #tpu.memory_space<vmem_shared>> -> memref<10240x128xf32, #tpu.memory_space<vmem_shared>>
        %dma_wait3A_376 = tpu.memref_slice %arg21[%dma_wait3A_372] : memref<4x!tpu.dma_semaphore, #tpu.memory_space<semaphore_mem>> -> memref<1x!tpu.dma_semaphore, #tpu.memory_space<semaphore_mem>>
        %dma_wait3A_377 = tpu.memref_squeeze %dma_wait3A_376 : memref<1x!tpu.dma_semaphore, #tpu.memory_space<semaphore_mem>> -> memref<!tpu.dma_semaphore, #tpu.memory_space<semaphore_mem>>
        tpu.wait_indirect_dma semaphore(%dma_wait3A_377 : memref<!tpu.dma_semaphore, #tpu.memory_space<semaphore_mem>>) src(%arg14 : memref<80x128xf32, #tpu.memory_space<vmem>>) dst(%dma_wait3A_375 : memref<10240x128xf32, #tpu.memory_space<vmem_shared>>)
      } else {
      }
      %lt3A_237 = arith.constant 125 : i32
      %lt3A_238 = arith.cmpi slt, %add3A_231, %lt3A_237 : i32
      %convert_element_type3A_239 = arith.extui %lt3A_238 : i1 to i32
      %cond3A_240 = arith.constant 0 : i32
      %cond3A_241 = arith.cmpi ne, %convert_element_type3A_239, %cond3A_240 : i32
      scf.if %cond3A_241 {
        %mul3A_372 = arith.constant 10000 : i32
        %mul3A_373 = arith.muli %add3A, %mul3A_372 : i32
        %mul3A_374 = arith.constant 80 : i32
        %mul3A_375 = arith.muli %add3A_231, %mul3A_374 : i32
        %add3A_376 = arith.addi %mul3A_373, %mul3A_375 : i32
        %dma_start3A_377 = arith.constant 0 : i32
        %dma_start3A_378 = tpu.memref_slice %arg3[%add3A_376] : memref<320000xi32, #tpu.memory_space<hbm>> -> memref<80xi32, #tpu.memory_space<hbm>>
        %dma_start3A_379 = tpu.memref_slice %arg19[%dma_start3A_377] : memref<4x!tpu.dma_semaphore, #tpu.memory_space<semaphore_mem>> -> memref<1x!tpu.dma_semaphore, #tpu.memory_space<semaphore_mem>>
        %dma_start3A_380 = tpu.memref_squeeze %dma_start3A_379 : memref<1x!tpu.dma_semaphore, #tpu.memory_space<semaphore_mem>> -> memref<!tpu.dma_semaphore, #tpu.memory_space<semaphore_mem>>
        %dma_start3A_381 = tpu.memref_slice %arg3[%add3A_376] : memref<320000xi32, #tpu.memory_space<hbm>> -> memref<80xi32, #tpu.memory_space<hbm>>
        tpu.enqueue_dma source(%dma_start3A_381 : memref<80xi32, #tpu.memory_space<hbm>>) target(%arg6 : memref<80xi32, #tpu.memory_space<vmem>>) target_semaphore(%dma_start3A_380 : memref<!tpu.dma_semaphore, #tpu.memory_space<semaphore_mem>>)
        %dma_start3A_382 = arith.constant 0 : i32
        %dma_start3A_383 = tpu.memref_slice %arg4[%add3A_376] : memref<320000xi32, #tpu.memory_space<hbm>> -> memref<80xi32, #tpu.memory_space<hbm>>
        %dma_start3A_384 = tpu.memref_slice %arg19[%dma_start3A_382] : memref<4x!tpu.dma_semaphore, #tpu.memory_space<semaphore_mem>> -> memref<1x!tpu.dma_semaphore, #tpu.memory_space<semaphore_mem>>
        %dma_start3A_385 = tpu.memref_squeeze %dma_start3A_384 : memref<1x!tpu.dma_semaphore, #tpu.memory_space<semaphore_mem>> -> memref<!tpu.dma_semaphore, #tpu.memory_space<semaphore_mem>>
        %dma_start3A_386 = tpu.memref_slice %arg4[%add3A_376] : memref<320000xi32, #tpu.memory_space<hbm>> -> memref<80xi32, #tpu.memory_space<hbm>>
        tpu.enqueue_dma source(%dma_start3A_386 : memref<80xi32, #tpu.memory_space<hbm>>) target(%arg10 : memref<80xi32, #tpu.memory_space<vmem>>) target_semaphore(%dma_start3A_385 : memref<!tpu.dma_semaphore, #tpu.memory_space<semaphore_mem>>)
      } else {
      }
      %sub3A = arith.constant 1 : i32
      %sub3A_242 = arith.subi %add3A_231, %sub3A : i32
      %ge3A_243 = arith.constant 0 : i32
      %ge3A_244 = arith.cmpi sge, %sub3A_242, %ge3A_243 : i32
      %lt3A_245 = arith.constant 125 : i32
      %lt3A_246 = arith.cmpi slt, %sub3A_242, %lt3A_245 : i32
      %and3A_247 = arith.andi %ge3A_244, %lt3A_246 : i1
      %convert_element_type3A_248 = arith.extui %and3A_247 : i1 to i32
      %cond3A_249 = arith.constant 0 : i32
      %cond3A_250 = arith.cmpi ne, %convert_element_type3A_248, %cond3A_249 : i32
      scf.if %cond3A_250 {
        %dma_wait3A_372 = arith.constant 3 : i32
        %dma_wait3A_373 = arith.constant 0 : i32
        %dma_wait3A_374 = tpu.memref_slice %arg3[%dma_wait3A_373] : memref<320000xi32, #tpu.memory_space<hbm>> -> memref<80xi32, #tpu.memory_space<hbm>>
        %dma_wait3A_375 = tpu.memref_slice %arg19[%dma_wait3A_372] : memref<4x!tpu.dma_semaphore, #tpu.memory_space<semaphore_mem>> -> memref<1x!tpu.dma_semaphore, #tpu.memory_space<semaphore_mem>>
        %dma_wait3A_376 = tpu.memref_squeeze %dma_wait3A_375 : memref<1x!tpu.dma_semaphore, #tpu.memory_space<semaphore_mem>> -> memref<!tpu.dma_semaphore, #tpu.memory_space<semaphore_mem>>
        %dma_wait3A_377 = arith.constant 0 : i32
        %dma_wait3A_378 = tpu.memref_slice %arg3[%dma_wait3A_377] : memref<320000xi32, #tpu.memory_space<hbm>> -> memref<80xi32, #tpu.memory_space<hbm>>
        tpu.wait_dma2 semaphore(%dma_wait3A_376 : memref<!tpu.dma_semaphore, #tpu.memory_space<semaphore_mem>>) src(%dma_wait3A_378 : memref<80xi32, #tpu.memory_space<hbm>>) dst(%arg9 : memref<80xi32, #tpu.memory_space<vmem>>)
        %dma_wait3A_379 = arith.constant 3 : i32
        %dma_wait3A_380 = arith.constant 0 : i32
        %dma_wait3A_381 = tpu.memref_slice %arg4[%dma_wait3A_380] : memref<320000xi32, #tpu.memory_space<hbm>> -> memref<80xi32, #tpu.memory_space<hbm>>
        %dma_wait3A_382 = tpu.memref_slice %arg19[%dma_wait3A_379] : memref<4x!tpu.dma_semaphore, #tpu.memory_space<semaphore_mem>> -> memref<1x!tpu.dma_semaphore, #tpu.memory_space<semaphore_mem>>
        %dma_wait3A_383 = tpu.memref_squeeze %dma_wait3A_382 : memref<1x!tpu.dma_semaphore, #tpu.memory_space<semaphore_mem>> -> memref<!tpu.dma_semaphore, #tpu.memory_space<semaphore_mem>>
        %dma_wait3A_384 = arith.constant 0 : i32
        %dma_wait3A_385 = tpu.memref_slice %arg4[%dma_wait3A_384] : memref<320000xi32, #tpu.memory_space<hbm>> -> memref<80xi32, #tpu.memory_space<hbm>>
        tpu.wait_dma2 semaphore(%dma_wait3A_383 : memref<!tpu.dma_semaphore, #tpu.memory_space<semaphore_mem>>) src(%dma_wait3A_385 : memref<80xi32, #tpu.memory_space<hbm>>) dst(%arg13 : memref<80xi32, #tpu.memory_space<vmem>>)
        %dma_start3A_386 = arith.constant 3 : i32
        %dma_start3A_387 = arith.constant 0 : i32
        %dma_start3A_388 = arith.constant 0 : i32
        %dma_start3A_389 = tpu.memref_slice %arg2[%dma_start3A_387, %dma_start3A_388] : memref<10240x128xf32, #tpu.memory_space<hbm>> -> memref<10240x128xf32, #tpu.memory_space<hbm>>
        %dma_start3A_390 = tpu.memref_slice %arg20[%dma_start3A_386] : memref<4x!tpu.dma_semaphore, #tpu.memory_space<semaphore_mem>> -> memref<1x!tpu.dma_semaphore, #tpu.memory_space<semaphore_mem>>
        %dma_start3A_391 = tpu.memref_squeeze %dma_start3A_390 : memref<1x!tpu.dma_semaphore, #tpu.memory_space<semaphore_mem>> -> memref<!tpu.dma_semaphore, #tpu.memory_space<semaphore_mem>>
        tpu.enqueue_indirect_dma source(%dma_start3A_389 : memref<10240x128xf32, #tpu.memory_space<hbm>>) target(%arg17 : memref<80x128xf32, #tpu.memory_space<vmem>>) offsets(%arg9 : memref<80xi32, #tpu.memory_space<vmem>>) semaphore(%dma_start3A_391 : memref<!tpu.dma_semaphore, #tpu.memory_space<semaphore_mem>>)
      } else {
      }
      %sub3A_251 = arith.constant 2 : i32
      %sub3A_252 = arith.subi %add3A_231, %sub3A_251 : i32
      %ge3A_253 = arith.constant 0 : i32
      %ge3A_254 = arith.cmpi sge, %sub3A_252, %ge3A_253 : i32
      %lt3A_255 = arith.constant 125 : i32
      %lt3A_256 = arith.cmpi slt, %sub3A_252, %lt3A_255 : i32
      %and3A_257 = arith.andi %ge3A_254, %lt3A_256 : i1
      %convert_element_type3A_258 = arith.extui %and3A_257 : i1 to i32
      %cond3A_259 = arith.constant 0 : i32
      %cond3A_260 = arith.cmpi ne, %convert_element_type3A_258, %cond3A_259 : i32
      scf.if %cond3A_260 {
        %dma_wait3A_372 = arith.constant 2 : i32
        %dma_wait3A_373 = arith.constant 0 : i32
        %dma_wait3A_374 = arith.constant 0 : i32
        %dma_wait3A_375 = tpu.memref_slice %arg2[%dma_wait3A_373, %dma_wait3A_374] : memref<10240x128xf32, #tpu.memory_space<hbm>> -> memref<10240x128xf32, #tpu.memory_space<hbm>>
        %dma_wait3A_376 = tpu.memref_slice %arg20[%dma_wait3A_372] : memref<4x!tpu.dma_semaphore, #tpu.memory_space<semaphore_mem>> -> memref<1x!tpu.dma_semaphore, #tpu.memory_space<semaphore_mem>>
        %dma_wait3A_377 = tpu.memref_squeeze %dma_wait3A_376 : memref<1x!tpu.dma_semaphore, #tpu.memory_space<semaphore_mem>> -> memref<!tpu.dma_semaphore, #tpu.memory_space<semaphore_mem>>
        tpu.wait_indirect_dma semaphore(%dma_wait3A_377 : memref<!tpu.dma_semaphore, #tpu.memory_space<semaphore_mem>>) src(%dma_wait3A_375 : memref<10240x128xf32, #tpu.memory_space<hbm>>) dst(%arg16 : memref<80x128xf32, #tpu.memory_space<vmem>>)
        %dma_start3A_378 = arith.constant 2 : i32
        %dma_start3A_379 = arith.constant 0 : i32
        %dma_start3A_380 = arith.constant 0 : i32
        %dma_start3A_381 = tpu.memref_slice %arg18[%dma_start3A_379, %dma_start3A_380] : memref<10240x128xf32, #tpu.memory_space<vmem_shared>> -> memref<10240x128xf32, #tpu.memory_space<vmem_shared>>
        %dma_start3A_382 = tpu.memref_slice %arg21[%dma_start3A_378] : memref<4x!tpu.dma_semaphore, #tpu.memory_space<semaphore_mem>> -> memref<1x!tpu.dma_semaphore, #tpu.memory_space<semaphore_mem>>
        %dma_start3A_383 = tpu.memref_squeeze %dma_start3A_382 : memref<1x!tpu.dma_semaphore, #tpu.memory_space<semaphore_mem>> -> memref<!tpu.dma_semaphore, #tpu.memory_space<semaphore_mem>>
        tpu.enqueue_indirect_dma source(%arg16 : memref<80x128xf32, #tpu.memory_space<vmem>>) target(%dma_start3A_381 : memref<10240x128xf32, #tpu.memory_space<vmem_shared>>) offsets(%arg12 : memref<80xi32, #tpu.memory_space<vmem>>) semaphore(%dma_start3A_383 : memref<!tpu.dma_semaphore, #tpu.memory_space<semaphore_mem>>) {add = true}
      } else {
      }
      %mul3A_261 = arith.constant 4 : i32
      %mul3A_262 = arith.muli %scan3A_227, %mul3A_261 : i32
      %add3A_263 = arith.constant 1 : i32
      %add3A_264 = arith.addi %mul3A_262, %add3A_263 : i32
      %ge3A_265 = arith.constant 4 : i32
      %ge3A_266 = arith.cmpi sge, %add3A_264, %ge3A_265 : i32
      %lt3A_267 = arith.constant 125 : i32
      %lt3A_268 = arith.cmpi slt, %add3A_264, %lt3A_267 : i32
      %and3A_269 = arith.andi %ge3A_266, %lt3A_268 : i1
      %convert_element_type3A_270 = arith.extui %and3A_269 : i1 to i32
      %cond3A_271 = arith.constant 0 : i32
      %cond3A_272 = arith.cmpi ne, %convert_element_type3A_270, %cond3A_271 : i32
      scf.if %cond3A_272 {
        %dma_wait3A_372 = arith.constant 1 : i32
        %dma_wait3A_373 = arith.constant 0 : i32
        %dma_wait3A_374 = arith.constant 0 : i32
        %dma_wait3A_375 = tpu.memref_slice %arg18[%dma_wait3A_373, %dma_wait3A_374] : memref<10240x128xf32, #tpu.memory_space<vmem_shared>> -> memref<10240x128xf32, #tpu.memory_space<vmem_shared>>
        %dma_wait3A_376 = tpu.memref_slice %arg21[%dma_wait3A_372] : memref<4x!tpu.dma_semaphore, #tpu.memory_space<semaphore_mem>> -> memref<1x!tpu.dma_semaphore, #tpu.memory_space<semaphore_mem>>
        %dma_wait3A_377 = tpu.memref_squeeze %dma_wait3A_376 : memref<1x!tpu.dma_semaphore, #tpu.memory_space<semaphore_mem>> -> memref<!tpu.dma_semaphore, #tpu.memory_space<semaphore_mem>>
        tpu.wait_indirect_dma semaphore(%dma_wait3A_377 : memref<!tpu.dma_semaphore, #tpu.memory_space<semaphore_mem>>) src(%arg15 : memref<80x128xf32, #tpu.memory_space<vmem>>) dst(%dma_wait3A_375 : memref<10240x128xf32, #tpu.memory_space<vmem_shared>>)
      } else {
      }
      %lt3A_273 = arith.constant 125 : i32
      %lt3A_274 = arith.cmpi slt, %add3A_264, %lt3A_273 : i32
      %convert_element_type3A_275 = arith.extui %lt3A_274 : i1 to i32
      %cond3A_276 = arith.constant 0 : i32
      %cond3A_277 = arith.cmpi ne, %convert_element_type3A_275, %cond3A_276 : i32
      scf.if %cond3A_277 {
        %mul3A_372 = arith.constant 10000 : i32
        %mul3A_373 = arith.muli %add3A, %mul3A_372 : i32
        %mul3A_374 = arith.constant 80 : i32
        %mul3A_375 = arith.muli %add3A_264, %mul3A_374 : i32
        %add3A_376 = arith.addi %mul3A_373, %mul3A_375 : i32
        %dma_start3A_377 = arith.constant 1 : i32
        %dma_start3A_378 = tpu.memref_slice %arg3[%add3A_376] : memref<320000xi32, #tpu.memory_space<hbm>> -> memref<80xi32, #tpu.memory_space<hbm>>
        %dma_start3A_379 = tpu.memref_slice %arg19[%dma_start3A_377] : memref<4x!tpu.dma_semaphore, #tpu.memory_space<semaphore_mem>> -> memref<1x!tpu.dma_semaphore, #tpu.memory_space<semaphore_mem>>
        %dma_start3A_380 = tpu.memref_squeeze %dma_start3A_379 : memref<1x!tpu.dma_semaphore, #tpu.memory_space<semaphore_mem>> -> memref<!tpu.dma_semaphore, #tpu.memory_space<semaphore_mem>>
        %dma_start3A_381 = tpu.memref_slice %arg3[%add3A_376] : memref<320000xi32, #tpu.memory_space<hbm>> -> memref<80xi32, #tpu.memory_space<hbm>>
        tpu.enqueue_dma source(%dma_start3A_381 : memref<80xi32, #tpu.memory_space<hbm>>) target(%arg7 : memref<80xi32, #tpu.memory_space<vmem>>) target_semaphore(%dma_start3A_380 : memref<!tpu.dma_semaphore, #tpu.memory_space<semaphore_mem>>)
        %dma_start3A_382 = arith.constant 1 : i32
        %dma_start3A_383 = tpu.memref_slice %arg4[%add3A_376] : memref<320000xi32, #tpu.memory_space<hbm>> -> memref<80xi32, #tpu.memory_space<hbm>>
        %dma_start3A_384 = tpu.memref_slice %arg19[%dma_start3A_382] : memref<4x!tpu.dma_semaphore, #tpu.memory_space<semaphore_mem>> -> memref<1x!tpu.dma_semaphore, #tpu.memory_space<semaphore_mem>>
        %dma_start3A_385 = tpu.memref_squeeze %dma_start3A_384 : memref<1x!tpu.dma_semaphore, #tpu.memory_space<semaphore_mem>> -> memref<!tpu.dma_semaphore, #tpu.memory_space<semaphore_mem>>
        %dma_start3A_386 = tpu.memref_slice %arg4[%add3A_376] : memref<320000xi32, #tpu.memory_space<hbm>> -> memref<80xi32, #tpu.memory_space<hbm>>
        tpu.enqueue_dma source(%dma_start3A_386 : memref<80xi32, #tpu.memory_space<hbm>>) target(%arg11 : memref<80xi32, #tpu.memory_space<vmem>>) target_semaphore(%dma_start3A_385 : memref<!tpu.dma_semaphore, #tpu.memory_space<semaphore_mem>>)
      } else {
      }
      %sub3A_278 = arith.constant 1 : i32
      %sub3A_279 = arith.subi %add3A_264, %sub3A_278 : i32
      %ge3A_280 = arith.constant 0 : i32
      %ge3A_281 = arith.cmpi sge, %sub3A_279, %ge3A_280 : i32
      %lt3A_282 = arith.constant 125 : i32
      %lt3A_283 = arith.cmpi slt, %sub3A_279, %lt3A_282 : i32
      %and3A_284 = arith.andi %ge3A_281, %lt3A_283 : i1
      %convert_element_type3A_285 = arith.extui %and3A_284 : i1 to i32
      %cond3A_286 = arith.constant 0 : i32
      %cond3A_287 = arith.cmpi ne, %convert_element_type3A_285, %cond3A_286 : i32
      scf.if %cond3A_287 {
        %dma_wait3A_372 = arith.constant 0 : i32
        %dma_wait3A_373 = arith.constant 0 : i32
        %dma_wait3A_374 = tpu.memref_slice %arg3[%dma_wait3A_373] : memref<320000xi32, #tpu.memory_space<hbm>> -> memref<80xi32, #tpu.memory_space<hbm>>
        %dma_wait3A_375 = tpu.memref_slice %arg19[%dma_wait3A_372] : memref<4x!tpu.dma_semaphore, #tpu.memory_space<semaphore_mem>> -> memref<1x!tpu.dma_semaphore, #tpu.memory_space<semaphore_mem>>
        %dma_wait3A_376 = tpu.memref_squeeze %dma_wait3A_375 : memref<1x!tpu.dma_semaphore, #tpu.memory_space<semaphore_mem>> -> memref<!tpu.dma_semaphore, #tpu.memory_space<semaphore_mem>>
        %dma_wait3A_377 = arith.constant 0 : i32
        %dma_wait3A_378 = tpu.memref_slice %arg3[%dma_wait3A_377] : memref<320000xi32, #tpu.memory_space<hbm>> -> memref<80xi32, #tpu.memory_space<hbm>>
        tpu.wait_dma2 semaphore(%dma_wait3A_376 : memref<!tpu.dma_semaphore, #tpu.memory_space<semaphore_mem>>) src(%dma_wait3A_378 : memref<80xi32, #tpu.memory_space<hbm>>) dst(%arg6 : memref<80xi32, #tpu.memory_space<vmem>>)
        %dma_wait3A_379 = arith.constant 0 : i32
        %dma_wait3A_380 = arith.constant 0 : i32
        %dma_wait3A_381 = tpu.memref_slice %arg4[%dma_wait3A_380] : memref<320000xi32, #tpu.memory_space<hbm>> -> memref<80xi32, #tpu.memory_space<hbm>>
        %dma_wait3A_382 = tpu.memref_slice %arg19[%dma_wait3A_379] : memref<4x!tpu.dma_semaphore, #tpu.memory_space<semaphore_mem>> -> memref<1x!tpu.dma_semaphore, #tpu.memory_space<semaphore_mem>>
        %dma_wait3A_383 = tpu.memref_squeeze %dma_wait3A_382 : memref<1x!tpu.dma_semaphore, #tpu.memory_space<semaphore_mem>> -> memref<!tpu.dma_semaphore, #tpu.memory_space<semaphore_mem>>
        %dma_wait3A_384 = arith.constant 0 : i32
        %dma_wait3A_385 = tpu.memref_slice %arg4[%dma_wait3A_384] : memref<320000xi32, #tpu.memory_space<hbm>> -> memref<80xi32, #tpu.memory_space<hbm>>
        tpu.wait_dma2 semaphore(%dma_wait3A_383 : memref<!tpu.dma_semaphore, #tpu.memory_space<semaphore_mem>>) src(%dma_wait3A_385 : memref<80xi32, #tpu.memory_space<hbm>>) dst(%arg10 : memref<80xi32, #tpu.memory_space<vmem>>)
        %dma_start3A_386 = arith.constant 0 : i32
        %dma_start3A_387 = arith.constant 0 : i32
        %dma_start3A_388 = arith.constant 0 : i32
        %dma_start3A_389 = tpu.memref_slice %arg2[%dma_start3A_387, %dma_start3A_388] : memref<10240x128xf32, #tpu.memory_space<hbm>> -> memref<10240x128xf32, #tpu.memory_space<hbm>>
        %dma_start3A_390 = tpu.memref_slice %arg20[%dma_start3A_386] : memref<4x!tpu.dma_semaphore, #tpu.memory_space<semaphore_mem>> -> memref<1x!tpu.dma_semaphore, #tpu.memory_space<semaphore_mem>>
        %dma_start3A_391 = tpu.memref_squeeze %dma_start3A_390 : memref<1x!tpu.dma_semaphore, #tpu.memory_space<semaphore_mem>> -> memref<!tpu.dma_semaphore, #tpu.memory_space<semaphore_mem>>
        tpu.enqueue_indirect_dma source(%dma_start3A_389 : memref<10240x128xf32, #tpu.memory_space<hbm>>) target(%arg14 : memref<80x128xf32, #tpu.memory_space<vmem>>) offsets(%arg6 : memref<80xi32, #tpu.memory_space<vmem>>) semaphore(%dma_start3A_391 : memref<!tpu.dma_semaphore, #tpu.memory_space<semaphore_mem>>)
      } else {
      }
      %sub3A_288 = arith.constant 2 : i32
      %sub3A_289 = arith.subi %add3A_264, %sub3A_288 : i32
      %ge3A_290 = arith.constant 0 : i32
      %ge3A_291 = arith.cmpi sge, %sub3A_289, %ge3A_290 : i32
      %lt3A_292 = arith.constant 125 : i32
      %lt3A_293 = arith.cmpi slt, %sub3A_289, %lt3A_292 : i32
      %and3A_294 = arith.andi %ge3A_291, %lt3A_293 : i1
      %convert_element_type3A_295 = arith.extui %and3A_294 : i1 to i32
      %cond3A_296 = arith.constant 0 : i32
      %cond3A_297 = arith.cmpi ne, %convert_element_type3A_295, %cond3A_296 : i32
      scf.if %cond3A_297 {
        %dma_wait3A_372 = arith.constant 3 : i32
        %dma_wait3A_373 = arith.constant 0 : i32
        %dma_wait3A_374 = arith.constant 0 : i32
        %dma_wait3A_375 = tpu.memref_slice %arg2[%dma_wait3A_373, %dma_wait3A_374] : memref<10240x128xf32, #tpu.memory_space<hbm>> -> memref<10240x128xf32, #tpu.memory_space<hbm>>
        %dma_wait3A_376 = tpu.memref_slice %arg20[%dma_wait3A_372] : memref<4x!tpu.dma_semaphore, #tpu.memory_space<semaphore_mem>> -> memref<1x!tpu.dma_semaphore, #tpu.memory_space<semaphore_mem>>
        %dma_wait3A_377 = tpu.memref_squeeze %dma_wait3A_376 : memref<1x!tpu.dma_semaphore, #tpu.memory_space<semaphore_mem>> -> memref<!tpu.dma_semaphore, #tpu.memory_space<semaphore_mem>>
        tpu.wait_indirect_dma semaphore(%dma_wait3A_377 : memref<!tpu.dma_semaphore, #tpu.memory_space<semaphore_mem>>) src(%dma_wait3A_375 : memref<10240x128xf32, #tpu.memory_space<hbm>>) dst(%arg17 : memref<80x128xf32, #tpu.memory_space<vmem>>)
        %dma_start3A_378 = arith.constant 3 : i32
        %dma_start3A_379 = arith.constant 0 : i32
        %dma_start3A_380 = arith.constant 0 : i32
        %dma_start3A_381 = tpu.memref_slice %arg18[%dma_start3A_379, %dma_start3A_380] : memref<10240x128xf32, #tpu.memory_space<vmem_shared>> -> memref<10240x128xf32, #tpu.memory_space<vmem_shared>>
        %dma_start3A_382 = tpu.memref_slice %arg21[%dma_start3A_378] : memref<4x!tpu.dma_semaphore, #tpu.memory_space<semaphore_mem>> -> memref<1x!tpu.dma_semaphore, #tpu.memory_space<semaphore_mem>>
        %dma_start3A_383 = tpu.memref_squeeze %dma_start3A_382 : memref<1x!tpu.dma_semaphore, #tpu.memory_space<semaphore_mem>> -> memref<!tpu.dma_semaphore, #tpu.memory_space<semaphore_mem>>
        tpu.enqueue_indirect_dma source(%arg17 : memref<80x128xf32, #tpu.memory_space<vmem>>) target(%dma_start3A_381 : memref<10240x128xf32, #tpu.memory_space<vmem_shared>>) offsets(%arg13 : memref<80xi32, #tpu.memory_space<vmem>>) semaphore(%dma_start3A_383 : memref<!tpu.dma_semaphore, #tpu.memory_space<semaphore_mem>>) {add = true}
      } else {
      }
      %mul3A_298 = arith.constant 4 : i32
      %mul3A_299 = arith.muli %scan3A_227, %mul3A_298 : i32
      %add3A_300 = arith.constant 2 : i32
      %add3A_301 = arith.addi %mul3A_299, %add3A_300 : i32
      %ge3A_302 = arith.constant 4 : i32
      %ge3A_303 = arith.cmpi sge, %add3A_301, %ge3A_302 : i32
      %lt3A_304 = arith.constant 125 : i32
      %lt3A_305 = arith.cmpi slt, %add3A_301, %lt3A_304 : i32
      %and3A_306 = arith.andi %ge3A_303, %lt3A_305 : i1
      %convert_element_type3A_307 = arith.extui %and3A_306 : i1 to i32
      %cond3A_308 = arith.constant 0 : i32
      %cond3A_309 = arith.cmpi ne, %convert_element_type3A_307, %cond3A_308 : i32
      scf.if %cond3A_309 {
        %dma_wait3A_372 = arith.constant 2 : i32
        %dma_wait3A_373 = arith.constant 0 : i32
        %dma_wait3A_374 = arith.constant 0 : i32
        %dma_wait3A_375 = tpu.memref_slice %arg18[%dma_wait3A_373, %dma_wait3A_374] : memref<10240x128xf32, #tpu.memory_space<vmem_shared>> -> memref<10240x128xf32, #tpu.memory_space<vmem_shared>>
        %dma_wait3A_376 = tpu.memref_slice %arg21[%dma_wait3A_372] : memref<4x!tpu.dma_semaphore, #tpu.memory_space<semaphore_mem>> -> memref<1x!tpu.dma_semaphore, #tpu.memory_space<semaphore_mem>>
        %dma_wait3A_377 = tpu.memref_squeeze %dma_wait3A_376 : memref<1x!tpu.dma_semaphore, #tpu.memory_space<semaphore_mem>> -> memref<!tpu.dma_semaphore, #tpu.memory_space<semaphore_mem>>
        tpu.wait_indirect_dma semaphore(%dma_wait3A_377 : memref<!tpu.dma_semaphore, #tpu.memory_space<semaphore_mem>>) src(%arg16 : memref<80x128xf32, #tpu.memory_space<vmem>>) dst(%dma_wait3A_375 : memref<10240x128xf32, #tpu.memory_space<vmem_shared>>)
      } else {
      }
      %lt3A_310 = arith.constant 125 : i32
      %lt3A_311 = arith.cmpi slt, %add3A_301, %lt3A_310 : i32
      %convert_element_type3A_312 = arith.extui %lt3A_311 : i1 to i32
      %cond3A_313 = arith.constant 0 : i32
      %cond3A_314 = arith.cmpi ne, %convert_element_type3A_312, %cond3A_313 : i32
      scf.if %cond3A_314 {
        %mul3A_372 = arith.constant 10000 : i32
        %mul3A_373 = arith.muli %add3A, %mul3A_372 : i32
        %mul3A_374 = arith.constant 80 : i32
        %mul3A_375 = arith.muli %add3A_301, %mul3A_374 : i32
        %add3A_376 = arith.addi %mul3A_373, %mul3A_375 : i32
        %dma_start3A_377 = arith.constant 2 : i32
        %dma_start3A_378 = tpu.memref_slice %arg3[%add3A_376] : memref<320000xi32, #tpu.memory_space<hbm>> -> memref<80xi32, #tpu.memory_space<hbm>>
        %dma_start3A_379 = tpu.memref_slice %arg19[%dma_start3A_377] : memref<4x!tpu.dma_semaphore, #tpu.memory_space<semaphore_mem>> -> memref<1x!tpu.dma_semaphore, #tpu.memory_space<semaphore_mem>>
        %dma_start3A_380 = tpu.memref_squeeze %dma_start3A_379 : memref<1x!tpu.dma_semaphore, #tpu.memory_space<semaphore_mem>> -> memref<!tpu.dma_semaphore, #tpu.memory_space<semaphore_mem>>
        %dma_start3A_381 = tpu.memref_slice %arg3[%add3A_376] : memref<320000xi32, #tpu.memory_space<hbm>> -> memref<80xi32, #tpu.memory_space<hbm>>
        tpu.enqueue_dma source(%dma_start3A_381 : memref<80xi32, #tpu.memory_space<hbm>>) target(%arg8 : memref<80xi32, #tpu.memory_space<vmem>>) target_semaphore(%dma_start3A_380 : memref<!tpu.dma_semaphore, #tpu.memory_space<semaphore_mem>>)
        %dma_start3A_382 = arith.constant 2 : i32
        %dma_start3A_383 = tpu.memref_slice %arg4[%add3A_376] : memref<320000xi32, #tpu.memory_space<hbm>> -> memref<80xi32, #tpu.memory_space<hbm>>
        %dma_start3A_384 = tpu.memref_slice %arg19[%dma_start3A_382] : memref<4x!tpu.dma_semaphore, #tpu.memory_space<semaphore_mem>> -> memref<1x!tpu.dma_semaphore, #tpu.memory_space<semaphore_mem>>
        %dma_start3A_385 = tpu.memref_squeeze %dma_start3A_384 : memref<1x!tpu.dma_semaphore, #tpu.memory_space<semaphore_mem>> -> memref<!tpu.dma_semaphore, #tpu.memory_space<semaphore_mem>>
        %dma_start3A_386 = tpu.memref_slice %arg4[%add3A_376] : memref<320000xi32, #tpu.memory_space<hbm>> -> memref<80xi32, #tpu.memory_space<hbm>>
        tpu.enqueue_dma source(%dma_start3A_386 : memref<80xi32, #tpu.memory_space<hbm>>) target(%arg12 : memref<80xi32, #tpu.memory_space<vmem>>) target_semaphore(%dma_start3A_385 : memref<!tpu.dma_semaphore, #tpu.memory_space<semaphore_mem>>)
      } else {
      }
      %sub3A_315 = arith.constant 1 : i32
      %sub3A_316 = arith.subi %add3A_301, %sub3A_315 : i32
      %ge3A_317 = arith.constant 0 : i32
      %ge3A_318 = arith.cmpi sge, %sub3A_316, %ge3A_317 : i32
      %lt3A_319 = arith.constant 125 : i32
      %lt3A_320 = arith.cmpi slt, %sub3A_316, %lt3A_319 : i32
      %and3A_321 = arith.andi %ge3A_318, %lt3A_320 : i1
      %convert_element_type3A_322 = arith.extui %and3A_321 : i1 to i32
      %cond3A_323 = arith.constant 0 : i32
      %cond3A_324 = arith.cmpi ne, %convert_element_type3A_322, %cond3A_323 : i32
      scf.if %cond3A_324 {
        %dma_wait3A_372 = arith.constant 1 : i32
        %dma_wait3A_373 = arith.constant 0 : i32
        %dma_wait3A_374 = tpu.memref_slice %arg3[%dma_wait3A_373] : memref<320000xi32, #tpu.memory_space<hbm>> -> memref<80xi32, #tpu.memory_space<hbm>>
        %dma_wait3A_375 = tpu.memref_slice %arg19[%dma_wait3A_372] : memref<4x!tpu.dma_semaphore, #tpu.memory_space<semaphore_mem>> -> memref<1x!tpu.dma_semaphore, #tpu.memory_space<semaphore_mem>>
        %dma_wait3A_376 = tpu.memref_squeeze %dma_wait3A_375 : memref<1x!tpu.dma_semaphore, #tpu.memory_space<semaphore_mem>> -> memref<!tpu.dma_semaphore, #tpu.memory_space<semaphore_mem>>
        %dma_wait3A_377 = arith.constant 0 : i32
        %dma_wait3A_378 = tpu.memref_slice %arg3[%dma_wait3A_377] : memref<320000xi32, #tpu.memory_space<hbm>> -> memref<80xi32, #tpu.memory_space<hbm>>
        tpu.wait_dma2 semaphore(%dma_wait3A_376 : memref<!tpu.dma_semaphore, #tpu.memory_space<semaphore_mem>>) src(%dma_wait3A_378 : memref<80xi32, #tpu.memory_space<hbm>>) dst(%arg7 : memref<80xi32, #tpu.memory_space<vmem>>)
        %dma_wait3A_379 = arith.constant 1 : i32
        %dma_wait3A_380 = arith.constant 0 : i32
        %dma_wait3A_381 = tpu.memref_slice %arg4[%dma_wait3A_380] : memref<320000xi32, #tpu.memory_space<hbm>> -> memref<80xi32, #tpu.memory_space<hbm>>
        %dma_wait3A_382 = tpu.memref_slice %arg19[%dma_wait3A_379] : memref<4x!tpu.dma_semaphore, #tpu.memory_space<semaphore_mem>> -> memref<1x!tpu.dma_semaphore, #tpu.memory_space<semaphore_mem>>
        %dma_wait3A_383 = tpu.memref_squeeze %dma_wait3A_382 : memref<1x!tpu.dma_semaphore, #tpu.memory_space<semaphore_mem>> -> memref<!tpu.dma_semaphore, #tpu.memory_space<semaphore_mem>>
        %dma_wait3A_384 = arith.constant 0 : i32
        %dma_wait3A_385 = tpu.memref_slice %arg4[%dma_wait3A_384] : memref<320000xi32, #tpu.memory_space<hbm>> -> memref<80xi32, #tpu.memory_space<hbm>>
        tpu.wait_dma2 semaphore(%dma_wait3A_383 : memref<!tpu.dma_semaphore, #tpu.memory_space<semaphore_mem>>) src(%dma_wait3A_385 : memref<80xi32, #tpu.memory_space<hbm>>) dst(%arg11 : memref<80xi32, #tpu.memory_space<vmem>>)
        %dma_start3A_386 = arith.constant 1 : i32
        %dma_start3A_387 = arith.constant 0 : i32
        %dma_start3A_388 = arith.constant 0 : i32
        %dma_start3A_389 = tpu.memref_slice %arg2[%dma_start3A_387, %dma_start3A_388] : memref<10240x128xf32, #tpu.memory_space<hbm>> -> memref<10240x128xf32, #tpu.memory_space<hbm>>
        %dma_start3A_390 = tpu.memref_slice %arg20[%dma_start3A_386] : memref<4x!tpu.dma_semaphore, #tpu.memory_space<semaphore_mem>> -> memref<1x!tpu.dma_semaphore, #tpu.memory_space<semaphore_mem>>
        %dma_start3A_391 = tpu.memref_squeeze %dma_start3A_390 : memref<1x!tpu.dma_semaphore, #tpu.memory_space<semaphore_mem>> -> memref<!tpu.dma_semaphore, #tpu.memory_space<semaphore_mem>>
        tpu.enqueue_indirect_dma source(%dma_start3A_389 : memref<10240x128xf32, #tpu.memory_space<hbm>>) target(%arg15 : memref<80x128xf32, #tpu.memory_space<vmem>>) offsets(%arg7 : memref<80xi32, #tpu.memory_space<vmem>>) semaphore(%dma_start3A_391 : memref<!tpu.dma_semaphore, #tpu.memory_space<semaphore_mem>>)
      } else {
      }
      %sub3A_325 = arith.constant 2 : i32
      %sub3A_326 = arith.subi %add3A_301, %sub3A_325 : i32
      %ge3A_327 = arith.constant 0 : i32
      %ge3A_328 = arith.cmpi sge, %sub3A_326, %ge3A_327 : i32
      %lt3A_329 = arith.constant 125 : i32
      %lt3A_330 = arith.cmpi slt, %sub3A_326, %lt3A_329 : i32
      %and3A_331 = arith.andi %ge3A_328, %lt3A_330 : i1
      %convert_element_type3A_332 = arith.extui %and3A_331 : i1 to i32
      %cond3A_333 = arith.constant 0 : i32
      %cond3A_334 = arith.cmpi ne, %convert_element_type3A_332, %cond3A_333 : i32
      scf.if %cond3A_334 {
        %dma_wait3A_372 = arith.constant 0 : i32
        %dma_wait3A_373 = arith.constant 0 : i32
        %dma_wait3A_374 = arith.constant 0 : i32
        %dma_wait3A_375 = tpu.memref_slice %arg2[%dma_wait3A_373, %dma_wait3A_374] : memref<10240x128xf32, #tpu.memory_space<hbm>> -> memref<10240x128xf32, #tpu.memory_space<hbm>>
        %dma_wait3A_376 = tpu.memref_slice %arg20[%dma_wait3A_372] : memref<4x!tpu.dma_semaphore, #tpu.memory_space<semaphore_mem>> -> memref<1x!tpu.dma_semaphore, #tpu.memory_space<semaphore_mem>>
        %dma_wait3A_377 = tpu.memref_squeeze %dma_wait3A_376 : memref<1x!tpu.dma_semaphore, #tpu.memory_space<semaphore_mem>> -> memref<!tpu.dma_semaphore, #tpu.memory_space<semaphore_mem>>
        tpu.wait_indirect_dma semaphore(%dma_wait3A_377 : memref<!tpu.dma_semaphore, #tpu.memory_space<semaphore_mem>>) src(%dma_wait3A_375 : memref<10240x128xf32, #tpu.memory_space<hbm>>) dst(%arg14 : memref<80x128xf32, #tpu.memory_space<vmem>>)
        %dma_start3A_378 = arith.constant 0 : i32
        %dma_start3A_379 = arith.constant 0 : i32
        %dma_start3A_380 = arith.constant 0 : i32
        %dma_start3A_381 = tpu.memref_slice %arg18[%dma_start3A_379, %dma_start3A_380] : memref<10240x128xf32, #tpu.memory_space<vmem_shared>> -> memref<10240x128xf32, #tpu.memory_space<vmem_shared>>
        %dma_start3A_382 = tpu.memref_slice %arg21[%dma_start3A_378] : memref<4x!tpu.dma_semaphore, #tpu.memory_space<semaphore_mem>> -> memref<1x!tpu.dma_semaphore, #tpu.memory_space<semaphore_mem>>
        %dma_start3A_383 = tpu.memref_squeeze %dma_start3A_382 : memref<1x!tpu.dma_semaphore, #tpu.memory_space<semaphore_mem>> -> memref<!tpu.dma_semaphore, #tpu.memory_space<semaphore_mem>>
        tpu.enqueue_indirect_dma source(%arg14 : memref<80x128xf32, #tpu.memory_space<vmem>>) target(%dma_start3A_381 : memref<10240x128xf32, #tpu.memory_space<vmem_shared>>) offsets(%arg10 : memref<80xi32, #tpu.memory_space<vmem>>) semaphore(%dma_start3A_383 : memref<!tpu.dma_semaphore, #tpu.memory_space<semaphore_mem>>) {add = true}
      } else {
      }
      %mul3A_335 = arith.constant 4 : i32
      %mul3A_336 = arith.muli %scan3A_227, %mul3A_335 : i32
      %add3A_337 = arith.constant 3 : i32
      %add3A_338 = arith.addi %mul3A_336, %add3A_337 : i32
      %ge3A_339 = arith.constant 4 : i32
      %ge3A_340 = arith.cmpi sge, %add3A_338, %ge3A_339 : i32
      %lt3A_341 = arith.constant 125 : i32
      %lt3A_342 = arith.cmpi slt, %add3A_338, %lt3A_341 : i32
      %and3A_343 = arith.andi %ge3A_340, %lt3A_342 : i1
      %convert_element_type3A_344 = arith.extui %and3A_343 : i1 to i32
      %cond3A_345 = arith.constant 0 : i32
      %cond3A_346 = arith.cmpi ne, %convert_element_type3A_344, %cond3A_345 : i32
      scf.if %cond3A_346 {
        %dma_wait3A_372 = arith.constant 3 : i32
        %dma_wait3A_373 = arith.constant 0 : i32
        %dma_wait3A_374 = arith.constant 0 : i32
        %dma_wait3A_375 = tpu.memref_slice %arg18[%dma_wait3A_373, %dma_wait3A_374] : memref<10240x128xf32, #tpu.memory_space<vmem_shared>> -> memref<10240x128xf32, #tpu.memory_space<vmem_shared>>
        %dma_wait3A_376 = tpu.memref_slice %arg21[%dma_wait3A_372] : memref<4x!tpu.dma_semaphore, #tpu.memory_space<semaphore_mem>> -> memref<1x!tpu.dma_semaphore, #tpu.memory_space<semaphore_mem>>
        %dma_wait3A_377 = tpu.memref_squeeze %dma_wait3A_376 : memref<1x!tpu.dma_semaphore, #tpu.memory_space<semaphore_mem>> -> memref<!tpu.dma_semaphore, #tpu.memory_space<semaphore_mem>>
        tpu.wait_indirect_dma semaphore(%dma_wait3A_377 : memref<!tpu.dma_semaphore, #tpu.memory_space<semaphore_mem>>) src(%arg17 : memref<80x128xf32, #tpu.memory_space<vmem>>) dst(%dma_wait3A_375 : memref<10240x128xf32, #tpu.memory_space<vmem_shared>>)
      } else {
      }
      %lt3A_347 = arith.constant 125 : i32
      %lt3A_348 = arith.cmpi slt, %add3A_338, %lt3A_347 : i32
      %convert_element_type3A_349 = arith.extui %lt3A_348 : i1 to i32
      %cond3A_350 = arith.constant 0 : i32
      %cond3A_351 = arith.cmpi ne, %convert_element_type3A_349, %cond3A_350 : i32
      scf.if %cond3A_351 {
        %mul3A_372 = arith.constant 10000 : i32
        %mul3A_373 = arith.muli %add3A, %mul3A_372 : i32
        %mul3A_374 = arith.constant 80 : i32
        %mul3A_375 = arith.muli %add3A_338, %mul3A_374 : i32
        %add3A_376 = arith.addi %mul3A_373, %mul3A_375 : i32
        %dma_start3A_377 = arith.constant 3 : i32
        %dma_start3A_378 = tpu.memref_slice %arg3[%add3A_376] : memref<320000xi32, #tpu.memory_space<hbm>> -> memref<80xi32, #tpu.memory_space<hbm>>
        %dma_start3A_379 = tpu.memref_slice %arg19[%dma_start3A_377] : memref<4x!tpu.dma_semaphore, #tpu.memory_space<semaphore_mem>> -> memref<1x!tpu.dma_semaphore, #tpu.memory_space<semaphore_mem>>
        %dma_start3A_380 = tpu.memref_squeeze %dma_start3A_379 : memref<1x!tpu.dma_semaphore, #tpu.memory_space<semaphore_mem>> -> memref<!tpu.dma_semaphore, #tpu.memory_space<semaphore_mem>>
        %dma_start3A_381 = tpu.memref_slice %arg3[%add3A_376] : memref<320000xi32, #tpu.memory_space<hbm>> -> memref<80xi32, #tpu.memory_space<hbm>>
        tpu.enqueue_dma source(%dma_start3A_381 : memref<80xi32, #tpu.memory_space<hbm>>) target(%arg9 : memref<80xi32, #tpu.memory_space<vmem>>) target_semaphore(%dma_start3A_380 : memref<!tpu.dma_semaphore, #tpu.memory_space<semaphore_mem>>)
        %dma_start3A_382 = arith.constant 3 : i32
        %dma_start3A_383 = tpu.memref_slice %arg4[%add3A_376] : memref<320000xi32, #tpu.memory_space<hbm>> -> memref<80xi32, #tpu.memory_space<hbm>>
        %dma_start3A_384 = tpu.memref_slice %arg19[%dma_start3A_382] : memref<4x!tpu.dma_semaphore, #tpu.memory_space<semaphore_mem>> -> memref<1x!tpu.dma_semaphore, #tpu.memory_space<semaphore_mem>>
        %dma_start3A_385 = tpu.memref_squeeze %dma_start3A_384 : memref<1x!tpu.dma_semaphore, #tpu.memory_space<semaphore_mem>> -> memref<!tpu.dma_semaphore, #tpu.memory_space<semaphore_mem>>
        %dma_start3A_386 = tpu.memref_slice %arg4[%add3A_376] : memref<320000xi32, #tpu.memory_space<hbm>> -> memref<80xi32, #tpu.memory_space<hbm>>
        tpu.enqueue_dma source(%dma_start3A_386 : memref<80xi32, #tpu.memory_space<hbm>>) target(%arg13 : memref<80xi32, #tpu.memory_space<vmem>>) target_semaphore(%dma_start3A_385 : memref<!tpu.dma_semaphore, #tpu.memory_space<semaphore_mem>>)
      } else {
      }
      %sub3A_352 = arith.constant 1 : i32
      %sub3A_353 = arith.subi %add3A_338, %sub3A_352 : i32
      %ge3A_354 = arith.constant 0 : i32
      %ge3A_355 = arith.cmpi sge, %sub3A_353, %ge3A_354 : i32
      %lt3A_356 = arith.constant 125 : i32
      %lt3A_357 = arith.cmpi slt, %sub3A_353, %lt3A_356 : i32
      %and3A_358 = arith.andi %ge3A_355, %lt3A_357 : i1
      %convert_element_type3A_359 = arith.extui %and3A_358 : i1 to i32
      %cond3A_360 = arith.constant 0 : i32
      %cond3A_361 = arith.cmpi ne, %convert_element_type3A_359, %cond3A_360 : i32
      scf.if %cond3A_361 {
        %dma_wait3A_372 = arith.constant 2 : i32
        %dma_wait3A_373 = arith.constant 0 : i32
        %dma_wait3A_374 = tpu.memref_slice %arg3[%dma_wait3A_373] : memref<320000xi32, #tpu.memory_space<hbm>> -> memref<80xi32, #tpu.memory_space<hbm>>
        %dma_wait3A_375 = tpu.memref_slice %arg19[%dma_wait3A_372] : memref<4x!tpu.dma_semaphore, #tpu.memory_space<semaphore_mem>> -> memref<1x!tpu.dma_semaphore, #tpu.memory_space<semaphore_mem>>
        %dma_wait3A_376 = tpu.memref_squeeze %dma_wait3A_375 : memref<1x!tpu.dma_semaphore, #tpu.memory_space<semaphore_mem>> -> memref<!tpu.dma_semaphore, #tpu.memory_space<semaphore_mem>>
        %dma_wait3A_377 = arith.constant 0 : i32
        %dma_wait3A_378 = tpu.memref_slice %arg3[%dma_wait3A_377] : memref<320000xi32, #tpu.memory_space<hbm>> -> memref<80xi32, #tpu.memory_space<hbm>>
        tpu.wait_dma2 semaphore(%dma_wait3A_376 : memref<!tpu.dma_semaphore, #tpu.memory_space<semaphore_mem>>) src(%dma_wait3A_378 : memref<80xi32, #tpu.memory_space<hbm>>) dst(%arg8 : memref<80xi32, #tpu.memory_space<vmem>>)
        %dma_wait3A_379 = arith.constant 2 : i32
        %dma_wait3A_380 = arith.constant 0 : i32
        %dma_wait3A_381 = tpu.memref_slice %arg4[%dma_wait3A_380] : memref<320000xi32, #tpu.memory_space<hbm>> -> memref<80xi32, #tpu.memory_space<hbm>>
        %dma_wait3A_382 = tpu.memref_slice %arg19[%dma_wait3A_379] : memref<4x!tpu.dma_semaphore, #tpu.memory_space<semaphore_mem>> -> memref<1x!tpu.dma_semaphore, #tpu.memory_space<semaphore_mem>>
        %dma_wait3A_383 = tpu.memref_squeeze %dma_wait3A_382 : memref<1x!tpu.dma_semaphore, #tpu.memory_space<semaphore_mem>> -> memref<!tpu.dma_semaphore, #tpu.memory_space<semaphore_mem>>
        %dma_wait3A_384 = arith.constant 0 : i32
        %dma_wait3A_385 = tpu.memref_slice %arg4[%dma_wait3A_384] : memref<320000xi32, #tpu.memory_space<hbm>> -> memref<80xi32, #tpu.memory_space<hbm>>
        tpu.wait_dma2 semaphore(%dma_wait3A_383 : memref<!tpu.dma_semaphore, #tpu.memory_space<semaphore_mem>>) src(%dma_wait3A_385 : memref<80xi32, #tpu.memory_space<hbm>>) dst(%arg12 : memref<80xi32, #tpu.memory_space<vmem>>)
        %dma_start3A_386 = arith.constant 2 : i32
        %dma_start3A_387 = arith.constant 0 : i32
        %dma_start3A_388 = arith.constant 0 : i32
        %dma_start3A_389 = tpu.memref_slice %arg2[%dma_start3A_387, %dma_start3A_388] : memref<10240x128xf32, #tpu.memory_space<hbm>> -> memref<10240x128xf32, #tpu.memory_space<hbm>>
        %dma_start3A_390 = tpu.memref_slice %arg20[%dma_start3A_386] : memref<4x!tpu.dma_semaphore, #tpu.memory_space<semaphore_mem>> -> memref<1x!tpu.dma_semaphore, #tpu.memory_space<semaphore_mem>>
        %dma_start3A_391 = tpu.memref_squeeze %dma_start3A_390 : memref<1x!tpu.dma_semaphore, #tpu.memory_space<semaphore_mem>> -> memref<!tpu.dma_semaphore, #tpu.memory_space<semaphore_mem>>
        tpu.enqueue_indirect_dma source(%dma_start3A_389 : memref<10240x128xf32, #tpu.memory_space<hbm>>) target(%arg16 : memref<80x128xf32, #tpu.memory_space<vmem>>) offsets(%arg8 : memref<80xi32, #tpu.memory_space<vmem>>) semaphore(%dma_start3A_391 : memref<!tpu.dma_semaphore, #tpu.memory_space<semaphore_mem>>)
      } else {
      }
      %sub3A_362 = arith.constant 2 : i32
      %sub3A_363 = arith.subi %add3A_338, %sub3A_362 : i32
      %ge3A_364 = arith.constant 0 : i32
      %ge3A_365 = arith.cmpi sge, %sub3A_363, %ge3A_364 : i32
      %lt3A_366 = arith.constant 125 : i32
      %lt3A_367 = arith.cmpi slt, %sub3A_363, %lt3A_366 : i32
      %and3A_368 = arith.andi %ge3A_365, %lt3A_367 : i1
      %convert_element_type3A_369 = arith.extui %and3A_368 : i1 to i32
      %cond3A_370 = arith.constant 0 : i32
      %cond3A_371 = arith.cmpi ne, %convert_element_type3A_369, %cond3A_370 : i32
      scf.if %cond3A_371 {
        %dma_wait3A_372 = arith.constant 1 : i32
        %dma_wait3A_373 = arith.constant 0 : i32
        %dma_wait3A_374 = arith.constant 0 : i32
        %dma_wait3A_375 = tpu.memref_slice %arg2[%dma_wait3A_373, %dma_wait3A_374] : memref<10240x128xf32, #tpu.memory_space<hbm>> -> memref<10240x128xf32, #tpu.memory_space<hbm>>
        %dma_wait3A_376 = tpu.memref_slice %arg20[%dma_wait3A_372] : memref<4x!tpu.dma_semaphore, #tpu.memory_space<semaphore_mem>> -> memref<1x!tpu.dma_semaphore, #tpu.memory_space<semaphore_mem>>
        %dma_wait3A_377 = tpu.memref_squeeze %dma_wait3A_376 : memref<1x!tpu.dma_semaphore, #tpu.memory_space<semaphore_mem>> -> memref<!tpu.dma_semaphore, #tpu.memory_space<semaphore_mem>>
        tpu.wait_indirect_dma semaphore(%dma_wait3A_377 : memref<!tpu.dma_semaphore, #tpu.memory_space<semaphore_mem>>) src(%dma_wait3A_375 : memref<10240x128xf32, #tpu.memory_space<hbm>>) dst(%arg15 : memref<80x128xf32, #tpu.memory_space<vmem>>)
        %dma_start3A_378 = arith.constant 1 : i32
        %dma_start3A_379 = arith.constant 0 : i32
        %dma_start3A_380 = arith.constant 0 : i32
        %dma_start3A_381 = tpu.memref_slice %arg18[%dma_start3A_379, %dma_start3A_380] : memref<10240x128xf32, #tpu.memory_space<vmem_shared>> -> memref<10240x128xf32, #tpu.memory_space<vmem_shared>>
        %dma_start3A_382 = tpu.memref_slice %arg21[%dma_start3A_378] : memref<4x!tpu.dma_semaphore, #tpu.memory_space<semaphore_mem>> -> memref<1x!tpu.dma_semaphore, #tpu.memory_space<semaphore_mem>>
        %dma_start3A_383 = tpu.memref_squeeze %dma_start3A_382 : memref<1x!tpu.dma_semaphore, #tpu.memory_space<semaphore_mem>> -> memref<!tpu.dma_semaphore, #tpu.memory_space<semaphore_mem>>
        tpu.enqueue_indirect_dma source(%arg15 : memref<80x128xf32, #tpu.memory_space<vmem>>) target(%dma_start3A_381 : memref<10240x128xf32, #tpu.memory_space<vmem_shared>>) offsets(%arg11 : memref<80xi32, #tpu.memory_space<vmem>>) semaphore(%dma_start3A_383 : memref<!tpu.dma_semaphore, #tpu.memory_space<semaphore_mem>>) {add = true}
      } else {
      }
    }
    %scan3A_11 = arith.constant 32 : i32
    %dma_wait3A = arith.constant 0 : i32
    %dma_wait3A_12 = arith.constant 0 : i32
    %dma_wait3A_13 = arith.constant 0 : i32
    %dma_wait3A_14 = tpu.memref_slice %arg18[%dma_wait3A_12, %dma_wait3A_13] : memref<10240x128xf32, #tpu.memory_space<vmem_shared>> -> memref<10240x128xf32, #tpu.memory_space<vmem_shared>>
    %dma_wait3A_15 = tpu.memref_slice %arg21[%dma_wait3A] : memref<4x!tpu.dma_semaphore, #tpu.memory_space<semaphore_mem>> -> memref<1x!tpu.dma_semaphore, #tpu.memory_space<semaphore_mem>>
    %dma_wait3A_16 = tpu.memref_squeeze %dma_wait3A_15 : memref<1x!tpu.dma_semaphore, #tpu.memory_space<semaphore_mem>> -> memref<!tpu.dma_semaphore, #tpu.memory_space<semaphore_mem>>
    tpu.wait_indirect_dma semaphore(%dma_wait3A_16 : memref<!tpu.dma_semaphore, #tpu.memory_space<semaphore_mem>>) src(%arg14 : memref<80x128xf32, #tpu.memory_space<vmem>>) dst(%dma_wait3A_14 : memref<10240x128xf32, #tpu.memory_space<vmem_shared>>)
    %dma_wait3A_17 = arith.constant 1 : i32
    %dma_wait3A_18 = arith.constant 0 : i32
    %dma_wait3A_19 = arith.constant 0 : i32
    %dma_wait3A_20 = tpu.memref_slice %arg18[%dma_wait3A_18, %dma_wait3A_19] : memref<10240x128xf32, #tpu.memory_space<vmem_shared>> -> memref<10240x128xf32, #tpu.memory_space<vmem_shared>>
    %dma_wait3A_21 = tpu.memref_slice %arg21[%dma_wait3A_17] : memref<4x!tpu.dma_semaphore, #tpu.memory_space<semaphore_mem>> -> memref<1x!tpu.dma_semaphore, #tpu.memory_space<semaphore_mem>>
    %dma_wait3A_22 = tpu.memref_squeeze %dma_wait3A_21 : memref<1x!tpu.dma_semaphore, #tpu.memory_space<semaphore_mem>> -> memref<!tpu.dma_semaphore, #tpu.memory_space<semaphore_mem>>
    tpu.wait_indirect_dma semaphore(%dma_wait3A_22 : memref<!tpu.dma_semaphore, #tpu.memory_space<semaphore_mem>>) src(%arg15 : memref<80x128xf32, #tpu.memory_space<vmem>>) dst(%dma_wait3A_20 : memref<10240x128xf32, #tpu.memory_space<vmem_shared>>)
    %dma_wait3A_23 = arith.constant 2 : i32
    %dma_wait3A_24 = arith.constant 0 : i32
    %dma_wait3A_25 = arith.constant 0 : i32
    %dma_wait3A_26 = tpu.memref_slice %arg18[%dma_wait3A_24, %dma_wait3A_25] : memref<10240x128xf32, #tpu.memory_space<vmem_shared>> -> memref<10240x128xf32, #tpu.memory_space<vmem_shared>>
    %dma_wait3A_27 = tpu.memref_slice %arg21[%dma_wait3A_23] : memref<4x!tpu.dma_semaphore, #tpu.memory_space<semaphore_mem>> -> memref<1x!tpu.dma_semaphore, #tpu.memory_space<semaphore_mem>>
    %dma_wait3A_28 = tpu.memref_squeeze %dma_wait3A_27 : memref<1x!tpu.dma_semaphore, #tpu.memory_space<semaphore_mem>> -> memref<!tpu.dma_semaphore, #tpu.memory_space<semaphore_mem>>
    tpu.wait_indirect_dma semaphore(%dma_wait3A_28 : memref<!tpu.dma_semaphore, #tpu.memory_space<semaphore_mem>>) src(%arg16 : memref<80x128xf32, #tpu.memory_space<vmem>>) dst(%dma_wait3A_26 : memref<10240x128xf32, #tpu.memory_space<vmem_shared>>)
    %dma_wait3A_29 = arith.constant 3 : i32
    %dma_wait3A_30 = arith.constant 0 : i32
    %dma_wait3A_31 = arith.constant 0 : i32
    %dma_wait3A_32 = tpu.memref_slice %arg18[%dma_wait3A_30, %dma_wait3A_31] : memref<10240x128xf32, #tpu.memory_space<vmem_shared>> -> memref<10240x128xf32, #tpu.memory_space<vmem_shared>>
    %dma_wait3A_33 = tpu.memref_slice %arg21[%dma_wait3A_29] : memref<4x!tpu.dma_semaphore, #tpu.memory_space<semaphore_mem>> -> memref<1x!tpu.dma_semaphore, #tpu.memory_space<semaphore_mem>>
    %dma_wait3A_34 = tpu.memref_squeeze %dma_wait3A_33 : memref<1x!tpu.dma_semaphore, #tpu.memory_space<semaphore_mem>> -> memref<!tpu.dma_semaphore, #tpu.memory_space<semaphore_mem>>
    tpu.wait_indirect_dma semaphore(%dma_wait3A_34 : memref<!tpu.dma_semaphore, #tpu.memory_space<semaphore_mem>>) src(%arg17 : memref<80x128xf32, #tpu.memory_space<vmem>>) dst(%dma_wait3A_32 : memref<10240x128xf32, #tpu.memory_space<vmem_shared>>)
    %barrier3A_35 = arith.constant 0 : index
    tpu.barrier barrier_id(%barrier3A_35)
    %mul3A_36 = arith.constant 640 : i32
    %mul3A_37 = arith.muli %arg1, %mul3A_36 : i32
    %add3A_38 = arith.constant 0 : i32
    %add3A_39 = arith.addi %mul3A_37, %add3A_38 : i32
    %dma_start3A = arith.constant 0 : i32
    %dma_start3A_40 = tpu.memref_slice %arg20[%dma_start3A] : memref<4x!tpu.dma_semaphore, #tpu.memory_space<semaphore_mem>> -> memref<1x!tpu.dma_semaphore, #tpu.memory_space<semaphore_mem>>
    %dma_start3A_41 = tpu.memref_squeeze %dma_start3A_40 : memref<1x!tpu.dma_semaphore, #tpu.memory_space<semaphore_mem>> -> memref<!tpu.dma_semaphore, #tpu.memory_space<semaphore_mem>>
    %dma_start3A_42 = arith.constant 0 : i32
    %dma_start3A_43 = tpu.memref_slice %arg5[%arg0, %add3A_39, %dma_start3A_42] : memref<2x10240x128xf32, #tpu.memory_space<hbm>> -> memref<1x80x128xf32, #tpu.memory_space<hbm>>
    %dma_start3A_44 = tpu.memref_squeeze %dma_start3A_43 : memref<1x80x128xf32, #tpu.memory_space<hbm>> -> memref<80x128xf32, #tpu.memory_space<hbm>>
    %dma_start3A_45 = arith.constant 0 : i32
    %dma_start3A_46 = tpu.memref_slice %arg18[%add3A_39, %dma_start3A_45] : memref<10240x128xf32, #tpu.memory_space<vmem_shared>> -> memref<80x128xf32, #tpu.memory_space<vmem_shared>>
    tpu.enqueue_dma source(%dma_start3A_46 : memref<80x128xf32, #tpu.memory_space<vmem_shared>>) target(%dma_start3A_44 : memref<80x128xf32, #tpu.memory_space<hbm>>) target_semaphore(%dma_start3A_41 : memref<!tpu.dma_semaphore, #tpu.memory_space<semaphore_mem>>)
    %mul3A_47 = arith.constant 640 : i32
    %mul3A_48 = arith.muli %arg1, %mul3A_47 : i32
    %add3A_49 = arith.constant 80 : i32
    %add3A_50 = arith.addi %mul3A_48, %add3A_49 : i32
    %dma_start3A_51 = arith.constant 0 : i32
    %dma_start3A_52 = tpu.memref_slice %arg20[%dma_start3A_51] : memref<4x!tpu.dma_semaphore, #tpu.memory_space<semaphore_mem>> -> memref<1x!tpu.dma_semaphore, #tpu.memory_space<semaphore_mem>>
    %dma_start3A_53 = tpu.memref_squeeze %dma_start3A_52 : memref<1x!tpu.dma_semaphore, #tpu.memory_space<semaphore_mem>> -> memref<!tpu.dma_semaphore, #tpu.memory_space<semaphore_mem>>
    %dma_start3A_54 = arith.constant 0 : i32
    %dma_start3A_55 = tpu.memref_slice %arg5[%arg0, %add3A_50, %dma_start3A_54] : memref<2x10240x128xf32, #tpu.memory_space<hbm>> -> memref<1x80x128xf32, #tpu.memory_space<hbm>>
    %dma_start3A_56 = tpu.memref_squeeze %dma_start3A_55 : memref<1x80x128xf32, #tpu.memory_space<hbm>> -> memref<80x128xf32, #tpu.memory_space<hbm>>
    %dma_start3A_57 = arith.constant 0 : i32
    %dma_start3A_58 = tpu.memref_slice %arg18[%add3A_50, %dma_start3A_57] : memref<10240x128xf32, #tpu.memory_space<vmem_shared>> -> memref<80x128xf32, #tpu.memory_space<vmem_shared>>
    tpu.enqueue_dma source(%dma_start3A_58 : memref<80x128xf32, #tpu.memory_space<vmem_shared>>) target(%dma_start3A_56 : memref<80x128xf32, #tpu.memory_space<hbm>>) target_semaphore(%dma_start3A_53 : memref<!tpu.dma_semaphore, #tpu.memory_space<semaphore_mem>>)
    %mul3A_59 = arith.constant 640 : i32
    %mul3A_60 = arith.muli %arg1, %mul3A_59 : i32
    %add3A_61 = arith.constant 160 : i32
    %add3A_62 = arith.addi %mul3A_60, %add3A_61 : i32
    %dma_start3A_63 = arith.constant 0 : i32
    %dma_start3A_64 = tpu.memref_slice %arg20[%dma_start3A_63] : memref<4x!tpu.dma_semaphore, #tpu.memory_space<semaphore_mem>> -> memref<1x!tpu.dma_semaphore, #tpu.memory_space<semaphore_mem>>
    %dma_start3A_65 = tpu.memref_squeeze %dma_start3A_64 : memref<1x!tpu.dma_semaphore, #tpu.memory_space<semaphore_mem>> -> memref<!tpu.dma_semaphore, #tpu.memory_space<semaphore_mem>>
    %dma_start3A_66 = arith.constant 0 : i32
    %dma_start3A_67 = tpu.memref_slice %arg5[%arg0, %add3A_62, %dma_start3A_66] : memref<2x10240x128xf32, #tpu.memory_space<hbm>> -> memref<1x80x128xf32, #tpu.memory_space<hbm>>
    %dma_start3A_68 = tpu.memref_squeeze %dma_start3A_67 : memref<1x80x128xf32, #tpu.memory_space<hbm>> -> memref<80x128xf32, #tpu.memory_space<hbm>>
    %dma_start3A_69 = arith.constant 0 : i32
    %dma_start3A_70 = tpu.memref_slice %arg18[%add3A_62, %dma_start3A_69] : memref<10240x128xf32, #tpu.memory_space<vmem_shared>> -> memref<80x128xf32, #tpu.memory_space<vmem_shared>>
    tpu.enqueue_dma source(%dma_start3A_70 : memref<80x128xf32, #tpu.memory_space<vmem_shared>>) target(%dma_start3A_68 : memref<80x128xf32, #tpu.memory_space<hbm>>) target_semaphore(%dma_start3A_65 : memref<!tpu.dma_semaphore, #tpu.memory_space<semaphore_mem>>)
    %mul3A_71 = arith.constant 640 : i32
    %mul3A_72 = arith.muli %arg1, %mul3A_71 : i32
    %add3A_73 = arith.constant 240 : i32
    %add3A_74 = arith.addi %mul3A_72, %add3A_73 : i32
    %dma_start3A_75 = arith.constant 0 : i32
    %dma_start3A_76 = tpu.memref_slice %arg20[%dma_start3A_75] : memref<4x!tpu.dma_semaphore, #tpu.memory_space<semaphore_mem>> -> memref<1x!tpu.dma_semaphore, #tpu.memory_space<semaphore_mem>>
    %dma_start3A_77 = tpu.memref_squeeze %dma_start3A_76 : memref<1x!tpu.dma_semaphore, #tpu.memory_space<semaphore_mem>> -> memref<!tpu.dma_semaphore, #tpu.memory_space<semaphore_mem>>
    %dma_start3A_78 = arith.constant 0 : i32
    %dma_start3A_79 = tpu.memref_slice %arg5[%arg0, %add3A_74, %dma_start3A_78] : memref<2x10240x128xf32, #tpu.memory_space<hbm>> -> memref<1x80x128xf32, #tpu.memory_space<hbm>>
    %dma_start3A_80 = tpu.memref_squeeze %dma_start3A_79 : memref<1x80x128xf32, #tpu.memory_space<hbm>> -> memref<80x128xf32, #tpu.memory_space<hbm>>
    %dma_start3A_81 = arith.constant 0 : i32
    %dma_start3A_82 = tpu.memref_slice %arg18[%add3A_74, %dma_start3A_81] : memref<10240x128xf32, #tpu.memory_space<vmem_shared>> -> memref<80x128xf32, #tpu.memory_space<vmem_shared>>
    tpu.enqueue_dma source(%dma_start3A_82 : memref<80x128xf32, #tpu.memory_space<vmem_shared>>) target(%dma_start3A_80 : memref<80x128xf32, #tpu.memory_space<hbm>>) target_semaphore(%dma_start3A_77 : memref<!tpu.dma_semaphore, #tpu.memory_space<semaphore_mem>>)
    %mul3A_83 = arith.constant 640 : i32
    %mul3A_84 = arith.muli %arg1, %mul3A_83 : i32
    %add3A_85 = arith.constant 320 : i32
    %add3A_86 = arith.addi %mul3A_84, %add3A_85 : i32
    %dma_start3A_87 = arith.constant 0 : i32
    %dma_start3A_88 = tpu.memref_slice %arg20[%dma_start3A_87] : memref<4x!tpu.dma_semaphore, #tpu.memory_space<semaphore_mem>> -> memref<1x!tpu.dma_semaphore, #tpu.memory_space<semaphore_mem>>
    %dma_start3A_89 = tpu.memref_squeeze %dma_start3A_88 : memref<1x!tpu.dma_semaphore, #tpu.memory_space<semaphore_mem>> -> memref<!tpu.dma_semaphore, #tpu.memory_space<semaphore_mem>>
    %dma_start3A_90 = arith.constant 0 : i32
    %dma_start3A_91 = tpu.memref_slice %arg5[%arg0, %add3A_86, %dma_start3A_90] : memref<2x10240x128xf32, #tpu.memory_space<hbm>> -> memref<1x80x128xf32, #tpu.memory_space<hbm>>
    %dma_start3A_92 = tpu.memref_squeeze %dma_start3A_91 : memref<1x80x128xf32, #tpu.memory_space<hbm>> -> memref<80x128xf32, #tpu.memory_space<hbm>>
    %dma_start3A_93 = arith.constant 0 : i32
    %dma_start3A_94 = tpu.memref_slice %arg18[%add3A_86, %dma_start3A_93] : memref<10240x128xf32, #tpu.memory_space<vmem_shared>> -> memref<80x128xf32, #tpu.memory_space<vmem_shared>>
    tpu.enqueue_dma source(%dma_start3A_94 : memref<80x128xf32, #tpu.memory_space<vmem_shared>>) target(%dma_start3A_92 : memref<80x128xf32, #tpu.memory_space<hbm>>) target_semaphore(%dma_start3A_89 : memref<!tpu.dma_semaphore, #tpu.memory_space<semaphore_mem>>)
    %mul3A_95 = arith.constant 640 : i32
    %mul3A_96 = arith.muli %arg1, %mul3A_95 : i32
    %add3A_97 = arith.constant 400 : i32
    %add3A_98 = arith.addi %mul3A_96, %add3A_97 : i32
    %dma_start3A_99 = arith.constant 0 : i32
    %dma_start3A_100 = tpu.memref_slice %arg20[%dma_start3A_99] : memref<4x!tpu.dma_semaphore, #tpu.memory_space<semaphore_mem>> -> memref<1x!tpu.dma_semaphore, #tpu.memory_space<semaphore_mem>>
    %dma_start3A_101 = tpu.memref_squeeze %dma_start3A_100 : memref<1x!tpu.dma_semaphore, #tpu.memory_space<semaphore_mem>> -> memref<!tpu.dma_semaphore, #tpu.memory_space<semaphore_mem>>
    %dma_start3A_102 = arith.constant 0 : i32
    %dma_start3A_103 = tpu.memref_slice %arg5[%arg0, %add3A_98, %dma_start3A_102] : memref<2x10240x128xf32, #tpu.memory_space<hbm>> -> memref<1x80x128xf32, #tpu.memory_space<hbm>>
    %dma_start3A_104 = tpu.memref_squeeze %dma_start3A_103 : memref<1x80x128xf32, #tpu.memory_space<hbm>> -> memref<80x128xf32, #tpu.memory_space<hbm>>
    %dma_start3A_105 = arith.constant 0 : i32
    %dma_start3A_106 = tpu.memref_slice %arg18[%add3A_98, %dma_start3A_105] : memref<10240x128xf32, #tpu.memory_space<vmem_shared>> -> memref<80x128xf32, #tpu.memory_space<vmem_shared>>
    tpu.enqueue_dma source(%dma_start3A_106 : memref<80x128xf32, #tpu.memory_space<vmem_shared>>) target(%dma_start3A_104 : memref<80x128xf32, #tpu.memory_space<hbm>>) target_semaphore(%dma_start3A_101 : memref<!tpu.dma_semaphore, #tpu.memory_space<semaphore_mem>>)
    %mul3A_107 = arith.constant 640 : i32
    %mul3A_108 = arith.muli %arg1, %mul3A_107 : i32
    %add3A_109 = arith.constant 480 : i32
    %add3A_110 = arith.addi %mul3A_108, %add3A_109 : i32
    %dma_start3A_111 = arith.constant 0 : i32
    %dma_start3A_112 = tpu.memref_slice %arg20[%dma_start3A_111] : memref<4x!tpu.dma_semaphore, #tpu.memory_space<semaphore_mem>> -> memref<1x!tpu.dma_semaphore, #tpu.memory_space<semaphore_mem>>
    %dma_start3A_113 = tpu.memref_squeeze %dma_start3A_112 : memref<1x!tpu.dma_semaphore, #tpu.memory_space<semaphore_mem>> -> memref<!tpu.dma_semaphore, #tpu.memory_space<semaphore_mem>>
    %dma_start3A_114 = arith.constant 0 : i32
    %dma_start3A_115 = tpu.memref_slice %arg5[%arg0, %add3A_110, %dma_start3A_114] : memref<2x10240x128xf32, #tpu.memory_space<hbm>> -> memref<1x80x128xf32, #tpu.memory_space<hbm>>
    %dma_start3A_116 = tpu.memref_squeeze %dma_start3A_115 : memref<1x80x128xf32, #tpu.memory_space<hbm>> -> memref<80x128xf32, #tpu.memory_space<hbm>>
    %dma_start3A_117 = arith.constant 0 : i32
    %dma_start3A_118 = tpu.memref_slice %arg18[%add3A_110, %dma_start3A_117] : memref<10240x128xf32, #tpu.memory_space<vmem_shared>> -> memref<80x128xf32, #tpu.memory_space<vmem_shared>>
    tpu.enqueue_dma source(%dma_start3A_118 : memref<80x128xf32, #tpu.memory_space<vmem_shared>>) target(%dma_start3A_116 : memref<80x128xf32, #tpu.memory_space<hbm>>) target_semaphore(%dma_start3A_113 : memref<!tpu.dma_semaphore, #tpu.memory_space<semaphore_mem>>)
    %mul3A_119 = arith.constant 640 : i32
    %mul3A_120 = arith.muli %arg1, %mul3A_119 : i32
    %add3A_121 = arith.constant 560 : i32
    %add3A_122 = arith.addi %mul3A_120, %add3A_121 : i32
    %dma_start3A_123 = arith.constant 0 : i32
    %dma_start3A_124 = tpu.memref_slice %arg20[%dma_start3A_123] : memref<4x!tpu.dma_semaphore, #tpu.memory_space<semaphore_mem>> -> memref<1x!tpu.dma_semaphore, #tpu.memory_space<semaphore_mem>>
    %dma_start3A_125 = tpu.memref_squeeze %dma_start3A_124 : memref<1x!tpu.dma_semaphore, #tpu.memory_space<semaphore_mem>> -> memref<!tpu.dma_semaphore, #tpu.memory_space<semaphore_mem>>
    %dma_start3A_126 = arith.constant 0 : i32
    %dma_start3A_127 = tpu.memref_slice %arg5[%arg0, %add3A_122, %dma_start3A_126] : memref<2x10240x128xf32, #tpu.memory_space<hbm>> -> memref<1x80x128xf32, #tpu.memory_space<hbm>>
    %dma_start3A_128 = tpu.memref_squeeze %dma_start3A_127 : memref<1x80x128xf32, #tpu.memory_space<hbm>> -> memref<80x128xf32, #tpu.memory_space<hbm>>
    %dma_start3A_129 = arith.constant 0 : i32
    %dma_start3A_130 = tpu.memref_slice %arg18[%add3A_122, %dma_start3A_129] : memref<10240x128xf32, #tpu.memory_space<vmem_shared>> -> memref<80x128xf32, #tpu.memory_space<vmem_shared>>
    tpu.enqueue_dma source(%dma_start3A_130 : memref<80x128xf32, #tpu.memory_space<vmem_shared>>) target(%dma_start3A_128 : memref<80x128xf32, #tpu.memory_space<hbm>>) target_semaphore(%dma_start3A_125 : memref<!tpu.dma_semaphore, #tpu.memory_space<semaphore_mem>>)
    %mul3A_131 = arith.constant 640 : i32
    %mul3A_132 = arith.muli %arg1, %mul3A_131 : i32
    %add3A_133 = arith.constant 0 : i32
    %add3A_134 = arith.addi %mul3A_132, %add3A_133 : i32
    %dma_wait3A_135 = arith.constant 0 : i32
    %dma_wait3A_136 = tpu.memref_slice %arg20[%dma_wait3A_135] : memref<4x!tpu.dma_semaphore, #tpu.memory_space<semaphore_mem>> -> memref<1x!tpu.dma_semaphore, #tpu.memory_space<semaphore_mem>>
    %dma_wait3A_137 = tpu.memref_squeeze %dma_wait3A_136 : memref<1x!tpu.dma_semaphore, #tpu.memory_space<semaphore_mem>> -> memref<!tpu.dma_semaphore, #tpu.memory_space<semaphore_mem>>
    %dma_wait3A_138 = arith.constant 0 : i32
    %dma_wait3A_139 = tpu.memref_slice %arg5[%arg0, %add3A_134, %dma_wait3A_138] : memref<2x10240x128xf32, #tpu.memory_space<hbm>> -> memref<1x80x128xf32, #tpu.memory_space<hbm>>
    %dma_wait3A_140 = tpu.memref_squeeze %dma_wait3A_139 : memref<1x80x128xf32, #tpu.memory_space<hbm>> -> memref<80x128xf32, #tpu.memory_space<hbm>>
    %dma_wait3A_141 = arith.constant 0 : i32
    %dma_wait3A_142 = tpu.memref_slice %arg18[%add3A_134, %dma_wait3A_141] : memref<10240x128xf32, #tpu.memory_space<vmem_shared>> -> memref<80x128xf32, #tpu.memory_space<vmem_shared>>
    tpu.wait_dma2 semaphore(%dma_wait3A_137 : memref<!tpu.dma_semaphore, #tpu.memory_space<semaphore_mem>>) src(%dma_wait3A_142 : memref<80x128xf32, #tpu.memory_space<vmem_shared>>) dst(%dma_wait3A_140 : memref<80x128xf32, #tpu.memory_space<hbm>>)
    %mul3A_143 = arith.constant 640 : i32
    %mul3A_144 = arith.muli %arg1, %mul3A_143 : i32
    %add3A_145 = arith.constant 80 : i32
    %add3A_146 = arith.addi %mul3A_144, %add3A_145 : i32
    %dma_wait3A_147 = arith.constant 0 : i32
    %dma_wait3A_148 = tpu.memref_slice %arg20[%dma_wait3A_147] : memref<4x!tpu.dma_semaphore, #tpu.memory_space<semaphore_mem>> -> memref<1x!tpu.dma_semaphore, #tpu.memory_space<semaphore_mem>>
    %dma_wait3A_149 = tpu.memref_squeeze %dma_wait3A_148 : memref<1x!tpu.dma_semaphore, #tpu.memory_space<semaphore_mem>> -> memref<!tpu.dma_semaphore, #tpu.memory_space<semaphore_mem>>
    %dma_wait3A_150 = arith.constant 0 : i32
    %dma_wait3A_151 = tpu.memref_slice %arg5[%arg0, %add3A_146, %dma_wait3A_150] : memref<2x10240x128xf32, #tpu.memory_space<hbm>> -> memref<1x80x128xf32, #tpu.memory_space<hbm>>
    %dma_wait3A_152 = tpu.memref_squeeze %dma_wait3A_151 : memref<1x80x128xf32, #tpu.memory_space<hbm>> -> memref<80x128xf32, #tpu.memory_space<hbm>>
    %dma_wait3A_153 = arith.constant 0 : i32
    %dma_wait3A_154 = tpu.memref_slice %arg18[%add3A_146, %dma_wait3A_153] : memref<10240x128xf32, #tpu.memory_space<vmem_shared>> -> memref<80x128xf32, #tpu.memory_space<vmem_shared>>
    tpu.wait_dma2 semaphore(%dma_wait3A_149 : memref<!tpu.dma_semaphore, #tpu.memory_space<semaphore_mem>>) src(%dma_wait3A_154 : memref<80x128xf32, #tpu.memory_space<vmem_shared>>) dst(%dma_wait3A_152 : memref<80x128xf32, #tpu.memory_space<hbm>>)
    %mul3A_155 = arith.constant 640 : i32
    %mul3A_156 = arith.muli %arg1, %mul3A_155 : i32
    %add3A_157 = arith.constant 160 : i32
    %add3A_158 = arith.addi %mul3A_156, %add3A_157 : i32
    %dma_wait3A_159 = arith.constant 0 : i32
    %dma_wait3A_160 = tpu.memref_slice %arg20[%dma_wait3A_159] : memref<4x!tpu.dma_semaphore, #tpu.memory_space<semaphore_mem>> -> memref<1x!tpu.dma_semaphore, #tpu.memory_space<semaphore_mem>>
    %dma_wait3A_161 = tpu.memref_squeeze %dma_wait3A_160 : memref<1x!tpu.dma_semaphore, #tpu.memory_space<semaphore_mem>> -> memref<!tpu.dma_semaphore, #tpu.memory_space<semaphore_mem>>
    %dma_wait3A_162 = arith.constant 0 : i32
    %dma_wait3A_163 = tpu.memref_slice %arg5[%arg0, %add3A_158, %dma_wait3A_162] : memref<2x10240x128xf32, #tpu.memory_space<hbm>> -> memref<1x80x128xf32, #tpu.memory_space<hbm>>
    %dma_wait3A_164 = tpu.memref_squeeze %dma_wait3A_163 : memref<1x80x128xf32, #tpu.memory_space<hbm>> -> memref<80x128xf32, #tpu.memory_space<hbm>>
    %dma_wait3A_165 = arith.constant 0 : i32
    %dma_wait3A_166 = tpu.memref_slice %arg18[%add3A_158, %dma_wait3A_165] : memref<10240x128xf32, #tpu.memory_space<vmem_shared>> -> memref<80x128xf32, #tpu.memory_space<vmem_shared>>
    tpu.wait_dma2 semaphore(%dma_wait3A_161 : memref<!tpu.dma_semaphore, #tpu.memory_space<semaphore_mem>>) src(%dma_wait3A_166 : memref<80x128xf32, #tpu.memory_space<vmem_shared>>) dst(%dma_wait3A_164 : memref<80x128xf32, #tpu.memory_space<hbm>>)
    %mul3A_167 = arith.constant 640 : i32
    %mul3A_168 = arith.muli %arg1, %mul3A_167 : i32
    %add3A_169 = arith.constant 240 : i32
    %add3A_170 = arith.addi %mul3A_168, %add3A_169 : i32
    %dma_wait3A_171 = arith.constant 0 : i32
    %dma_wait3A_172 = tpu.memref_slice %arg20[%dma_wait3A_171] : memref<4x!tpu.dma_semaphore, #tpu.memory_space<semaphore_mem>> -> memref<1x!tpu.dma_semaphore, #tpu.memory_space<semaphore_mem>>
    %dma_wait3A_173 = tpu.memref_squeeze %dma_wait3A_172 : memref<1x!tpu.dma_semaphore, #tpu.memory_space<semaphore_mem>> -> memref<!tpu.dma_semaphore, #tpu.memory_space<semaphore_mem>>
    %dma_wait3A_174 = arith.constant 0 : i32
    %dma_wait3A_175 = tpu.memref_slice %arg5[%arg0, %add3A_170, %dma_wait3A_174] : memref<2x10240x128xf32, #tpu.memory_space<hbm>> -> memref<1x80x128xf32, #tpu.memory_space<hbm>>
    %dma_wait3A_176 = tpu.memref_squeeze %dma_wait3A_175 : memref<1x80x128xf32, #tpu.memory_space<hbm>> -> memref<80x128xf32, #tpu.memory_space<hbm>>
    %dma_wait3A_177 = arith.constant 0 : i32
    %dma_wait3A_178 = tpu.memref_slice %arg18[%add3A_170, %dma_wait3A_177] : memref<10240x128xf32, #tpu.memory_space<vmem_shared>> -> memref<80x128xf32, #tpu.memory_space<vmem_shared>>
    tpu.wait_dma2 semaphore(%dma_wait3A_173 : memref<!tpu.dma_semaphore, #tpu.memory_space<semaphore_mem>>) src(%dma_wait3A_178 : memref<80x128xf32, #tpu.memory_space<vmem_shared>>) dst(%dma_wait3A_176 : memref<80x128xf32, #tpu.memory_space<hbm>>)
    %mul3A_179 = arith.constant 640 : i32
    %mul3A_180 = arith.muli %arg1, %mul3A_179 : i32
    %add3A_181 = arith.constant 320 : i32
    %add3A_182 = arith.addi %mul3A_180, %add3A_181 : i32
    %dma_wait3A_183 = arith.constant 0 : i32
    %dma_wait3A_184 = tpu.memref_slice %arg20[%dma_wait3A_183] : memref<4x!tpu.dma_semaphore, #tpu.memory_space<semaphore_mem>> -> memref<1x!tpu.dma_semaphore, #tpu.memory_space<semaphore_mem>>
    %dma_wait3A_185 = tpu.memref_squeeze %dma_wait3A_184 : memref<1x!tpu.dma_semaphore, #tpu.memory_space<semaphore_mem>> -> memref<!tpu.dma_semaphore, #tpu.memory_space<semaphore_mem>>
    %dma_wait3A_186 = arith.constant 0 : i32
    %dma_wait3A_187 = tpu.memref_slice %arg5[%arg0, %add3A_182, %dma_wait3A_186] : memref<2x10240x128xf32, #tpu.memory_space<hbm>> -> memref<1x80x128xf32, #tpu.memory_space<hbm>>
    %dma_wait3A_188 = tpu.memref_squeeze %dma_wait3A_187 : memref<1x80x128xf32, #tpu.memory_space<hbm>> -> memref<80x128xf32, #tpu.memory_space<hbm>>
    %dma_wait3A_189 = arith.constant 0 : i32
    %dma_wait3A_190 = tpu.memref_slice %arg18[%add3A_182, %dma_wait3A_189] : memref<10240x128xf32, #tpu.memory_space<vmem_shared>> -> memref<80x128xf32, #tpu.memory_space<vmem_shared>>
    tpu.wait_dma2 semaphore(%dma_wait3A_185 : memref<!tpu.dma_semaphore, #tpu.memory_space<semaphore_mem>>) src(%dma_wait3A_190 : memref<80x128xf32, #tpu.memory_space<vmem_shared>>) dst(%dma_wait3A_188 : memref<80x128xf32, #tpu.memory_space<hbm>>)
    %mul3A_191 = arith.constant 640 : i32
    %mul3A_192 = arith.muli %arg1, %mul3A_191 : i32
    %add3A_193 = arith.constant 400 : i32
    %add3A_194 = arith.addi %mul3A_192, %add3A_193 : i32
    %dma_wait3A_195 = arith.constant 0 : i32
    %dma_wait3A_196 = tpu.memref_slice %arg20[%dma_wait3A_195] : memref<4x!tpu.dma_semaphore, #tpu.memory_space<semaphore_mem>> -> memref<1x!tpu.dma_semaphore, #tpu.memory_space<semaphore_mem>>
    %dma_wait3A_197 = tpu.memref_squeeze %dma_wait3A_196 : memref<1x!tpu.dma_semaphore, #tpu.memory_space<semaphore_mem>> -> memref<!tpu.dma_semaphore, #tpu.memory_space<semaphore_mem>>
    %dma_wait3A_198 = arith.constant 0 : i32
    %dma_wait3A_199 = tpu.memref_slice %arg5[%arg0, %add3A_194, %dma_wait3A_198] : memref<2x10240x128xf32, #tpu.memory_space<hbm>> -> memref<1x80x128xf32, #tpu.memory_space<hbm>>
    %dma_wait3A_200 = tpu.memref_squeeze %dma_wait3A_199 : memref<1x80x128xf32, #tpu.memory_space<hbm>> -> memref<80x128xf32, #tpu.memory_space<hbm>>
    %dma_wait3A_201 = arith.constant 0 : i32
    %dma_wait3A_202 = tpu.memref_slice %arg18[%add3A_194, %dma_wait3A_201] : memref<10240x128xf32, #tpu.memory_space<vmem_shared>> -> memref<80x128xf32, #tpu.memory_space<vmem_shared>>
    tpu.wait_dma2 semaphore(%dma_wait3A_197 : memref<!tpu.dma_semaphore, #tpu.memory_space<semaphore_mem>>) src(%dma_wait3A_202 : memref<80x128xf32, #tpu.memory_space<vmem_shared>>) dst(%dma_wait3A_200 : memref<80x128xf32, #tpu.memory_space<hbm>>)
    %mul3A_203 = arith.constant 640 : i32
    %mul3A_204 = arith.muli %arg1, %mul3A_203 : i32
    %add3A_205 = arith.constant 480 : i32
    %add3A_206 = arith.addi %mul3A_204, %add3A_205 : i32
    %dma_wait3A_207 = arith.constant 0 : i32
    %dma_wait3A_208 = tpu.memref_slice %arg20[%dma_wait3A_207] : memref<4x!tpu.dma_semaphore, #tpu.memory_space<semaphore_mem>> -> memref<1x!tpu.dma_semaphore, #tpu.memory_space<semaphore_mem>>
    %dma_wait3A_209 = tpu.memref_squeeze %dma_wait3A_208 : memref<1x!tpu.dma_semaphore, #tpu.memory_space<semaphore_mem>> -> memref<!tpu.dma_semaphore, #tpu.memory_space<semaphore_mem>>
    %dma_wait3A_210 = arith.constant 0 : i32
    %dma_wait3A_211 = tpu.memref_slice %arg5[%arg0, %add3A_206, %dma_wait3A_210] : memref<2x10240x128xf32, #tpu.memory_space<hbm>> -> memref<1x80x128xf32, #tpu.memory_space<hbm>>
    %dma_wait3A_212 = tpu.memref_squeeze %dma_wait3A_211 : memref<1x80x128xf32, #tpu.memory_space<hbm>> -> memref<80x128xf32, #tpu.memory_space<hbm>>
    %dma_wait3A_213 = arith.constant 0 : i32
    %dma_wait3A_214 = tpu.memref_slice %arg18[%add3A_206, %dma_wait3A_213] : memref<10240x128xf32, #tpu.memory_space<vmem_shared>> -> memref<80x128xf32, #tpu.memory_space<vmem_shared>>
    tpu.wait_dma2 semaphore(%dma_wait3A_209 : memref<!tpu.dma_semaphore, #tpu.memory_space<semaphore_mem>>) src(%dma_wait3A_214 : memref<80x128xf32, #tpu.memory_space<vmem_shared>>) dst(%dma_wait3A_212 : memref<80x128xf32, #tpu.memory_space<hbm>>)
    %mul3A_215 = arith.constant 640 : i32
    %mul3A_216 = arith.muli %arg1, %mul3A_215 : i32
    %add3A_217 = arith.constant 560 : i32
    %add3A_218 = arith.addi %mul3A_216, %add3A_217 : i32
    %dma_wait3A_219 = arith.constant 0 : i32
    %dma_wait3A_220 = tpu.memref_slice %arg20[%dma_wait3A_219] : memref<4x!tpu.dma_semaphore, #tpu.memory_space<semaphore_mem>> -> memref<1x!tpu.dma_semaphore, #tpu.memory_space<semaphore_mem>>
    %dma_wait3A_221 = tpu.memref_squeeze %dma_wait3A_220 : memref<1x!tpu.dma_semaphore, #tpu.memory_space<semaphore_mem>> -> memref<!tpu.dma_semaphore, #tpu.memory_space<semaphore_mem>>
    %dma_wait3A_222 = arith.constant 0 : i32
    %dma_wait3A_223 = tpu.memref_slice %arg5[%arg0, %add3A_218, %dma_wait3A_222] : memref<2x10240x128xf32, #tpu.memory_space<hbm>> -> memref<1x80x128xf32, #tpu.memory_space<hbm>>
    %dma_wait3A_224 = tpu.memref_squeeze %dma_wait3A_223 : memref<1x80x128xf32, #tpu.memory_space<hbm>> -> memref<80x128xf32, #tpu.memory_space<hbm>>
    %dma_wait3A_225 = arith.constant 0 : i32
    %dma_wait3A_226 = tpu.memref_slice %arg18[%add3A_218, %dma_wait3A_225] : memref<10240x128xf32, #tpu.memory_space<vmem_shared>> -> memref<80x128xf32, #tpu.memory_space<vmem_shared>>
    tpu.wait_dma2 semaphore(%dma_wait3A_221 : memref<!tpu.dma_semaphore, #tpu.memory_space<semaphore_mem>>) src(%dma_wait3A_226 : memref<80x128xf32, #tpu.memory_space<vmem_shared>>) dst(%dma_wait3A_224 : memref<80x128xf32, #tpu.memory_space<hbm>>)
    return
  }
}

module attributes {stable_mosaic.version = 14 : i64} {
  func.func @_enc_body(%arg0: memref<10240x128xf32, #tpu.memory_space<vmem>>, %arg1: memref<128x128xf32, #tpu.memory_space<vmem>>, %arg2: memref<1x128xf32, #tpu.memory_space<vmem>>, %arg3: memref<128x128xf32, #tpu.memory_space<vmem>>, %arg4: memref<1x128xf32, #tpu.memory_space<vmem>>, %arg5: memref<2x10240x16xf32, #tpu.memory_space<vmem>>, %arg6: memref<10240x128xf32, #tpu.memory_space<vmem>>) attributes {dimension_semantics = [], scalar_prefetch = 0 : i64, scratch_operands = 0 : i64, tpu.core_type = #tpu.core_type<tc>} {
    %get3A = arith.constant 0 : index
    %get3A_0 = arith.constant 0 : index
    %get3A_1 = arith.constant 0 : index
    %get3A_2 = vector.load %arg5[%get3A, %get3A_0, %get3A_1] : memref<2x10240x16xf32, #tpu.memory_space<vmem>>, vector<2x10240x16xf32>
    %slice3A = vector.extract_strided_slice %get3A_2 {offsets = [0, 0, 0], sizes = [1, 10240, 1], strides = [1, 1, 1]} : vector<2x10240x16xf32> to vector<1x10240x1xf32>
    %squeeze3A = vector.shape_cast %slice3A : vector<1x10240x1xf32> to vector<10240x1xf32>
    %slice3A_3 = vector.extract_strided_slice %get3A_2 {offsets = [1, 0, 0], sizes = [1, 10240, 1], strides = [1, 1, 1]} : vector<2x10240x16xf32> to vector<1x10240x1xf32>
    %squeeze3A_4 = vector.shape_cast %slice3A_3 : vector<1x10240x1xf32> to vector<10240x1xf32>
    %add3A = arith.addf %squeeze3A, %squeeze3A_4 : vector<10240x1xf32>
    %add3A_5 = arith.constant 1.000000e+00 : f32
    %add3A_6 = vector.broadcast %add3A_5 : f32 to vector<10240x1xf32>
    %add3A_7 = arith.addf %add3A, %add3A_6 : vector<10240x1xf32>
    %rsqrt3A = math.rsqrt %add3A_7 : vector<10240x1xf32>
    %get3A_8 = arith.constant 0 : index
    %get3A_9 = arith.constant 0 : index
    %get3A_10 = vector.load %arg0[%get3A_8, %get3A_9] : memref<10240x128xf32, #tpu.memory_space<vmem>>, vector<10240x128xf32>
    %get3A_11 = arith.constant 0 : index
    %get3A_12 = arith.constant 0 : index
    %get3A_13 = vector.load %arg1[%get3A_11, %get3A_12] : memref<128x128xf32, #tpu.memory_space<vmem>>, vector<128x128xf32>
    %dot_general3A = arith.constant dense<0.000000e+00> : vector<10240x128xf32>
    %dot_general3A_14 = tpu.matmul %get3A_10, %get3A_13, %dot_general3A {dimension_numbers = #tpu.dot_dimension_numbers<[1], [0], [0], [1], [0, 0, 1, 1], [], []>, transpose_lhs_hint = false} : vector<10240x128xf32>, vector<128x128xf32>, vector<10240x128xf32> -> vector<10240x128xf32>
    %get3A_15 = arith.constant 0 : index
    %get3A_16 = arith.constant 0 : index
    %get3A_17 = vector.load %arg2[%get3A_15, %get3A_16] : memref<1x128xf32, #tpu.memory_space<vmem>>, vector<1x128xf32>
    %add3A_18 = vector.broadcast %get3A_17 : vector<1x128xf32> to vector<10240x128xf32>
    %add3A_19 = arith.addf %dot_general3A_14, %add3A_18 : vector<10240x128xf32>
    %get3A_20 = arith.constant 0 : index
    %get3A_21 = arith.constant 0 : index
    %get3A_22 = vector.load %arg3[%get3A_20, %get3A_21] : memref<128x128xf32, #tpu.memory_space<vmem>>, vector<128x128xf32>
    %dot_general3A_23 = arith.constant dense<0.000000e+00> : vector<10240x128xf32>
    %dot_general3A_24 = tpu.matmul %add3A_19, %get3A_22, %dot_general3A_23 {dimension_numbers = #tpu.dot_dimension_numbers<[1], [0], [0], [1], [0, 0, 1, 1], [], []>, transpose_lhs_hint = false} : vector<10240x128xf32>, vector<128x128xf32>, vector<10240x128xf32> -> vector<10240x128xf32>
    %get3A_25 = arith.constant 0 : index
    %get3A_26 = arith.constant 0 : index
    %get3A_27 = vector.load %arg4[%get3A_25, %get3A_26] : memref<1x128xf32, #tpu.memory_space<vmem>>, vector<1x128xf32>
    %add3A_28 = vector.broadcast %get3A_27 : vector<1x128xf32> to vector<10240x128xf32>
    %add3A_29 = arith.addf %dot_general3A_24, %add3A_28 : vector<10240x128xf32>
    %mul3A = vector.broadcast %rsqrt3A : vector<10240x1xf32> to vector<10240x128xf32>
    %mul3A_30 = arith.mulf %add3A_29, %mul3A : vector<10240x128xf32>
    %swap3A = arith.constant 0 : index
    %swap3A_31 = arith.constant 0 : index
    %swap3A_32 = vector.load %arg6[%swap3A, %swap3A_31] : memref<10240x128xf32, #tpu.memory_space<vmem>>, vector<10240x128xf32>
    tpu.vector_store %arg6[%swap3A, %swap3A_31], %mul3A_30 {strides = array<i32>} : memref<10240x128xf32, #tpu.memory_space<vmem>>, vector<10240x128xf32>,
    return
  }
}

module attributes {stable_mosaic.version = 14 : i64} {
  func.func @_mid_body(%arg0: memref<2x10240x128xf32, #tpu.memory_space<vmem>>, %arg1: memref<2x10240x16xf32, #tpu.memory_space<vmem>>, %arg2: memref<128x128xf32, #tpu.memory_space<vmem>>, %arg3: memref<1x128xf32, #tpu.memory_space<vmem>>, %arg4: memref<10240x128xf32, #tpu.memory_space<vmem>>) attributes {dimension_semantics = [], scalar_prefetch = 0 : i64, scratch_operands = 0 : i64, tpu.core_type = #tpu.core_type<tc>} {
    %get3A = arith.constant 0 : index
    %get3A_0 = arith.constant 0 : index
    %get3A_1 = arith.constant 0 : index
    %get3A_2 = vector.load %arg1[%get3A, %get3A_0, %get3A_1] : memref<2x10240x16xf32, #tpu.memory_space<vmem>>, vector<2x10240x16xf32>
    %slice3A = vector.extract_strided_slice %get3A_2 {offsets = [0, 0, 0], sizes = [1, 10240, 1], strides = [1, 1, 1]} : vector<2x10240x16xf32> to vector<1x10240x1xf32>
    %squeeze3A = vector.shape_cast %slice3A : vector<1x10240x1xf32> to vector<10240x1xf32>
    %slice3A_3 = vector.extract_strided_slice %get3A_2 {offsets = [1, 0, 0], sizes = [1, 10240, 1], strides = [1, 1, 1]} : vector<2x10240x16xf32> to vector<1x10240x1xf32>
    %squeeze3A_4 = vector.shape_cast %slice3A_3 : vector<1x10240x1xf32> to vector<10240x1xf32>
    %add3A = arith.addf %squeeze3A, %squeeze3A_4 : vector<10240x1xf32>
    %add3A_5 = arith.constant 1.000000e+00 : f32
    %add3A_6 = vector.broadcast %add3A_5 : f32 to vector<10240x1xf32>
    %add3A_7 = arith.addf %add3A, %add3A_6 : vector<10240x1xf32>
    %rsqrt3A = math.rsqrt %add3A_7 : vector<10240x1xf32>
    %get3A_8 = arith.constant 0 : index
    %get3A_9 = arith.constant 0 : index
    %get3A_10 = arith.constant 0 : index
    %get3A_11 = vector.load %arg0[%get3A_8, %get3A_9, %get3A_10] : memref<2x10240x128xf32, #tpu.memory_space<vmem>>, vector<1x10240x128xf32>
    %get3A_12 = vector.shape_cast %get3A_11 : vector<1x10240x128xf32> to vector<10240x128xf32>
    %get3A_13 = arith.constant 1 : index
    %get3A_14 = arith.constant 0 : index
    %get3A_15 = arith.constant 0 : index
    %get3A_16 = vector.load %arg0[%get3A_13, %get3A_14, %get3A_15] : memref<2x10240x128xf32, #tpu.memory_space<vmem>>, vector<1x10240x128xf32>
    %get3A_17 = vector.shape_cast %get3A_16 : vector<1x10240x128xf32> to vector<10240x128xf32>
    %add3A_18 = arith.addf %get3A_12, %get3A_17 : vector<10240x128xf32>
    %mul3A = vector.broadcast %rsqrt3A : vector<10240x1xf32> to vector<10240x128xf32>
    %mul3A_19 = arith.mulf %add3A_18, %mul3A : vector<10240x128xf32>
    %max3A = arith.constant 0.000000e+00 : f32
    %max3A_20 = vector.broadcast %max3A : f32 to vector<10240x128xf32>
    %max3A_21 = arith.maximumf %mul3A_19, %max3A_20 : vector<10240x128xf32>
    %get3A_22 = arith.constant 0 : index
    %get3A_23 = arith.constant 0 : index
    %get3A_24 = vector.load %arg2[%get3A_22, %get3A_23] : memref<128x128xf32, #tpu.memory_space<vmem>>, vector<128x128xf32>
    %dot_general3A = arith.constant dense<0.000000e+00> : vector<10240x128xf32>
    %dot_general3A_25 = tpu.matmul %max3A_21, %get3A_24, %dot_general3A {dimension_numbers = #tpu.dot_dimension_numbers<[1], [0], [0], [1], [0, 0, 1, 1], [], []>, transpose_lhs_hint = false} : vector<10240x128xf32>, vector<128x128xf32>, vector<10240x128xf32> -> vector<10240x128xf32>
    %get3A_26 = arith.constant 0 : index
    %get3A_27 = arith.constant 0 : index
    %get3A_28 = vector.load %arg3[%get3A_26, %get3A_27] : memref<1x128xf32, #tpu.memory_space<vmem>>, vector<1x128xf32>
    %add3A_29 = vector.broadcast %get3A_28 : vector<1x128xf32> to vector<10240x128xf32>
    %add3A_30 = arith.addf %dot_general3A_25, %add3A_29 : vector<10240x128xf32>
    %mul3A_31 = vector.broadcast %rsqrt3A : vector<10240x1xf32> to vector<10240x128xf32>
    %mul3A_32 = arith.mulf %add3A_30, %mul3A_31 : vector<10240x128xf32>
    %swap3A = arith.constant 0 : index
    %swap3A_33 = arith.constant 0 : index
    %swap3A_34 = vector.load %arg4[%swap3A, %swap3A_33] : memref<10240x128xf32, #tpu.memory_space<vmem>>, vector<10240x128xf32>
    tpu.vector_store %arg4[%swap3A, %swap3A_33], %mul3A_32 {strides = array<i32>} : memref<10240x128xf32, #tpu.memory_space<vmem>>, vector<10240x128xf32>,
    return
  }
}

module attributes {stable_mosaic.version = 14 : i64} {
  func.func @_dec_body(%arg0: memref<2x10240x128xf32, #tpu.memory_space<vmem>>, %arg1: memref<2x10240x16xf32, #tpu.memory_space<vmem>>, %arg2: memref<128x128xf32, #tpu.memory_space<vmem>>, %arg3: memref<1x128xf32, #tpu.memory_space<vmem>>, %arg4: memref<10000x128xf32, #tpu.memory_space<vmem>>) attributes {dimension_semantics = [], scalar_prefetch = 0 : i64, scratch_operands = 0 : i64, tpu.core_type = #tpu.core_type<tc>} {
    %get3A = arith.constant 0 : index
    %get3A_0 = arith.constant 0 : index
    %get3A_1 = arith.constant 0 : index
    %get3A_2 = vector.load %arg1[%get3A, %get3A_0, %get3A_1] : memref<2x10240x16xf32, #tpu.memory_space<vmem>>, vector<2x10240x16xf32>
    %slice3A = vector.extract_strided_slice %get3A_2 {offsets = [0, 0, 0], sizes = [1, 10240, 1], strides = [1, 1, 1]} : vector<2x10240x16xf32> to vector<1x10240x1xf32>
    %squeeze3A = vector.shape_cast %slice3A : vector<1x10240x1xf32> to vector<10240x1xf32>
    %slice3A_3 = vector.extract_strided_slice %get3A_2 {offsets = [1, 0, 0], sizes = [1, 10240, 1], strides = [1, 1, 1]} : vector<2x10240x16xf32> to vector<1x10240x1xf32>
    %squeeze3A_4 = vector.shape_cast %slice3A_3 : vector<1x10240x1xf32> to vector<10240x1xf32>
    %add3A = arith.addf %squeeze3A, %squeeze3A_4 : vector<10240x1xf32>
    %add3A_5 = arith.constant 1.000000e+00 : f32
    %add3A_6 = vector.broadcast %add3A_5 : f32 to vector<10240x1xf32>
    %add3A_7 = arith.addf %add3A, %add3A_6 : vector<10240x1xf32>
    %rsqrt3A = math.rsqrt %add3A_7 : vector<10240x1xf32>
    %get3A_8 = arith.constant 0 : index
    %get3A_9 = arith.constant 0 : index
    %get3A_10 = arith.constant 0 : index
    %get3A_11 = vector.load %arg0[%get3A_8, %get3A_9, %get3A_10] : memref<2x10240x128xf32, #tpu.memory_space<vmem>>, vector<1x10240x128xf32>
    %get3A_12 = vector.shape_cast %get3A_11 : vector<1x10240x128xf32> to vector<10240x128xf32>
    %get3A_13 = arith.constant 1 : index
    %get3A_14 = arith.constant 0 : index
    %get3A_15 = arith.constant 0 : index
    %get3A_16 = vector.load %arg0[%get3A_13, %get3A_14, %get3A_15] : memref<2x10240x128xf32, #tpu.memory_space<vmem>>, vector<1x10240x128xf32>
    %get3A_17 = vector.shape_cast %get3A_16 : vector<1x10240x128xf32> to vector<10240x128xf32>
    %add3A_18 = arith.addf %get3A_12, %get3A_17 : vector<10240x128xf32>
    %mul3A = vector.broadcast %rsqrt3A : vector<10240x1xf32> to vector<10240x128xf32>
    %mul3A_19 = arith.mulf %add3A_18, %mul3A : vector<10240x128xf32>
    %max3A = arith.constant 0.000000e+00 : f32
    %max3A_20 = vector.broadcast %max3A : f32 to vector<10240x128xf32>
    %max3A_21 = arith.maximumf %mul3A_19, %max3A_20 : vector<10240x128xf32>
    %slice3A_22 = vector.extract_strided_slice %max3A_21 {offsets = [0, 0], sizes = [10000, 128], strides = [1, 1]} : vector<10240x128xf32> to vector<10000x128xf32>
    %get3A_23 = arith.constant 0 : index
    %get3A_24 = arith.constant 0 : index
    %get3A_25 = vector.load %arg2[%get3A_23, %get3A_24] : memref<128x128xf32, #tpu.memory_space<vmem>>, vector<128x128xf32>
    %dot_general3A = arith.constant dense<0.000000e+00> : vector<10000x128xf32>
    %dot_general3A_26 = tpu.matmul %slice3A_22, %get3A_25, %dot_general3A {dimension_numbers = #tpu.dot_dimension_numbers<[1], [0], [0], [1], [0, 0, 1, 1], [], []>, transpose_lhs_hint = false} : vector<10000x128xf32>, vector<128x128xf32>, vector<10000x128xf32> -> vector<10000x128xf32>
    %get3A_27 = arith.constant 0 : index
    %get3A_28 = arith.constant 0 : index
    %get3A_29 = vector.load %arg3[%get3A_27, %get3A_28] : memref<1x128xf32, #tpu.memory_space<vmem>>, vector<1x128xf32>
    %add3A_30 = vector.broadcast %get3A_29 : vector<1x128xf32> to vector<10000x128xf32>
    %add3A_31 = arith.addf %dot_general3A_26, %add3A_30 : vector<10000x128xf32>
    %swap3A = arith.constant 0 : index
    %swap3A_32 = arith.constant 0 : index
    %swap3A_33 = vector.load %arg4[%swap3A, %swap3A_32] : memref<10000x128xf32, #tpu.memory_space<vmem>>, vector<10000x128xf32>
    tpu.vector_store %arg4[%swap3A, %swap3A_32], %add3A_31 {strides = array<i32>} : memref<10000x128xf32, #tpu.memory_space<vmem>>, vector<10000x128xf32>,
    return
  }
}

</mosaic_0001>

<sc_bundles>
// kernel: kernel.11.cloned.1.call-start
scs
__scs_entry_jumppad:
0x0: {  	(pc) =	sbr.rel $0x88, $3  }
0x1: {  	(tag) =	ssettag $0x0;
	lr =	simm.s32 $0x1  }
0x2: {  	[smem:$0x3F97] =	sst lr;
	_ =	strace $0xD0000000  }
0x3: {  	_ = 	snop  }
0x4: {  	_ = 	snop  }
0x5: {  	_ = 	snop  }
0x6: {  	_ = 	snop  }
0x7: {  	_ = 	snop  }
__scs_overlays_trampoline_lowered:
0x8: {  	[smem:$0x3FA6] =	sst s0  }
0x9: {  	[smem:$0x3FA7] =	sst s1  }
0xa: {  	[smem:$0x3FA8] =	sst s2  }
0xb: {  	[smem:$0x3FA9] =	sst s3  }
0xc: {  	[smem:$0x3FAA] =	sst s4  }
0xd: {  	[smem:$0x3FAB] =	sst s5  }
0xe: {  	[smem:$0x3FAC] =	sst s6  }
0xf: {  	[smem:$0x3FAD] =	sst s7  }
0x10: {  	[smem:$0x3FAE] =	sst s8  }
0x11: {  	[smem:$0x3FAF] =	sst s9;
	s0 =	simm.s32 @!p0 $0x0  }
0x12: {  	s1 =	sld [smem:$0x3F95];
	s0 =	simm.s32 @p0 $0x1  }
0x13: {  	[smem:$0x3FB0] =	sst s0;
	s0 =	simm.s32 @!p1 $0x0  }
0x14: {  	s2 =	sld [smem:$0x3F94];
	s0 =	simm.s32 @p1 $0x1  }
0x15: {  	[smem:$0x3FB1] =	sst s0;
	s0 =	simm.s32 @!p2 $0x0  }
0x16: {  	s3 =	sld [smem:$0x3FDB];
	s0 =	simm.s32 @p2 $0x1  }
0x17: {  	s4 =	simm.s32 $0x1BF5;
	[smem:$0x3FB3] =	sst s0  }
0x18: {  	s0 =	sld [smem:$0x3F96];
	_ =	swait.ge [sflag:s4], $0x0  }
0x19: {  	s7 =	sld [smem:$0x3F97]  }
0x1a: {  	s8 =	sadd.s32 $0xFFFFE003, lr  }
0x1b: {  	s9 =	sadd.s32 $0xFFFFFEF7, lr;
	s5 =	simm.s32 $0xFFFFFFFF;
	p2 =	slt.u32 s8, $0xFFFFF086  }
0x1c: {  	p1 =	slt.u32 s9, $0xF7A;
	s5 =	simm.s32 @!p2 $0x0  }
0x1d: {  	s5 =	simm.s32 @p1 $0x1;
	p0 =	seq.s32 s7, s2  }
0x1e: {  	s7 =	smul.u32 @!p0 $0xF7A, s2;
	p2 =	seq.s32 @!p0 s5, $0x0  }
0x1f: {  	s9 =	smul.u32 $0xF7A, s1;
	s8 =	simm.s32 @!p0 $0x1BF5;
	p2 =	por !p2, p0  }
0x20: {  	[sflag:s8] =	ssyncset.s32 @!p0 $0xFFFFF086;
	s6 =	sadd.s32 @!p0 s3, s7;
	s7 =	simm.s32 @!p0 $0x108  }
0x21: {  	s3 =	sadd.s32 s3, s9;
	s6 =	sadd.s32 @!p0 $0x88, s6;
	s7 =	simm.s32 @p2 $0x1082  }
0x22: {  	[simem:s7], [sflag:s8] =	dma.local @!p0 [hbm:s6], $0xF7A  }
0x23: {  	s9 =	sor.u32 $0xD0000000, s2;
	s6 =	simm.s32 $0x108;
	_ =	swait.ge @!p0 [sflag:s8], $0x0  }
0x24: {  	s3 =	sadd.s32 $0x88, s3;
	s6 =	simm.s32 @!p1 $0x1082;
	[sflag:s4] =	ssyncset.s32 $0xFFFFF086  }
0x25: {  	[simem:s6], [sflag:s4] =	dma.local [hbm:s3], $0xF7A  }
0x26: {  	[smem:$0x3F97] =	sst s1;
	(tag) =	ssettag s2;
	_ =	strace s9  }
0x27: {  	s1 =	sld [smem:$0x3FA7]  }
0x28: {  	s2 =	sld [smem:$0x3FA8]  }
0x29: {  	s4 =	sld [smem:$0x3FAA]  }
0x2a: {  	p0 =	seq.s32 s5, $0x0;
	s5 =	sld [smem:$0x3FAB]  }
0x2b: {  	s6 =	sld [smem:$0x3FAC]  }
0x2c: {  	s7 =	sld [smem:$0x3FAD]  }
0x2d: {  	s3 =	simm.s32 $0x108;
	s8 =	sld [smem:$0x3FAE]  }
0x2e: {  	s3 =	simm.s32 @!p0 $0x1082;
	s9 =	sld [smem:$0x3FAF]  }
0x2f: {  	lr =	sadd.s32 s0, s3;
	s0 =	sld [smem:$0x3FA6]  }
0x30: {  	s3 =	sld [smem:$0x3FA9]  }
0x31: {  	[smem:$0x3FB2] =	sst s10  }
0x32: {  	s10 =	sld [smem:$0x3FB0];
	_ =	sdelay $0x3  }
0x33: {  	p0 =	seq.s32 s10, $0x1;
	s10 =	sld [smem:$0x3FB2];
	_ =	sdelay $0x3  }
0x34: {  	[smem:$0x3FB2] =	sst s10  }
0x35: {  	s10 =	sld [smem:$0x3FB1];
	_ =	sdelay $0x3  }
0x36: {  	p1 =	seq.s32 s10, $0x1;
	s10 =	sld [smem:$0x3FB2];
	_ =	sdelay $0x3  }
0x37: {  	[smem:$0x3FB2] =	sst s10  }
0x38: {  	s10 =	sld [smem:$0x3FB3]  }
0x39: {  	_ = 	snop;
	(pc) =	sbr.ind lr, $3  }
0x3a: {  	_ = 	snop  }
0x3b: {  	_ = 	snop  }
0x3c: {  	p2 =	seq.s32 s10, $0x1;
	s10 =	sld [smem:$0x3FB2]  }
0x3d: {  	_ =	shalt  }
0x3e: {  	_ =	shalt  }
0x3f: {  	_ =	shalt  }
0x40: {  	_ =	shalt  }
0x41: {  	_ =	shalt  }
0x42: {  	_ =	shalt  }
0x43: {  	_ =	shalt  }
0x44: {  	_ =	shalt  }
0x45: {  	_ =	shalt  }
0x46: {  	_ =	shalt  }
0x47: {  	_ =	shalt  }
0x48: {  	_ =	shalt  }
0x49: {  	_ =	shalt  }
0x4a: {  	_ =	shalt  }
0x4b: {  	_ =	shalt  }
0x4c: {  	_ =	shalt  }
0x4d: {  	_ =	shalt  }
0x4e: {  	_ =	shalt  }
0x4f: {  	_ =	shalt  }
0x50: {  	_ =	shalt  }
0x51: {  	_ =	shalt  }
0x52: {  	_ =	shalt  }
0x53: {  	_ =	shalt  }
0x54: {  	_ =	shalt  }
0x55: {  	_ =	shalt  }
0x56: {  	_ =	shalt  }
0x57: {  	_ =	shalt  }
0x58: {  	_ =	shalt  }
0x59: {  	_ =	shalt  }
0x5a: {  	_ =	shalt  }
0x5b: {  	_ =	shalt  }
0x5c: {  	_ =	shalt  }
0x5d: {  	_ =	shalt  }
0x5e: {  	_ =	shalt  }
0x5f: {  	_ =	shalt  }
0x60: {  	_ =	shalt  }
0x61: {  	_ =	shalt  }
0x62: {  	_ =	shalt  }
0x63: {  	_ =	shalt  }
0x64: {  	_ =	shalt  }
0x65: {  	_ =	shalt  }
0x66: {  	_ =	shalt  }
0x67: {  	_ =	shalt  }
0x68: {  	_ =	shalt  }
0x69: {  	_ =	shalt  }
0x6a: {  	_ =	shalt  }
0x6b: {  	_ =	shalt  }
0x6c: {  	_ =	shalt  }
0x6d: {  	_ =	shalt  }
0x6e: {  	_ =	shalt  }
0x6f: {  	_ =	shalt  }
0x70: {  	_ =	shalt  }
0x71: {  	_ =	shalt  }
0x72: {  	_ =	shalt  }
0x73: {  	_ =	shalt  }
0x74: {  	_ =	shalt  }
0x75: {  	_ =	shalt  }
0x76: {  	_ =	shalt  }
0x77: {  	_ =	shalt  }
0x78: {  	_ =	shalt  }
0x79: {  	_ =	shalt  }
0x7a: {  	_ =	shalt  }
0x7b: {  	_ =	shalt  }
0x7c: {  	_ =	shalt  }
0x7d: {  	_ =	shalt  }
0x7e: {  	_ =	shalt  }
0x7f: {  	_ =	shalt  }
0x80: {  	_ =	shalt  }
0x81: {  	_ =	shalt  }
0x82: {  	_ =	shalt  }
0x83: {  	_ =	shalt  }
0x84: {  	_ =	shalt  }
0x85: {  	_ =	shalt  }
0x86: {  	_ =	shalt  }
0x87: {  	_ =	shalt  }
.Lfunc_end0:
.L_simem_size_0:
called_computation.1_lowered:
.L_overlay_start_0:
0x88: {  	s2 =	sld [smem:$0x3FD9]  }
0x89: {  	s3 =	sld [smem:$0x3FFE];
	_ =	sdelay $0x1  }
0x8a: {  	s1 =	srdreg.scid  }
0x8b: {  	s0 =	sand.u32 $0x1, s1  }
0x8c: {  	s16 =	sshll.u32 s0, $0xA;
	s2 =	sadd.s32 s3, s2  }
0x8d: {  	s2 =	sadd.s32 s2, s16  }
0x8e: {  	[smem:$0x3FBE] =	sst s2  }
0x8f: {  	_ = 	snop  }
0x90: {  	(tm) =	ssettm $0x1  }
0x91: {  	s17 =	sld [smem:$0x3FFB];
	_ =	sdelay $0x3  }
0x92: {  	_ =	strace s17  }
0x93: {  	s2 =	sld [smem:$0x3FFC];
	_ =	sdelay $0x3  }
0x94: {  	_ =	strace s2  }
0x95: {  	s2 =	sld [smem:$0x3FFD];
	_ =	sdelay $0x3  }
0x96: {  	_ =	strace s2  }
0x97: {  	_ =	strace $0x8FFFFFFF  }
0x98: {  	s18 =	sld [smem:$0x3FDB];
	_ =	sdelay $0x1  }
0x99: {  	s19 =	simm.s32 $_scs_section_size  }
0x9a: {  	s4 =	simm.s32 $_size__tile_overlayer_lowered;
	s5 =	simm.s32 $_tile_overlayer_lowered  }
0x9b: {  	s22 =	simm.s32 $0x1BFF;
	s21 =	sshll.u32 s5, $0x1;
	s2 =	sadd.s32 s19, s18  }
0x9c: {  	s6 =	simm.s32 $0x0;
	s20 =	sshll.u32 s4, $0x1;
	s4 =	sadd.s32 s21, s2  }
0x9d: {  	[timem:s6], [sflag:s22] =	dma.local [hbm:s4], s20  }
0x9e: {  	_ =	swait.ge [sflag:s22], s20  }
0x9f: {  	s3 =	ssub.s32 $0x0, s20;
	[sflag:s22] =	ssyncset.done $0x0  }
0xa0: {  	[sflag:s22] =	ssyncadd.s32 s3;
	_ =	sdelay $0x1  }
0xa1: {  	s23 =	simm.s32 $0x1B8B  }
0xa2: {  	_ =	swait.ge [sflag:s23], $0x1  }
0xa3: {  	[sflag:s23] =	ssyncset.done $0x0  }
0xa4: {  	s25 =	simm.s32 $0x1B8E;
	s24 =	sld [smem:$0x3FFE];
	[sflag:s23] =	ssyncadd.s32 $0xFFFFFFFF  }
0xa5: {  	s26 =	simm.s32 $execute0_lowered;
	[smem:$0x3FD2] =	sst s25  }
0xa6: {  	s4 =	sshll.u32 s26, $0x1;
	_ =	strace $0x80000049;
	[dreg:$0x1] =	wrdreg $0xFFFFFFFF  }
0xa7: {  	s28 =	simm.s32 $_size_execute0_lowered;
	s2 =	sadd.s32 s2, s4;
	[dreg:$0x0] =	wrdreg $0x0  }
0xa8: {  	s4 =	sshll.u32 s28, $0x1;
	[dreg:$0x2] =	wrdreg s2  }
0xa9: {  	[dreg:$0x3] =	wrdreg s4  }
0xaa: {  	[dreg:$0x4] =	wrdreg $0xC0  }
0xab: {  	_ =	task [dreg:s6], $0x5FFFF  }
0xac: {  	[dreg:$0x1] =	wrdreg $0xFFFFFFFF  }
0xad: {  	[dreg:$0x0] =	wrdreg $0x60  }
0xae: {  	[dreg:$0x2] =	wrdreg s24  }
0xaf: {  	[dreg:$0x3] =	wrdreg $0xA4000  }
0xb0: {  	[dreg:$0x4] =	wrdreg $0x9  }
0xb1: {  	_ =	task.clear_ibuf [dreg:s6], $0x5FFFF;
	_ =	strace $0x90000049  }
0xb2: {  	s29 =	simm.s32 $0x9;
	_ =	strace $0x8000004B  }
0xb3: {  	_ =	swait.ge [sflag:s29], $0x1  }
0xb4: {  	[sflag:s29] =	ssyncadd.s32 $0xFFFFFFFF  }
0xb5: {  	_ =	strace $0x9000004B  }
0xb6: {  	_ =	sfence  }
0xb7: {  	s30 =	sld [smem:$0x0];
	_ =	sdelay $0x2  }
0xb8: {  	s31 =	sshll.u32 s1, $0xD;
	s1 =	sshrl.u32 s1, $0x2  }
0xb9: {  	s3 =	sand.u32 $0x4000, s31;
	s1 =	sadd.s32 s1, s30  }
0xba: {  	s0 =	sor.u32 s3, s0;
	s1 =	sshll.u32 s1, $0x11  }
0xbb: {  	s0 =	sor.u32 s1, s0  }
0xbc: {  	s0 =	sadd.s32 $0x8F2B, s0  }
0xbd: {  	[sflag:s0] =	ssyncadd.remote.s32 $0x1  }
0xbe: {  	_ =	sfence.sel $0xFFFF  }
0xbf: {  	[dreg:$0x0] =	wrdreg $0xFFFFFFFF;
	(pc) =	sbr.abs _section_cstart, $3  }
0xc0: {  	[dreg:$0x1] =	wrdreg $0xFFFFFFFF  }
0xc1: {  	_ =	task.clear_ibuf [dreg:s6], $0x2FFFF;
	_ =	strace $0x9FFFFFFF  }
0xc2: {  	(tm) =	ssettm $0x7FFFFFFF  }
0xc3: {  	_ =	shalt  }
tec
execute0_lowered:
.L_overlay_start_1:
0x0: {  	(tag) =	ssettag $0x1  }
0x1: {  	s29 =	stileid.u32  }
0x2: {  	s1 =	smul.u32 $0x280, s29  }
0x3: {  	s0 =	srdreg.scid;
	s11 =	smul.u32 $0x14000, s29  }
0x4: {  	s20 =	rddreg [dreg:$0x0];
	s21 =	sand.u32 $0x1, s0;
	s28 =	smul.u32 $0x2710, s29  }
0x5: {  	s9 =	sadd.s32 $0x8EE00, s20;
	s0 =	ssub.s32 $0x2, s21;
	s10 =	smul.u32 $0x140000, s21  }
0x6: {  	s19 =	smul.u32 $0x27100, s21;
	p0 =	sne.s32 s21, $0x0;
	s2 =	sshrl.u32 s0, $0x1  }
0x7: {  	s23 =	sor.u32 $0x50, s1;
	s22 =	sadd.s32 $0xA0, s1;
	s5 =	sadd.s32 $0xF0, s1  }
0x8: {  	s6 =	sadd.s32 $0x140, s1;
	s3 =	sadd.s32 $0x190, s1;
	s0 =	ssub.s32 s0, s2  }
0x9: {  	s24 =	sshll.u32 s23, $0x7;
	s25 =	sshll.u32 s22, $0x7;
	s8 =	sshll.u32 s5, $0x7  }
0xa: {  	s7 =	sshll.u32 s6, $0x7;
	s2 =	sadd.s32 $0x1E0, s1;
	s1 =	sadd.s32 $0x230, s1  }
0xb: {  	s26 =	sshll.u32 s3, $0x7;
	s11 =	sadd.s32 s11, s10;
	s23 =	sshll.u32 s23, $0x4  }
0xc: {  	s22 =	sshll.u32 s22, $0x4;
	s15 =	sshll.u32 s2, $0x7;
	s4 =	sshll.u32 s1, $0x7  }
0xd: {  	s12 =	sadd.s32 s10, s24;
	s13 =	sadd.s32 s10, s25;
	s11 =	sshrl.u32 s11, $0x3  }
0xe: {  	s14 =	sadd.s32 s10, s26;
	s12 =	sshrl.u32 s12, $0x3;
	s11 =	sadd.s32 s9, s11  }
0xf: {  	s13 =	sshrl.u32 s13, $0x3;
	s18 =	sadd.s32 s10, s15;
	[dreg:$0x3] =	wrdreg s11  }
0x10: {  	s30 =	sadd.s32 s9, s12;
	s31 =	sadd.s32 s9, s13;
	s12 =	sadd.s32 s10, s8  }
0x11: {  	s13 =	sadd.s32 s10, s7;
	s10 =	sadd.s32 s10, s4;
	[dreg:$0x4] =	wrdreg s30  }
0x12: {  	[dreg:$0x5] =	wrdreg s31;
	s11 =	sshrl.u32 s12, $0x3;
	s12 =	sshrl.u32 s13, $0x3  }
0x13: {  	s13 =	sshrl.u32 s14, $0x3;
	s10 =	sshrl.u32 s10, $0x3;
	s11 =	sadd.s32 s9, s11  }
0x14: {  	s31 =	smul.u32 $0x50000, s29;
	s16 =	sadd.s32 s9, s12;
	[dreg:$0x6] =	wrdreg s11  }
0x15: {  	s29 =	smul.u32 $0x2800, s29;
	s17 =	sadd.s32 s9, s13;
	[dreg:$0x7] =	wrdreg s16  }
0x16: {  	s12 =	sadd.s32 s28, s19;
	[dreg:$0x8] =	wrdreg s17;
	s11 =	sshrl.u32 s18, $0x3  }
0x17: {  	s18 =	sadd.s32 $0x3200, s20;
	s17 =	sadd.s32 $0xD000, s20;
	s30 =	sshrl.u32 s12, $0x3  }
0x18: {  	s14 =	sadd.s32 $0xA0, s12;
	s16 =	sadd.s32 $0x50, s12;
	s20 =	sadd.s32 $0x66E00, s20  }
0x19: {  	s11 =	sadd.s32 s9, s11;
	s9 =	sadd.s32 s9, s10;
	s10 =	sadd.s32 s30, s17  }
0x1a: {  	s19 =	sshrl.u32 s14, $0x3;
	s28 =	sshrl.u32 s16, $0x3;
	[dreg:$0x9] =	wrdreg s11  }
0x1b: {  	[dreg:$0xa] =	wrdreg s9;
	s9 =	simm.s32 $0x0;
	s11 =	sadd.s32 s30, s18  }
0x1c: {  	s14 =	sadd.s32 s19, s17;
	s16 =	sadd.s32 s19, s18;
	s19 =	rddreg [dreg:$0x1]  }
0x1d: {  	s30 =	sshrl.u32 s31, $0x2;
	s31 =	sadd.s32 s20, s29;
	[smem:$0x7FF] =	sst s9  }
0x1e: {  	s24 =	sadd.s32 s24, s19;
	_ =	strace $0x8000004A;
	[dreg:$0xc] =	wrdreg s31  }
0x1f: {  	s5 =	sshll.u32 s5, $0x4;
	s23 =	sadd.s32 s20, s23;
	[dreg:$0xd] =	wrdreg s24  }
0x20: {  	s21 =	sadd.s32 s30, s19;
	s30 =	sadd.s32 s25, s19;
	[dreg:$0xe] =	wrdreg s23  }
0x21: {  	s3 =	sshll.u32 s3, $0x4;
	s22 =	sadd.s32 s20, s22;
	[dreg:$0xf] =	wrdreg s30  }
0x22: {  	s2 =	sshll.u32 s2, $0x4;
	s8 =	sadd.s32 s8, s19;
	[dreg:$0x10] =	wrdreg s22  }
0x23: {  	s1 =	sshll.u32 s1, $0x4;
	s5 =	sadd.s32 s20, s5;
	[dreg:$0x11] =	wrdreg s8  }
0x24: {  	s0 =	smax.u32 s0, $0x1;
	s7 =	sadd.s32 s7, s19;
	[dreg:$0x12] =	wrdreg s5  }
0x25: {  	s13 =	sadd.s32 $0xF0, s12;
	s3 =	sadd.s32 s20, s3;
	[dreg:$0x13] =	wrdreg s7  }
0x26: {  	s13 =	sshrl.u32 s13, $0x3;
	s15 =	sadd.s32 s15, s19;
	[dreg:$0x16] =	wrdreg s3  }
0x27: {  	s2 =	sadd.s32 s20, s2;
	s1 =	sadd.s32 s20, s1;
	[dreg:$0x17] =	wrdreg s15  }
0x28: {  	s12 =	sadd.s32 s13, s17;
	s13 =	sadd.s32 s13, s18;
	[dreg:$0x18] =	wrdreg s2  }
0x29: {  	s17 =	sadd.s32 s28, s17;
	s18 =	sadd.s32 s28, s18;
	[dreg:$0x1a] =	wrdreg s1  }
0x2a: {  	s29 =	simm.s32 $0x200;
	s31 =	sshll.u32 s6, $0x4;
	[dreg:$0x1b] =	wrdreg s0  }
0x2b: {  	s8 =	sadd.s32 s26, s19;
	s22 =	sadd.s32 s4, s19;
	[dreg:$0xb] =	wrdreg s21  }
0x2c: {  	s23 =	sadd.s32 $0x2800, s21;
	s24 =	sadd.s32 $0x5000, s21;
	[dreg:$0x15] =	wrdreg s8  }
0x2d: {  	s25 =	sadd.s32 $0x7800, s21;
	s26 =	sadd.s32 $0xA000, s21;
	[dreg:$0x19] =	wrdreg s22  }
0x2e: {  	s28 =	sadd.s32 $0xC800, s21;
	s30 =	sadd.s32 $0xF000, s21;
	[dreg:$0x1c] =	wrdreg s23  }
0x2f: {  	s0 =	simm.s32 $0xA;
	s1 =	simm.s32 $0x80;
	[dreg:$0x1d] =	wrdreg s24  }
0x30: {  	s2 =	simm.s32 $0x280;
	s3 =	simm.s32 $0x1;
	[dreg:$0x1e] =	wrdreg s25  }
.Ltmp0:
0x31: {  	s4 =	simm.s32 $0x50;
	[dreg:$0x1f] =	wrdreg s26;
	(pc) =	sbr.rel .LBB2_1-.Ltmp0, $4  }
0x32: {  	s6 =	simm.s32 $0xC;
	s7 =	simm.s32 $0x180;
	[smem:$0x7FB] =	sst s28  }
0x33: {  	s5 =	sadd.s32 s20, s31;
	[smem:$0x7FC] =	sst s30;
	s31 =	sadd.s32 $0x11800, s21  }
0x34: {  	s24 =	simm.s32 $0x5;
	s8 =	simm.s32 $0x380;
	[dreg:$0x14] =	wrdreg s5  }
0x35: {  	v0 =	vimm.f32 $0.0e+00;
	s25 =	simm.s32 $0x0;
	[smem:$0x7FD] =	sst s31;
	s5 =	simm.s32 $0x400  }
.LBB2_16:
0x36: {  	s15 =	simm.s32 $0x9  }
0x37: {  	_ =	swait.ge [sflag:s15], $0x2800  }
0x38: {  	[sflag:s15] =	ssyncset.done $0x0  }
0x39: {  	[sflag:s15] =	ssyncadd.s32 $0xFFFFD800  }
0x3a: {  	_ =	swait.ge [sflag:s0], $0x2800  }
0x3b: {  	[sflag:s0] =	ssyncset.done $0x0  }
0x3c: {  	s26 =	simm.s32 $0xB;
	[sflag:s0] =	ssyncadd.s32 $0xFFFFD800  }
0x3d: {  	_ =	swait.ge [sflag:s26], $0x2800  }
0x3e: {  	[sflag:s26] =	ssyncset.done $0x0  }
0x3f: {  	[sflag:s26] =	ssyncadd.s32 $0xFFFFD800  }
0x40: {  	_ =	swait.ge [sflag:s6], $0x2800  }
0x41: {  	[sflag:s6] =	ssyncset.done $0x0  }
0x42: {  	[sflag:s6] =	ssyncadd.s32 $0xFFFFD800  }
0x43: {  	[bflag:$0x0] =	sbarrier.arrive $0xFFFF  }
0x44: {  	s21 =	sld [smem:$0x7F9];
	_ =	sdelay $0x1  }
0x45: {  	s30 =	rddreg [dreg:$0x3]  }
0x46: {  	[hbm:s30], [sflag:s28] =	dma.local [spmem:s21], $0x500  }
0x47: {  	s21 =	sld [smem:$0x7FA];
	_ =	sdelay $0x1  }
0x48: {  	s15 =	rddreg [dreg:$0x4]  }
0x49: {  	[hbm:s15], [sflag:s28] =	dma.local [spmem:s21], $0x500  }
0x4a: {  	s15 =	rddreg [dreg:$0xf]  }
0x4b: {  	s21 =	rddreg [dreg:$0x5];
	s15 =	sshrl.u32 s15, $0x3  }
0x4c: {  	[hbm:s21], [sflag:s28] =	dma.local [spmem:s15], $0x500  }
0x4d: {  	s15 =	rddreg [dreg:$0x11]  }
0x4e: {  	s21 =	rddreg [dreg:$0x6];
	s15 =	sshrl.u32 s15, $0x3  }
0x4f: {  	[hbm:s21], [sflag:s28] =	dma.local [spmem:s15], $0x500  }
0x50: {  	s15 =	rddreg [dreg:$0x13]  }
0x51: {  	s21 =	rddreg [dreg:$0x7];
	s15 =	sshrl.u32 s15, $0x3  }
0x52: {  	[hbm:s21], [sflag:s28] =	dma.local [spmem:s15], $0x500  }
0x53: {  	s15 =	rddreg [dreg:$0x15]  }
0x54: {  	s21 =	rddreg [dreg:$0x8];
	s15 =	sshrl.u32 s15, $0x3  }
0x55: {  	[hbm:s21], [sflag:s28] =	dma.local [spmem:s15], $0x500  }
0x56: {  	s15 =	rddreg [dreg:$0x17]  }
0x57: {  	s21 =	rddreg [dreg:$0x9];
	s15 =	sshrl.u32 s15, $0x3  }
0x58: {  	[hbm:s21], [sflag:s28] =	dma.local [spmem:s15], $0x500  }
0x59: {  	s15 =	rddreg [dreg:$0x19]  }
0x5a: {  	s21 =	rddreg [dreg:$0xa];
	s15 =	sshrl.u32 s15, $0x3  }
0x5b: {  	[hbm:s21], [sflag:s28] =	dma.local [spmem:s15], $0x500  }
0x5c: {  	_ =	swait.ge [sflag:s24], $0x500  }
0x5d: {  	[sflag:s24] =	ssyncset.done $0x0  }
0x5e: {  	[sflag:s24] =	ssyncadd.s32 $0xFFFFFB00  }
0x5f: {  	_ =	swait.ge [sflag:s24], $0x500  }
0x60: {  	[sflag:s24] =	ssyncset.done $0x0  }
0x61: {  	[sflag:s24] =	ssyncadd.s32 $0xFFFFFB00  }
0x62: {  	_ =	swait.ge [sflag:s24], $0x500  }
0x63: {  	[sflag:s24] =	ssyncset.done $0x0  }
0x64: {  	[sflag:s24] =	ssyncadd.s32 $0xFFFFFB00  }
0x65: {  	_ =	swait.ge [sflag:s24], $0x500  }
0x66: {  	[sflag:s24] =	ssyncset.done $0x0  }
0x67: {  	[sflag:s24] =	ssyncadd.s32 $0xFFFFFB00  }
0x68: {  	_ =	swait.ge [sflag:s24], $0x500  }
0x69: {  	[sflag:s24] =	ssyncset.done $0x0  }
0x6a: {  	[sflag:s24] =	ssyncadd.s32 $0xFFFFFB00  }
0x6b: {  	_ =	swait.ge [sflag:s24], $0x500  }
0x6c: {  	[sflag:s24] =	ssyncset.done $0x0  }
0x6d: {  	[sflag:s24] =	ssyncadd.s32 $0xFFFFFB00  }
0x6e: {  	_ =	swait.ge [sflag:s24], $0x500  }
0x6f: {  	[sflag:s24] =	ssyncset.done $0x0  }
0x70: {  	[sflag:s24] =	ssyncadd.s32 $0xFFFFFB00  }
0x71: {  	_ =	swait.ge [sflag:s24], $0x500  }
0x72: {  	s25 =	sadd.s32 $0x1, s25;
	s31 =	rddreg [dreg:$0x1b]  }
0x73: {  	p1 =	sne.s32 s25, s31  }
.Ltmp1:
0x74: {  	_ = 	snop;
	(pc) =	sbr.rel @!p1 .LBB2_17-.Ltmp1, $3  }
0x75: {  	_ =	sdelay $0x1  }
0x76: {  	[sflag:s24] =	ssyncset.done $0x0  }
0x77: {  	[sflag:s24] =	ssyncadd.s32 $0xFFFFFB00  }
.LBB2_1:
.Ltmp2:
0x78: {  	(pc) =	sbr.rel @p0 .LBB2_3-.Ltmp2, $4  }
0x79: {  	s21 =	rddreg [dreg:$0xb]  }
0x7a: {  	s15 =	stileid.u32;
	s31 =	rddreg [dreg:$0xd];
	s21 =	sshrl.u32 s21, $0x3  }
0x7b: {  	s15 =	sshll.u32 s15, $0x6;
	s22 =	sshrl.u32 s31, $0x3;
	[smem:$0x7F9] =	sst s21  }
0x7c: {  	s28 =	sor.u32 $0x1C05, s15;
	[smem:$0x7FA] =	sst s22  }
0x7d: {  	s15 =	rddreg [dreg:$0xc]  }
0x7e: {  	[spmem:s21], [sflag:s28] =	dma.local [hbm:s15], $0x500  }
0x7f: {  	s15 =	rddreg [dreg:$0xe]  }
0x80: {  	[spmem:s22], [sflag:s28] =	dma.local [hbm:s15], $0x500  }
0x81: {  	s15 =	rddreg [dreg:$0xf]  }
0x82: {  	s21 =	rddreg [dreg:$0x10];
	s15 =	sshrl.u32 s15, $0x3  }
0x83: {  	[spmem:s15], [sflag:s28] =	dma.local [hbm:s21], $0x500  }
0x84: {  	s15 =	rddreg [dreg:$0x11]  }
0x85: {  	s26 =	rddreg [dreg:$0x12];
	s23 =	sshrl.u32 s15, $0x3  }
0x86: {  	[spmem:s23], [sflag:s28] =	dma.local [hbm:s26], $0x500  }
0x87: {  	s15 =	rddreg [dreg:$0x13]  }
0x88: {  	s31 =	rddreg [dreg:$0x14];
	s30 =	sshrl.u32 s15, $0x3  }
0x89: {  	[spmem:s30], [sflag:s28] =	dma.local [hbm:s31], $0x500  }
0x8a: {  	s15 =	rddreg [dreg:$0x15]  }
0x8b: {  	s21 =	rddreg [dreg:$0x16];
	s15 =	sshrl.u32 s15, $0x3  }
0x8c: {  	[spmem:s15], [sflag:s28] =	dma.local [hbm:s21], $0x500  }
0x8d: {  	s15 =	rddreg [dreg:$0x17]  }
0x8e: {  	s26 =	rddreg [dreg:$0x18];
	s23 =	sshrl.u32 s15, $0x3  }
0x8f: {  	[spmem:s23], [sflag:s28] =	dma.local [hbm:s26], $0x500  }
0x90: {  	s15 =	rddreg [dreg:$0x19]  }
0x91: {  	s31 =	rddreg [dreg:$0x1a];
	s30 =	sshrl.u32 s15, $0x3  }
0x92: {  	[spmem:s30], [sflag:s28] =	dma.local [hbm:s31], $0x500  }
0x93: {  	_ =	swait.ge [sflag:s24], $0x500  }
0x94: {  	[sflag:s24] =	ssyncset.done $0x0  }
0x95: {  	[sflag:s24] =	ssyncadd.s32 $0xFFFFFB00  }
0x96: {  	_ =	swait.ge [sflag:s24], $0x500  }
0x97: {  	[sflag:s24] =	ssyncset.done $0x0  }
0x98: {  	[sflag:s24] =	ssyncadd.s32 $0xFFFFFB00  }
0x99: {  	_ =	swait.ge [sflag:s24], $0x500  }
0x9a: {  	[sflag:s24] =	ssyncset.done $0x0  }
0x9b: {  	[sflag:s24] =	ssyncadd.s32 $0xFFFFFB00  }
0x9c: {  	_ =	swait.ge [sflag:s24], $0x500  }
0x9d: {  	[sflag:s24] =	ssyncset.done $0x0  }
0x9e: {  	[sflag:s24] =	ssyncadd.s32 $0xFFFFFB00  }
0x9f: {  	_ =	swait.ge [sflag:s24], $0x500  }
0xa0: {  	[sflag:s24] =	ssyncset.done $0x0  }
0xa1: {  	[sflag:s24] =	ssyncadd.s32 $0xFFFFFB00  }
0xa2: {  	_ =	swait.ge [sflag:s24], $0x500  }
0xa3: {  	[sflag:s24] =	ssyncset.done $0x0  }
0xa4: {  	[sflag:s24] =	ssyncadd.s32 $0xFFFFFB00  }
0xa5: {  	_ =	swait.ge [sflag:s24], $0x500  }
.Ltmp3:
0xa6: {  	[sflag:s24] =	ssyncset.done $0x0;
	(pc) =	sbr.rel .LBB2_6-.Ltmp3, $4  }
0xa7: {  	[sflag:s24] =	ssyncadd.s32 $0xFFFFFB00  }
0xa8: {  	_ =	swait.ge [sflag:s24], $0x500  }
0xa9: {  	[sflag:s24] =	ssyncset.done $0x0  }
0xaa: {  	[sflag:s24] =	ssyncadd.s32 $0xFFFFFB00  }
.LBB2_3:
0xab: {  	s22 =	sshra.s32 s9, $0x2;
	s23 =	sadd.s32 $0x200, s9  }
.LBB2_4:
0xac: {  	p1 =	sne.s32 s23, $0x9E00;
	[tilespmem:s22+$0x470] =	vst v0  }
0xad: {  	[tilespmem:s22+$0x400] =	vst v0  }
0xae: {  	[tilespmem:s22+$0x410] =	vst v0  }
.Ltmp4:
0xaf: {  	[tilespmem:s22+$0x420] =	vst v0;
	(pc) =	sbr.rel @p1 .LBB2_4-.Ltmp4, $4  }
0xb0: {  	[tilespmem:s22+$0x430] =	vst v0  }
0xb1: {  	[tilespmem:s22+$0x440] =	vst v0  }
0xb2: {  	[tilespmem:s22+$0x450] =	vst v0  }
0xb3: {  	[tilespmem:s22+$0x460] =	vst v0;
	s22 =	sshra.s32 s23, $0x2;
	s23 =	sadd.s32 $0x200, s23  }
0xb4: {  	[tilespmem:s22+$0x470] =	vst v0  }
0xb5: {  	[tilespmem:s22+$0x400] =	vst v0  }
0xb6: {  	[tilespmem:s22+$0x410] =	vst v0  }
0xb7: {  	[tilespmem:s22+$0x420] =	vst v0  }
0xb8: {  	[tilespmem:s22+$0x430] =	vst v0  }
0xb9: {  	[tilespmem:s22+$0x440] =	vst v0  }
0xba: {  	[tilespmem:s22+$0x450] =	vst v0;
	s15 =	rddreg [dreg:$0xb]  }
0xbb: {  	[tilespmem:s22+$0x460] =	vst v0;
	s31 =	rddreg [dreg:$0x1c]  }
0xbc: {  	[spmem:s15] =	stream.linear.scatter [tilespmem:s5], [sflag:$0x5], $0x2800, $0x38;
	[tilespmem:$0x1E400] =	vst v63  }
0xbd: {  	s21 =	rddreg [dreg:$0x1d]  }
0xbe: {  	[spmem:s31] =	stream.linear.scatter [tilespmem:s5], [sflag:$0x5], $0x2800, $0x38;
	[tilespmem:$0x1E400] =	vst v63  }
0xbf: {  	s22 =	rddreg [dreg:$0x1e]  }
0xc0: {  	[spmem:s21] =	stream.linear.scatter [tilespmem:s5], [sflag:$0x5], $0x2800, $0x38;
	[tilespmem:$0x1E400] =	vst v63  }
0xc1: {  	s23 =	rddreg [dreg:$0x1f]  }
0xc2: {  	[spmem:s22] =	stream.linear.scatter [tilespmem:s5], [sflag:$0x5], $0x2800, $0x38;
	[tilespmem:$0x1E400] =	vst v63  }
0xc3: {  	s26 =	sld [smem:$0x7FB]  }
0xc4: {  	[spmem:s23] =	stream.linear.scatter [tilespmem:s5], [sflag:$0x5], $0x2800, $0x38;
	[tilespmem:$0x1E400] =	vst v63  }
0xc5: {  	s30 =	sld [smem:$0x7FC]  }
0xc6: {  	[spmem:s26] =	stream.linear.scatter [tilespmem:s5], [sflag:$0x5], $0x2800, $0x38;
	[tilespmem:$0x1E400] =	vst v63  }
0xc7: {  	s31 =	sld [smem:$0x7FD]  }
0xc8: {  	[spmem:s30] =	stream.linear.scatter [tilespmem:s5], [sflag:$0x5], $0x2800, $0x38;
	[tilespmem:$0x1E400] =	vst v63  }
0xc9: {  	_ = 	snop  }
0xca: {  	[spmem:s31] =	stream.linear.scatter [tilespmem:s5], [sflag:$0x5], $0x2800, $0x38;
	[tilespmem:$0x1E400] =	vst v63  }
0xcb: {  	_ =	swait.ge [sflag:s24], $0x2800  }
0xcc: {  	[sflag:s24] =	ssyncset.done $0x0  }
0xcd: {  	[sflag:s24] =	ssyncadd.s32 $0xFFFFD800  }
0xce: {  	_ =	swait.ge [sflag:s24], $0x2800  }
0xcf: {  	[sflag:s24] =	ssyncset.done $0x0  }
0xd0: {  	[sflag:s24] =	ssyncadd.s32 $0xFFFFD800  }
0xd1: {  	_ =	swait.ge [sflag:s24], $0x2800  }
0xd2: {  	[sflag:s24] =	ssyncset.done $0x0  }
0xd3: {  	[sflag:s24] =	ssyncadd.s32 $0xFFFFD800  }
0xd4: {  	_ =	swait.ge [sflag:s24], $0x2800  }
0xd5: {  	[sflag:s24] =	ssyncset.done $0x0  }
0xd6: {  	[sflag:s24] =	ssyncadd.s32 $0xFFFFD800  }
0xd7: {  	_ =	swait.ge [sflag:s24], $0x2800  }
0xd8: {  	[sflag:s24] =	ssyncset.done $0x0  }
0xd9: {  	[sflag:s24] =	ssyncadd.s32 $0xFFFFD800  }
0xda: {  	_ =	swait.ge [sflag:s24], $0x2800  }
0xdb: {  	[sflag:s24] =	ssyncset.done $0x0  }
0xdc: {  	[sflag:s24] =	ssyncadd.s32 $0xFFFFD800  }
0xdd: {  	_ =	swait.ge [sflag:s24], $0x2800  }
0xde: {  	[sflag:s24] =	ssyncset.done $0x0  }
0xdf: {  	[sflag:s24] =	ssyncadd.s32 $0xFFFFD800  }
0xe0: {  	_ =	swait.ge [sflag:s24], $0x2800  }
0xe1: {  	[sflag:s24] =	ssyncset.done $0x0  }
0xe2: {  	[sflag:s24] =	ssyncadd.s32 $0xFFFFD800  }
.LBB2_6:
.Ltmp5:
0xe3: {  	(pc) =	sbr.rel .LBB2_7-.Ltmp5, $3  }
0xe4: {  	_ =	sdelay $0x1  }
0xe5: {  	[bflag:$0x0] =	sbarrier.arrive $0xFFFF  }
0xe6: {  	s22 =	simm.s32 $0x0;
	s26 =	simm.s32 $0x3;
	s23 =	simm.s32 $0x0  }
.LBB2_12:
0xe7: {  	_ =	swait.ge [sflag:s6], $0x2800  }
0xe8: {  	[sflag:s6] =	ssyncset.done $0x0  }
0xe9: {  	[sflag:s6] =	ssyncadd.s32 $0xFFFFD800  }
.LBB2_14:
0xea: {  	s15 =	sadd.s32 s22, s13  }
0xeb: {  	[tilespmem:s7], [sflag:$0x4] =	stream.linear.gather [hbm4b:s15+s9], $0x50, $0x38;
	[tilespmem:$0x1E400] =	vst v63  }
0xec: {  	s31 =	sadd.s32 s22, s12  }
0xed: {  	[tilespmem:s8], [sflag:$0x4] =	stream.linear.gather [hbm4b:s31+s9], $0x50, $0x38;
	[tilespmem:$0x1E400] =	vst v63  }
.LBB2_15:
0xee: {  	s15 =	simm.s32 @!p2 $0x3  }
0xef: {  	_ =	swait.ge @!p2 [sflag:s15], $0x50  }
0xf0: {  	[sflag:s15] =	ssyncset.done @!p2 $0x0  }
0xf1: {  	[sflag:s15] =	ssyncadd.s32 @!p2 $0xFFFFFFB0  }
0xf2: {  	s21 =	simm.s32 @!p2 $0x100;
	_ =	swait.ge @!p2 [sflag:s15], $0x50  }
0xf3: {  	s30 =	simm.s32 @!p2 $0x5400;
	s22 =	sadd.s32 $0x28, s22;
	[sflag:s15] =	ssyncset.done @!p2 $0x0  }
0xf4: {  	p1 =	sne.s32 s22, $0x500;
	[sflag:s15] =	ssyncadd.s32 @!p2 $0xFFFFFFB0;
	s15 =	simm.s32 @!p2 $0x50  }
0xf5: {  	[tilespmem:s30], [sflag:$0x7] =	stream.indirect.gather @!p2 [hbm4b:s20+s15], $0x80, s21, s15, $0xb8;
	[tilespmem:$0x1E400] =	vst v63  }
.Ltmp6:
0xf6: {  	s15 =	simm.s32 @!p3 $0x6;
	(pc) =	sbr.rel @!p1 .LBB2_16-.Ltmp6, $4  }
0xf7: {  	s23 =	sadd.s32 $0x1, s23;
	_ =	swait.ge @!p3 [sflag:s15], $0x2800  }
0xf8: {  	s26 =	sadd.s32 $0x4, s26;
	s21 =	simm.s32 @!p3 $0x280;
	[sflag:s15] =	ssyncset.done @!p3 $0x0  }
0xf9: {  	s30 =	simm.s32 @!p3 $0x2C00;
	[sflag:s15] =	ssyncadd.s32 @!p3 $0xFFFFD800;
	s15 =	simm.s32 @!p3 $0x50  }
0xfa: {  	[spmem:s19] =	stream.indirect.scatter.add.f32 @!p3 [tilespmem:s30], [sflag:$0xA], $0x80, s21, s15, $0xb8;
	[tilespmem:$0x1E400] =	vst v63  }
.LBB2_7:
0xfb: {  	s31 =	sadd.s32 $0xFFFFFFF9, s26  }
0xfc: {  	p1 =	sgt.u32 s31, $0x78  }
0xfd: {  	s31 =	simm.s32 @!p1 $0x9  }
0xfe: {  	_ =	swait.ge @!p1 [sflag:s31], $0x2800  }
0xff: {  	[sflag:s31] =	ssyncset.done @!p1 $0x0  }
0x100: {  	[sflag:s31] =	ssyncadd.s32 @!p1 $0xFFFFD800;
	s31 =	sadd.s32 s22, s11  }
0x101: {  	[tilespmem:s9], [sflag:$0x1] =	stream.linear.gather [hbm4b:s31+s9], $0x50, $0x38;
	[tilespmem:$0x1E400] =	vst v63  }
0x102: {  	s31 =	sadd.s32 s22, s10  }
0x103: {  	[tilespmem:s29], [sflag:$0x1] =	stream.linear.gather [hbm4b:s31+s9], $0x50, $0x38;
	[tilespmem:$0x1E400] =	vst v63  }
0x104: {  	s31 =	sadd.s32 $0xFFFFFFFC, s26  }
0x105: {  	p2 =	sgt.u32 s31, $0x7C  }
0x106: {  	s31 =	simm.s32 @!p2 $0x4  }
0x107: {  	_ =	swait.ge @!p2 [sflag:s31], $0x50  }
0x108: {  	[sflag:s31] =	ssyncset.done @!p2 $0x0  }
0x109: {  	[sflag:s31] =	ssyncadd.s32 @!p2 $0xFFFFFFB0  }
0x10a: {  	_ =	swait.ge @!p2 [sflag:s31], $0x50  }
0x10b: {  	s21 =	simm.s32 @!p2 $0x180;
	[sflag:s31] =	ssyncset.done @!p2 $0x0  }
0x10c: {  	s30 =	simm.s32 @!p2 $0x7C00;
	[sflag:s31] =	ssyncadd.s32 @!p2 $0xFFFFFFB0;
	s31 =	simm.s32 @!p2 $0x50  }
0x10d: {  	[tilespmem:s30], [sflag:$0x8] =	stream.indirect.gather @!p2 [hbm4b:s20+s31], $0x80, s21, s31, $0xb8;
	[tilespmem:$0x1E400] =	vst v63  }
0x10e: {  	s21 =	sadd.s32 @!p2 $0xFFFFFFFB, s26  }
0x10f: {  	p3 =	sgt.u32 @!p2 s21, $0x7C  }
0x110: {  	p4 =	por p3, p2  }
0x111: {  	s21 =	simm.s32 @!p4 $0x7  }
0x112: {  	_ =	swait.ge @!p4 [sflag:s21], $0x2800  }
0x113: {  	s30 =	simm.s32 @!p4 $0x300;
	[sflag:s21] =	ssyncset.done @!p4 $0x0  }
0x114: {  	s31 =	simm.s32 @!p4 $0x5400;
	[sflag:s21] =	ssyncadd.s32 @!p4 $0xFFFFD800;
	s21 =	simm.s32 @!p4 $0x50  }
0x115: {  	[spmem:s19] =	stream.indirect.scatter.add.f32 @!p4 [tilespmem:s31], [sflag:$0xB], $0x80, s30, s21, $0xb8;
	[tilespmem:$0x1E400] =	vst v63  }
0x116: {  	p1 =	seq.s32 s22, $0x0;
	s31 =	sadd.s32 $0xFFFFFFFE, s26  }
0x117: {  	p5 =	sgt.u32 @!p1 s31, $0x7C  }
0x118: {  	p5 =	por p1, p5  }
.Ltmp7:
0x119: {  	_ = 	snop;
	(pc) =	sbr.rel @p5 .LBB2_9-.Ltmp7, $1  }
0x11a: {  	_ =	sdelay $0x3  }
0x11b: {  	_ =	swait.ge [sflag:s0], $0x2800  }
0x11c: {  	[sflag:s0] =	ssyncset.done $0x0  }
0x11d: {  	[sflag:s0] =	ssyncadd.s32 $0xFFFFD800  }
.LBB2_10:
0x11e: {  	s21 =	sadd.s32 s22, s18  }
0x11f: {  	[tilespmem:s1], [sflag:$0x2] =	stream.linear.gather [hbm4b:s21+s9], $0x50, $0x38;
	[tilespmem:$0x1E400] =	vst v63  }
0x120: {  	s30 =	sadd.s32 s22, s17  }
0x121: {  	[tilespmem:s2], [sflag:$0x2] =	stream.linear.gather [hbm4b:s30+s9], $0x50, $0x38;
	[tilespmem:$0x1E400] =	vst v63  }
.LBB2_11:
0x122: {  	_ =	swait.ge [sflag:s3], $0x50  }
0x123: {  	[sflag:s3] =	ssyncset.done $0x0  }
0x124: {  	[sflag:s3] =	ssyncadd.s32 $0xFFFFFFB0  }
0x125: {  	_ =	swait.ge [sflag:s3], $0x50  }
0x126: {  	p5 =	por @!p2 $0x0, $0x0;
	s21 =	simm.s32 @!p2 $0x8;
	[sflag:s3] =	ssyncset.done $0x0  }
0x127: {  	p4 =	slt.u32 @!p4 s23, $0x1F;
	p3 =	por !p3, p2;
	[sflag:s3] =	ssyncadd.s32 $0xFFFFFFB0  }
0x128: {  	[tilespmem:s5], [sflag:$0x5] =	stream.indirect.gather [hbm4b:s20+s4], $0x80, s9, s4, $0xb8;
	[tilespmem:$0x1E400] =	vst v63  }
0x129: {  	s30 =	simm.s32 @!p2 $0x380;
	s15 =	simm.s32 @!p2 $0x7C00;
	_ =	swait.ge @!p2 [sflag:s21], $0x2800  }
0x12a: {  	p4 =	por @!p3 p5, p5;
	p3 =	por $0x0, $0x0;
	[sflag:s21] =	ssyncset.done @!p2 $0x0  }
0x12b: {  	p3 =	por @!p2 p4, p4;
	[sflag:s21] =	ssyncadd.s32 @!p2 $0xFFFFD800;
	s21 =	simm.s32 @!p2 $0x50  }
0x12c: {  	[spmem:s19] =	stream.indirect.scatter.add.f32 @!p2 [tilespmem:s15], [sflag:$0xC], $0x80, s30, s21, $0xb8;
	[tilespmem:$0x1E400] =	vst v63  }
0x12d: {  	s15 =	simm.s32 @p3 $0xB;
	s30 =	sadd.s32 $0xFFFFFFFF, s26  }
0x12e: {  	_ =	swait.ge @p3 [sflag:s15], $0x2800;
	p2 =	sgt.u32 s30, $0x7C  }
0x12f: {  	[sflag:s15] =	ssyncset.done @p3 $0x0;
	s21 =	simm.s32 @!p2 $0x0  }
0x130: {  	s30 =	simm.s32 @!p2 $0x100;
	[sflag:s15] =	ssyncadd.s32 @p3 $0xFFFFD800;
	s15 =	sadd.s32 @!p2 s22, s16  }
0x131: {  	[tilespmem:s30], [sflag:$0x3] =	stream.linear.gather @!p2 [hbm4b:s15+s21], $0x50, $0x38;
	[tilespmem:$0x1E400] =	vst v63  }
0x132: {  	p3 =	sgt.u32 s31, $0x7C;
	s15 =	sadd.s32 @!p2 s22, s14;
	s30 =	simm.s32 @!p2 $0x300  }
0x133: {  	[tilespmem:s30], [sflag:$0x3] =	stream.linear.gather @!p2 [hbm4b:s15+s21], $0x50, $0x38;
	[tilespmem:$0x1E400] =	vst v63  }
0x134: {  	s15 =	simm.s32 @!p3 $0x2  }
0x135: {  	_ =	swait.ge @!p3 [sflag:s15], $0x50  }
0x136: {  	[sflag:s15] =	ssyncset.done @!p3 $0x0  }
0x137: {  	[sflag:s15] =	ssyncadd.s32 @!p3 $0xFFFFFFB0  }
0x138: {  	p4 =	sgt.u32 @!p1 s26, $0x7C;
	_ =	swait.ge @!p3 [sflag:s15], $0x50  }
0x139: {  	p1 =	por p1, p4;
	s21 =	simm.s32 @!p3 $0x80;
	[sflag:s15] =	ssyncset.done @!p3 $0x0  }
0x13a: {  	s30 =	simm.s32 @!p3 $0x2C00;
	[sflag:s15] =	ssyncadd.s32 @!p3 $0xFFFFFFB0;
	s15 =	simm.s32 @!p3 $0x50  }
0x13b: {  	[tilespmem:s30], [sflag:$0x6] =	stream.indirect.gather @!p3 [hbm4b:s20+s15], $0x80, s21, s15, $0xb8;
	[tilespmem:$0x1E400] =	vst v63  }
.Ltmp8:
0x13c: {  	_ = 	snop;
	(pc) =	sbr.rel @!p1 .LBB2_12-.Ltmp8, $4  }
0x13d: {  	_ =	swait.ge [sflag:s24], $0x2800  }
0x13e: {  	[sflag:s24] =	ssyncset.done $0x0  }
0x13f: {  	[sflag:s24] =	ssyncadd.s32 $0xFFFFD800  }
0x140: {  	[spmem:s19] =	stream.indirect.scatter.add.f32 [tilespmem:s5], [sflag:$0x9], $0x80, s29, s4, $0xb8;
	[tilespmem:$0x1E400] =	vst v63  }
0x141: {  	p1 =	sgt.u32 s26, $0x7C  }
.Ltmp9:
0x142: {  	_ = 	snop;
	(pc) =	sbr.rel @p1 .LBB2_15-.Ltmp9, $4  }
.Ltmp10:
0x143: {  	_ = 	snop;
	(pc) =	sbr.rel @!p1 .LBB2_14-.Ltmp10, $4  }
0x144: {  	_ = 	snop  }
0x145: {  	_ = 	snop  }
0x146: {  	_ = 	snop  }
0x147: {  	_ = 	snop  }
.LBB2_9:
0x148: {  	p5 =	sgt.u32 s31, $0x7C  }
.Ltmp11:
0x149: {  	_ = 	snop;
	(pc) =	sbr.rel @p5 .LBB2_11-.Ltmp11, $4  }
.Ltmp12:
0x14a: {  	_ = 	snop;
	(pc) =	sbr.rel @!p5 .LBB2_10-.Ltmp12, $4  }
0x14b: {  	_ = 	snop  }
0x14c: {  	_ = 	snop  }
0x14d: {  	_ = 	snop  }
0x14e: {  	_ = 	snop  }
.LBB2_17:
0x14f: {  	_ =	sfence.sel $0x180000  }
0x150: {  	[bflag:$0x0] =	sbarrier.arrive $0xFFFF  }
0x151: {  	_ =	strace $0x9000004A  }
0x152: {  	s0 =	stileid.u32;
	[bflag:$0x2] =	sbarrier.arrive $0xFFFF  }
0x153: {  	p0 =	sne.s32 s0, $0x0;
	s0 =	rddreg [dreg:$0x2]  }
0x154: {  	s0 =	sadd.s32 @!p0 $0x100000, s0  }
0x155: {  	[sflag:s0] =	ssyncadd.tile.s32 @!p0 $0x1;
	_ =	shalt  }
.Lfunc_end2:
_tile_overlayer_lowered:
.L_overlay_start_2:
0x156: {  	(tag) =	ssettag $0x2  }
0x157: {  	s0 =	rddreg [dreg:$0x0];
	s2 =	stileid.u32  }
0x158: {  	s1 =	rddreg [dreg:$0x1];
	p0 =	sne.s32 s2, $0x0  }
0x159: {  	s3 =	rddreg [dreg:$0x2];
	[bflag:$0x3] =	sbarrier.arrive $0xFFFF;
	s2 =	simm.s32 @!p0 $0x1C0D  }
0x15a: {  	[timem:s3], [sflag:s2] =	dma.local @!p0 [hbm:s0], s1  }
0x15b: {  	s0 =	simm.s32 @!p0 $0xD  }
0x15c: {  	_ =	swait.ge @!p0 [sflag:s0], s1  }
0x15d: {  	s1 =	ssub.s32 @!p0 $0x0, s1;
	[sflag:s0] =	ssyncset.done @!p0 $0x0  }
0x15e: {  	[sflag:s0] =	ssyncadd.s32 @!p0 s1  }
0x15f: {  	[bflag:$0x3] =	sbarrier.arrive $0xFFFF  }
0x160: {  	_ =	shalt  }

// kernel: kernel.14.cloned.1.call-start
scs
__scs_entry_jumppad:
0x0: {  	(pc) =	sbr.rel $0x88, $3  }
0x1: {  	(tag) =	ssettag $0x0;
	lr =	simm.s32 $0x1  }
0x2: {  	[smem:$0x3F97] =	sst lr;
	_ =	strace $0xD0000000  }
0x3: {  	_ = 	snop  }
0x4: {  	_ = 	snop  }
0x5: {  	_ = 	snop  }
0x6: {  	_ = 	snop  }
0x7: {  	_ = 	snop  }
__scs_overlays_trampoline_lowered:
0x8: {  	[smem:$0x3FA6] =	sst s0  }
0x9: {  	[smem:$0x3FA7] =	sst s1  }
0xa: {  	[smem:$0x3FA8] =	sst s2  }
0xb: {  	[smem:$0x3FA9] =	sst s3  }
0xc: {  	[smem:$0x3FAA] =	sst s4  }
0xd: {  	[smem:$0x3FAB] =	sst s5  }
0xe: {  	[smem:$0x3FAC] =	sst s6  }
0xf: {  	[smem:$0x3FAD] =	sst s7  }
0x10: {  	[smem:$0x3FAE] =	sst s8  }
0x11: {  	[smem:$0x3FAF] =	sst s9;
	s0 =	simm.s32 @!p0 $0x0  }
0x12: {  	s1 =	sld [smem:$0x3F95];
	s0 =	simm.s32 @p0 $0x1  }
0x13: {  	[smem:$0x3FB0] =	sst s0;
	s0 =	simm.s32 @!p1 $0x0  }
0x14: {  	s2 =	sld [smem:$0x3F94];
	s0 =	simm.s32 @p1 $0x1  }
0x15: {  	[smem:$0x3FB1] =	sst s0;
	s0 =	simm.s32 @!p2 $0x0  }
0x16: {  	s3 =	sld [smem:$0x3FDB];
	s0 =	simm.s32 @p2 $0x1  }
0x17: {  	s4 =	simm.s32 $0x1BF5;
	[smem:$0x3FB3] =	sst s0  }
0x18: {  	s0 =	sld [smem:$0x3F96];
	_ =	swait.ge [sflag:s4], $0x0  }
0x19: {  	s7 =	sld [smem:$0x3F97]  }
0x1a: {  	s8 =	sadd.s32 $0xFFFFE003, lr  }
0x1b: {  	s9 =	sadd.s32 $0xFFFFFEF7, lr;
	s5 =	simm.s32 $0xFFFFFFFF;
	p2 =	slt.u32 s8, $0xFFFFF086  }
0x1c: {  	p1 =	slt.u32 s9, $0xF7A;
	s5 =	simm.s32 @!p2 $0x0  }
0x1d: {  	s5 =	simm.s32 @p1 $0x1;
	p0 =	seq.s32 s7, s2  }
0x1e: {  	s7 =	smul.u32 @!p0 $0xF7A, s2;
	p2 =	seq.s32 @!p0 s5, $0x0  }
0x1f: {  	s9 =	smul.u32 $0xF7A, s1;
	s8 =	simm.s32 @!p0 $0x1BF5;
	p2 =	por !p2, p0  }
0x20: {  	[sflag:s8] =	ssyncset.s32 @!p0 $0xFFFFF086;
	s6 =	sadd.s32 @!p0 s3, s7;
	s7 =	simm.s32 @!p0 $0x108  }
0x21: {  	s3 =	sadd.s32 s3, s9;
	s6 =	sadd.s32 @!p0 $0x88, s6;
	s7 =	simm.s32 @p2 $0x1082  }
0x22: {  	[simem:s7], [sflag:s8] =	dma.local @!p0 [hbm:s6], $0xF7A  }
0x23: {  	s9 =	sor.u32 $0xD0000000, s2;
	s6 =	simm.s32 $0x108;
	_ =	swait.ge @!p0 [sflag:s8], $0x0  }
0x24: {  	s3 =	sadd.s32 $0x88, s3;
	s6 =	simm.s32 @!p1 $0x1082;
	[sflag:s4] =	ssyncset.s32 $0xFFFFF086  }
0x25: {  	[simem:s6], [sflag:s4] =	dma.local [hbm:s3], $0xF7A  }
0x26: {  	[smem:$0x3F97] =	sst s1;
	(tag) =	ssettag s2;
	_ =	strace s9  }
0x27: {  	s1 =	sld [smem:$0x3FA7]  }
0x28: {  	s2 =	sld [smem:$0x3FA8]  }
0x29: {  	s4 =	sld [smem:$0x3FAA]  }
0x2a: {  	p0 =	seq.s32 s5, $0x0;
	s5 =	sld [smem:$0x3FAB]  }
0x2b: {  	s6 =	sld [smem:$0x3FAC]  }
0x2c: {  	s7 =	sld [smem:$0x3FAD]  }
0x2d: {  	s3 =	simm.s32 $0x108;
	s8 =	sld [smem:$0x3FAE]  }
0x2e: {  	s3 =	simm.s32 @!p0 $0x1082;
	s9 =	sld [smem:$0x3FAF]  }
0x2f: {  	lr =	sadd.s32 s0, s3;
	s0 =	sld [smem:$0x3FA6]  }
0x30: {  	s3 =	sld [smem:$0x3FA9]  }
0x31: {  	[smem:$0x3FB2] =	sst s10  }
0x32: {  	s10 =	sld [smem:$0x3FB0];
	_ =	sdelay $0x3  }
0x33: {  	p0 =	seq.s32 s10, $0x1;
	s10 =	sld [smem:$0x3FB2];
	_ =	sdelay $0x3  }
0x34: {  	[smem:$0x3FB2] =	sst s10  }
0x35: {  	s10 =	sld [smem:$0x3FB1];
	_ =	sdelay $0x3  }
0x36: {  	p1 =	seq.s32 s10, $0x1;
	s10 =	sld [smem:$0x3FB2];
	_ =	sdelay $0x3  }
0x37: {  	[smem:$0x3FB2] =	sst s10  }
0x38: {  	s10 =	sld [smem:$0x3FB3]  }
0x39: {  	_ = 	snop;
	(pc) =	sbr.ind lr, $3  }
0x3a: {  	_ = 	snop  }
0x3b: {  	_ = 	snop  }
0x3c: {  	p2 =	seq.s32 s10, $0x1;
	s10 =	sld [smem:$0x3FB2]  }
0x3d: {  	_ =	shalt  }
0x3e: {  	_ =	shalt  }
0x3f: {  	_ =	shalt  }
0x40: {  	_ =	shalt  }
0x41: {  	_ =	shalt  }
0x42: {  	_ =	shalt  }
0x43: {  	_ =	shalt  }
0x44: {  	_ =	shalt  }
0x45: {  	_ =	shalt  }
0x46: {  	_ =	shalt  }
0x47: {  	_ =	shalt  }
0x48: {  	_ =	shalt  }
0x49: {  	_ =	shalt  }
0x4a: {  	_ =	shalt  }
0x4b: {  	_ =	shalt  }
0x4c: {  	_ =	shalt  }
0x4d: {  	_ =	shalt  }
0x4e: {  	_ =	shalt  }
0x4f: {  	_ =	shalt  }
0x50: {  	_ =	shalt  }
0x51: {  	_ =	shalt  }
0x52: {  	_ =	shalt  }
0x53: {  	_ =	shalt  }
0x54: {  	_ =	shalt  }
0x55: {  	_ =	shalt  }
0x56: {  	_ =	shalt  }
0x57: {  	_ =	shalt  }
0x58: {  	_ =	shalt  }
0x59: {  	_ =	shalt  }
0x5a: {  	_ =	shalt  }
0x5b: {  	_ =	shalt  }
0x5c: {  	_ =	shalt  }
0x5d: {  	_ =	shalt  }
0x5e: {  	_ =	shalt  }
0x5f: {  	_ =	shalt  }
0x60: {  	_ =	shalt  }
0x61: {  	_ =	shalt  }
0x62: {  	_ =	shalt  }
0x63: {  	_ =	shalt  }
0x64: {  	_ =	shalt  }
0x65: {  	_ =	shalt  }
0x66: {  	_ =	shalt  }
0x67: {  	_ =	shalt  }
0x68: {  	_ =	shalt  }
0x69: {  	_ =	shalt  }
0x6a: {  	_ =	shalt  }
0x6b: {  	_ =	shalt  }
0x6c: {  	_ =	shalt  }
0x6d: {  	_ =	shalt  }
0x6e: {  	_ =	shalt  }
0x6f: {  	_ =	shalt  }
0x70: {  	_ =	shalt  }
0x71: {  	_ =	shalt  }
0x72: {  	_ =	shalt  }
0x73: {  	_ =	shalt  }
0x74: {  	_ =	shalt  }
0x75: {  	_ =	shalt  }
0x76: {  	_ =	shalt  }
0x77: {  	_ =	shalt  }
0x78: {  	_ =	shalt  }
0x79: {  	_ =	shalt  }
0x7a: {  	_ =	shalt  }
0x7b: {  	_ =	shalt  }
0x7c: {  	_ =	shalt  }
0x7d: {  	_ =	shalt  }
0x7e: {  	_ =	shalt  }
0x7f: {  	_ =	shalt  }
0x80: {  	_ =	shalt  }
0x81: {  	_ =	shalt  }
0x82: {  	_ =	shalt  }
0x83: {  	_ =	shalt  }
0x84: {  	_ =	shalt  }
0x85: {  	_ =	shalt  }
0x86: {  	_ =	shalt  }
0x87: {  	_ =	shalt  }
.Lfunc_end0:
.L_simem_size_0:
called_computation.2_lowered:
.L_overlay_start_0:
0x88: {  	s2 =	sld [smem:$0x3FD9]  }
0x89: {  	s3 =	sld [smem:$0x3FFE];
	_ =	sdelay $0x1  }
0x8a: {  	s1 =	srdreg.scid  }
0x8b: {  	s0 =	sand.u32 $0x1, s1  }
0x8c: {  	s16 =	sshll.u32 s0, $0xA;
	s2 =	sadd.s32 s3, s2  }
0x8d: {  	s2 =	sadd.s32 s2, s16  }
0x8e: {  	[smem:$0x3FBE] =	sst s2  }
0x8f: {  	_ = 	snop  }
0x90: {  	(tm) =	ssettm $0x1  }
0x91: {  	s17 =	sld [smem:$0x3FFB];
	_ =	sdelay $0x3  }
0x92: {  	_ =	strace s17  }
0x93: {  	s2 =	sld [smem:$0x3FFC];
	_ =	sdelay $0x3  }
0x94: {  	_ =	strace s2  }
0x95: {  	s2 =	sld [smem:$0x3FFD];
	_ =	sdelay $0x3  }
0x96: {  	_ =	strace s2  }
0x97: {  	_ =	strace $0x8FFFFFFF  }
0x98: {  	s18 =	sld [smem:$0x3FDB];
	_ =	sdelay $0x1  }
0x99: {  	s19 =	simm.s32 $_scs_section_size  }
0x9a: {  	s4 =	simm.s32 $_size__tile_overlayer_lowered;
	s5 =	simm.s32 $_tile_overlayer_lowered  }
0x9b: {  	s22 =	simm.s32 $0x1BFF;
	s21 =	sshll.u32 s5, $0x1;
	s2 =	sadd.s32 s19, s18  }
0x9c: {  	s6 =	simm.s32 $0x0;
	s20 =	sshll.u32 s4, $0x1;
	s4 =	sadd.s32 s21, s2  }
0x9d: {  	[timem:s6], [sflag:s22] =	dma.local [hbm:s4], s20  }
0x9e: {  	_ =	swait.ge [sflag:s22], s20  }
0x9f: {  	s3 =	ssub.s32 $0x0, s20;
	[sflag:s22] =	ssyncset.done $0x0  }
0xa0: {  	[sflag:s22] =	ssyncadd.s32 s3;
	_ =	sdelay $0x1  }
0xa1: {  	s23 =	simm.s32 $0x1B8B  }
0xa2: {  	_ =	swait.ge [sflag:s23], $0x1  }
0xa3: {  	[sflag:s23] =	ssyncset.done $0x0  }
0xa4: {  	s25 =	simm.s32 $0x1B8E;
	s24 =	sld [smem:$0x3FFE];
	[sflag:s23] =	ssyncadd.s32 $0xFFFFFFFF  }
0xa5: {  	s26 =	simm.s32 $execute0_lowered;
	[smem:$0x3FD2] =	sst s25  }
0xa6: {  	s4 =	sshll.u32 s26, $0x1;
	_ =	strace $0x8000004C;
	[dreg:$0x1] =	wrdreg $0xFFFFFFFF  }
0xa7: {  	s28 =	simm.s32 $_size_execute0_lowered;
	s2 =	sadd.s32 s2, s4;
	[dreg:$0x0] =	wrdreg $0x0  }
0xa8: {  	s4 =	sshll.u32 s28, $0x1;
	[dreg:$0x2] =	wrdreg s2  }
0xa9: {  	[dreg:$0x3] =	wrdreg s4  }
0xaa: {  	[dreg:$0x4] =	wrdreg $0xC0  }
0xab: {  	_ =	task [dreg:s6], $0x5FFFF  }
0xac: {  	[dreg:$0x1] =	wrdreg $0xFFFFFFFF  }
0xad: {  	[dreg:$0x0] =	wrdreg $0x60  }
0xae: {  	[dreg:$0x2] =	wrdreg s24  }
0xaf: {  	[dreg:$0x3] =	wrdreg $0xA4000  }
0xb0: {  	[dreg:$0x4] =	wrdreg $0x9  }
0xb1: {  	_ =	task.clear_ibuf [dreg:s6], $0x5FFFF;
	_ =	strace $0x9000004C  }
0xb2: {  	s29 =	simm.s32 $0x9;
	_ =	strace $0x8000004E  }
0xb3: {  	_ =	swait.ge [sflag:s29], $0x1  }
0xb4: {  	[sflag:s29] =	ssyncadd.s32 $0xFFFFFFFF  }
0xb5: {  	_ =	strace $0x9000004E  }
0xb6: {  	_ =	sfence  }
0xb7: {  	s30 =	sld [smem:$0x0];
	_ =	sdelay $0x2  }
0xb8: {  	s31 =	sshll.u32 s1, $0xD;
	s1 =	sshrl.u32 s1, $0x2  }
0xb9: {  	s3 =	sand.u32 $0x4000, s31;
	s1 =	sadd.s32 s1, s30  }
0xba: {  	s0 =	sor.u32 s3, s0;
	s1 =	sshll.u32 s1, $0x11  }
0xbb: {  	s0 =	sor.u32 s1, s0  }
0xbc: {  	s0 =	sadd.s32 $0x8F2B, s0  }
0xbd: {  	[sflag:s0] =	ssyncadd.remote.s32 $0x1  }
0xbe: {  	_ =	sfence.sel $0xFFFF  }
0xbf: {  	[dreg:$0x0] =	wrdreg $0xFFFFFFFF;
	(pc) =	sbr.abs _section_cstart, $3  }
0xc0: {  	[dreg:$0x1] =	wrdreg $0xFFFFFFFF  }
0xc1: {  	_ =	task.clear_ibuf [dreg:s6], $0x2FFFF;
	_ =	strace $0x9FFFFFFF  }
0xc2: {  	(tm) =	ssettm $0x7FFFFFFF  }
0xc3: {  	_ =	shalt  }
tec
execute0_lowered:
.L_overlay_start_1:
0x0: {  	(tag) =	ssettag $0x1  }
0x1: {  	s29 =	stileid.u32  }
0x2: {  	s1 =	smul.u32 $0x280, s29  }
0x3: {  	s0 =	srdreg.scid;
	s11 =	smul.u32 $0x14000, s29  }
0x4: {  	s20 =	rddreg [dreg:$0x0];
	s21 =	sand.u32 $0x1, s0;
	s28 =	smul.u32 $0x2710, s29  }
0x5: {  	s9 =	sadd.s32 $0x8EE00, s20;
	s0 =	ssub.s32 $0x2, s21;
	s10 =	smul.u32 $0x140000, s21  }
0x6: {  	s19 =	smul.u32 $0x27100, s21;
	p0 =	sne.s32 s21, $0x0;
	s2 =	sshrl.u32 s0, $0x1  }
0x7: {  	s23 =	sor.u32 $0x50, s1;
	s22 =	sadd.s32 $0xA0, s1;
	s5 =	sadd.s32 $0xF0, s1  }
0x8: {  	s6 =	sadd.s32 $0x140, s1;
	s3 =	sadd.s32 $0x190, s1;
	s0 =	ssub.s32 s0, s2  }
0x9: {  	s24 =	sshll.u32 s23, $0x7;
	s25 =	sshll.u32 s22, $0x7;
	s8 =	sshll.u32 s5, $0x7  }
0xa: {  	s7 =	sshll.u32 s6, $0x7;
	s2 =	sadd.s32 $0x1E0, s1;
	s1 =	sadd.s32 $0x230, s1  }
0xb: {  	s26 =	sshll.u32 s3, $0x7;
	s11 =	sadd.s32 s11, s10;
	s23 =	sshll.u32 s23, $0x4  }
0xc: {  	s22 =	sshll.u32 s22, $0x4;
	s15 =	sshll.u32 s2, $0x7;
	s4 =	sshll.u32 s1, $0x7  }
0xd: {  	s12 =	sadd.s32 s10, s24;
	s13 =	sadd.s32 s10, s25;
	s11 =	sshrl.u32 s11, $0x3  }
0xe: {  	s14 =	sadd.s32 s10, s26;
	s12 =	sshrl.u32 s12, $0x3;
	s11 =	sadd.s32 s9, s11  }
0xf: {  	s13 =	sshrl.u32 s13, $0x3;
	s18 =	sadd.s32 s10, s15;
	[dreg:$0x3] =	wrdreg s11  }
0x10: {  	s30 =	sadd.s32 s9, s12;
	s31 =	sadd.s32 s9, s13;
	s12 =	sadd.s32 s10, s8  }
0x11: {  	s13 =	sadd.s32 s10, s7;
	s10 =	sadd.s32 s10, s4;
	[dreg:$0x4] =	wrdreg s30  }
0x12: {  	[dreg:$0x5] =	wrdreg s31;
	s11 =	sshrl.u32 s12, $0x3;
	s12 =	sshrl.u32 s13, $0x3  }
0x13: {  	s13 =	sshrl.u32 s14, $0x3;
	s10 =	sshrl.u32 s10, $0x3;
	s11 =	sadd.s32 s9, s11  }
0x14: {  	s31 =	smul.u32 $0x50000, s29;
	s16 =	sadd.s32 s9, s12;
	[dreg:$0x6] =	wrdreg s11  }
0x15: {  	s29 =	smul.u32 $0x2800, s29;
	s17 =	sadd.s32 s9, s13;
	[dreg:$0x7] =	wrdreg s16  }
0x16: {  	s12 =	sadd.s32 s28, s19;
	[dreg:$0x8] =	wrdreg s17;
	s11 =	sshrl.u32 s18, $0x3  }
0x17: {  	s18 =	sadd.s32 $0x3200, s20;
	s17 =	sadd.s32 $0xD000, s20;
	s30 =	sshrl.u32 s12, $0x3  }
0x18: {  	s14 =	sadd.s32 $0xA0, s12;
	s16 =	sadd.s32 $0x50, s12;
	s20 =	sadd.s32 $0x66E00, s20  }
0x19: {  	s11 =	sadd.s32 s9, s11;
	s9 =	sadd.s32 s9, s10;
	s10 =	sadd.s32 s30, s17  }
0x1a: {  	s19 =	sshrl.u32 s14, $0x3;
	s28 =	sshrl.u32 s16, $0x3;
	[dreg:$0x9] =	wrdreg s11  }
0x1b: {  	[dreg:$0xa] =	wrdreg s9;
	s9 =	simm.s32 $0x0;
	s11 =	sadd.s32 s30, s18  }
0x1c: {  	s14 =	sadd.s32 s19, s17;
	s16 =	sadd.s32 s19, s18;
	s19 =	rddreg [dreg:$0x1]  }
0x1d: {  	s30 =	sshrl.u32 s31, $0x2;
	s31 =	sadd.s32 s20, s29;
	[smem:$0x7FF] =	sst s9  }
0x1e: {  	s24 =	sadd.s32 s24, s19;
	_ =	strace $0x8000004D;
	[dreg:$0xc] =	wrdreg s31  }
0x1f: {  	s5 =	sshll.u32 s5, $0x4;
	s23 =	sadd.s32 s20, s23;
	[dreg:$0xd] =	wrdreg s24  }
0x20: {  	s21 =	sadd.s32 s30, s19;
	s30 =	sadd.s32 s25, s19;
	[dreg:$0xe] =	wrdreg s23  }
0x21: {  	s3 =	sshll.u32 s3, $0x4;
	s22 =	sadd.s32 s20, s22;
	[dreg:$0xf] =	wrdreg s30  }
0x22: {  	s2 =	sshll.u32 s2, $0x4;
	s8 =	sadd.s32 s8, s19;
	[dreg:$0x10] =	wrdreg s22  }
0x23: {  	s1 =	sshll.u32 s1, $0x4;
	s5 =	sadd.s32 s20, s5;
	[dreg:$0x11] =	wrdreg s8  }
0x24: {  	s0 =	smax.u32 s0, $0x1;
	s7 =	sadd.s32 s7, s19;
	[dreg:$0x12] =	wrdreg s5  }
0x25: {  	s13 =	sadd.s32 $0xF0, s12;
	s3 =	sadd.s32 s20, s3;
	[dreg:$0x13] =	wrdreg s7  }
0x26: {  	s13 =	sshrl.u32 s13, $0x3;
	s15 =	sadd.s32 s15, s19;
	[dreg:$0x16] =	wrdreg s3  }
0x27: {  	s2 =	sadd.s32 s20, s2;
	s1 =	sadd.s32 s20, s1;
	[dreg:$0x17] =	wrdreg s15  }
0x28: {  	s12 =	sadd.s32 s13, s17;
	s13 =	sadd.s32 s13, s18;
	[dreg:$0x18] =	wrdreg s2  }
0x29: {  	s17 =	sadd.s32 s28, s17;
	s18 =	sadd.s32 s28, s18;
	[dreg:$0x1a] =	wrdreg s1  }
0x2a: {  	s29 =	simm.s32 $0x200;
	s31 =	sshll.u32 s6, $0x4;
	[dreg:$0x1b] =	wrdreg s0  }
0x2b: {  	s8 =	sadd.s32 s26, s19;
	s22 =	sadd.s32 s4, s19;
	[dreg:$0xb] =	wrdreg s21  }
0x2c: {  	s23 =	sadd.s32 $0x2800, s21;
	s24 =	sadd.s32 $0x5000, s21;
	[dreg:$0x15] =	wrdreg s8  }
0x2d: {  	s25 =	sadd.s32 $0x7800, s21;
	s26 =	sadd.s32 $0xA000, s21;
	[dreg:$0x19] =	wrdreg s22  }
0x2e: {  	s28 =	sadd.s32 $0xC800, s21;
	s30 =	sadd.s32 $0xF000, s21;
	[dreg:$0x1c] =	wrdreg s23  }
0x2f: {  	s0 =	simm.s32 $0xA;
	s1 =	simm.s32 $0x80;
	[dreg:$0x1d] =	wrdreg s24  }
0x30: {  	s2 =	simm.s32 $0x280;
	s3 =	simm.s32 $0x1;
	[dreg:$0x1e] =	wrdreg s25  }
.Ltmp0:
0x31: {  	s4 =	simm.s32 $0x50;
	[dreg:$0x1f] =	wrdreg s26;
	(pc) =	sbr.rel .LBB2_1-.Ltmp0, $4  }
0x32: {  	s6 =	simm.s32 $0xC;
	s7 =	simm.s32 $0x180;
	[smem:$0x7FB] =	sst s28  }
0x33: {  	s5 =	sadd.s32 s20, s31;
	[smem:$0x7FC] =	sst s30;
	s31 =	sadd.s32 $0x11800, s21  }
0x34: {  	s24 =	simm.s32 $0x5;
	s8 =	simm.s32 $0x380;
	[dreg:$0x14] =	wrdreg s5  }
0x35: {  	v0 =	vimm.f32 $0.0e+00;
	s25 =	simm.s32 $0x0;
	[smem:$0x7FD] =	sst s31;
	s5 =	simm.s32 $0x400  }
.LBB2_16:
0x36: {  	s15 =	simm.s32 $0x9  }
0x37: {  	_ =	swait.ge [sflag:s15], $0x2800  }
0x38: {  	[sflag:s15] =	ssyncset.done $0x0  }
0x39: {  	[sflag:s15] =	ssyncadd.s32 $0xFFFFD800  }
0x3a: {  	_ =	swait.ge [sflag:s0], $0x2800  }
0x3b: {  	[sflag:s0] =	ssyncset.done $0x0  }
0x3c: {  	s26 =	simm.s32 $0xB;
	[sflag:s0] =	ssyncadd.s32 $0xFFFFD800  }
0x3d: {  	_ =	swait.ge [sflag:s26], $0x2800  }
0x3e: {  	[sflag:s26] =	ssyncset.done $0x0  }
0x3f: {  	[sflag:s26] =	ssyncadd.s32 $0xFFFFD800  }
0x40: {  	_ =	swait.ge [sflag:s6], $0x2800  }
0x41: {  	[sflag:s6] =	ssyncset.done $0x0  }
0x42: {  	[sflag:s6] =	ssyncadd.s32 $0xFFFFD800  }
0x43: {  	[bflag:$0x0] =	sbarrier.arrive $0xFFFF  }
0x44: {  	s21 =	sld [smem:$0x7F9];
	_ =	sdelay $0x1  }
0x45: {  	s30 =	rddreg [dreg:$0x3]  }
0x46: {  	[hbm:s30], [sflag:s28] =	dma.local [spmem:s21], $0x500  }
0x47: {  	s21 =	sld [smem:$0x7FA];
	_ =	sdelay $0x1  }
0x48: {  	s15 =	rddreg [dreg:$0x4]  }
0x49: {  	[hbm:s15], [sflag:s28] =	dma.local [spmem:s21], $0x500  }
0x4a: {  	s15 =	rddreg [dreg:$0xf]  }
0x4b: {  	s21 =	rddreg [dreg:$0x5];
	s15 =	sshrl.u32 s15, $0x3  }
0x4c: {  	[hbm:s21], [sflag:s28] =	dma.local [spmem:s15], $0x500  }
0x4d: {  	s15 =	rddreg [dreg:$0x11]  }
0x4e: {  	s21 =	rddreg [dreg:$0x6];
	s15 =	sshrl.u32 s15, $0x3  }
0x4f: {  	[hbm:s21], [sflag:s28] =	dma.local [spmem:s15], $0x500  }
0x50: {  	s15 =	rddreg [dreg:$0x13]  }
0x51: {  	s21 =	rddreg [dreg:$0x7];
	s15 =	sshrl.u32 s15, $0x3  }
0x52: {  	[hbm:s21], [sflag:s28] =	dma.local [spmem:s15], $0x500  }
0x53: {  	s15 =	rddreg [dreg:$0x15]  }
0x54: {  	s21 =	rddreg [dreg:$0x8];
	s15 =	sshrl.u32 s15, $0x3  }
0x55: {  	[hbm:s21], [sflag:s28] =	dma.local [spmem:s15], $0x500  }
0x56: {  	s15 =	rddreg [dreg:$0x17]  }
0x57: {  	s21 =	rddreg [dreg:$0x9];
	s15 =	sshrl.u32 s15, $0x3  }
0x58: {  	[hbm:s21], [sflag:s28] =	dma.local [spmem:s15], $0x500  }
0x59: {  	s15 =	rddreg [dreg:$0x19]  }
0x5a: {  	s21 =	rddreg [dreg:$0xa];
	s15 =	sshrl.u32 s15, $0x3  }
0x5b: {  	[hbm:s21], [sflag:s28] =	dma.local [spmem:s15], $0x500  }
0x5c: {  	_ =	swait.ge [sflag:s24], $0x500  }
0x5d: {  	[sflag:s24] =	ssyncset.done $0x0  }
0x5e: {  	[sflag:s24] =	ssyncadd.s32 $0xFFFFFB00  }
0x5f: {  	_ =	swait.ge [sflag:s24], $0x500  }
0x60: {  	[sflag:s24] =	ssyncset.done $0x0  }
0x61: {  	[sflag:s24] =	ssyncadd.s32 $0xFFFFFB00  }
0x62: {  	_ =	swait.ge [sflag:s24], $0x500  }
0x63: {  	[sflag:s24] =	ssyncset.done $0x0  }
0x64: {  	[sflag:s24] =	ssyncadd.s32 $0xFFFFFB00  }
0x65: {  	_ =	swait.ge [sflag:s24], $0x500  }
0x66: {  	[sflag:s24] =	ssyncset.done $0x0  }
0x67: {  	[sflag:s24] =	ssyncadd.s32 $0xFFFFFB00  }
0x68: {  	_ =	swait.ge [sflag:s24], $0x500  }
0x69: {  	[sflag:s24] =	ssyncset.done $0x0  }
0x6a: {  	[sflag:s24] =	ssyncadd.s32 $0xFFFFFB00  }
0x6b: {  	_ =	swait.ge [sflag:s24], $0x500  }
0x6c: {  	[sflag:s24] =	ssyncset.done $0x0  }
0x6d: {  	[sflag:s24] =	ssyncadd.s32 $0xFFFFFB00  }
0x6e: {  	_ =	swait.ge [sflag:s24], $0x500  }
0x6f: {  	[sflag:s24] =	ssyncset.done $0x0  }
0x70: {  	[sflag:s24] =	ssyncadd.s32 $0xFFFFFB00  }
0x71: {  	_ =	swait.ge [sflag:s24], $0x500  }
0x72: {  	s25 =	sadd.s32 $0x1, s25;
	s31 =	rddreg [dreg:$0x1b]  }
0x73: {  	p1 =	sne.s32 s25, s31  }
.Ltmp1:
0x74: {  	_ = 	snop;
	(pc) =	sbr.rel @!p1 .LBB2_17-.Ltmp1, $3  }
0x75: {  	_ =	sdelay $0x1  }
0x76: {  	[sflag:s24] =	ssyncset.done $0x0  }
0x77: {  	[sflag:s24] =	ssyncadd.s32 $0xFFFFFB00  }
.LBB2_1:
.Ltmp2:
0x78: {  	(pc) =	sbr.rel @p0 .LBB2_3-.Ltmp2, $4  }
0x79: {  	s21 =	rddreg [dreg:$0xb]  }
0x7a: {  	s15 =	stileid.u32;
	s31 =	rddreg [dreg:$0xd];
	s21 =	sshrl.u32 s21, $0x3  }
0x7b: {  	s15 =	sshll.u32 s15, $0x6;
	s22 =	sshrl.u32 s31, $0x3;
	[smem:$0x7F9] =	sst s21  }
0x7c: {  	s28 =	sor.u32 $0x1C05, s15;
	[smem:$0x7FA] =	sst s22  }
0x7d: {  	s15 =	rddreg [dreg:$0xc]  }
0x7e: {  	[spmem:s21], [sflag:s28] =	dma.local [hbm:s15], $0x500  }
0x7f: {  	s15 =	rddreg [dreg:$0xe]  }
0x80: {  	[spmem:s22], [sflag:s28] =	dma.local [hbm:s15], $0x500  }
0x81: {  	s15 =	rddreg [dreg:$0xf]  }
0x82: {  	s21 =	rddreg [dreg:$0x10];
	s15 =	sshrl.u32 s15, $0x3  }
0x83: {  	[spmem:s15], [sflag:s28] =	dma.local [hbm:s21], $0x500  }
0x84: {  	s15 =	rddreg [dreg:$0x11]  }
0x85: {  	s26 =	rddreg [dreg:$0x12];
	s23 =	sshrl.u32 s15, $0x3  }
0x86: {  	[spmem:s23], [sflag:s28] =	dma.local [hbm:s26], $0x500  }
0x87: {  	s15 =	rddreg [dreg:$0x13]  }
0x88: {  	s31 =	rddreg [dreg:$0x14];
	s30 =	sshrl.u32 s15, $0x3  }
0x89: {  	[spmem:s30], [sflag:s28] =	dma.local [hbm:s31], $0x500  }
0x8a: {  	s15 =	rddreg [dreg:$0x15]  }
0x8b: {  	s21 =	rddreg [dreg:$0x16];
	s15 =	sshrl.u32 s15, $0x3  }
0x8c: {  	[spmem:s15], [sflag:s28] =	dma.local [hbm:s21], $0x500  }
0x8d: {  	s15 =	rddreg [dreg:$0x17]  }
0x8e: {  	s26 =	rddreg [dreg:$0x18];
	s23 =	sshrl.u32 s15, $0x3  }
0x8f: {  	[spmem:s23], [sflag:s28] =	dma.local [hbm:s26], $0x500  }
0x90: {  	s15 =	rddreg [dreg:$0x19]  }
0x91: {  	s31 =	rddreg [dreg:$0x1a];
	s30 =	sshrl.u32 s15, $0x3  }
0x92: {  	[spmem:s30], [sflag:s28] =	dma.local [hbm:s31], $0x500  }
0x93: {  	_ =	swait.ge [sflag:s24], $0x500  }
0x94: {  	[sflag:s24] =	ssyncset.done $0x0  }
0x95: {  	[sflag:s24] =	ssyncadd.s32 $0xFFFFFB00  }
0x96: {  	_ =	swait.ge [sflag:s24], $0x500  }
0x97: {  	[sflag:s24] =	ssyncset.done $0x0  }
0x98: {  	[sflag:s24] =	ssyncadd.s32 $0xFFFFFB00  }
0x99: {  	_ =	swait.ge [sflag:s24], $0x500  }
0x9a: {  	[sflag:s24] =	ssyncset.done $0x0  }
0x9b: {  	[sflag:s24] =	ssyncadd.s32 $0xFFFFFB00  }
0x9c: {  	_ =	swait.ge [sflag:s24], $0x500  }
0x9d: {  	[sflag:s24] =	ssyncset.done $0x0  }
0x9e: {  	[sflag:s24] =	ssyncadd.s32 $0xFFFFFB00  }
0x9f: {  	_ =	swait.ge [sflag:s24], $0x500  }
0xa0: {  	[sflag:s24] =	ssyncset.done $0x0  }
0xa1: {  	[sflag:s24] =	ssyncadd.s32 $0xFFFFFB00  }
0xa2: {  	_ =	swait.ge [sflag:s24], $0x500  }
0xa3: {  	[sflag:s24] =	ssyncset.done $0x0  }
0xa4: {  	[sflag:s24] =	ssyncadd.s32 $0xFFFFFB00  }
0xa5: {  	_ =	swait.ge [sflag:s24], $0x500  }
.Ltmp3:
0xa6: {  	[sflag:s24] =	ssyncset.done $0x0;
	(pc) =	sbr.rel .LBB2_6-.Ltmp3, $4  }
0xa7: {  	[sflag:s24] =	ssyncadd.s32 $0xFFFFFB00  }
0xa8: {  	_ =	swait.ge [sflag:s24], $0x500  }
0xa9: {  	[sflag:s24] =	ssyncset.done $0x0  }
0xaa: {  	[sflag:s24] =	ssyncadd.s32 $0xFFFFFB00  }
.LBB2_3:
0xab: {  	s22 =	sshra.s32 s9, $0x2;
	s23 =	sadd.s32 $0x200, s9  }
.LBB2_4:
0xac: {  	p1 =	sne.s32 s23, $0x9E00;
	[tilespmem:s22+$0x470] =	vst v0  }
0xad: {  	[tilespmem:s22+$0x400] =	vst v0  }
0xae: {  	[tilespmem:s22+$0x410] =	vst v0  }
.Ltmp4:
0xaf: {  	[tilespmem:s22+$0x420] =	vst v0;
	(pc) =	sbr.rel @p1 .LBB2_4-.Ltmp4, $4  }
0xb0: {  	[tilespmem:s22+$0x430] =	vst v0  }
0xb1: {  	[tilespmem:s22+$0x440] =	vst v0  }
0xb2: {  	[tilespmem:s22+$0x450] =	vst v0  }
0xb3: {  	[tilespmem:s22+$0x460] =	vst v0;
	s22 =	sshra.s32 s23, $0x2;
	s23 =	sadd.s32 $0x200, s23  }
0xb4: {  	[tilespmem:s22+$0x470] =	vst v0  }
0xb5: {  	[tilespmem:s22+$0x400] =	vst v0  }
0xb6: {  	[tilespmem:s22+$0x410] =	vst v0  }
0xb7: {  	[tilespmem:s22+$0x420] =	vst v0  }
0xb8: {  	[tilespmem:s22+$0x430] =	vst v0  }
0xb9: {  	[tilespmem:s22+$0x440] =	vst v0  }
0xba: {  	[tilespmem:s22+$0x450] =	vst v0;
	s15 =	rddreg [dreg:$0xb]  }
0xbb: {  	[tilespmem:s22+$0x460] =	vst v0;
	s31 =	rddreg [dreg:$0x1c]  }
0xbc: {  	[spmem:s15] =	stream.linear.scatter [tilespmem:s5], [sflag:$0x5], $0x2800, $0x38;
	[tilespmem:$0x1E400] =	vst v63  }
0xbd: {  	s21 =	rddreg [dreg:$0x1d]  }
0xbe: {  	[spmem:s31] =	stream.linear.scatter [tilespmem:s5], [sflag:$0x5], $0x2800, $0x38;
	[tilespmem:$0x1E400] =	vst v63  }
0xbf: {  	s22 =	rddreg [dreg:$0x1e]  }
0xc0: {  	[spmem:s21] =	stream.linear.scatter [tilespmem:s5], [sflag:$0x5], $0x2800, $0x38;
	[tilespmem:$0x1E400] =	vst v63  }
0xc1: {  	s23 =	rddreg [dreg:$0x1f]  }
0xc2: {  	[spmem:s22] =	stream.linear.scatter [tilespmem:s5], [sflag:$0x5], $0x2800, $0x38;
	[tilespmem:$0x1E400] =	vst v63  }
0xc3: {  	s26 =	sld [smem:$0x7FB]  }
0xc4: {  	[spmem:s23] =	stream.linear.scatter [tilespmem:s5], [sflag:$0x5], $0x2800, $0x38;
	[tilespmem:$0x1E400] =	vst v63  }
0xc5: {  	s30 =	sld [smem:$0x7FC]  }
0xc6: {  	[spmem:s26] =	stream.linear.scatter [tilespmem:s5], [sflag:$0x5], $0x2800, $0x38;
	[tilespmem:$0x1E400] =	vst v63  }
0xc7: {  	s31 =	sld [smem:$0x7FD]  }
0xc8: {  	[spmem:s30] =	stream.linear.scatter [tilespmem:s5], [sflag:$0x5], $0x2800, $0x38;
	[tilespmem:$0x1E400] =	vst v63  }
0xc9: {  	_ = 	snop  }
0xca: {  	[spmem:s31] =	stream.linear.scatter [tilespmem:s5], [sflag:$0x5], $0x2800, $0x38;
	[tilespmem:$0x1E400] =	vst v63  }
0xcb: {  	_ =	swait.ge [sflag:s24], $0x2800  }
0xcc: {  	[sflag:s24] =	ssyncset.done $0x0  }
0xcd: {  	[sflag:s24] =	ssyncadd.s32 $0xFFFFD800  }
0xce: {  	_ =	swait.ge [sflag:s24], $0x2800  }
0xcf: {  	[sflag:s24] =	ssyncset.done $0x0  }
0xd0: {  	[sflag:s24] =	ssyncadd.s32 $0xFFFFD800  }
0xd1: {  	_ =	swait.ge [sflag:s24], $0x2800  }
0xd2: {  	[sflag:s24] =	ssyncset.done $0x0  }
0xd3: {  	[sflag:s24] =	ssyncadd.s32 $0xFFFFD800  }
0xd4: {  	_ =	swait.ge [sflag:s24], $0x2800  }
0xd5: {  	[sflag:s24] =	ssyncset.done $0x0  }
0xd6: {  	[sflag:s24] =	ssyncadd.s32 $0xFFFFD800  }
0xd7: {  	_ =	swait.ge [sflag:s24], $0x2800  }
0xd8: {  	[sflag:s24] =	ssyncset.done $0x0  }
0xd9: {  	[sflag:s24] =	ssyncadd.s32 $0xFFFFD800  }
0xda: {  	_ =	swait.ge [sflag:s24], $0x2800  }
0xdb: {  	[sflag:s24] =	ssyncset.done $0x0  }
0xdc: {  	[sflag:s24] =	ssyncadd.s32 $0xFFFFD800  }
0xdd: {  	_ =	swait.ge [sflag:s24], $0x2800  }
0xde: {  	[sflag:s24] =	ssyncset.done $0x0  }
0xdf: {  	[sflag:s24] =	ssyncadd.s32 $0xFFFFD800  }
0xe0: {  	_ =	swait.ge [sflag:s24], $0x2800  }
0xe1: {  	[sflag:s24] =	ssyncset.done $0x0  }
0xe2: {  	[sflag:s24] =	ssyncadd.s32 $0xFFFFD800  }
.LBB2_6:
.Ltmp5:
0xe3: {  	(pc) =	sbr.rel .LBB2_7-.Ltmp5, $3  }
0xe4: {  	_ =	sdelay $0x1  }
0xe5: {  	[bflag:$0x0] =	sbarrier.arrive $0xFFFF  }
0xe6: {  	s22 =	simm.s32 $0x0;
	s26 =	simm.s32 $0x3;
	s23 =	simm.s32 $0x0  }
.LBB2_12:
0xe7: {  	_ =	swait.ge [sflag:s6], $0x2800  }
0xe8: {  	[sflag:s6] =	ssyncset.done $0x0  }
0xe9: {  	[sflag:s6] =	ssyncadd.s32 $0xFFFFD800  }
.LBB2_14:
0xea: {  	s15 =	sadd.s32 s22, s13  }
0xeb: {  	[tilespmem:s7], [sflag:$0x4] =	stream.linear.gather [hbm4b:s15+s9], $0x50, $0x38;
	[tilespmem:$0x1E400] =	vst v63  }
0xec: {  	s31 =	sadd.s32 s22, s12  }
0xed: {  	[tilespmem:s8], [sflag:$0x4] =	stream.linear.gather [hbm4b:s31+s9], $0x50, $0x38;
	[tilespmem:$0x1E400] =	vst v63  }
.LBB2_15:
0xee: {  	s15 =	simm.s32 @!p2 $0x3  }
0xef: {  	_ =	swait.ge @!p2 [sflag:s15], $0x50  }
0xf0: {  	[sflag:s15] =	ssyncset.done @!p2 $0x0  }
0xf1: {  	[sflag:s15] =	ssyncadd.s32 @!p2 $0xFFFFFFB0  }
0xf2: {  	s21 =	simm.s32 @!p2 $0x100;
	_ =	swait.ge @!p2 [sflag:s15], $0x50  }
0xf3: {  	s30 =	simm.s32 @!p2 $0x5400;
	s22 =	sadd.s32 $0x28, s22;
	[sflag:s15] =	ssyncset.done @!p2 $0x0  }
0xf4: {  	p1 =	sne.s32 s22, $0x500;
	[sflag:s15] =	ssyncadd.s32 @!p2 $0xFFFFFFB0;
	s15 =	simm.s32 @!p2 $0x50  }
0xf5: {  	[tilespmem:s30], [sflag:$0x7] =	stream.indirect.gather @!p2 [hbm4b:s20+s15], $0x80, s21, s15, $0xb8;
	[tilespmem:$0x1E400] =	vst v63  }
.Ltmp6:
0xf6: {  	s15 =	simm.s32 @!p3 $0x6;
	(pc) =	sbr.rel @!p1 .LBB2_16-.Ltmp6, $4  }
0xf7: {  	s23 =	sadd.s32 $0x1, s23;
	_ =	swait.ge @!p3 [sflag:s15], $0x2800  }
0xf8: {  	s26 =	sadd.s32 $0x4, s26;
	s21 =	simm.s32 @!p3 $0x280;
	[sflag:s15] =	ssyncset.done @!p3 $0x0  }
0xf9: {  	s30 =	simm.s32 @!p3 $0x2C00;
	[sflag:s15] =	ssyncadd.s32 @!p3 $0xFFFFD800;
	s15 =	simm.s32 @!p3 $0x50  }
0xfa: {  	[spmem:s19] =	stream.indirect.scatter.add.f32 @!p3 [tilespmem:s30], [sflag:$0xA], $0x80, s21, s15, $0xb8;
	[tilespmem:$0x1E400] =	vst v63  }
.LBB2_7:
0xfb: {  	s31 =	sadd.s32 $0xFFFFFFF9, s26  }
0xfc: {  	p1 =	sgt.u32 s31, $0x78  }
0xfd: {  	s31 =	simm.s32 @!p1 $0x9  }
0xfe: {  	_ =	swait.ge @!p1 [sflag:s31], $0x2800  }
0xff: {  	[sflag:s31] =	ssyncset.done @!p1 $0x0  }
0x100: {  	[sflag:s31] =	ssyncadd.s32 @!p1 $0xFFFFD800;
	s31 =	sadd.s32 s22, s11  }
0x101: {  	[tilespmem:s9], [sflag:$0x1] =	stream.linear.gather [hbm4b:s31+s9], $0x50, $0x38;
	[tilespmem:$0x1E400] =	vst v63  }
0x102: {  	s31 =	sadd.s32 s22, s10  }
0x103: {  	[tilespmem:s29], [sflag:$0x1] =	stream.linear.gather [hbm4b:s31+s9], $0x50, $0x38;
	[tilespmem:$0x1E400] =	vst v63  }
0x104: {  	s31 =	sadd.s32 $0xFFFFFFFC, s26  }
0x105: {  	p2 =	sgt.u32 s31, $0x7C  }
0x106: {  	s31 =	simm.s32 @!p2 $0x4  }
0x107: {  	_ =	swait.ge @!p2 [sflag:s31], $0x50  }
0x108: {  	[sflag:s31] =	ssyncset.done @!p2 $0x0  }
0x109: {  	[sflag:s31] =	ssyncadd.s32 @!p2 $0xFFFFFFB0  }
0x10a: {  	_ =	swait.ge @!p2 [sflag:s31], $0x50  }
0x10b: {  	s21 =	simm.s32 @!p2 $0x180;
	[sflag:s31] =	ssyncset.done @!p2 $0x0  }
0x10c: {  	s30 =	simm.s32 @!p2 $0x7C00;
	[sflag:s31] =	ssyncadd.s32 @!p2 $0xFFFFFFB0;
	s31 =	simm.s32 @!p2 $0x50  }
0x10d: {  	[tilespmem:s30], [sflag:$0x8] =	stream.indirect.gather @!p2 [hbm4b:s20+s31], $0x80, s21, s31, $0xb8;
	[tilespmem:$0x1E400] =	vst v63  }
0x10e: {  	s21 =	sadd.s32 @!p2 $0xFFFFFFFB, s26  }
0x10f: {  	p3 =	sgt.u32 @!p2 s21, $0x7C  }
0x110: {  	p4 =	por p3, p2  }
0x111: {  	s21 =	simm.s32 @!p4 $0x7  }
0x112: {  	_ =	swait.ge @!p4 [sflag:s21], $0x2800  }
0x113: {  	s30 =	simm.s32 @!p4 $0x300;
	[sflag:s21] =	ssyncset.done @!p4 $0x0  }
0x114: {  	s31 =	simm.s32 @!p4 $0x5400;
	[sflag:s21] =	ssyncadd.s32 @!p4 $0xFFFFD800;
	s21 =	simm.s32 @!p4 $0x50  }
0x115: {  	[spmem:s19] =	stream.indirect.scatter.add.f32 @!p4 [tilespmem:s31], [sflag:$0xB], $0x80, s30, s21, $0xb8;
	[tilespmem:$0x1E400] =	vst v63  }
0x116: {  	p1 =	seq.s32 s22, $0x0;
	s31 =	sadd.s32 $0xFFFFFFFE, s26  }
0x117: {  	p5 =	sgt.u32 @!p1 s31, $0x7C  }
0x118: {  	p5 =	por p1, p5  }
.Ltmp7:
0x119: {  	_ = 	snop;
	(pc) =	sbr.rel @p5 .LBB2_9-.Ltmp7, $1  }
0x11a: {  	_ =	sdelay $0x3  }
0x11b: {  	_ =	swait.ge [sflag:s0], $0x2800  }
0x11c: {  	[sflag:s0] =	ssyncset.done $0x0  }
0x11d: {  	[sflag:s0] =	ssyncadd.s32 $0xFFFFD800  }
.LBB2_10:
0x11e: {  	s21 =	sadd.s32 s22, s18  }
0x11f: {  	[tilespmem:s1], [sflag:$0x2] =	stream.linear.gather [hbm4b:s21+s9], $0x50, $0x38;
	[tilespmem:$0x1E400] =	vst v63  }
0x120: {  	s30 =	sadd.s32 s22, s17  }
0x121: {  	[tilespmem:s2], [sflag:$0x2] =	stream.linear.gather [hbm4b:s30+s9], $0x50, $0x38;
	[tilespmem:$0x1E400] =	vst v63  }
.LBB2_11:
0x122: {  	_ =	swait.ge [sflag:s3], $0x50  }
0x123: {  	[sflag:s3] =	ssyncset.done $0x0  }
0x124: {  	[sflag:s3] =	ssyncadd.s32 $0xFFFFFFB0  }
0x125: {  	_ =	swait.ge [sflag:s3], $0x50  }
0x126: {  	p5 =	por @!p2 $0x0, $0x0;
	s21 =	simm.s32 @!p2 $0x8;
	[sflag:s3] =	ssyncset.done $0x0  }
0x127: {  	p4 =	slt.u32 @!p4 s23, $0x1F;
	p3 =	por !p3, p2;
	[sflag:s3] =	ssyncadd.s32 $0xFFFFFFB0  }
0x128: {  	[tilespmem:s5], [sflag:$0x5] =	stream.indirect.gather [hbm4b:s20+s4], $0x80, s9, s4, $0xb8;
	[tilespmem:$0x1E400] =	vst v63  }
0x129: {  	s30 =	simm.s32 @!p2 $0x380;
	s15 =	simm.s32 @!p2 $0x7C00;
	_ =	swait.ge @!p2 [sflag:s21], $0x2800  }
0x12a: {  	p4 =	por @!p3 p5, p5;
	p3 =	por $0x0, $0x0;
	[sflag:s21] =	ssyncset.done @!p2 $0x0  }
0x12b: {  	p3 =	por @!p2 p4, p4;
	[sflag:s21] =	ssyncadd.s32 @!p2 $0xFFFFD800;
	s21 =	simm.s32 @!p2 $0x50  }
0x12c: {  	[spmem:s19] =	stream.indirect.scatter.add.f32 @!p2 [tilespmem:s15], [sflag:$0xC], $0x80, s30, s21, $0xb8;
	[tilespmem:$0x1E400] =	vst v63  }
0x12d: {  	s15 =	simm.s32 @p3 $0xB;
	s30 =	sadd.s32 $0xFFFFFFFF, s26  }
0x12e: {  	_ =	swait.ge @p3 [sflag:s15], $0x2800;
	p2 =	sgt.u32 s30, $0x7C  }
0x12f: {  	[sflag:s15] =	ssyncset.done @p3 $0x0;
	s21 =	simm.s32 @!p2 $0x0  }
0x130: {  	s30 =	simm.s32 @!p2 $0x100;
	[sflag:s15] =	ssyncadd.s32 @p3 $0xFFFFD800;
	s15 =	sadd.s32 @!p2 s22, s16  }
0x131: {  	[tilespmem:s30], [sflag:$0x3] =	stream.linear.gather @!p2 [hbm4b:s15+s21], $0x50, $0x38;
	[tilespmem:$0x1E400] =	vst v63  }
0x132: {  	p3 =	sgt.u32 s31, $0x7C;
	s15 =	sadd.s32 @!p2 s22, s14;
	s30 =	simm.s32 @!p2 $0x300  }
0x133: {  	[tilespmem:s30], [sflag:$0x3] =	stream.linear.gather @!p2 [hbm4b:s15+s21], $0x50, $0x38;
	[tilespmem:$0x1E400] =	vst v63  }
0x134: {  	s15 =	simm.s32 @!p3 $0x2  }
0x135: {  	_ =	swait.ge @!p3 [sflag:s15], $0x50  }
0x136: {  	[sflag:s15] =	ssyncset.done @!p3 $0x0  }
0x137: {  	[sflag:s15] =	ssyncadd.s32 @!p3 $0xFFFFFFB0  }
0x138: {  	p4 =	sgt.u32 @!p1 s26, $0x7C;
	_ =	swait.ge @!p3 [sflag:s15], $0x50  }
0x139: {  	p1 =	por p1, p4;
	s21 =	simm.s32 @!p3 $0x80;
	[sflag:s15] =	ssyncset.done @!p3 $0x0  }
0x13a: {  	s30 =	simm.s32 @!p3 $0x2C00;
	[sflag:s15] =	ssyncadd.s32 @!p3 $0xFFFFFFB0;
	s15 =	simm.s32 @!p3 $0x50  }
0x13b: {  	[tilespmem:s30], [sflag:$0x6] =	stream.indirect.gather @!p3 [hbm4b:s20+s15], $0x80, s21, s15, $0xb8;
	[tilespmem:$0x1E400] =	vst v63  }
.Ltmp8:
0x13c: {  	_ = 	snop;
	(pc) =	sbr.rel @!p1 .LBB2_12-.Ltmp8, $4  }
0x13d: {  	_ =	swait.ge [sflag:s24], $0x2800  }
0x13e: {  	[sflag:s24] =	ssyncset.done $0x0  }
0x13f: {  	[sflag:s24] =	ssyncadd.s32 $0xFFFFD800  }
0x140: {  	[spmem:s19] =	stream.indirect.scatter.add.f32 [tilespmem:s5], [sflag:$0x9], $0x80, s29, s4, $0xb8;
	[tilespmem:$0x1E400] =	vst v63  }
0x141: {  	p1 =	sgt.u32 s26, $0x7C  }
.Ltmp9:
0x142: {  	_ = 	snop;
	(pc) =	sbr.rel @p1 .LBB2_15-.Ltmp9, $4  }
.Ltmp10:
0x143: {  	_ = 	snop;
	(pc) =	sbr.rel @!p1 .LBB2_14-.Ltmp10, $4  }
0x144: {  	_ = 	snop  }
0x145: {  	_ = 	snop  }
0x146: {  	_ = 	snop  }
0x147: {  	_ = 	snop  }
.LBB2_9:
0x148: {  	p5 =	sgt.u32 s31, $0x7C  }
.Ltmp11:
0x149: {  	_ = 	snop;
	(pc) =	sbr.rel @p5 .LBB2_11-.Ltmp11, $4  }
.Ltmp12:
0x14a: {  	_ = 	snop;
	(pc) =	sbr.rel @!p5 .LBB2_10-.Ltmp12, $4  }
0x14b: {  	_ = 	snop  }
0x14c: {  	_ = 	snop  }
0x14d: {  	_ = 	snop  }
0x14e: {  	_ = 	snop  }
.LBB2_17:
0x14f: {  	_ =	sfence.sel $0x180000  }
0x150: {  	[bflag:$0x0] =	sbarrier.arrive $0xFFFF  }
0x151: {  	_ =	strace $0x9000004D  }
0x152: {  	s0 =	stileid.u32;
	[bflag:$0x2] =	sbarrier.arrive $0xFFFF  }
0x153: {  	p0 =	sne.s32 s0, $0x0;
	s0 =	rddreg [dreg:$0x2]  }
0x154: {  	s0 =	sadd.s32 @!p0 $0x100000, s0  }
0x155: {  	[sflag:s0] =	ssyncadd.tile.s32 @!p0 $0x1;
	_ =	shalt  }
.Lfunc_end2:
_tile_overlayer_lowered:
.L_overlay_start_2:
0x156: {  	(tag) =	ssettag $0x2  }
0x157: {  	s0 =	rddreg [dreg:$0x0];
	s2 =	stileid.u32  }
0x158: {  	s1 =	rddreg [dreg:$0x1];
	p0 =	sne.s32 s2, $0x0  }
0x159: {  	s3 =	rddreg [dreg:$0x2];
	[bflag:$0x3] =	sbarrier.arrive $0xFFFF;
	s2 =	simm.s32 @!p0 $0x1C0D  }
0x15a: {  	[timem:s3], [sflag:s2] =	dma.local @!p0 [hbm:s0], s1  }
0x15b: {  	s0 =	simm.s32 @!p0 $0xD  }
0x15c: {  	_ =	swait.ge @!p0 [sflag:s0], s1  }
0x15d: {  	s1 =	ssub.s32 @!p0 $0x0, s1;
	[sflag:s0] =	ssyncset.done @!p0 $0x0  }
0x15e: {  	[sflag:s0] =	ssyncadd.s32 @!p0 s1  }
0x15f: {  	[bflag:$0x3] =	sbarrier.arrive $0xFFFF  }
0x160: {  	_ =	shalt  }

// kernel: kernel.8.cloned.1.call-start
scs
__scs_entry_jumppad:
0x0: {  	(pc) =	sbr.rel $0x88, $3  }
0x1: {  	(tag) =	ssettag $0x0;
	lr =	simm.s32 $0x1  }
0x2: {  	[smem:$0x3F97] =	sst lr;
	_ =	strace $0xD0000000  }
0x3: {  	_ = 	snop  }
0x4: {  	_ = 	snop  }
0x5: {  	_ = 	snop  }
0x6: {  	_ = 	snop  }
0x7: {  	_ = 	snop  }
__scs_overlays_trampoline_lowered:
0x8: {  	[smem:$0x3FA6] =	sst s0  }
0x9: {  	[smem:$0x3FA7] =	sst s1  }
0xa: {  	[smem:$0x3FA8] =	sst s2  }
0xb: {  	[smem:$0x3FA9] =	sst s3  }
0xc: {  	[smem:$0x3FAA] =	sst s4  }
0xd: {  	[smem:$0x3FAB] =	sst s5  }
0xe: {  	[smem:$0x3FAC] =	sst s6  }
0xf: {  	[smem:$0x3FAD] =	sst s7  }
0x10: {  	[smem:$0x3FAE] =	sst s8  }
0x11: {  	[smem:$0x3FAF] =	sst s9;
	s0 =	simm.s32 @!p0 $0x0  }
0x12: {  	s1 =	sld [smem:$0x3F95];
	s0 =	simm.s32 @p0 $0x1  }
0x13: {  	[smem:$0x3FB0] =	sst s0;
	s0 =	simm.s32 @!p1 $0x0  }
0x14: {  	s2 =	sld [smem:$0x3F94];
	s0 =	simm.s32 @p1 $0x1  }
0x15: {  	[smem:$0x3FB1] =	sst s0;
	s0 =	simm.s32 @!p2 $0x0  }
0x16: {  	s3 =	sld [smem:$0x3FDB];
	s0 =	simm.s32 @p2 $0x1  }
0x17: {  	s4 =	simm.s32 $0x1BF5;
	[smem:$0x3FB3] =	sst s0  }
0x18: {  	s0 =	sld [smem:$0x3F96];
	_ =	swait.ge [sflag:s4], $0x0  }
0x19: {  	s7 =	sld [smem:$0x3F97]  }
0x1a: {  	s8 =	sadd.s32 $0xFFFFE003, lr  }
0x1b: {  	s9 =	sadd.s32 $0xFFFFFEF7, lr;
	s5 =	simm.s32 $0xFFFFFFFF;
	p2 =	slt.u32 s8, $0xFFFFF086  }
0x1c: {  	p1 =	slt.u32 s9, $0xF7A;
	s5 =	simm.s32 @!p2 $0x0  }
0x1d: {  	s5 =	simm.s32 @p1 $0x1;
	p0 =	seq.s32 s7, s2  }
0x1e: {  	s7 =	smul.u32 @!p0 $0xF7A, s2;
	p2 =	seq.s32 @!p0 s5, $0x0  }
0x1f: {  	s9 =	smul.u32 $0xF7A, s1;
	s8 =	simm.s32 @!p0 $0x1BF5;
	p2 =	por !p2, p0  }
0x20: {  	[sflag:s8] =	ssyncset.s32 @!p0 $0xFFFFF086;
	s6 =	sadd.s32 @!p0 s3, s7;
	s7 =	simm.s32 @!p0 $0x108  }
0x21: {  	s3 =	sadd.s32 s3, s9;
	s6 =	sadd.s32 @!p0 $0x88, s6;
	s7 =	simm.s32 @p2 $0x1082  }
0x22: {  	[simem:s7], [sflag:s8] =	dma.local @!p0 [hbm:s6], $0xF7A  }
0x23: {  	s9 =	sor.u32 $0xD0000000, s2;
	s6 =	simm.s32 $0x108;
	_ =	swait.ge @!p0 [sflag:s8], $0x0  }
0x24: {  	s3 =	sadd.s32 $0x88, s3;
	s6 =	simm.s32 @!p1 $0x1082;
	[sflag:s4] =	ssyncset.s32 $0xFFFFF086  }
0x25: {  	[simem:s6], [sflag:s4] =	dma.local [hbm:s3], $0xF7A  }
0x26: {  	[smem:$0x3F97] =	sst s1;
	(tag) =	ssettag s2;
	_ =	strace s9  }
0x27: {  	s1 =	sld [smem:$0x3FA7]  }
0x28: {  	s2 =	sld [smem:$0x3FA8]  }
0x29: {  	s4 =	sld [smem:$0x3FAA]  }
0x2a: {  	p0 =	seq.s32 s5, $0x0;
	s5 =	sld [smem:$0x3FAB]  }
0x2b: {  	s6 =	sld [smem:$0x3FAC]  }
0x2c: {  	s7 =	sld [smem:$0x3FAD]  }
0x2d: {  	s3 =	simm.s32 $0x108;
	s8 =	sld [smem:$0x3FAE]  }
0x2e: {  	s3 =	simm.s32 @!p0 $0x1082;
	s9 =	sld [smem:$0x3FAF]  }
0x2f: {  	lr =	sadd.s32 s0, s3;
	s0 =	sld [smem:$0x3FA6]  }
0x30: {  	s3 =	sld [smem:$0x3FA9]  }
0x31: {  	[smem:$0x3FB2] =	sst s10  }
0x32: {  	s10 =	sld [smem:$0x3FB0];
	_ =	sdelay $0x3  }
0x33: {  	p0 =	seq.s32 s10, $0x1;
	s10 =	sld [smem:$0x3FB2];
	_ =	sdelay $0x3  }
0x34: {  	[smem:$0x3FB2] =	sst s10  }
0x35: {  	s10 =	sld [smem:$0x3FB1];
	_ =	sdelay $0x3  }
0x36: {  	p1 =	seq.s32 s10, $0x1;
	s10 =	sld [smem:$0x3FB2];
	_ =	sdelay $0x3  }
0x37: {  	[smem:$0x3FB2] =	sst s10  }
0x38: {  	s10 =	sld [smem:$0x3FB3]  }
0x39: {  	_ = 	snop;
	(pc) =	sbr.ind lr, $3  }
0x3a: {  	_ = 	snop  }
0x3b: {  	_ = 	snop  }
0x3c: {  	p2 =	seq.s32 s10, $0x1;
	s10 =	sld [smem:$0x3FB2]  }
0x3d: {  	_ =	shalt  }
0x3e: {  	_ =	shalt  }
0x3f: {  	_ =	shalt  }
0x40: {  	_ =	shalt  }
0x41: {  	_ =	shalt  }
0x42: {  	_ =	shalt  }
0x43: {  	_ =	shalt  }
0x44: {  	_ =	shalt  }
0x45: {  	_ =	shalt  }
0x46: {  	_ =	shalt  }
0x47: {  	_ =	shalt  }
0x48: {  	_ =	shalt  }
0x49: {  	_ =	shalt  }
0x4a: {  	_ =	shalt  }
0x4b: {  	_ =	shalt  }
0x4c: {  	_ =	shalt  }
0x4d: {  	_ =	shalt  }
0x4e: {  	_ =	shalt  }
0x4f: {  	_ =	shalt  }
0x50: {  	_ =	shalt  }
0x51: {  	_ =	shalt  }
0x52: {  	_ =	shalt  }
0x53: {  	_ =	shalt  }
0x54: {  	_ =	shalt  }
0x55: {  	_ =	shalt  }
0x56: {  	_ =	shalt  }
0x57: {  	_ =	shalt  }
0x58: {  	_ =	shalt  }
0x59: {  	_ =	shalt  }
0x5a: {  	_ =	shalt  }
0x5b: {  	_ =	shalt  }
0x5c: {  	_ =	shalt  }
0x5d: {  	_ =	shalt  }
0x5e: {  	_ =	shalt  }
0x5f: {  	_ =	shalt  }
0x60: {  	_ =	shalt  }
0x61: {  	_ =	shalt  }
0x62: {  	_ =	shalt  }
0x63: {  	_ =	shalt  }
0x64: {  	_ =	shalt  }
0x65: {  	_ =	shalt  }
0x66: {  	_ =	shalt  }
0x67: {  	_ =	shalt  }
0x68: {  	_ =	shalt  }
0x69: {  	_ =	shalt  }
0x6a: {  	_ =	shalt  }
0x6b: {  	_ =	shalt  }
0x6c: {  	_ =	shalt  }
0x6d: {  	_ =	shalt  }
0x6e: {  	_ =	shalt  }
0x6f: {  	_ =	shalt  }
0x70: {  	_ =	shalt  }
0x71: {  	_ =	shalt  }
0x72: {  	_ =	shalt  }
0x73: {  	_ =	shalt  }
0x74: {  	_ =	shalt  }
0x75: {  	_ =	shalt  }
0x76: {  	_ =	shalt  }
0x77: {  	_ =	shalt  }
0x78: {  	_ =	shalt  }
0x79: {  	_ =	shalt  }
0x7a: {  	_ =	shalt  }
0x7b: {  	_ =	shalt  }
0x7c: {  	_ =	shalt  }
0x7d: {  	_ =	shalt  }
0x7e: {  	_ =	shalt  }
0x7f: {  	_ =	shalt  }
0x80: {  	_ =	shalt  }
0x81: {  	_ =	shalt  }
0x82: {  	_ =	shalt  }
0x83: {  	_ =	shalt  }
0x84: {  	_ =	shalt  }
0x85: {  	_ =	shalt  }
0x86: {  	_ =	shalt  }
0x87: {  	_ =	shalt  }
.Lfunc_end0:
.L_simem_size_0:
called_computation_lowered:
.L_overlay_start_0:
0x88: {  	s2 =	sld [smem:$0x3FD9]  }
0x89: {  	s3 =	sld [smem:$0x3FFE];
	_ =	sdelay $0x1  }
0x8a: {  	s1 =	srdreg.scid  }
0x8b: {  	s0 =	sand.u32 $0x1, s1  }
0x8c: {  	s17 =	sshll.u32 s0, $0xA;
	s2 =	sadd.s32 s3, s2  }
0x8d: {  	s2 =	sadd.s32 s2, s17  }
0x8e: {  	[smem:$0x3FBE] =	sst s2  }
0x8f: {  	_ = 	snop  }
0x90: {  	s2 =	sld [smem:$0x3FD0];
	(tm) =	ssettm $0x1  }
0x91: {  	s18 =	sld [smem:$0x3FFB];
	_ =	sdelay $0x3  }
0x92: {  	_ =	strace s18  }
0x93: {  	s3 =	sld [smem:$0x3FFC];
	_ =	sdelay $0x3  }
0x94: {  	_ =	strace s3  }
0x95: {  	s3 =	sld [smem:$0x3FFD];
	_ =	sdelay $0x3  }
0x96: {  	_ =	strace s3  }
0x97: {  	_ =	strace $0x8FFFFFFF  }
0x98: {  	s19 =	sld [smem:$0x3FDB];
	_ =	sdelay $0x1  }
0x99: {  	s4 =	simm.s32 $_scs_section_size  }
0x9a: {  	s5 =	simm.s32 $_size__tile_overlayer_lowered;
	s6 =	simm.s32 $_tile_overlayer_lowered  }
0x9b: {  	s22 =	simm.s32 $0x1BFF;
	s21 =	sshll.u32 s6, $0x1;
	s3 =	sadd.s32 s4, s19  }
0x9c: {  	s7 =	simm.s32 $0x0;
	s20 =	sshll.u32 s5, $0x1;
	s5 =	sadd.s32 s21, s3  }
0x9d: {  	[timem:s7], [sflag:s22] =	dma.local [hbm:s5], s20  }
0x9e: {  	_ =	swait.ge [sflag:s22], s20  }
0x9f: {  	s4 =	ssub.s32 $0x0, s20;
	[sflag:s22] =	ssyncset.done $0x0  }
0xa0: {  	[sflag:s22] =	ssyncadd.s32 s4;
	_ =	sdelay $0x1  }
0xa1: {  	s23 =	simm.s32 $0x1B8B  }
0xa2: {  	_ =	swait.ge [sflag:s23], $0x1  }
0xa3: {  	[sflag:s23] =	ssyncset.done $0x0  }
0xa4: {  	s25 =	simm.s32 $0x1B8E;
	s24 =	sld [smem:$0x3FFE];
	[sflag:s23] =	ssyncadd.s32 $0xFFFFFFFF  }
0xa5: {  	s26 =	simm.s32 $execute0_lowered;
	[smem:$0x3FD2] =	sst s25  }
0xa6: {  	s5 =	sshll.u32 s26, $0x1;
	_ =	strace $0x80000046;
	[dreg:$0x1] =	wrdreg $0xFFFFFFFF  }
0xa7: {  	s28 =	simm.s32 $_size_execute0_lowered;
	s3 =	sadd.s32 s3, s5;
	[dreg:$0x0] =	wrdreg $0x0  }
0xa8: {  	s5 =	sshll.u32 s28, $0x1;
	[dreg:$0x2] =	wrdreg s3  }
0xa9: {  	[dreg:$0x3] =	wrdreg s5  }
0xaa: {  	[dreg:$0x4] =	wrdreg $0xC0  }
0xab: {  	_ =	task [dreg:s7], $0x5FFFF  }
0xac: {  	[dreg:$0x1] =	wrdreg $0xFFFFFFFF  }
0xad: {  	[dreg:$0x0] =	wrdreg $0x60  }
0xae: {  	[dreg:$0x2] =	wrdreg s24  }
0xaf: {  	[dreg:$0x3] =	wrdreg s2  }
0xb0: {  	[dreg:$0x4] =	wrdreg $0x2E400  }
0xb1: {  	[dreg:$0x5] =	wrdreg $0x9  }
0xb2: {  	_ =	task.clear_ibuf [dreg:s7], $0x6FFFF;
	_ =	strace $0x90000046  }
0xb3: {  	s29 =	simm.s32 $0x9;
	_ =	strace $0x80000048  }
0xb4: {  	_ =	swait.ge [sflag:s29], $0x1  }
0xb5: {  	[sflag:s29] =	ssyncadd.s32 $0xFFFFFFFF  }
0xb6: {  	_ =	strace $0x90000048  }
0xb7: {  	_ =	sfence  }
0xb8: {  	s30 =	sld [smem:$0x0];
	_ =	sdelay $0x2  }
0xb9: {  	s31 =	sshll.u32 s1, $0xD;
	s1 =	sshrl.u32 s1, $0x2  }
0xba: {  	s3 =	sand.u32 $0x4000, s31;
	s1 =	sadd.s32 s1, s30  }
0xbb: {  	s0 =	sor.u32 s3, s0;
	s1 =	sshll.u32 s1, $0x11  }
0xbc: {  	s0 =	sor.u32 s1, s0  }
0xbd: {  	s0 =	sadd.s32 $0x8F2B, s0  }
0xbe: {  	[sflag:s0] =	ssyncadd.remote.s32 $0x1  }
0xbf: {  	_ =	sfence.sel $0xFFFF  }
0xc0: {  	[dreg:$0x0] =	wrdreg $0xFFFFFFFF;
	(pc) =	sbr.abs _section_cstart, $3  }
0xc1: {  	[dreg:$0x1] =	wrdreg $0xFFFFFFFF  }
0xc2: {  	_ =	task.clear_ibuf [dreg:s7], $0x2FFFF;
	_ =	strace $0x9FFFFFFF  }
0xc3: {  	(tm) =	ssettm $0x7FFFFFFF  }
tec
execute0_lowered:
.L_overlay_start_1:
0x0: {  	(tag) =	ssettag $0x1  }
0x1: {  	s4 =	rddreg [dreg:$0x0]  }
0x2: {  	s1 =	srdreg.scid;
	s5 =	rddreg [dreg:$0x1]  }
0x3: {  	s0 =	stileid.u32;
	s2 =	rddreg [dreg:$0x2]  }
0x4: {  	s3 =	simm.s32 $0x0;
	s13 =	simm.s32 $0x6;
	s14 =	simm.s32 $0x50  }
0x5: {  	s15 =	simm.s32 $0x4;
	s16 =	simm.s32 $0xF0;
	s17 =	simm.s32 $0x140  }
0x6: {  	s18 =	simm.s32 $0x1;
	s19 =	simm.s32 $0x8;
	s7 =	smul.u32 $0x2800, s0  }
0x7: {  	s20 =	simm.s32 $0x5;
	s6 =	sand.u32 $0x1, s1;
	s10 =	smul.u32 $0x2710, s0  }
0x8: {  	s21 =	simm.s32 $0x7;
	s22 =	simm.s32 $0x0;
	s8 =	smul.u32 $0x28000, s6  }
0x9: {  	[smem:$0x7FF] =	sst s3;
	s9 =	smul.u32 $0x27100, s6;
	s6 =	ssub.s32 $0x2, s6  }
0xa: {  	s11 =	sadd.s32 $0xD000, s4;
	_ =	strace $0x80000047;
	s28 =	sshrl.u32 s6, $0x1  }
0xb: {  	s4 =	sadd.s32 s7, s2;
	s8 =	sadd.s32 s7, s8;
	s9 =	sadd.s32 s10, s9  }
0xc: {  	s6 =	ssub.s32 s6, s28;
	s29 =	sshrl.u32 s8, $0x3;
	s30 =	sshrl.u32 s9, $0x3  }
.Ltmp0:
0xd: {  	s6 =	smax.u32 s6, $0x1;
	s31 =	sadd.s32 $0xF0, s9;
	(pc) =	sbr.rel .LBB2_1-.Ltmp0, $4  }
0xe: {  	s10 =	sadd.s32 $0xA0, s9;
	s9 =	sadd.s32 $0x50, s9;
	s5 =	sadd.s32 s5, s29  }
0xf: {  	s7 =	sadd.s32 s30, s11;
	s8 =	sshrl.u32 s31, $0x3;
	s10 =	sshrl.u32 s10, $0x3  }
0x10: {  	s12 =	sshrl.u32 s9, $0x3;
	s8 =	sadd.s32 s8, s11;
	s9 =	sadd.s32 s10, s11  }
0x11: {  	v0 =	vimm.f32 $1.000000000e+00;
	v1 =	vimm.f32 $0.0e+00;
	s10 =	sadd.s32 s12, s11;
	s11 =	simm.s32 $0x640;
	s12 =	simm.s32 $0x9  }
.LBB2_16:
0x12: {  	_ =	swait.ge [sflag:s20], $0x500  }
0x13: {  	[sflag:s20] =	ssyncset.done $0x0  }
0x14: {  	[sflag:s20] =	ssyncadd.s32 $0xFFFFFB00  }
0x15: {  	_ =	swait.ge [sflag:s13], $0x500  }
0x16: {  	[sflag:s13] =	ssyncset.done $0x0  }
0x17: {  	[sflag:s13] =	ssyncadd.s32 $0xFFFFFB00  }
0x18: {  	_ =	swait.ge [sflag:s21], $0x500  }
0x19: {  	[sflag:s21] =	ssyncset.done $0x0  }
0x1a: {  	[sflag:s21] =	ssyncadd.s32 $0xFFFFFB00  }
0x1b: {  	_ =	swait.ge [sflag:s19], $0x500  }
0x1c: {  	s1 =	sshll.u32 s0, $0x6;
	s22 =	sadd.s32 $0x1, s22;
	[sflag:s19] =	ssyncset.done $0x0  }
0x1d: {  	s23 =	sshrl.u32 s4, $0x3;
	p0 =	sne.s32 s22, s6;
	[sflag:s19] =	ssyncadd.s32 $0xFFFFFB00  }
.Ltmp1:
0x1e: {  	s1 =	sor.u32 $0x1C09, s1;
	[bflag:$0x0] =	sbarrier.arrive $0xFFFF;
	(pc) =	sbr.rel @!p0 .LBB2_17-.Ltmp1, $4  }
0x1f: {  	[hbm:s5], [sflag:s1] =	dma.local [spmem:s23], $0x500  }
0x20: {  	_ =	swait.ge [sflag:s12], $0x500  }
0x21: {  	[sflag:s12] =	ssyncset.done $0x0  }
0x22: {  	[sflag:s12] =	ssyncadd.s32 $0xFFFFFB00  }
.LBB2_1:
0x23: {  	s23 =	simm.s32 $0x0  }
.LBB2_2:
0x24: {  	p0 =	sne.s32 s23, $0x13C0  }
.Ltmp2:
0x25: {  	_ = 	snop;
	(pc) =	sbr.rel @p0 .LBB2_2-.Ltmp2, $3  }
0x26: {  	_ =	sdelay $0x1  }
0x27: {  	s24 =	sshra.s32 s23, $0x2  }
0x28: {  	s23 =	sadd.s32 $0x40, s23;
	[tilespmem:s24+$0x140] =	vst v0  }
0x29: {  	s23 =	simm.s32 $0x40;
	s24 =	simm.s32 $0x0  }
.LBB2_4:
0x2a: {  	p0 =	sne.s32 s23, $0x9FC0;
	[tilespmem:s24+$0x640] =	vst v1;
	s24 =	smov.u32 s23;
	s23 =	sadd.s32 $0x40, s23  }
.Ltmp3:
0x2b: {  	(pc) =	sbr.rel @p0 .LBB2_4-.Ltmp3, $2  }
0x2c: {  	_ =	sdelay $0x2  }
0x2d: {  	s24 =	sshra.s32 s24, $0x2  }
0x2e: {  	[tilespmem:s24+$0x640] =	vst v1  }
0x2f: {  	[spmem:s4] =	stream.linear.scatter [tilespmem:s11], [sflag:$0x9], $0x2800, $0x38;
	[tilespmem:$0x5640] =	vst v63  }
.Ltmp4:
0x30: {  	_ =	swait.ge [sflag:s12], $0x2800;
	(pc) =	sbr.rel .LBB2_6-.Ltmp4, $4  }
0x31: {  	[sflag:s12] =	ssyncset.done $0x0  }
0x32: {  	[sflag:s12] =	ssyncadd.s32 $0xFFFFD800  }
0x33: {  	s23 =	simm.s32 $0x3;
	s24 =	smov.u32 s10;
	[bflag:$0x0] =	sbarrier.arrive $0xFFFF  }
0x34: {  	s25 =	smov.u32 s9;
	s26 =	smov.u32 s8;
	s28 =	smov.u32 s7  }
.LBB2_12:
0x35: {  	_ =	swait.ge [sflag:s19], $0x500  }
0x36: {  	[sflag:s19] =	ssyncset.done $0x0  }
0x37: {  	[sflag:s19] =	ssyncadd.s32 $0xFFFFFB00  }
.LBB2_14:
0x38: {  	[tilespmem:s16], [sflag:$0x4] =	stream.linear.gather [hbm4b:s26+s3], $0x50, $0x38;
	[tilespmem:$0x5640] =	vst v63  }
.LBB2_15:
0x39: {  	p0 =	sgt.u32 s29, $0x7C  }
0x3a: {  	s1 =	simm.s32 @!p0 $0x2  }
0x3b: {  	_ =	swait.ge @!p0 [sflag:s1], $0x50  }
0x3c: {  	s23 =	sadd.s32 $0x4, s23;
	[sflag:s1] =	ssyncset.done @!p0 $0x0  }
0x3d: {  	s29 =	simm.s32 @!p0 $0x140;
	[sflag:s1] =	ssyncadd.s32 @!p0 $0xFFFFFFB0;
	s1 =	simm.s32 @!p0 $0x50  }
0x3e: {  	[spmem:s2] =	stream.indirect.scatter.add.f32 @!p0 [tilespmem:s29], [sflag:$0x6], $0x10, s1, s1, $0xb8;
	[tilespmem:$0x5640] =	vst v63  }
0x3f: {  	p0 =	sne.s32 s23, $0x83  }
.Ltmp5:
0x40: {  	_ = 	snop;
	(pc) =	sbr.rel @!p0 .LBB2_16-.Ltmp5, $3  }
0x41: {  	_ =	sdelay $0x1  }
0x42: {  	s28 =	sadd.s32 $0x28, s28  }
0x43: {  	s26 =	sadd.s32 $0x28, s26;
	s25 =	sadd.s32 $0x28, s25;
	s24 =	sadd.s32 $0x28, s24  }
.LBB2_6:
0x44: {  	s29 =	sadd.s32 $0xFFFFFFF9, s23  }
0x45: {  	p0 =	sgt.u32 s29, $0x78  }
0x46: {  	s29 =	simm.s32 @!p0 $0x5  }
0x47: {  	_ =	swait.ge @!p0 [sflag:s29], $0x500  }
0x48: {  	s30 =	sadd.s32 $0xFFFFFFFB, s23;
	[sflag:s29] =	ssyncset.done @!p0 $0x0  }
0x49: {  	[sflag:s29] =	ssyncadd.s32 @!p0 $0xFFFFFB00;
	p0 =	sgt.u32 s30, $0x7C  }
0x4a: {  	[tilespmem:s3], [sflag:$0x1] =	stream.linear.gather [hbm4b:s28+s3], $0x50, $0x38;
	[tilespmem:$0x5640] =	vst v63  }
0x4b: {  	s29 =	simm.s32 @!p0 $0x3  }
0x4c: {  	_ =	swait.ge @!p0 [sflag:s29], $0x50  }
0x4d: {  	s31 =	simm.s32 @!p0 $0xA0;
	[sflag:s29] =	ssyncset.done @!p0 $0x0  }
0x4e: {  	s1 =	simm.s32 @!p0 $0x140;
	[sflag:s29] =	ssyncadd.s32 @!p0 $0xFFFFFFB0;
	s29 =	simm.s32 @!p0 $0x50  }
0x4f: {  	[spmem:s2] =	stream.indirect.scatter.add.f32 @!p0 [tilespmem:s1], [sflag:$0x7], $0x10, s31, s29, $0xb8;
	[tilespmem:$0x5640] =	vst v63  }
0x50: {  	s29 =	sadd.s32 $0xFFFFFFFE, s23;
	p0 =	seq.s32 s23, $0x3  }
0x51: {  	p1 =	sgt.u32 @!p0 s29, $0x7C  }
0x52: {  	p1 =	por p0, p1  }
.Ltmp6:
0x53: {  	_ = 	snop;
	(pc) =	sbr.rel @p1 .LBB2_8-.Ltmp6, $1  }
0x54: {  	_ =	sdelay $0x3  }
0x55: {  	_ =	swait.ge [sflag:s13], $0x500  }
0x56: {  	[sflag:s13] =	ssyncset.done $0x0  }
0x57: {  	[sflag:s13] =	ssyncadd.s32 $0xFFFFFB00  }
.LBB2_9:
0x58: {  	s1 =	sadd.s32 $0xFFFFFFFC, s23  }
0x59: {  	p1 =	sgt.u32 s1, $0x7C  }
.Ltmp7:
0x5a: {  	_ = 	snop;
	(pc) =	sbr.rel @p1 .LBB2_11-.Ltmp7, $4  }
.Ltmp8:
0x5b: {  	_ = 	snop;
	(pc) =	sbr.rel @!p1 .LBB2_10-.Ltmp8, $4  }
0x5c: {  	_ = 	snop  }
0x5d: {  	_ = 	snop  }
0x5e: {  	[tilespmem:s14], [sflag:$0x2] =	stream.linear.gather [hbm4b:s24+s3], $0x50, $0x38;
	[tilespmem:$0x5640] =	vst v63  }
0x5f: {  	_ = 	snop  }
.LBB2_8:
0x60: {  	p1 =	sgt.u32 s29, $0x7C  }
.Ltmp9:
0x61: {  	_ = 	snop;
	(pc) =	sbr.rel @!p1 .LBB2_9-.Ltmp9, $1  }
0x62: {  	_ =	sdelay $0x3  }
.LBB2_10:
0x63: {  	_ =	swait.ge [sflag:s15], $0x50  }
0x64: {  	[sflag:s15] =	ssyncset.done $0x0  }
0x65: {  	[sflag:s15] =	ssyncadd.s32 $0xFFFFFFB0  }
0x66: {  	[spmem:s2] =	stream.indirect.scatter.add.f32 [tilespmem:s17], [sflag:$0x8], $0x10, s16, s14, $0xb8;
	[tilespmem:$0x5640] =	vst v63  }
.LBB2_11:
0x67: {  	p1 =	sgt.u32 s30, $0x78  }
0x68: {  	s31 =	sadd.s32 $0xFFFFFFFF, s23;
	s1 =	simm.s32 @!p1 $0x7  }
0x69: {  	p2 =	sgt.u32 s31, $0x7C;
	_ =	swait.ge @!p1 [sflag:s1], $0x500  }
0x6a: {  	s30 =	simm.s32 @!p2 $0xA0;
	[sflag:s1] =	ssyncset.done @!p1 $0x0  }
0x6b: {  	[sflag:s1] =	ssyncadd.s32 @!p1 $0xFFFFFB00;
	s1 =	simm.s32 @!p2 $0x0;
	p1 =	sgt.u32 @!p0 s23, $0x7C  }
0x6c: {  	[tilespmem:s30], [sflag:$0x3] =	stream.linear.gather @!p2 [hbm4b:s25+s1], $0x50, $0x38;
	[tilespmem:$0x5640] =	vst v63  }
0x6d: {  	p0 =	por p0, p1  }
.Ltmp10:
0x6e: {  	_ = 	snop;
	(pc) =	sbr.rel @!p0 .LBB2_12-.Ltmp10, $4  }
0x6f: {  	_ =	swait.ge [sflag:s18], $0x50  }
0x70: {  	[sflag:s18] =	ssyncset.done $0x0  }
0x71: {  	[sflag:s18] =	ssyncadd.s32 $0xFFFFFFB0  }
0x72: {  	[spmem:s2] =	stream.indirect.scatter.add.f32 [tilespmem:s17], [sflag:$0x5], $0x10, s3, s14, $0xb8;
	[tilespmem:$0x5640] =	vst v63  }
0x73: {  	p0 =	sgt.u32 s23, $0x7C  }
.Ltmp11:
0x74: {  	_ = 	snop;
	(pc) =	sbr.rel @p0 .LBB2_15-.Ltmp11, $4  }
.Ltmp12:
0x75: {  	_ = 	snop;
	(pc) =	sbr.rel @!p0 .LBB2_14-.Ltmp12, $4  }
0x76: {  	_ = 	snop  }
0x77: {  	_ = 	snop  }
0x78: {  	_ = 	snop  }
0x79: {  	_ = 	snop  }
.LBB2_17:
0x7a: {  	_ =	sfence.sel $0x180000  }
0x7b: {  	[bflag:$0x0] =	sbarrier.arrive $0xFFFF  }
0x7c: {  	_ =	strace $0x90000047  }
0x7d: {  	[bflag:$0x2] =	sbarrier.arrive $0xFFFF  }
0x7e: {  	p0 =	sne.s32 s0, $0x0;
	s0 =	rddreg [dreg:$0x3]  }
0x7f: {  	s0 =	sadd.s32 @!p0 $0x100000, s0  }
0x80: {  	[sflag:s0] =	ssyncadd.tile.s32 @!p0 $0x1;
	_ =	shalt  }
.Lfunc_end2:
_tile_overlayer_lowered:
.L_overlay_start_2:
0x81: {  	(tag) =	ssettag $0x2  }
0x82: {  	s0 =	rddreg [dreg:$0x0];
	s2 =	stileid.u32  }
0x83: {  	s1 =	rddreg [dreg:$0x1];
	p0 =	sne.s32 s2, $0x0  }
0x84: {  	s3 =	rddreg [dreg:$0x2];
	[bflag:$0x3] =	sbarrier.arrive $0xFFFF;
	s2 =	simm.s32 @!p0 $0x1C09  }
0x85: {  	[timem:s3], [sflag:s2] =	dma.local @!p0 [hbm:s0], s1  }
0x86: {  	s0 =	simm.s32 @!p0 $0x9  }
0x87: {  	_ =	swait.ge @!p0 [sflag:s0], s1  }
0x88: {  	s1 =	ssub.s32 @!p0 $0x0, s1;
	[sflag:s0] =	ssyncset.done @!p0 $0x0  }
0x89: {  	[sflag:s0] =	ssyncadd.s32 @!p0 s1  }
0x8a: {  	[bflag:$0x3] =	sbarrier.arrive $0xFFFF  }
0x8b: {  	_ =	shalt  }

</sc_bundles>
